<compile_context>
chip_gen: v7x
topology: tpu7x:2x2x1
jax: 0.10.2.dev20260603
libtpu: 0.0.44.dev20260713+nightly
codegen_flags: <defaults>
</compile_context>

<pallas_src>
import functools

import jax
import jax.numpy as jnp
from jax import lax
from jax.experimental import pallas as pl
from jax.experimental.pallas import tpu as pltpu
from jax.experimental.pallas import tpu_sc as plsc

N = 10000
NSPLIT = 5000
NH = 5120
NPAD = 2 * NH
E = 160000
H = 8
C = 32
HC = H * C
NC = 2
NS = 16
NW = NC * NS


def _mesh():
    return plsc.VectorSubcoreMesh(core_axis_name="c", subcore_axis_name="s")


def _mm2(x, w1, w2):
    n, k = x.shape
    mo = w1.shape[1]
    br = 2560

    def body(x_ref, w1_ref, w2_ref, o1_ref, o2_ref):
        xb = x_ref[...]
        o1_ref[...] = jnp.dot(xb, w1_ref[...], preferred_element_type=jnp.float32)
        o2_ref[...] = jnp.dot(xb, w2_ref[...], preferred_element_type=jnp.float32)

    return pl.pallas_call(
        body,
        grid=(n // br,),
        in_specs=[
            pl.BlockSpec((br, k), lambda i: (i, 0)),
            pl.BlockSpec((k, mo), lambda i: (0, 0)),
            pl.BlockSpec((k, mo), lambda i: (0, 0)),
        ],
        out_specs=[
            pl.BlockSpec((br, mo), lambda i: (i, 0)),
            pl.BlockSpec((br, mo), lambda i: (i, 0)),
        ],
        out_shape=[jax.ShapeDtypeStruct((n, mo), jnp.float32),
                   jax.ShapeDtypeStruct((n, mo), jnp.float32)],
    )(x, w1, w2)


def _sc_gather2(xl, xr, srcp, dstp):
    B = 40
    epw = E // NW

    @functools.partial(
        pl.kernel,
        out_type=[jax.ShapeDtypeStruct((E, HC), jnp.float32),
                  jax.ShapeDtypeStruct((E, HC), jnp.float32)],
        mesh=_mesh(),
        scratch_types=[
            pltpu.VMEM((B,), jnp.int32),
            pltpu.VMEM((B,), jnp.int32),
            pltpu.VMEM((B, HC), jnp.float32),
            pltpu.VMEM((B, HC), jnp.float32),
            pltpu.SemaphoreType.DMA,
            pltpu.SemaphoreType.DMA,
        ],
    )
    def gk(xl_hbm, xr_hbm, si_hbm, di_hbm, gl_hbm, gr_hbm,
           si_v, di_v, gl_v, gr_v, sem1, sem2):
        wid = lax.axis_index("s") * NC + lax.axis_index("c")
        base = wid * epw

        @pl.loop(0, epw, step=B)
        def _(off):
            b0 = base + off
            pltpu.sync_copy(si_hbm.at[pl.ds(b0, B)], si_v)
            pltpu.sync_copy(di_hbm.at[pl.ds(b0, B)], di_v)
            cl = pltpu.async_copy(xl_hbm.at[si_v], gl_v, sem1)
            cr = pltpu.async_copy(xr_hbm.at[di_v], gr_v, sem2)
            cl.wait()
            cr.wait()
            pltpu.sync_copy(gl_v, gl_hbm.at[pl.ds(b0, B)])
            pltpu.sync_copy(gr_v, gr_hbm.at[pl.ds(b0, B)])

    return gk(xl, xr, srcp, dstp)


def _tc_edge(gl, gr, ea, we, attf, offg):
    BE = 640

    def body(gl_ref, gr_ref, ea_ref, we_ref, att_ref, og_ref,
             ca_ref, cb_ref, ex_ref):
        hh = lax.broadcasted_iota(jnp.int32, (HC, H), 0) // C
        jj = lax.broadcasted_iota(jnp.int32, (HC, H), 1)
        S = jnp.where(hh == jj, 1.0, 0.0).astype(jnp.float32)
        hh2 = lax.broadcasted_iota(jnp.int32, (H, HC), 0)
        jj2 = lax.broadcasted_iota(jnp.int32, (H, HC), 1) // C
        ST = jnp.where(hh2 == jj2, 1.0, 0.0).astype(jnp.float32)

        e = jnp.dot(ea_ref[...], we_ref[...], preferred_element_type=jnp.float32)
        glb = gl_ref[...]
        m = glb + gr_ref[...] + e
        m = jnp.where(m >= 0.0, m, 0.2 * m)
        p = jnp.dot(m * att_ref[...], S, preferred_element_type=jnp.float32)
        ex = jnp.exp(p)
        con = glb * jnp.dot(ex, ST, preferred_element_type=jnp.float32)
        ca_ref[...] = con[:, :128]
        cb_ref[...] = con[:, 128:]
        jt = lax.broadcasted_iota(jnp.int32, (H, 128), 0)
        lt = lax.broadcasted_iota(jnp.int32, (H, 128), 1) % H
        T8 = jnp.where(lt == jt, 1.0, 0.0).astype(jnp.float32)
        tiled = jnp.dot(ex, T8, preferred_element_type=jnp.float32)
        grp = lax.broadcasted_iota(jnp.int32, (ex.shape[0], 128), 1) // H
        ex_ref[...] = jnp.where(grp == og_ref[...], tiled, 0.0)

    return pl.pallas_call(
        body,
        grid=(E // BE,),
        in_specs=[
            pl.BlockSpec((BE, HC), lambda i: (i, 0)),
            pl.BlockSpec((BE, HC), lambda i: (i, 0)),
            pl.BlockSpec((BE, 16), lambda i: (i, 0)),
            pl.BlockSpec((16, HC), lambda i: (0, 0)),
            pl.BlockSpec((1, HC), lambda i: (0, 0)),
            pl.BlockSpec((BE, 1), lambda i: (i, 0)),
        ],
        out_specs=[
            pl.BlockSpec((BE, 128), lambda i: (i, 0)),
            pl.BlockSpec((BE, 128), lambda i: (i, 0)),
            pl.BlockSpec((BE, 128), lambda i: (i, 0)),
        ],
        out_shape=[jax.ShapeDtypeStruct((E, 128), jnp.float32),
                   jax.ShapeDtypeStruct((E, 128), jnp.float32),
                   jax.ShapeDtypeStruct((E, 128), jnp.float32)],
    )(gl, gr, ea, we, attf, offg)


DROWS = NH // 16


def _sc_scatter(conA, conB, exw, dloc, dloc16, eidx, zrow):
    B = 80
    eps_ = E // NS
    rows = NH // NS

    @functools.partial(
        pl.kernel,
        out_type=[jax.ShapeDtypeStruct((NC, NH, 128), jnp.float32),
                  jax.ShapeDtypeStruct((NC, NH, 128), jnp.float32),
                  jax.ShapeDtypeStruct((NC, DROWS, 128), jnp.float32)],
        mesh=_mesh(),
        scratch_types=[
            pltpu.VMEM((B,), jnp.int32),
            pltpu.VMEM((B,), jnp.int32),
            pltpu.VMEM((B,), jnp.int32),
            pltpu.VMEM((B, 128), jnp.float32),
            pltpu.VMEM((B, 128), jnp.float32),
            pltpu.VMEM((B, 128), jnp.float32),
            pltpu.VMEM_SHARED((NH, 128), jnp.float32),
            pltpu.VMEM_SHARED((NH, 128), jnp.float32),
            pltpu.VMEM_SHARED((DROWS, 128), jnp.float32),
            pltpu.SemaphoreType.DMA,
            pltpu.SemaphoreType.DMA,
            pltpu.SemaphoreType.DMA,
        ],
    )
    def sk(ca_hbm, cb_hbm, ex_hbm, di_hbm, d16_hbm, ei_hbm, z_hbm,
           oa_hbm, ob_hbm, od_hbm,
           idx_v, i16_v, eix_v, va_v, vb_v, vd_v,
           accA, accB, accD, semA, semB, semD):
        c = lax.axis_index("c")
        s = lax.axis_index("s")

        row0 = s * rows
        pltpu.sync_copy(z_hbm, accA.at[pl.ds(row0, rows)])
        pltpu.sync_copy(z_hbm, accB.at[pl.ds(row0, rows)])
        @pl.when(s < 10)
        def _():
            pltpu.sync_copy(z_hbm.at[pl.ds(0, DROWS // 10)],
                            accD.at[pl.ds(s * (DROWS // 10), DROWS // 10)])
        plsc.subcore_barrier()

        @pl.loop(0, eps_, step=B)
        def _(off):
            b0 = s * eps_ + off
            pltpu.sync_copy(di_hbm.at[pl.ds(c * E + b0, B)], idx_v)
            pltpu.sync_copy(d16_hbm.at[pl.ds(c * E + b0, B)], i16_v)
            pltpu.sync_copy(ei_hbm.at[pl.ds(b0, B)], eix_v)
            cpa = pltpu.async_copy(ca_hbm.at[eix_v], va_v, semA)
            cpb = pltpu.async_copy(cb_hbm.at[eix_v], vb_v, semB)
            cpd = pltpu.async_copy(ex_hbm.at[eix_v], vd_v, semD)
            cpa.wait()
            cpb.wait()
            cpd.wait()
            pltpu.sync_copy(va_v, accA.at[idx_v], add=True)
            pltpu.sync_copy(vb_v, accB.at[idx_v], add=True)
            pltpu.sync_copy(vd_v, accD.at[i16_v], add=True)

        plsc.subcore_barrier()
        pltpu.sync_copy(accA.at[pl.ds(row0, rows)],
                        oa_hbm.at[c, pl.ds(row0, rows)])
        pltpu.sync_copy(accB.at[pl.ds(row0, rows)],
                        ob_hbm.at[c, pl.ds(row0, rows)])
        @pl.when(s < 10)
        def _():
            pltpu.sync_copy(accD.at[pl.ds(s * (DROWS // 10), DROWS // 10)],
                            od_hbm.at[c, pl.ds(s * (DROWS // 10), DROWS // 10)])

    return sk(conA, conB, exw, dloc, dloc16, eidx, zrow)


def _tc_epilogue(numA, numB, den, b, concat):
    BR = 2560
    dout = HC if concat else C

    def body(numA_ref, numB_ref, den_ref, b_ref, o_ref):
        ii = lax.broadcasted_iota(jnp.int32, (BR, BR // 16), 0) // 16
        jj = lax.broadcasted_iota(jnp.int32, (BR, BR // 16), 1)
        G = jnp.where(ii == jj, 1.0, 0.0).astype(jnp.float32)
        den_dup = jnp.dot(G, den_ref[...], preferred_element_type=jnp.float32)
        rm = lax.broadcasted_iota(jnp.int32, (BR, 128), 0) % 16
        gl_ = lax.broadcasted_iota(jnp.int32, (BR, 128), 1) // H
        tmp = jnp.where(gl_ == rm, den_dup, 0.0)
        ll = lax.broadcasted_iota(jnp.int32, (128, HC), 0) % H
        hh = lax.broadcasted_iota(jnp.int32, (128, HC), 1) // C
        RST = jnp.where(ll == hh, 1.0, 0.0).astype(jnp.float32)
        denb = jnp.dot(tmp, RST, preferred_element_type=jnp.float32)
        num = jnp.concatenate([numA_ref[...], numB_ref[...]], axis=1)
        r = num / (denb + 1e-16)
        if concat:
            o = r
        else:
            ii = lax.broadcasted_iota(jnp.int32, (HC, C), 0) % C
            jj = lax.broadcasted_iota(jnp.int32, (HC, C), 1)
            SM = jnp.where(ii == jj, 1.0 / H, 0.0).astype(jnp.float32)
            o = jnp.dot(r, SM, preferred_element_type=jnp.float32)
        o_ref[...] = jnp.tanh(o + b_ref[...])

    return pl.pallas_call(
        body,
        grid=(NPAD // BR,),
        in_specs=[
            pl.BlockSpec((BR, 128), lambda i: (i, 0)),
            pl.BlockSpec((BR, 128), lambda i: (i, 0)),
            pl.BlockSpec((BR // 16, 128), lambda i: (i, 0)),
            pl.BlockSpec((1, dout), lambda i: (0, 0)),
        ],
        out_specs=pl.BlockSpec((BR, dout), lambda i: (i, 0)),
        out_shape=jax.ShapeDtypeStruct((NPAD, dout), jnp.float32),
    )(numA, numB, den, b.reshape(1, dout))


def _tc_cls(h, w, b):
    BR = 2560
    ncls = w.shape[1]

    def body(h_ref, w_ref, b_ref, o_ref):
        lg = jnp.dot(h_ref[...], w_ref[...],
                     preferred_element_type=jnp.float32) + b_ref[...]
        mx = jnp.max(lg, axis=1, keepdims=True)
        sh = lg - mx
        o_ref[...] = sh - jnp.log(jnp.sum(jnp.exp(sh), axis=1, keepdims=True))

    return pl.pallas_call(
        body,
        grid=(NPAD // BR,),
        in_specs=[
            pl.BlockSpec((BR, HC), lambda i: (i, 0)),
            pl.BlockSpec((HC, ncls), lambda i: (0, 0)),
            pl.BlockSpec((1, ncls), lambda i: (0, 0)),
        ],
        out_specs=pl.BlockSpec((BR, ncls), lambda i: (i, 0)),
        out_shape=jax.ShapeDtypeStruct((NPAD, ncls), jnp.float32),
    )(h, w, b.reshape(1, ncls))


def kernel(x, edge_index, edge_attr,
           l1_Wl, l1_Wr, l1_We, l1_att, l1_b,
           l2_Wl, l2_Wr, l2_We, l2_att, l2_b,
           l3_Wl, l3_Wr, l3_We, l3_att, l3_b,
           cls_W, cls_b):
    src = edge_index[0].astype(jnp.int32)
    dst = edge_index[1].astype(jnp.int32)
    srcp = jnp.where(src >= NSPLIT, src + (NH - NSPLIT), src)
    dstp = jnp.where(dst >= NSPLIT, dst + (NH - NSPLIT), dst)
    dloc0 = jnp.where(dst < NSPLIT, dst, NSPLIT)
    dloc1 = jnp.where(dst >= NSPLIT, dst - NSPLIT, NSPLIT)
    dloc = jnp.concatenate([dloc0, dloc1])
    d16_0 = jnp.where(dst < NSPLIT, dst // 16, DROWS - 1)
    d16_1 = jnp.where(dst >= NSPLIT, (dst - NSPLIT) // 16, DROWS - 1)
    dloc16 = jnp.concatenate([d16_0, d16_1])
    offg = (jnp.where(dst < NSPLIT, dst, dst - NSPLIT) % 16
            ).astype(jnp.int32).reshape(E, 1)
    eidx = jnp.arange(E, dtype=jnp.int32)
    zpad = jnp.zeros((NH - NSPLIT, x.shape[1]), jnp.float32)
    X = jnp.concatenate([x[:NSPLIT], zpad, x[NSPLIT:], zpad], axis=0)
    zrow = jnp.zeros((NH // NS, 128), jnp.float32)

    layers = [
        (l1_Wl, l1_Wr, l1_We, l1_att, l1_b, False),
        (l2_Wl, l2_Wr, l2_We, l2_att, l2_b, False),
        (l3_Wl, l3_Wr, l3_We, l3_att, l3_b, True),
    ]
    for Wl, Wr, We, att, b, concat in layers:
        xl, xr = _mm2(X, Wl, Wr)
        gl, gr = _sc_gather2(xl, xr, srcp, dstp)
        conA, conB, exw = _tc_edge(gl, gr, edge_attr, We,
                                   att.reshape(1, HC), offg)
        numA, numB, den = _sc_scatter(conA, conB, exw, dloc, dloc16,
                                      eidx, zrow)
        X = _tc_epilogue(numA.reshape(NPAD, 128), numB.reshape(NPAD, 128),
                         den.reshape(NC * DROWS, 128), b, concat)

    h = X
    outp = _tc_cls(h, cls_W, cls_b)

    def unpad(a):
        return jnp.concatenate([a[:NSPLIT], a[NH:NH + NSPLIT]], axis=0)

    return (unpad(outp), unpad(h))

# --- scband reference (transcript-rebuilt; emitter-appended) ---
"""Pipeline reference for scband-gat-33122787787016 (READ-ONLY COPY).

The authoritative reference and input builder live on the scoring server;
editing this copy changes nothing except your own understanding.
"""

import jax, jax.numpy as jnp
import numpy as np

N = 10000
E = 160000
D_NODE = 128
D_EDGE = 16
H = 8
C = 32


def _glorot(key, shape):
    fan_in = shape[0]
    return (jax.random.normal(key, shape, dtype=jnp.float32) / jnp.sqrt(jnp.float32(fan_in)))


def setup_inputs(seed: int = 0) -> dict:
    key = jax.random.key(seed)
    ks = jax.random.split(key, 24)
    inp = {}
    inp["x"] = jax.random.normal(ks[0], (N, D_NODE), dtype=jnp.float32)
    inp["edge_index"] = jax.random.randint(ks[1], (2, E), 0, N, dtype=jnp.int32)
    inp["edge_attr"] = jax.random.normal(ks[2], (E, D_EDGE), dtype=jnp.float32)
    # GATv2 layer 1 (in=128, concat=False)
    inp["l1_Wl"] = _glorot(ks[3], (D_NODE, H * C))
    inp["l1_Wr"] = _glorot(ks[4], (D_NODE, H * C))
    inp["l1_We"] = _glorot(ks[5], (D_EDGE, H * C))
    inp["l1_att"] = jax.random.normal(ks[6], (H, C), dtype=jnp.float32) * 0.1
    inp["l1_b"] = jnp.zeros((C,), dtype=jnp.float32)
    # GATv2 layer 2 (in=32, concat=False)
    inp["l2_Wl"] = _glorot(ks[7], (C, H * C))
    inp["l2_Wr"] = _glorot(ks[8], (C, H * C))
    inp["l2_We"] = _glorot(ks[9], (D_EDGE, H * C))
    inp["l2_att"] = jax.random.normal(ks[10], (H, C), dtype=jnp.float32) * 0.1
    inp["l2_b"] = jnp.zeros((C,), dtype=jnp.float32)
    # GATv2 layer 3 (in=32, concat=True)
    inp["l3_Wl"] = _glorot(ks[11], (C, H * C))
    inp["l3_Wr"] = _glorot(ks[12], (C, H * C))
    inp["l3_We"] = _glorot(ks[13], (D_EDGE, H * C))
    inp["l3_att"] = jax.random.normal(ks[14], (H, C), dtype=jnp.float32) * 0.1
    inp["l3_b"] = jnp.zeros((H * C,), dtype=jnp.float32)
    # classifier Linear(H*C -> 20)
    inp["cls_W"] = _glorot(ks[15], (H * C, 20))
    inp["cls_b"] = jnp.zeros((20,), dtype=jnp.float32)
    return inp


def _gatv2(x, edge_index, edge_attr, Wl, Wr, We, att, b, concat):
    n = x.shape[0]
    h, c = att.shape
    src = edge_index[0]
    dst = edge_index[1]
    xl = (x @ Wl).reshape(n, h, c)
    xr = (x @ Wr).reshape(n, h, c)
    e = (edge_attr @ We).reshape(-1, h, c)
    m = xl[src] + xr[dst] + e                      # [E, H, C]
    m = jax.nn.leaky_relu(m, negative_slope=0.2)
    alpha = (m * att[None, :, :]).sum(-1)          # [E, H]
    amax = jax.ops.segment_max(alpha, dst, num_segments=n)
    amax = jnp.where(jnp.isfinite(amax), amax, 0.0)
    ex = jnp.exp(alpha - amax[dst])
    denom = jax.ops.segment_sum(ex, dst, num_segments=n)
    w = ex / (denom[dst] + 1e-16)                  # softmax over incoming edges per dst
    out = jax.ops.segment_sum(xl[src] * w[:, :, None], dst, num_segments=n)
    if concat:
        out = out.reshape(n, h * c)
    else:
        out = out.mean(axis=1)
    return out + b


def reference(x, edge_index, edge_attr,
              l1_Wl, l1_Wr, l1_We, l1_att, l1_b,
              l2_Wl, l2_Wr, l2_We, l2_att, l2_b,
              l3_Wl, l3_Wr, l3_We, l3_att, l3_b,
              cls_W, cls_b):
    # hop=3: conv1 (concat=False), conv2 (concat=False), convn[0] (concat=True)
    # dropout inactive (eval mode)
    h = jnp.tanh(_gatv2(x, edge_index, edge_attr, l1_Wl, l1_Wr, l1_We, l1_att, l1_b, False))
    h = jnp.tanh(_gatv2(h, edge_index, edge_attr, l2_Wl, l2_Wr, l2_We, l2_att, l2_b, False))
    h = jnp.tanh(_gatv2(h, edge_index, edge_attr, l3_Wl, l3_Wr, l3_We, l3_att, l3_b, True))
    logits = h @ cls_W + cls_b
    out = jax.nn.log_softmax(logits, axis=1)
    return (out, h)

if __name__ == "__main__":
    import jax
    _d = setup_inputs()
    print(jax.jit(kernel)(*tuple(_d.values())))

</pallas_src>

<mosaic_0001>
#map = affine_map<(d0, d1) -> (0, 0)>
#map1 = affine_map<(d0, d1) -> (0)>
#map2 = affine_map<(d0, d1) -> (0, 0, 0)>
module attributes {stable_mosaic.version = 14 : i64} {
  func.func @sk(%arg0: i32, %arg1: i32, %arg2: memref<160000x128xf32, #tpu.memory_space<hbm>>, %arg3: memref<160000x128xf32, #tpu.memory_space<hbm>>, %arg4: memref<160000x128xf32, #tpu.memory_space<hbm>>, %arg5: memref<320000xi32, #tpu.memory_space<hbm>>, %arg6: memref<320000xi32, #tpu.memory_space<hbm>>, %arg7: memref<160000xi32, #tpu.memory_space<hbm>>, %arg8: memref<320x128xf32, #tpu.memory_space<hbm>>, %arg9: memref<2x5120x128xf32, #tpu.memory_space<hbm>>, %arg10: memref<2x5120x128xf32, #tpu.memory_space<hbm>>, %arg11: memref<2x320x128xf32, #tpu.memory_space<hbm>>, %arg12: memref<80xi32, #tpu.memory_space<vmem>>, %arg13: memref<80xi32, #tpu.memory_space<vmem>>, %arg14: memref<80xi32, #tpu.memory_space<vmem>>, %arg15: memref<80x128xf32, #tpu.memory_space<vmem>>, %arg16: memref<80x128xf32, #tpu.memory_space<vmem>>, %arg17: memref<80x128xf32, #tpu.memory_space<vmem>>, %arg18: memref<5120x128xf32, #tpu.memory_space<vmem_shared>>, %arg19: memref<5120x128xf32, #tpu.memory_space<vmem_shared>>, %arg20: memref<320x128xf32, #tpu.memory_space<vmem_shared>>, %arg21: memref<!tpu.dma_semaphore, #tpu.memory_space<semaphore_mem>>, %arg22: memref<!tpu.dma_semaphore, #tpu.memory_space<semaphore_mem>>, %arg23: memref<!tpu.dma_semaphore, #tpu.memory_space<semaphore_mem>>) attributes {dimension_semantics = [#tpu.dimension_semantics<core_parallel>, #tpu.dimension_semantics<subcore_parallel>], iteration_bounds = array<i64: 2, 16>, scalar_prefetch = 0 : i64, scratch_operands = 12 : i64, tpu.core_type = #tpu.core_type<sc_vector_subcore>, window_params = [{transform_indices = #map}, {transform_indices = #map}, {transform_indices = #map}, {transform_indices = #map1}, {transform_indices = #map1}, {transform_indices = #map1}, {transform_indices = #map}, {transform_indices = #map2}, {transform_indices = #map2}, {transform_indices = #map2}]} {
    %mul3A = arith.constant 320 : i32
    %mul3A_0 = arith.muli %arg1, %mul3A : i32
    "tpu.region"() ({
      %run_scoped3A = tpu.sem_alloc : memref<!tpu.dma_semaphore, #tpu.memory_space<semaphore_mem>>
      %dma_start3A = arith.constant 0 : i32
      %dma_start3A_13 = tpu.memref_slice %arg18[%mul3A_0, %dma_start3A] : memref<5120x128xf32, #tpu.memory_space<vmem_shared>> -> memref<320x128xf32, #tpu.memory_space<vmem_shared>>
      tpu.enqueue_dma source(%arg8 : memref<320x128xf32, #tpu.memory_space<hbm>>) target(%dma_start3A_13 : memref<320x128xf32, #tpu.memory_space<vmem_shared>>) target_semaphore(%run_scoped3A : memref<!tpu.dma_semaphore, #tpu.memory_space<semaphore_mem>>)
      %dma_wait3A = arith.constant 0 : i32
      %dma_wait3A_14 = tpu.memref_slice %arg18[%mul3A_0, %dma_wait3A] : memref<5120x128xf32, #tpu.memory_space<vmem_shared>> -> memref<320x128xf32, #tpu.memory_space<vmem_shared>>
      tpu.wait_dma2 semaphore(%run_scoped3A : memref<!tpu.dma_semaphore, #tpu.memory_space<semaphore_mem>>) src(%arg8 : memref<320x128xf32, #tpu.memory_space<hbm>>) dst(%dma_wait3A_14 : memref<320x128xf32, #tpu.memory_space<vmem_shared>>)
      tpu.yield
    }) : () -> ()
    "tpu.region"() ({
      %run_scoped3A = tpu.sem_alloc : memref<!tpu.dma_semaphore, #tpu.memory_space<semaphore_mem>>
      %dma_start3A = arith.constant 0 : i32
      %dma_start3A_13 = tpu.memref_slice %arg19[%mul3A_0, %dma_start3A] : memref<5120x128xf32, #tpu.memory_space<vmem_shared>> -> memref<320x128xf32, #tpu.memory_space<vmem_shared>>
      tpu.enqueue_dma source(%arg8 : memref<320x128xf32, #tpu.memory_space<hbm>>) target(%dma_start3A_13 : memref<320x128xf32, #tpu.memory_space<vmem_shared>>) target_semaphore(%run_scoped3A : memref<!tpu.dma_semaphore, #tpu.memory_space<semaphore_mem>>)
      %dma_wait3A = arith.constant 0 : i32
      %dma_wait3A_14 = tpu.memref_slice %arg19[%mul3A_0, %dma_wait3A] : memref<5120x128xf32, #tpu.memory_space<vmem_shared>> -> memref<320x128xf32, #tpu.memory_space<vmem_shared>>
      tpu.wait_dma2 semaphore(%run_scoped3A : memref<!tpu.dma_semaphore, #tpu.memory_space<semaphore_mem>>) src(%arg8 : memref<320x128xf32, #tpu.memory_space<hbm>>) dst(%dma_wait3A_14 : memref<320x128xf32, #tpu.memory_space<vmem_shared>>)
      tpu.yield
    }) : () -> ()
    %lt3A = arith.constant 10 : i32
    %lt3A_1 = arith.cmpi slt, %arg1, %lt3A : i32
    %convert_element_type3A = arith.extui %lt3A_1 : i1 to i32
    %cond3A = arith.constant 0 : i32
    %cond3A_2 = arith.cmpi ne, %convert_element_type3A, %cond3A : i32
    scf.if %cond3A_2 {
      %mul3A_13 = arith.constant 32 : i32
      %mul3A_14 = arith.muli %arg1, %mul3A_13 : i32
      "tpu.region"() ({
        %run_scoped3A = tpu.sem_alloc : memref<!tpu.dma_semaphore, #tpu.memory_space<semaphore_mem>>
        %dma_start3A = arith.constant 0 : i32
        %dma_start3A_15 = tpu.memref_slice %arg20[%mul3A_14, %dma_start3A] : memref<320x128xf32, #tpu.memory_space<vmem_shared>> -> memref<32x128xf32, #tpu.memory_space<vmem_shared>>
        %dma_start3A_16 = arith.constant 0 : i32
        %dma_start3A_17 = arith.constant 0 : i32
        %dma_start3A_18 = tpu.memref_slice %arg8[%dma_start3A_16, %dma_start3A_17] : memref<320x128xf32, #tpu.memory_space<hbm>> -> memref<32x128xf32, #tpu.memory_space<hbm>>
        tpu.enqueue_dma source(%dma_start3A_18 : memref<32x128xf32, #tpu.memory_space<hbm>>) target(%dma_start3A_15 : memref<32x128xf32, #tpu.memory_space<vmem_shared>>) target_semaphore(%run_scoped3A : memref<!tpu.dma_semaphore, #tpu.memory_space<semaphore_mem>>)
        %dma_wait3A = arith.constant 0 : i32
        %dma_wait3A_19 = tpu.memref_slice %arg20[%mul3A_14, %dma_wait3A] : memref<320x128xf32, #tpu.memory_space<vmem_shared>> -> memref<32x128xf32, #tpu.memory_space<vmem_shared>>
        %dma_wait3A_20 = arith.constant 0 : i32
        %dma_wait3A_21 = arith.constant 0 : i32
        %dma_wait3A_22 = tpu.memref_slice %arg8[%dma_wait3A_20, %dma_wait3A_21] : memref<320x128xf32, #tpu.memory_space<hbm>> -> memref<32x128xf32, #tpu.memory_space<hbm>>
        tpu.wait_dma2 semaphore(%run_scoped3A : memref<!tpu.dma_semaphore, #tpu.memory_space<semaphore_mem>>) src(%dma_wait3A_22 : memref<32x128xf32, #tpu.memory_space<hbm>>) dst(%dma_wait3A_19 : memref<32x128xf32, #tpu.memory_space<vmem_shared>>)
        tpu.yield
      }) : () -> ()
    } else {
    }
    %barrier3A = arith.constant 0 : index
    tpu.barrier barrier_id(%barrier3A)
    %scan3A = arith.constant 0 : i32
    %scan3A_3 = arith.constant 125 : i32
    %scan3A_4 = arith.addi %scan3A, %scan3A_3 : i32
    %scan3A_5 = arith.constant 1 : i32
    scf.for %scan3A_13 = %scan3A to %scan3A_4 step %scan3A_5  : i32 {
      %mul3A_14 = arith.constant 80 : i32
      %mul3A_15 = arith.muli %scan3A_13, %mul3A_14 : i32
      %add3A = arith.constant 0 : i32
      %add3A_16 = arith.addi %add3A, %mul3A_15 : i32
      %mul3A_17 = arith.constant 10000 : i32
      %mul3A_18 = arith.muli %arg1, %mul3A_17 : i32
      %add3A_19 = arith.addi %mul3A_18, %add3A_16 : i32
      %mul3A_20 = arith.constant 160000 : i32
      %mul3A_21 = arith.muli %arg0, %mul3A_20 : i32
      %add3A_22 = arith.addi %mul3A_21, %add3A_19 : i32
      "tpu.region"() ({
        %run_scoped3A = tpu.sem_alloc : memref<!tpu.dma_semaphore, #tpu.memory_space<semaphore_mem>>
        %dma_start3A_42 = tpu.memref_slice %arg5[%add3A_22] : memref<320000xi32, #tpu.memory_space<hbm>> -> memref<80xi32, #tpu.memory_space<hbm>>
        %dma_start3A_43 = tpu.memref_slice %arg5[%add3A_22] : memref<320000xi32, #tpu.memory_space<hbm>> -> memref<80xi32, #tpu.memory_space<hbm>>
        tpu.enqueue_dma source(%dma_start3A_43 : memref<80xi32, #tpu.memory_space<hbm>>) target(%arg12 : memref<80xi32, #tpu.memory_space<vmem>>) target_semaphore(%run_scoped3A : memref<!tpu.dma_semaphore, #tpu.memory_space<semaphore_mem>>)
        %dma_wait3A_44 = tpu.memref_slice %arg5[%add3A_22] : memref<320000xi32, #tpu.memory_space<hbm>> -> memref<80xi32, #tpu.memory_space<hbm>>
        %dma_wait3A_45 = tpu.memref_slice %arg5[%add3A_22] : memref<320000xi32, #tpu.memory_space<hbm>> -> memref<80xi32, #tpu.memory_space<hbm>>
        tpu.wait_dma2 semaphore(%run_scoped3A : memref<!tpu.dma_semaphore, #tpu.memory_space<semaphore_mem>>) src(%dma_wait3A_45 : memref<80xi32, #tpu.memory_space<hbm>>) dst(%arg12 : memref<80xi32, #tpu.memory_space<vmem>>)
        tpu.yield
      }) : () -> ()
      %mul3A_23 = arith.constant 160000 : i32
      %mul3A_24 = arith.muli %arg0, %mul3A_23 : i32
      %add3A_25 = arith.addi %mul3A_24, %add3A_19 : i32
      "tpu.region"() ({
        %run_scoped3A = tpu.sem_alloc : memref<!tpu.dma_semaphore, #tpu.memory_space<semaphore_mem>>
        %dma_start3A_42 = tpu.memref_slice %arg6[%add3A_25] : memref<320000xi32, #tpu.memory_space<hbm>> -> memref<80xi32, #tpu.memory_space<hbm>>
        %dma_start3A_43 = tpu.memref_slice %arg6[%add3A_25] : memref<320000xi32, #tpu.memory_space<hbm>> -> memref<80xi32, #tpu.memory_space<hbm>>
        tpu.enqueue_dma source(%dma_start3A_43 : memref<80xi32, #tpu.memory_space<hbm>>) target(%arg13 : memref<80xi32, #tpu.memory_space<vmem>>) target_semaphore(%run_scoped3A : memref<!tpu.dma_semaphore, #tpu.memory_space<semaphore_mem>>)
        %dma_wait3A_44 = tpu.memref_slice %arg6[%add3A_25] : memref<320000xi32, #tpu.memory_space<hbm>> -> memref<80xi32, #tpu.memory_space<hbm>>
        %dma_wait3A_45 = tpu.memref_slice %arg6[%add3A_25] : memref<320000xi32, #tpu.memory_space<hbm>> -> memref<80xi32, #tpu.memory_space<hbm>>
        tpu.wait_dma2 semaphore(%run_scoped3A : memref<!tpu.dma_semaphore, #tpu.memory_space<semaphore_mem>>) src(%dma_wait3A_45 : memref<80xi32, #tpu.memory_space<hbm>>) dst(%arg13 : memref<80xi32, #tpu.memory_space<vmem>>)
        tpu.yield
      }) : () -> ()
      "tpu.region"() ({
        %run_scoped3A = tpu.sem_alloc : memref<!tpu.dma_semaphore, #tpu.memory_space<semaphore_mem>>
        %dma_start3A_42 = tpu.memref_slice %arg7[%add3A_19] : memref<160000xi32, #tpu.memory_space<hbm>> -> memref<80xi32, #tpu.memory_space<hbm>>
        %dma_start3A_43 = tpu.memref_slice %arg7[%add3A_19] : memref<160000xi32, #tpu.memory_space<hbm>> -> memref<80xi32, #tpu.memory_space<hbm>>
        tpu.enqueue_dma source(%dma_start3A_43 : memref<80xi32, #tpu.memory_space<hbm>>) target(%arg14 : memref<80xi32, #tpu.memory_space<vmem>>) target_semaphore(%run_scoped3A : memref<!tpu.dma_semaphore, #tpu.memory_space<semaphore_mem>>)
        %dma_wait3A_44 = tpu.memref_slice %arg7[%add3A_19] : memref<160000xi32, #tpu.memory_space<hbm>> -> memref<80xi32, #tpu.memory_space<hbm>>
        %dma_wait3A_45 = tpu.memref_slice %arg7[%add3A_19] : memref<160000xi32, #tpu.memory_space<hbm>> -> memref<80xi32, #tpu.memory_space<hbm>>
        tpu.wait_dma2 semaphore(%run_scoped3A : memref<!tpu.dma_semaphore, #tpu.memory_space<semaphore_mem>>) src(%dma_wait3A_45 : memref<80xi32, #tpu.memory_space<hbm>>) dst(%arg14 : memref<80xi32, #tpu.memory_space<vmem>>)
        tpu.yield
      }) : () -> ()
      %dma_start3A = arith.constant 0 : i32
      %dma_start3A_26 = arith.constant 0 : i32
      %dma_start3A_27 = tpu.memref_slice %arg2[%dma_start3A, %dma_start3A_26] : memref<160000x128xf32, #tpu.memory_space<hbm>> -> memref<160000x128xf32, #tpu.memory_space<hbm>>
      tpu.enqueue_indirect_dma source(%dma_start3A_27 : memref<160000x128xf32, #tpu.memory_space<hbm>>) target(%arg15 : memref<80x128xf32, #tpu.memory_space<vmem>>) offsets(%arg14 : memref<80xi32, #tpu.memory_space<vmem>>) semaphore(%arg21 : memref<!tpu.dma_semaphore, #tpu.memory_space<semaphore_mem>>)
      %dma_start3A_28 = arith.constant 0 : i32
      %dma_start3A_29 = arith.constant 0 : i32
      %dma_start3A_30 = tpu.memref_slice %arg3[%dma_start3A_28, %dma_start3A_29] : memref<160000x128xf32, #tpu.memory_space<hbm>> -> memref<160000x128xf32, #tpu.memory_space<hbm>>
      tpu.enqueue_indirect_dma source(%dma_start3A_30 : memref<160000x128xf32, #tpu.memory_space<hbm>>) target(%arg16 : memref<80x128xf32, #tpu.memory_space<vmem>>) offsets(%arg14 : memref<80xi32, #tpu.memory_space<vmem>>) semaphore(%arg22 : memref<!tpu.dma_semaphore, #tpu.memory_space<semaphore_mem>>)
      %dma_start3A_31 = arith.constant 0 : i32
      %dma_start3A_32 = arith.constant 0 : i32
      %dma_start3A_33 = tpu.memref_slice %arg4[%dma_start3A_31, %dma_start3A_32] : memref<160000x128xf32, #tpu.memory_space<hbm>> -> memref<160000x128xf32, #tpu.memory_space<hbm>>
      tpu.enqueue_indirect_dma source(%dma_start3A_33 : memref<160000x128xf32, #tpu.memory_space<hbm>>) target(%arg17 : memref<80x128xf32, #tpu.memory_space<vmem>>) offsets(%arg14 : memref<80xi32, #tpu.memory_space<vmem>>) semaphore(%arg23 : memref<!tpu.dma_semaphore, #tpu.memory_space<semaphore_mem>>)
      %dma_wait3A = arith.constant 0 : i32
      %dma_wait3A_34 = arith.constant 0 : i32
      %dma_wait3A_35 = tpu.memref_slice %arg2[%dma_wait3A, %dma_wait3A_34] : memref<160000x128xf32, #tpu.memory_space<hbm>> -> memref<160000x128xf32, #tpu.memory_space<hbm>>
      tpu.wait_indirect_dma semaphore(%arg21 : memref<!tpu.dma_semaphore, #tpu.memory_space<semaphore_mem>>) src(%dma_wait3A_35 : memref<160000x128xf32, #tpu.memory_space<hbm>>) dst(%arg15 : memref<80x128xf32, #tpu.memory_space<vmem>>)
      %dma_wait3A_36 = arith.constant 0 : i32
      %dma_wait3A_37 = arith.constant 0 : i32
      %dma_wait3A_38 = tpu.memref_slice %arg3[%dma_wait3A_36, %dma_wait3A_37] : memref<160000x128xf32, #tpu.memory_space<hbm>> -> memref<160000x128xf32, #tpu.memory_space<hbm>>
      tpu.wait_indirect_dma semaphore(%arg22 : memref<!tpu.dma_semaphore, #tpu.memory_space<semaphore_mem>>) src(%dma_wait3A_38 : memref<160000x128xf32, #tpu.memory_space<hbm>>) dst(%arg16 : memref<80x128xf32, #tpu.memory_space<vmem>>)
      %dma_wait3A_39 = arith.constant 0 : i32
      %dma_wait3A_40 = arith.constant 0 : i32
      %dma_wait3A_41 = tpu.memref_slice %arg4[%dma_wait3A_39, %dma_wait3A_40] : memref<160000x128xf32, #tpu.memory_space<hbm>> -> memref<160000x128xf32, #tpu.memory_space<hbm>>
      tpu.wait_indirect_dma semaphore(%arg23 : memref<!tpu.dma_semaphore, #tpu.memory_space<semaphore_mem>>) src(%dma_wait3A_41 : memref<160000x128xf32, #tpu.memory_space<hbm>>) dst(%arg17 : memref<80x128xf32, #tpu.memory_space<vmem>>)
      "tpu.region"() ({
        %run_scoped3A = tpu.sem_alloc : memref<!tpu.dma_semaphore, #tpu.memory_space<semaphore_mem>>
        %dma_start3A_42 = arith.constant 0 : i32
        %dma_start3A_43 = arith.constant 0 : i32
        %dma_start3A_44 = tpu.memref_slice %arg18[%dma_start3A_42, %dma_start3A_43] : memref<5120x128xf32, #tpu.memory_space<vmem_shared>> -> memref<5120x128xf32, #tpu.memory_space<vmem_shared>>
        tpu.enqueue_indirect_dma source(%arg15 : memref<80x128xf32, #tpu.memory_space<vmem>>) target(%dma_start3A_44 : memref<5120x128xf32, #tpu.memory_space<vmem_shared>>) offsets(%arg12 : memref<80xi32, #tpu.memory_space<vmem>>) semaphore(%run_scoped3A : memref<!tpu.dma_semaphore, #tpu.memory_space<semaphore_mem>>) {add = true}
        %dma_wait3A_45 = arith.constant 0 : i32
        %dma_wait3A_46 = arith.constant 0 : i32
        %dma_wait3A_47 = tpu.memref_slice %arg18[%dma_wait3A_45, %dma_wait3A_46] : memref<5120x128xf32, #tpu.memory_space<vmem_shared>> -> memref<5120x128xf32, #tpu.memory_space<vmem_shared>>
        tpu.wait_indirect_dma semaphore(%run_scoped3A : memref<!tpu.dma_semaphore, #tpu.memory_space<semaphore_mem>>) src(%arg15 : memref<80x128xf32, #tpu.memory_space<vmem>>) dst(%dma_wait3A_47 : memref<5120x128xf32, #tpu.memory_space<vmem_shared>>)
        tpu.yield
      }) : () -> ()
      "tpu.region"() ({
        %run_scoped3A = tpu.sem_alloc : memref<!tpu.dma_semaphore, #tpu.memory_space<semaphore_mem>>
        %dma_start3A_42 = arith.constant 0 : i32
        %dma_start3A_43 = arith.constant 0 : i32
        %dma_start3A_44 = tpu.memref_slice %arg19[%dma_start3A_42, %dma_start3A_43] : memref<5120x128xf32, #tpu.memory_space<vmem_shared>> -> memref<5120x128xf32, #tpu.memory_space<vmem_shared>>
        tpu.enqueue_indirect_dma source(%arg16 : memref<80x128xf32, #tpu.memory_space<vmem>>) target(%dma_start3A_44 : memref<5120x128xf32, #tpu.memory_space<vmem_shared>>) offsets(%arg12 : memref<80xi32, #tpu.memory_space<vmem>>) semaphore(%run_scoped3A : memref<!tpu.dma_semaphore, #tpu.memory_space<semaphore_mem>>) {add = true}
        %dma_wait3A_45 = arith.constant 0 : i32
        %dma_wait3A_46 = arith.constant 0 : i32
        %dma_wait3A_47 = tpu.memref_slice %arg19[%dma_wait3A_45, %dma_wait3A_46] : memref<5120x128xf32, #tpu.memory_space<vmem_shared>> -> memref<5120x128xf32, #tpu.memory_space<vmem_shared>>
        tpu.wait_indirect_dma semaphore(%run_scoped3A : memref<!tpu.dma_semaphore, #tpu.memory_space<semaphore_mem>>) src(%arg16 : memref<80x128xf32, #tpu.memory_space<vmem>>) dst(%dma_wait3A_47 : memref<5120x128xf32, #tpu.memory_space<vmem_shared>>)
        tpu.yield
      }) : () -> ()
      "tpu.region"() ({
        %run_scoped3A = tpu.sem_alloc : memref<!tpu.dma_semaphore, #tpu.memory_space<semaphore_mem>>
        %dma_start3A_42 = arith.constant 0 : i32
        %dma_start3A_43 = arith.constant 0 : i32
        %dma_start3A_44 = tpu.memref_slice %arg20[%dma_start3A_42, %dma_start3A_43] : memref<320x128xf32, #tpu.memory_space<vmem_shared>> -> memref<320x128xf32, #tpu.memory_space<vmem_shared>>
        tpu.enqueue_indirect_dma source(%arg17 : memref<80x128xf32, #tpu.memory_space<vmem>>) target(%dma_start3A_44 : memref<320x128xf32, #tpu.memory_space<vmem_shared>>) offsets(%arg13 : memref<80xi32, #tpu.memory_space<vmem>>) semaphore(%run_scoped3A : memref<!tpu.dma_semaphore, #tpu.memory_space<semaphore_mem>>) {add = true}
        %dma_wait3A_45 = arith.constant 0 : i32
        %dma_wait3A_46 = arith.constant 0 : i32
        %dma_wait3A_47 = tpu.memref_slice %arg20[%dma_wait3A_45, %dma_wait3A_46] : memref<320x128xf32, #tpu.memory_space<vmem_shared>> -> memref<320x128xf32, #tpu.memory_space<vmem_shared>>
        tpu.wait_indirect_dma semaphore(%run_scoped3A : memref<!tpu.dma_semaphore, #tpu.memory_space<semaphore_mem>>) src(%arg17 : memref<80x128xf32, #tpu.memory_space<vmem>>) dst(%dma_wait3A_47 : memref<320x128xf32, #tpu.memory_space<vmem_shared>>)
        tpu.yield
      }) : () -> ()
    }
    %scan3A_6 = arith.constant 125 : i32
    %barrier3A_7 = arith.constant 0 : index
    tpu.barrier barrier_id(%barrier3A_7)
    "tpu.region"() ({
      %run_scoped3A = tpu.sem_alloc : memref<!tpu.dma_semaphore, #tpu.memory_space<semaphore_mem>>
      %dma_start3A = arith.constant 0 : i32
      %dma_start3A_13 = tpu.memref_slice %arg9[%arg0, %mul3A_0, %dma_start3A] : memref<2x5120x128xf32, #tpu.memory_space<hbm>> -> memref<1x320x128xf32, #tpu.memory_space<hbm>>
      %dma_start3A_14 = tpu.memref_squeeze %dma_start3A_13 : memref<1x320x128xf32, #tpu.memory_space<hbm>> -> memref<320x128xf32, #tpu.memory_space<hbm>>
      %dma_start3A_15 = arith.constant 0 : i32
      %dma_start3A_16 = tpu.memref_slice %arg18[%mul3A_0, %dma_start3A_15] : memref<5120x128xf32, #tpu.memory_space<vmem_shared>> -> memref<320x128xf32, #tpu.memory_space<vmem_shared>>
      tpu.enqueue_dma source(%dma_start3A_16 : memref<320x128xf32, #tpu.memory_space<vmem_shared>>) target(%dma_start3A_14 : memref<320x128xf32, #tpu.memory_space<hbm>>) target_semaphore(%run_scoped3A : memref<!tpu.dma_semaphore, #tpu.memory_space<semaphore_mem>>)
      %dma_wait3A = arith.constant 0 : i32
      %dma_wait3A_17 = tpu.memref_slice %arg9[%arg0, %mul3A_0, %dma_wait3A] : memref<2x5120x128xf32, #tpu.memory_space<hbm>> -> memref<1x320x128xf32, #tpu.memory_space<hbm>>
      %dma_wait3A_18 = tpu.memref_squeeze %dma_wait3A_17 : memref<1x320x128xf32, #tpu.memory_space<hbm>> -> memref<320x128xf32, #tpu.memory_space<hbm>>
      %dma_wait3A_19 = arith.constant 0 : i32
      %dma_wait3A_20 = tpu.memref_slice %arg18[%mul3A_0, %dma_wait3A_19] : memref<5120x128xf32, #tpu.memory_space<vmem_shared>> -> memref<320x128xf32, #tpu.memory_space<vmem_shared>>
      tpu.wait_dma2 semaphore(%run_scoped3A : memref<!tpu.dma_semaphore, #tpu.memory_space<semaphore_mem>>) src(%dma_wait3A_20 : memref<320x128xf32, #tpu.memory_space<vmem_shared>>) dst(%dma_wait3A_18 : memref<320x128xf32, #tpu.memory_space<hbm>>)
      tpu.yield
    }) : () -> ()
    "tpu.region"() ({
      %run_scoped3A = tpu.sem_alloc : memref<!tpu.dma_semaphore, #tpu.memory_space<semaphore_mem>>
      %dma_start3A = arith.constant 0 : i32
      %dma_start3A_13 = tpu.memref_slice %arg10[%arg0, %mul3A_0, %dma_start3A] : memref<2x5120x128xf32, #tpu.memory_space<hbm>> -> memref<1x320x128xf32, #tpu.memory_space<hbm>>
      %dma_start3A_14 = tpu.memref_squeeze %dma_start3A_13 : memref<1x320x128xf32, #tpu.memory_space<hbm>> -> memref<320x128xf32, #tpu.memory_space<hbm>>
      %dma_start3A_15 = arith.constant 0 : i32
      %dma_start3A_16 = tpu.memref_slice %arg19[%mul3A_0, %dma_start3A_15] : memref<5120x128xf32, #tpu.memory_space<vmem_shared>> -> memref<320x128xf32, #tpu.memory_space<vmem_shared>>
      tpu.enqueue_dma source(%dma_start3A_16 : memref<320x128xf32, #tpu.memory_space<vmem_shared>>) target(%dma_start3A_14 : memref<320x128xf32, #tpu.memory_space<hbm>>) target_semaphore(%run_scoped3A : memref<!tpu.dma_semaphore, #tpu.memory_space<semaphore_mem>>)
      %dma_wait3A = arith.constant 0 : i32
      %dma_wait3A_17 = tpu.memref_slice %arg10[%arg0, %mul3A_0, %dma_wait3A] : memref<2x5120x128xf32, #tpu.memory_space<hbm>> -> memref<1x320x128xf32, #tpu.memory_space<hbm>>
      %dma_wait3A_18 = tpu.memref_squeeze %dma_wait3A_17 : memref<1x320x128xf32, #tpu.memory_space<hbm>> -> memref<320x128xf32, #tpu.memory_space<hbm>>
      %dma_wait3A_19 = arith.constant 0 : i32
      %dma_wait3A_20 = tpu.memref_slice %arg19[%mul3A_0, %dma_wait3A_19] : memref<5120x128xf32, #tpu.memory_space<vmem_shared>> -> memref<320x128xf32, #tpu.memory_space<vmem_shared>>
      tpu.wait_dma2 semaphore(%run_scoped3A : memref<!tpu.dma_semaphore, #tpu.memory_space<semaphore_mem>>) src(%dma_wait3A_20 : memref<320x128xf32, #tpu.memory_space<vmem_shared>>) dst(%dma_wait3A_18 : memref<320x128xf32, #tpu.memory_space<hbm>>)
      tpu.yield
    }) : () -> ()
    %lt3A_8 = arith.constant 10 : i32
    %lt3A_9 = arith.cmpi slt, %arg1, %lt3A_8 : i32
    %convert_element_type3A_10 = arith.extui %lt3A_9 : i1 to i32
    %cond3A_11 = arith.constant 0 : i32
    %cond3A_12 = arith.cmpi ne, %convert_element_type3A_10, %cond3A_11 : i32
    scf.if %cond3A_12 {
      %mul3A_13 = arith.constant 32 : i32
      %mul3A_14 = arith.muli %arg1, %mul3A_13 : i32
      %mul3A_15 = arith.constant 32 : i32
      %mul3A_16 = arith.muli %arg1, %mul3A_15 : i32
      "tpu.region"() ({
        %run_scoped3A = tpu.sem_alloc : memref<!tpu.dma_semaphore, #tpu.memory_space<semaphore_mem>>
        %dma_start3A = arith.constant 0 : i32
        %dma_start3A_17 = tpu.memref_slice %arg11[%arg0, %mul3A_16, %dma_start3A] : memref<2x320x128xf32, #tpu.memory_space<hbm>> -> memref<1x32x128xf32, #tpu.memory_space<hbm>>
        %dma_start3A_18 = tpu.memref_squeeze %dma_start3A_17 : memref<1x32x128xf32, #tpu.memory_space<hbm>> -> memref<32x128xf32, #tpu.memory_space<hbm>>
        %dma_start3A_19 = arith.constant 0 : i32
        %dma_start3A_20 = tpu.memref_slice %arg20[%mul3A_14, %dma_start3A_19] : memref<320x128xf32, #tpu.memory_space<vmem_shared>> -> memref<32x128xf32, #tpu.memory_space<vmem_shared>>
        tpu.enqueue_dma source(%dma_start3A_20 : memref<32x128xf32, #tpu.memory_space<vmem_shared>>) target(%dma_start3A_18 : memref<32x128xf32, #tpu.memory_space<hbm>>) target_semaphore(%run_scoped3A : memref<!tpu.dma_semaphore, #tpu.memory_space<semaphore_mem>>)
        %dma_wait3A = arith.constant 0 : i32
        %dma_wait3A_21 = tpu.memref_slice %arg11[%arg0, %mul3A_16, %dma_wait3A] : memref<2x320x128xf32, #tpu.memory_space<hbm>> -> memref<1x32x128xf32, #tpu.memory_space<hbm>>
        %dma_wait3A_22 = tpu.memref_squeeze %dma_wait3A_21 : memref<1x32x128xf32, #tpu.memory_space<hbm>> -> memref<32x128xf32, #tpu.memory_space<hbm>>
        %dma_wait3A_23 = arith.constant 0 : i32
        %dma_wait3A_24 = tpu.memref_slice %arg20[%mul3A_14, %dma_wait3A_23] : memref<320x128xf32, #tpu.memory_space<vmem_shared>> -> memref<32x128xf32, #tpu.memory_space<vmem_shared>>
        tpu.wait_dma2 semaphore(%run_scoped3A : memref<!tpu.dma_semaphore, #tpu.memory_space<semaphore_mem>>) src(%dma_wait3A_24 : memref<32x128xf32, #tpu.memory_space<vmem_shared>>) dst(%dma_wait3A_22 : memref<32x128xf32, #tpu.memory_space<hbm>>)
        tpu.yield
      }) : () -> ()
    } else {
    }
    return
  }
}

#map = affine_map<(d0, d1) -> (0, 0)>
#map1 = affine_map<(d0, d1) -> (0)>
module attributes {stable_mosaic.version = 14 : i64} {
  func.func @gk(%arg0: i32, %arg1: i32, %arg2: memref<10240x256xf32, #tpu.memory_space<hbm>>, %arg3: memref<10240x256xf32, #tpu.memory_space<hbm>>, %arg4: memref<160000xi32, #tpu.memory_space<hbm>>, %arg5: memref<160000xi32, #tpu.memory_space<hbm>>, %arg6: memref<160000x256xf32, #tpu.memory_space<hbm>>, %arg7: memref<160000x256xf32, #tpu.memory_space<hbm>>, %arg8: memref<40xi32, #tpu.memory_space<vmem>>, %arg9: memref<40xi32, #tpu.memory_space<vmem>>, %arg10: memref<40x256xf32, #tpu.memory_space<vmem>>, %arg11: memref<40x256xf32, #tpu.memory_space<vmem>>, %arg12: memref<!tpu.dma_semaphore, #tpu.memory_space<semaphore_mem>>, %arg13: memref<!tpu.dma_semaphore, #tpu.memory_space<semaphore_mem>>) attributes {dimension_semantics = [#tpu.dimension_semantics<core_parallel>, #tpu.dimension_semantics<subcore_parallel>], iteration_bounds = array<i64: 2, 16>, scalar_prefetch = 0 : i64, scratch_operands = 6 : i64, tpu.core_type = #tpu.core_type<sc_vector_subcore>, window_params = [{transform_indices = #map}, {transform_indices = #map}, {transform_indices = #map1}, {transform_indices = #map1}, {transform_indices = #map}, {transform_indices = #map}]} {
    %mul3A = arith.constant 2 : i32
    %mul3A_0 = arith.muli %arg1, %mul3A : i32
    %add3A = arith.addi %mul3A_0, %arg0 : i32
    %mul3A_1 = arith.constant 5000 : i32
    %mul3A_2 = arith.muli %add3A, %mul3A_1 : i32
    %scan3A = arith.constant 0 : i32
    %scan3A_3 = arith.constant 125 : i32
    %scan3A_4 = arith.addi %scan3A, %scan3A_3 : i32
    %scan3A_5 = arith.constant 1 : i32
    scf.for %scan3A_7 = %scan3A to %scan3A_4 step %scan3A_5  : i32 {
      %mul3A_8 = arith.constant 40 : i32
      %mul3A_9 = arith.muli %scan3A_7, %mul3A_8 : i32
      %add3A_10 = arith.constant 0 : i32
      %add3A_11 = arith.addi %add3A_10, %mul3A_9 : i32
      %add3A_12 = arith.addi %mul3A_2, %add3A_11 : i32
      "tpu.region"() ({
        %run_scoped3A = tpu.sem_alloc : memref<!tpu.dma_semaphore, #tpu.memory_space<semaphore_mem>>
        %dma_start3A_23 = tpu.memref_slice %arg4[%add3A_12] : memref<160000xi32, #tpu.memory_space<hbm>> -> memref<40xi32, #tpu.memory_space<hbm>>
        %dma_start3A_24 = tpu.memref_slice %arg4[%add3A_12] : memref<160000xi32, #tpu.memory_space<hbm>> -> memref<40xi32, #tpu.memory_space<hbm>>
        tpu.enqueue_dma source(%dma_start3A_24 : memref<40xi32, #tpu.memory_space<hbm>>) target(%arg8 : memref<40xi32, #tpu.memory_space<vmem>>) target_semaphore(%run_scoped3A : memref<!tpu.dma_semaphore, #tpu.memory_space<semaphore_mem>>)
        %dma_wait3A_25 = tpu.memref_slice %arg4[%add3A_12] : memref<160000xi32, #tpu.memory_space<hbm>> -> memref<40xi32, #tpu.memory_space<hbm>>
        %dma_wait3A_26 = tpu.memref_slice %arg4[%add3A_12] : memref<160000xi32, #tpu.memory_space<hbm>> -> memref<40xi32, #tpu.memory_space<hbm>>
        tpu.wait_dma2 semaphore(%run_scoped3A : memref<!tpu.dma_semaphore, #tpu.memory_space<semaphore_mem>>) src(%dma_wait3A_26 : memref<40xi32, #tpu.memory_space<hbm>>) dst(%arg8 : memref<40xi32, #tpu.memory_space<vmem>>)
        tpu.yield
      }) : () -> ()
      "tpu.region"() ({
        %run_scoped3A = tpu.sem_alloc : memref<!tpu.dma_semaphore, #tpu.memory_space<semaphore_mem>>
        %dma_start3A_23 = tpu.memref_slice %arg5[%add3A_12] : memref<160000xi32, #tpu.memory_space<hbm>> -> memref<40xi32, #tpu.memory_space<hbm>>
        %dma_start3A_24 = tpu.memref_slice %arg5[%add3A_12] : memref<160000xi32, #tpu.memory_space<hbm>> -> memref<40xi32, #tpu.memory_space<hbm>>
        tpu.enqueue_dma source(%dma_start3A_24 : memref<40xi32, #tpu.memory_space<hbm>>) target(%arg9 : memref<40xi32, #tpu.memory_space<vmem>>) target_semaphore(%run_scoped3A : memref<!tpu.dma_semaphore, #tpu.memory_space<semaphore_mem>>)
        %dma_wait3A_25 = tpu.memref_slice %arg5[%add3A_12] : memref<160000xi32, #tpu.memory_space<hbm>> -> memref<40xi32, #tpu.memory_space<hbm>>
        %dma_wait3A_26 = tpu.memref_slice %arg5[%add3A_12] : memref<160000xi32, #tpu.memory_space<hbm>> -> memref<40xi32, #tpu.memory_space<hbm>>
        tpu.wait_dma2 semaphore(%run_scoped3A : memref<!tpu.dma_semaphore, #tpu.memory_space<semaphore_mem>>) src(%dma_wait3A_26 : memref<40xi32, #tpu.memory_space<hbm>>) dst(%arg9 : memref<40xi32, #tpu.memory_space<vmem>>)
        tpu.yield
      }) : () -> ()
      %dma_start3A = arith.constant 0 : i32
      %dma_start3A_13 = arith.constant 0 : i32
      %dma_start3A_14 = tpu.memref_slice %arg2[%dma_start3A, %dma_start3A_13] : memref<10240x256xf32, #tpu.memory_space<hbm>> -> memref<10240x256xf32, #tpu.memory_space<hbm>>
      tpu.enqueue_indirect_dma source(%dma_start3A_14 : memref<10240x256xf32, #tpu.memory_space<hbm>>) target(%arg10 : memref<40x256xf32, #tpu.memory_space<vmem>>) offsets(%arg8 : memref<40xi32, #tpu.memory_space<vmem>>) semaphore(%arg12 : memref<!tpu.dma_semaphore, #tpu.memory_space<semaphore_mem>>)
      %dma_start3A_15 = arith.constant 0 : i32
      %dma_start3A_16 = arith.constant 0 : i32
      %dma_start3A_17 = tpu.memref_slice %arg3[%dma_start3A_15, %dma_start3A_16] : memref<10240x256xf32, #tpu.memory_space<hbm>> -> memref<10240x256xf32, #tpu.memory_space<hbm>>
      tpu.enqueue_indirect_dma source(%dma_start3A_17 : memref<10240x256xf32, #tpu.memory_space<hbm>>) target(%arg11 : memref<40x256xf32, #tpu.memory_space<vmem>>) offsets(%arg9 : memref<40xi32, #tpu.memory_space<vmem>>) semaphore(%arg13 : memref<!tpu.dma_semaphore, #tpu.memory_space<semaphore_mem>>)
      %dma_wait3A = arith.constant 0 : i32
      %dma_wait3A_18 = arith.constant 0 : i32
      %dma_wait3A_19 = tpu.memref_slice %arg2[%dma_wait3A, %dma_wait3A_18] : memref<10240x256xf32, #tpu.memory_space<hbm>> -> memref<10240x256xf32, #tpu.memory_space<hbm>>
      tpu.wait_indirect_dma semaphore(%arg12 : memref<!tpu.dma_semaphore, #tpu.memory_space<semaphore_mem>>) src(%dma_wait3A_19 : memref<10240x256xf32, #tpu.memory_space<hbm>>) dst(%arg10 : memref<40x256xf32, #tpu.memory_space<vmem>>)
      %dma_wait3A_20 = arith.constant 0 : i32
      %dma_wait3A_21 = arith.constant 0 : i32
      %dma_wait3A_22 = tpu.memref_slice %arg3[%dma_wait3A_20, %dma_wait3A_21] : memref<10240x256xf32, #tpu.memory_space<hbm>> -> memref<10240x256xf32, #tpu.memory_space<hbm>>
      tpu.wait_indirect_dma semaphore(%arg13 : memref<!tpu.dma_semaphore, #tpu.memory_space<semaphore_mem>>) src(%dma_wait3A_22 : memref<10240x256xf32, #tpu.memory_space<hbm>>) dst(%arg11 : memref<40x256xf32, #tpu.memory_space<vmem>>)
      "tpu.region"() ({
        %run_scoped3A = tpu.sem_alloc : memref<!tpu.dma_semaphore, #tpu.memory_space<semaphore_mem>>
        %dma_start3A_23 = arith.constant 0 : i32
        %dma_start3A_24 = tpu.memref_slice %arg6[%add3A_12, %dma_start3A_23] : memref<160000x256xf32, #tpu.memory_space<hbm>> -> memref<40x256xf32, #tpu.memory_space<hbm>>
        %dma_start3A_25 = arith.constant 0 : i32
        %dma_start3A_26 = tpu.memref_slice %arg6[%add3A_12, %dma_start3A_25] : memref<160000x256xf32, #tpu.memory_space<hbm>> -> memref<40x256xf32, #tpu.memory_space<hbm>>
        tpu.enqueue_dma source(%arg10 : memref<40x256xf32, #tpu.memory_space<vmem>>) target(%dma_start3A_26 : memref<40x256xf32, #tpu.memory_space<hbm>>) target_semaphore(%run_scoped3A : memref<!tpu.dma_semaphore, #tpu.memory_space<semaphore_mem>>)
        %dma_wait3A_27 = arith.constant 0 : i32
        %dma_wait3A_28 = tpu.memref_slice %arg6[%add3A_12, %dma_wait3A_27] : memref<160000x256xf32, #tpu.memory_space<hbm>> -> memref<40x256xf32, #tpu.memory_space<hbm>>
        %dma_wait3A_29 = arith.constant 0 : i32
        %dma_wait3A_30 = tpu.memref_slice %arg6[%add3A_12, %dma_wait3A_29] : memref<160000x256xf32, #tpu.memory_space<hbm>> -> memref<40x256xf32, #tpu.memory_space<hbm>>
        tpu.wait_dma2 semaphore(%run_scoped3A : memref<!tpu.dma_semaphore, #tpu.memory_space<semaphore_mem>>) src(%arg10 : memref<40x256xf32, #tpu.memory_space<vmem>>) dst(%dma_wait3A_30 : memref<40x256xf32, #tpu.memory_space<hbm>>)
        tpu.yield
      }) : () -> ()
      "tpu.region"() ({
        %run_scoped3A = tpu.sem_alloc : memref<!tpu.dma_semaphore, #tpu.memory_space<semaphore_mem>>
        %dma_start3A_23 = arith.constant 0 : i32
        %dma_start3A_24 = tpu.memref_slice %arg7[%add3A_12, %dma_start3A_23] : memref<160000x256xf32, #tpu.memory_space<hbm>> -> memref<40x256xf32, #tpu.memory_space<hbm>>
        %dma_start3A_25 = arith.constant 0 : i32
        %dma_start3A_26 = tpu.memref_slice %arg7[%add3A_12, %dma_start3A_25] : memref<160000x256xf32, #tpu.memory_space<hbm>> -> memref<40x256xf32, #tpu.memory_space<hbm>>
        tpu.enqueue_dma source(%arg11 : memref<40x256xf32, #tpu.memory_space<vmem>>) target(%dma_start3A_26 : memref<40x256xf32, #tpu.memory_space<hbm>>) target_semaphore(%run_scoped3A : memref<!tpu.dma_semaphore, #tpu.memory_space<semaphore_mem>>)
        %dma_wait3A_27 = arith.constant 0 : i32
        %dma_wait3A_28 = tpu.memref_slice %arg7[%add3A_12, %dma_wait3A_27] : memref<160000x256xf32, #tpu.memory_space<hbm>> -> memref<40x256xf32, #tpu.memory_space<hbm>>
        %dma_wait3A_29 = arith.constant 0 : i32
        %dma_wait3A_30 = tpu.memref_slice %arg7[%add3A_12, %dma_wait3A_29] : memref<160000x256xf32, #tpu.memory_space<hbm>> -> memref<40x256xf32, #tpu.memory_space<hbm>>
        tpu.wait_dma2 semaphore(%run_scoped3A : memref<!tpu.dma_semaphore, #tpu.memory_space<semaphore_mem>>) src(%arg11 : memref<40x256xf32, #tpu.memory_space<vmem>>) dst(%dma_wait3A_30 : memref<40x256xf32, #tpu.memory_space<hbm>>)
        tpu.yield
      }) : () -> ()
    }
    %scan3A_6 = arith.constant 125 : i32
    return
  }
}

#map = affine_map<(d0, d1) -> (0, 0)>
#map1 = affine_map<(d0, d1) -> (0)>
#map2 = affine_map<(d0, d1) -> (0, 0, 0)>
module attributes {stable_mosaic.version = 14 : i64} {
  func.func @sk(%arg0: i32, %arg1: i32, %arg2: memref<160000x128xf32, #tpu.memory_space<hbm>>, %arg3: memref<160000x128xf32, #tpu.memory_space<hbm>>, %arg4: memref<160000x128xf32, #tpu.memory_space<hbm>>, %arg5: memref<320000xi32, #tpu.memory_space<hbm>>, %arg6: memref<320000xi32, #tpu.memory_space<hbm>>, %arg7: memref<160000xi32, #tpu.memory_space<hbm>>, %arg8: memref<320x128xf32, #tpu.memory_space<hbm>>, %arg9: memref<2x5120x128xf32, #tpu.memory_space<hbm>>, %arg10: memref<2x5120x128xf32, #tpu.memory_space<hbm>>, %arg11: memref<2x320x128xf32, #tpu.memory_space<hbm>>, %arg12: memref<80xi32, #tpu.memory_space<vmem>>, %arg13: memref<80xi32, #tpu.memory_space<vmem>>, %arg14: memref<80xi32, #tpu.memory_space<vmem>>, %arg15: memref<80x128xf32, #tpu.memory_space<vmem>>, %arg16: memref<80x128xf32, #tpu.memory_space<vmem>>, %arg17: memref<80x128xf32, #tpu.memory_space<vmem>>, %arg18: memref<5120x128xf32, #tpu.memory_space<vmem_shared>>, %arg19: memref<5120x128xf32, #tpu.memory_space<vmem_shared>>, %arg20: memref<320x128xf32, #tpu.memory_space<vmem_shared>>, %arg21: memref<!tpu.dma_semaphore, #tpu.memory_space<semaphore_mem>>, %arg22: memref<!tpu.dma_semaphore, #tpu.memory_space<semaphore_mem>>, %arg23: memref<!tpu.dma_semaphore, #tpu.memory_space<semaphore_mem>>) attributes {dimension_semantics = [#tpu.dimension_semantics<core_parallel>, #tpu.dimension_semantics<subcore_parallel>], iteration_bounds = array<i64: 2, 16>, scalar_prefetch = 0 : i64, scratch_operands = 12 : i64, tpu.core_type = #tpu.core_type<sc_vector_subcore>, window_params = [{transform_indices = #map}, {transform_indices = #map}, {transform_indices = #map}, {transform_indices = #map1}, {transform_indices = #map1}, {transform_indices = #map1}, {transform_indices = #map}, {transform_indices = #map2}, {transform_indices = #map2}, {transform_indices = #map2}]} {
    %mul3A = arith.constant 320 : i32
    %mul3A_0 = arith.muli %arg1, %mul3A : i32
    "tpu.region"() ({
      %run_scoped3A = tpu.sem_alloc : memref<!tpu.dma_semaphore, #tpu.memory_space<semaphore_mem>>
      %dma_start3A = arith.constant 0 : i32
      %dma_start3A_13 = tpu.memref_slice %arg18[%mul3A_0, %dma_start3A] : memref<5120x128xf32, #tpu.memory_space<vmem_shared>> -> memref<320x128xf32, #tpu.memory_space<vmem_shared>>
      tpu.enqueue_dma source(%arg8 : memref<320x128xf32, #tpu.memory_space<hbm>>) target(%dma_start3A_13 : memref<320x128xf32, #tpu.memory_space<vmem_shared>>) target_semaphore(%run_scoped3A : memref<!tpu.dma_semaphore, #tpu.memory_space<semaphore_mem>>)
      %dma_wait3A = arith.constant 0 : i32
      %dma_wait3A_14 = tpu.memref_slice %arg18[%mul3A_0, %dma_wait3A] : memref<5120x128xf32, #tpu.memory_space<vmem_shared>> -> memref<320x128xf32, #tpu.memory_space<vmem_shared>>
      tpu.wait_dma2 semaphore(%run_scoped3A : memref<!tpu.dma_semaphore, #tpu.memory_space<semaphore_mem>>) src(%arg8 : memref<320x128xf32, #tpu.memory_space<hbm>>) dst(%dma_wait3A_14 : memref<320x128xf32, #tpu.memory_space<vmem_shared>>)
      tpu.yield
    }) : () -> ()
    "tpu.region"() ({
      %run_scoped3A = tpu.sem_alloc : memref<!tpu.dma_semaphore, #tpu.memory_space<semaphore_mem>>
      %dma_start3A = arith.constant 0 : i32
      %dma_start3A_13 = tpu.memref_slice %arg19[%mul3A_0, %dma_start3A] : memref<5120x128xf32, #tpu.memory_space<vmem_shared>> -> memref<320x128xf32, #tpu.memory_space<vmem_shared>>
      tpu.enqueue_dma source(%arg8 : memref<320x128xf32, #tpu.memory_space<hbm>>) target(%dma_start3A_13 : memref<320x128xf32, #tpu.memory_space<vmem_shared>>) target_semaphore(%run_scoped3A : memref<!tpu.dma_semaphore, #tpu.memory_space<semaphore_mem>>)
      %dma_wait3A = arith.constant 0 : i32
      %dma_wait3A_14 = tpu.memref_slice %arg19[%mul3A_0, %dma_wait3A] : memref<5120x128xf32, #tpu.memory_space<vmem_shared>> -> memref<320x128xf32, #tpu.memory_space<vmem_shared>>
      tpu.wait_dma2 semaphore(%run_scoped3A : memref<!tpu.dma_semaphore, #tpu.memory_space<semaphore_mem>>) src(%arg8 : memref<320x128xf32, #tpu.memory_space<hbm>>) dst(%dma_wait3A_14 : memref<320x128xf32, #tpu.memory_space<vmem_shared>>)
      tpu.yield
    }) : () -> ()
    %lt3A = arith.constant 10 : i32
    %lt3A_1 = arith.cmpi slt, %arg1, %lt3A : i32
    %convert_element_type3A = arith.extui %lt3A_1 : i1 to i32
    %cond3A = arith.constant 0 : i32
    %cond3A_2 = arith.cmpi ne, %convert_element_type3A, %cond3A : i32
    scf.if %cond3A_2 {
      %mul3A_13 = arith.constant 32 : i32
      %mul3A_14 = arith.muli %arg1, %mul3A_13 : i32
      "tpu.region"() ({
        %run_scoped3A = tpu.sem_alloc : memref<!tpu.dma_semaphore, #tpu.memory_space<semaphore_mem>>
        %dma_start3A = arith.constant 0 : i32
        %dma_start3A_15 = tpu.memref_slice %arg20[%mul3A_14, %dma_start3A] : memref<320x128xf32, #tpu.memory_space<vmem_shared>> -> memref<32x128xf32, #tpu.memory_space<vmem_shared>>
        %dma_start3A_16 = arith.constant 0 : i32
        %dma_start3A_17 = arith.constant 0 : i32
        %dma_start3A_18 = tpu.memref_slice %arg8[%dma_start3A_16, %dma_start3A_17] : memref<320x128xf32, #tpu.memory_space<hbm>> -> memref<32x128xf32, #tpu.memory_space<hbm>>
        tpu.enqueue_dma source(%dma_start3A_18 : memref<32x128xf32, #tpu.memory_space<hbm>>) target(%dma_start3A_15 : memref<32x128xf32, #tpu.memory_space<vmem_shared>>) target_semaphore(%run_scoped3A : memref<!tpu.dma_semaphore, #tpu.memory_space<semaphore_mem>>)
        %dma_wait3A = arith.constant 0 : i32
        %dma_wait3A_19 = tpu.memref_slice %arg20[%mul3A_14, %dma_wait3A] : memref<320x128xf32, #tpu.memory_space<vmem_shared>> -> memref<32x128xf32, #tpu.memory_space<vmem_shared>>
        %dma_wait3A_20 = arith.constant 0 : i32
        %dma_wait3A_21 = arith.constant 0 : i32
        %dma_wait3A_22 = tpu.memref_slice %arg8[%dma_wait3A_20, %dma_wait3A_21] : memref<320x128xf32, #tpu.memory_space<hbm>> -> memref<32x128xf32, #tpu.memory_space<hbm>>
        tpu.wait_dma2 semaphore(%run_scoped3A : memref<!tpu.dma_semaphore, #tpu.memory_space<semaphore_mem>>) src(%dma_wait3A_22 : memref<32x128xf32, #tpu.memory_space<hbm>>) dst(%dma_wait3A_19 : memref<32x128xf32, #tpu.memory_space<vmem_shared>>)
        tpu.yield
      }) : () -> ()
    } else {
    }
    %barrier3A = arith.constant 0 : index
    tpu.barrier barrier_id(%barrier3A)
    %scan3A = arith.constant 0 : i32
    %scan3A_3 = arith.constant 125 : i32
    %scan3A_4 = arith.addi %scan3A, %scan3A_3 : i32
    %scan3A_5 = arith.constant 1 : i32
    scf.for %scan3A_13 = %scan3A to %scan3A_4 step %scan3A_5  : i32 {
      %mul3A_14 = arith.constant 80 : i32
      %mul3A_15 = arith.muli %scan3A_13, %mul3A_14 : i32
      %add3A = arith.constant 0 : i32
      %add3A_16 = arith.addi %add3A, %mul3A_15 : i32
      %mul3A_17 = arith.constant 10000 : i32
      %mul3A_18 = arith.muli %arg1, %mul3A_17 : i32
      %add3A_19 = arith.addi %mul3A_18, %add3A_16 : i32
      %mul3A_20 = arith.constant 160000 : i32
      %mul3A_21 = arith.muli %arg0, %mul3A_20 : i32
      %add3A_22 = arith.addi %mul3A_21, %add3A_19 : i32
      "tpu.region"() ({
        %run_scoped3A = tpu.sem_alloc : memref<!tpu.dma_semaphore, #tpu.memory_space<semaphore_mem>>
        %dma_start3A_42 = tpu.memref_slice %arg5[%add3A_22] : memref<320000xi32, #tpu.memory_space<hbm>> -> memref<80xi32, #tpu.memory_space<hbm>>
        %dma_start3A_43 = tpu.memref_slice %arg5[%add3A_22] : memref<320000xi32, #tpu.memory_space<hbm>> -> memref<80xi32, #tpu.memory_space<hbm>>
        tpu.enqueue_dma source(%dma_start3A_43 : memref<80xi32, #tpu.memory_space<hbm>>) target(%arg12 : memref<80xi32, #tpu.memory_space<vmem>>) target_semaphore(%run_scoped3A : memref<!tpu.dma_semaphore, #tpu.memory_space<semaphore_mem>>)
        %dma_wait3A_44 = tpu.memref_slice %arg5[%add3A_22] : memref<320000xi32, #tpu.memory_space<hbm>> -> memref<80xi32, #tpu.memory_space<hbm>>
        %dma_wait3A_45 = tpu.memref_slice %arg5[%add3A_22] : memref<320000xi32, #tpu.memory_space<hbm>> -> memref<80xi32, #tpu.memory_space<hbm>>
        tpu.wait_dma2 semaphore(%run_scoped3A : memref<!tpu.dma_semaphore, #tpu.memory_space<semaphore_mem>>) src(%dma_wait3A_45 : memref<80xi32, #tpu.memory_space<hbm>>) dst(%arg12 : memref<80xi32, #tpu.memory_space<vmem>>)
        tpu.yield
      }) : () -> ()
      %mul3A_23 = arith.constant 160000 : i32
      %mul3A_24 = arith.muli %arg0, %mul3A_23 : i32
      %add3A_25 = arith.addi %mul3A_24, %add3A_19 : i32
      "tpu.region"() ({
        %run_scoped3A = tpu.sem_alloc : memref<!tpu.dma_semaphore, #tpu.memory_space<semaphore_mem>>
        %dma_start3A_42 = tpu.memref_slice %arg6[%add3A_25] : memref<320000xi32, #tpu.memory_space<hbm>> -> memref<80xi32, #tpu.memory_space<hbm>>
        %dma_start3A_43 = tpu.memref_slice %arg6[%add3A_25] : memref<320000xi32, #tpu.memory_space<hbm>> -> memref<80xi32, #tpu.memory_space<hbm>>
        tpu.enqueue_dma source(%dma_start3A_43 : memref<80xi32, #tpu.memory_space<hbm>>) target(%arg13 : memref<80xi32, #tpu.memory_space<vmem>>) target_semaphore(%run_scoped3A : memref<!tpu.dma_semaphore, #tpu.memory_space<semaphore_mem>>)
        %dma_wait3A_44 = tpu.memref_slice %arg6[%add3A_25] : memref<320000xi32, #tpu.memory_space<hbm>> -> memref<80xi32, #tpu.memory_space<hbm>>
        %dma_wait3A_45 = tpu.memref_slice %arg6[%add3A_25] : memref<320000xi32, #tpu.memory_space<hbm>> -> memref<80xi32, #tpu.memory_space<hbm>>
        tpu.wait_dma2 semaphore(%run_scoped3A : memref<!tpu.dma_semaphore, #tpu.memory_space<semaphore_mem>>) src(%dma_wait3A_45 : memref<80xi32, #tpu.memory_space<hbm>>) dst(%arg13 : memref<80xi32, #tpu.memory_space<vmem>>)
        tpu.yield
      }) : () -> ()
      "tpu.region"() ({
        %run_scoped3A = tpu.sem_alloc : memref<!tpu.dma_semaphore, #tpu.memory_space<semaphore_mem>>
        %dma_start3A_42 = tpu.memref_slice %arg7[%add3A_19] : memref<160000xi32, #tpu.memory_space<hbm>> -> memref<80xi32, #tpu.memory_space<hbm>>
        %dma_start3A_43 = tpu.memref_slice %arg7[%add3A_19] : memref<160000xi32, #tpu.memory_space<hbm>> -> memref<80xi32, #tpu.memory_space<hbm>>
        tpu.enqueue_dma source(%dma_start3A_43 : memref<80xi32, #tpu.memory_space<hbm>>) target(%arg14 : memref<80xi32, #tpu.memory_space<vmem>>) target_semaphore(%run_scoped3A : memref<!tpu.dma_semaphore, #tpu.memory_space<semaphore_mem>>)
        %dma_wait3A_44 = tpu.memref_slice %arg7[%add3A_19] : memref<160000xi32, #tpu.memory_space<hbm>> -> memref<80xi32, #tpu.memory_space<hbm>>
        %dma_wait3A_45 = tpu.memref_slice %arg7[%add3A_19] : memref<160000xi32, #tpu.memory_space<hbm>> -> memref<80xi32, #tpu.memory_space<hbm>>
        tpu.wait_dma2 semaphore(%run_scoped3A : memref<!tpu.dma_semaphore, #tpu.memory_space<semaphore_mem>>) src(%dma_wait3A_45 : memref<80xi32, #tpu.memory_space<hbm>>) dst(%arg14 : memref<80xi32, #tpu.memory_space<vmem>>)
        tpu.yield
      }) : () -> ()
      %dma_start3A = arith.constant 0 : i32
      %dma_start3A_26 = arith.constant 0 : i32
      %dma_start3A_27 = tpu.memref_slice %arg2[%dma_start3A, %dma_start3A_26] : memref<160000x128xf32, #tpu.memory_space<hbm>> -> memref<160000x128xf32, #tpu.memory_space<hbm>>
      tpu.enqueue_indirect_dma source(%dma_start3A_27 : memref<160000x128xf32, #tpu.memory_space<hbm>>) target(%arg15 : memref<80x128xf32, #tpu.memory_space<vmem>>) offsets(%arg14 : memref<80xi32, #tpu.memory_space<vmem>>) semaphore(%arg21 : memref<!tpu.dma_semaphore, #tpu.memory_space<semaphore_mem>>)
      %dma_start3A_28 = arith.constant 0 : i32
      %dma_start3A_29 = arith.constant 0 : i32
      %dma_start3A_30 = tpu.memref_slice %arg3[%dma_start3A_28, %dma_start3A_29] : memref<160000x128xf32, #tpu.memory_space<hbm>> -> memref<160000x128xf32, #tpu.memory_space<hbm>>
      tpu.enqueue_indirect_dma source(%dma_start3A_30 : memref<160000x128xf32, #tpu.memory_space<hbm>>) target(%arg16 : memref<80x128xf32, #tpu.memory_space<vmem>>) offsets(%arg14 : memref<80xi32, #tpu.memory_space<vmem>>) semaphore(%arg22 : memref<!tpu.dma_semaphore, #tpu.memory_space<semaphore_mem>>)
      %dma_start3A_31 = arith.constant 0 : i32
      %dma_start3A_32 = arith.constant 0 : i32
      %dma_start3A_33 = tpu.memref_slice %arg4[%dma_start3A_31, %dma_start3A_32] : memref<160000x128xf32, #tpu.memory_space<hbm>> -> memref<160000x128xf32, #tpu.memory_space<hbm>>
      tpu.enqueue_indirect_dma source(%dma_start3A_33 : memref<160000x128xf32, #tpu.memory_space<hbm>>) target(%arg17 : memref<80x128xf32, #tpu.memory_space<vmem>>) offsets(%arg14 : memref<80xi32, #tpu.memory_space<vmem>>) semaphore(%arg23 : memref<!tpu.dma_semaphore, #tpu.memory_space<semaphore_mem>>)
      %dma_wait3A = arith.constant 0 : i32
      %dma_wait3A_34 = arith.constant 0 : i32
      %dma_wait3A_35 = tpu.memref_slice %arg2[%dma_wait3A, %dma_wait3A_34] : memref<160000x128xf32, #tpu.memory_space<hbm>> -> memref<160000x128xf32, #tpu.memory_space<hbm>>
      tpu.wait_indirect_dma semaphore(%arg21 : memref<!tpu.dma_semaphore, #tpu.memory_space<semaphore_mem>>) src(%dma_wait3A_35 : memref<160000x128xf32, #tpu.memory_space<hbm>>) dst(%arg15 : memref<80x128xf32, #tpu.memory_space<vmem>>)
      %dma_wait3A_36 = arith.constant 0 : i32
      %dma_wait3A_37 = arith.constant 0 : i32
      %dma_wait3A_38 = tpu.memref_slice %arg3[%dma_wait3A_36, %dma_wait3A_37] : memref<160000x128xf32, #tpu.memory_space<hbm>> -> memref<160000x128xf32, #tpu.memory_space<hbm>>
      tpu.wait_indirect_dma semaphore(%arg22 : memref<!tpu.dma_semaphore, #tpu.memory_space<semaphore_mem>>) src(%dma_wait3A_38 : memref<160000x128xf32, #tpu.memory_space<hbm>>) dst(%arg16 : memref<80x128xf32, #tpu.memory_space<vmem>>)
      %dma_wait3A_39 = arith.constant 0 : i32
      %dma_wait3A_40 = arith.constant 0 : i32
      %dma_wait3A_41 = tpu.memref_slice %arg4[%dma_wait3A_39, %dma_wait3A_40] : memref<160000x128xf32, #tpu.memory_space<hbm>> -> memref<160000x128xf32, #tpu.memory_space<hbm>>
      tpu.wait_indirect_dma semaphore(%arg23 : memref<!tpu.dma_semaphore, #tpu.memory_space<semaphore_mem>>) src(%dma_wait3A_41 : memref<160000x128xf32, #tpu.memory_space<hbm>>) dst(%arg17 : memref<80x128xf32, #tpu.memory_space<vmem>>)
      "tpu.region"() ({
        %run_scoped3A = tpu.sem_alloc : memref<!tpu.dma_semaphore, #tpu.memory_space<semaphore_mem>>
        %dma_start3A_42 = arith.constant 0 : i32
        %dma_start3A_43 = arith.constant 0 : i32
        %dma_start3A_44 = tpu.memref_slice %arg18[%dma_start3A_42, %dma_start3A_43] : memref<5120x128xf32, #tpu.memory_space<vmem_shared>> -> memref<5120x128xf32, #tpu.memory_space<vmem_shared>>
        tpu.enqueue_indirect_dma source(%arg15 : memref<80x128xf32, #tpu.memory_space<vmem>>) target(%dma_start3A_44 : memref<5120x128xf32, #tpu.memory_space<vmem_shared>>) offsets(%arg12 : memref<80xi32, #tpu.memory_space<vmem>>) semaphore(%run_scoped3A : memref<!tpu.dma_semaphore, #tpu.memory_space<semaphore_mem>>) {add = true}
        %dma_wait3A_45 = arith.constant 0 : i32
        %dma_wait3A_46 = arith.constant 0 : i32
        %dma_wait3A_47 = tpu.memref_slice %arg18[%dma_wait3A_45, %dma_wait3A_46] : memref<5120x128xf32, #tpu.memory_space<vmem_shared>> -> memref<5120x128xf32, #tpu.memory_space<vmem_shared>>
        tpu.wait_indirect_dma semaphore(%run_scoped3A : memref<!tpu.dma_semaphore, #tpu.memory_space<semaphore_mem>>) src(%arg15 : memref<80x128xf32, #tpu.memory_space<vmem>>) dst(%dma_wait3A_47 : memref<5120x128xf32, #tpu.memory_space<vmem_shared>>)
        tpu.yield
      }) : () -> ()
      "tpu.region"() ({
        %run_scoped3A = tpu.sem_alloc : memref<!tpu.dma_semaphore, #tpu.memory_space<semaphore_mem>>
        %dma_start3A_42 = arith.constant 0 : i32
        %dma_start3A_43 = arith.constant 0 : i32
        %dma_start3A_44 = tpu.memref_slice %arg19[%dma_start3A_42, %dma_start3A_43] : memref<5120x128xf32, #tpu.memory_space<vmem_shared>> -> memref<5120x128xf32, #tpu.memory_space<vmem_shared>>
        tpu.enqueue_indirect_dma source(%arg16 : memref<80x128xf32, #tpu.memory_space<vmem>>) target(%dma_start3A_44 : memref<5120x128xf32, #tpu.memory_space<vmem_shared>>) offsets(%arg12 : memref<80xi32, #tpu.memory_space<vmem>>) semaphore(%run_scoped3A : memref<!tpu.dma_semaphore, #tpu.memory_space<semaphore_mem>>) {add = true}
        %dma_wait3A_45 = arith.constant 0 : i32
        %dma_wait3A_46 = arith.constant 0 : i32
        %dma_wait3A_47 = tpu.memref_slice %arg19[%dma_wait3A_45, %dma_wait3A_46] : memref<5120x128xf32, #tpu.memory_space<vmem_shared>> -> memref<5120x128xf32, #tpu.memory_space<vmem_shared>>
        tpu.wait_indirect_dma semaphore(%run_scoped3A : memref<!tpu.dma_semaphore, #tpu.memory_space<semaphore_mem>>) src(%arg16 : memref<80x128xf32, #tpu.memory_space<vmem>>) dst(%dma_wait3A_47 : memref<5120x128xf32, #tpu.memory_space<vmem_shared>>)
        tpu.yield
      }) : () -> ()
      "tpu.region"() ({
        %run_scoped3A = tpu.sem_alloc : memref<!tpu.dma_semaphore, #tpu.memory_space<semaphore_mem>>
        %dma_start3A_42 = arith.constant 0 : i32
        %dma_start3A_43 = arith.constant 0 : i32
        %dma_start3A_44 = tpu.memref_slice %arg20[%dma_start3A_42, %dma_start3A_43] : memref<320x128xf32, #tpu.memory_space<vmem_shared>> -> memref<320x128xf32, #tpu.memory_space<vmem_shared>>
        tpu.enqueue_indirect_dma source(%arg17 : memref<80x128xf32, #tpu.memory_space<vmem>>) target(%dma_start3A_44 : memref<320x128xf32, #tpu.memory_space<vmem_shared>>) offsets(%arg13 : memref<80xi32, #tpu.memory_space<vmem>>) semaphore(%run_scoped3A : memref<!tpu.dma_semaphore, #tpu.memory_space<semaphore_mem>>) {add = true}
        %dma_wait3A_45 = arith.constant 0 : i32
        %dma_wait3A_46 = arith.constant 0 : i32
        %dma_wait3A_47 = tpu.memref_slice %arg20[%dma_wait3A_45, %dma_wait3A_46] : memref<320x128xf32, #tpu.memory_space<vmem_shared>> -> memref<320x128xf32, #tpu.memory_space<vmem_shared>>
        tpu.wait_indirect_dma semaphore(%run_scoped3A : memref<!tpu.dma_semaphore, #tpu.memory_space<semaphore_mem>>) src(%arg17 : memref<80x128xf32, #tpu.memory_space<vmem>>) dst(%dma_wait3A_47 : memref<320x128xf32, #tpu.memory_space<vmem_shared>>)
        tpu.yield
      }) : () -> ()
    }
    %scan3A_6 = arith.constant 125 : i32
    %barrier3A_7 = arith.constant 0 : index
    tpu.barrier barrier_id(%barrier3A_7)
    "tpu.region"() ({
      %run_scoped3A = tpu.sem_alloc : memref<!tpu.dma_semaphore, #tpu.memory_space<semaphore_mem>>
      %dma_start3A = arith.constant 0 : i32
      %dma_start3A_13 = tpu.memref_slice %arg9[%arg0, %mul3A_0, %dma_start3A] : memref<2x5120x128xf32, #tpu.memory_space<hbm>> -> memref<1x320x128xf32, #tpu.memory_space<hbm>>
      %dma_start3A_14 = tpu.memref_squeeze %dma_start3A_13 : memref<1x320x128xf32, #tpu.memory_space<hbm>> -> memref<320x128xf32, #tpu.memory_space<hbm>>
      %dma_start3A_15 = arith.constant 0 : i32
      %dma_start3A_16 = tpu.memref_slice %arg18[%mul3A_0, %dma_start3A_15] : memref<5120x128xf32, #tpu.memory_space<vmem_shared>> -> memref<320x128xf32, #tpu.memory_space<vmem_shared>>
      tpu.enqueue_dma source(%dma_start3A_16 : memref<320x128xf32, #tpu.memory_space<vmem_shared>>) target(%dma_start3A_14 : memref<320x128xf32, #tpu.memory_space<hbm>>) target_semaphore(%run_scoped3A : memref<!tpu.dma_semaphore, #tpu.memory_space<semaphore_mem>>)
      %dma_wait3A = arith.constant 0 : i32
      %dma_wait3A_17 = tpu.memref_slice %arg9[%arg0, %mul3A_0, %dma_wait3A] : memref<2x5120x128xf32, #tpu.memory_space<hbm>> -> memref<1x320x128xf32, #tpu.memory_space<hbm>>
      %dma_wait3A_18 = tpu.memref_squeeze %dma_wait3A_17 : memref<1x320x128xf32, #tpu.memory_space<hbm>> -> memref<320x128xf32, #tpu.memory_space<hbm>>
      %dma_wait3A_19 = arith.constant 0 : i32
      %dma_wait3A_20 = tpu.memref_slice %arg18[%mul3A_0, %dma_wait3A_19] : memref<5120x128xf32, #tpu.memory_space<vmem_shared>> -> memref<320x128xf32, #tpu.memory_space<vmem_shared>>
      tpu.wait_dma2 semaphore(%run_scoped3A : memref<!tpu.dma_semaphore, #tpu.memory_space<semaphore_mem>>) src(%dma_wait3A_20 : memref<320x128xf32, #tpu.memory_space<vmem_shared>>) dst(%dma_wait3A_18 : memref<320x128xf32, #tpu.memory_space<hbm>>)
      tpu.yield
    }) : () -> ()
    "tpu.region"() ({
      %run_scoped3A = tpu.sem_alloc : memref<!tpu.dma_semaphore, #tpu.memory_space<semaphore_mem>>
      %dma_start3A = arith.constant 0 : i32
      %dma_start3A_13 = tpu.memref_slice %arg10[%arg0, %mul3A_0, %dma_start3A] : memref<2x5120x128xf32, #tpu.memory_space<hbm>> -> memref<1x320x128xf32, #tpu.memory_space<hbm>>
      %dma_start3A_14 = tpu.memref_squeeze %dma_start3A_13 : memref<1x320x128xf32, #tpu.memory_space<hbm>> -> memref<320x128xf32, #tpu.memory_space<hbm>>
      %dma_start3A_15 = arith.constant 0 : i32
      %dma_start3A_16 = tpu.memref_slice %arg19[%mul3A_0, %dma_start3A_15] : memref<5120x128xf32, #tpu.memory_space<vmem_shared>> -> memref<320x128xf32, #tpu.memory_space<vmem_shared>>
      tpu.enqueue_dma source(%dma_start3A_16 : memref<320x128xf32, #tpu.memory_space<vmem_shared>>) target(%dma_start3A_14 : memref<320x128xf32, #tpu.memory_space<hbm>>) target_semaphore(%run_scoped3A : memref<!tpu.dma_semaphore, #tpu.memory_space<semaphore_mem>>)
      %dma_wait3A = arith.constant 0 : i32
      %dma_wait3A_17 = tpu.memref_slice %arg10[%arg0, %mul3A_0, %dma_wait3A] : memref<2x5120x128xf32, #tpu.memory_space<hbm>> -> memref<1x320x128xf32, #tpu.memory_space<hbm>>
      %dma_wait3A_18 = tpu.memref_squeeze %dma_wait3A_17 : memref<1x320x128xf32, #tpu.memory_space<hbm>> -> memref<320x128xf32, #tpu.memory_space<hbm>>
      %dma_wait3A_19 = arith.constant 0 : i32
      %dma_wait3A_20 = tpu.memref_slice %arg19[%mul3A_0, %dma_wait3A_19] : memref<5120x128xf32, #tpu.memory_space<vmem_shared>> -> memref<320x128xf32, #tpu.memory_space<vmem_shared>>
      tpu.wait_dma2 semaphore(%run_scoped3A : memref<!tpu.dma_semaphore, #tpu.memory_space<semaphore_mem>>) src(%dma_wait3A_20 : memref<320x128xf32, #tpu.memory_space<vmem_shared>>) dst(%dma_wait3A_18 : memref<320x128xf32, #tpu.memory_space<hbm>>)
      tpu.yield
    }) : () -> ()
    %lt3A_8 = arith.constant 10 : i32
    %lt3A_9 = arith.cmpi slt, %arg1, %lt3A_8 : i32
    %convert_element_type3A_10 = arith.extui %lt3A_9 : i1 to i32
    %cond3A_11 = arith.constant 0 : i32
    %cond3A_12 = arith.cmpi ne, %convert_element_type3A_10, %cond3A_11 : i32
    scf.if %cond3A_12 {
      %mul3A_13 = arith.constant 32 : i32
      %mul3A_14 = arith.muli %arg1, %mul3A_13 : i32
      %mul3A_15 = arith.constant 32 : i32
      %mul3A_16 = arith.muli %arg1, %mul3A_15 : i32
      "tpu.region"() ({
        %run_scoped3A = tpu.sem_alloc : memref<!tpu.dma_semaphore, #tpu.memory_space<semaphore_mem>>
        %dma_start3A = arith.constant 0 : i32
        %dma_start3A_17 = tpu.memref_slice %arg11[%arg0, %mul3A_16, %dma_start3A] : memref<2x320x128xf32, #tpu.memory_space<hbm>> -> memref<1x32x128xf32, #tpu.memory_space<hbm>>
        %dma_start3A_18 = tpu.memref_squeeze %dma_start3A_17 : memref<1x32x128xf32, #tpu.memory_space<hbm>> -> memref<32x128xf32, #tpu.memory_space<hbm>>
        %dma_start3A_19 = arith.constant 0 : i32
        %dma_start3A_20 = tpu.memref_slice %arg20[%mul3A_14, %dma_start3A_19] : memref<320x128xf32, #tpu.memory_space<vmem_shared>> -> memref<32x128xf32, #tpu.memory_space<vmem_shared>>
        tpu.enqueue_dma source(%dma_start3A_20 : memref<32x128xf32, #tpu.memory_space<vmem_shared>>) target(%dma_start3A_18 : memref<32x128xf32, #tpu.memory_space<hbm>>) target_semaphore(%run_scoped3A : memref<!tpu.dma_semaphore, #tpu.memory_space<semaphore_mem>>)
        %dma_wait3A = arith.constant 0 : i32
        %dma_wait3A_21 = tpu.memref_slice %arg11[%arg0, %mul3A_16, %dma_wait3A] : memref<2x320x128xf32, #tpu.memory_space<hbm>> -> memref<1x32x128xf32, #tpu.memory_space<hbm>>
        %dma_wait3A_22 = tpu.memref_squeeze %dma_wait3A_21 : memref<1x32x128xf32, #tpu.memory_space<hbm>> -> memref<32x128xf32, #tpu.memory_space<hbm>>
        %dma_wait3A_23 = arith.constant 0 : i32
        %dma_wait3A_24 = tpu.memref_slice %arg20[%mul3A_14, %dma_wait3A_23] : memref<320x128xf32, #tpu.memory_space<vmem_shared>> -> memref<32x128xf32, #tpu.memory_space<vmem_shared>>
        tpu.wait_dma2 semaphore(%run_scoped3A : memref<!tpu.dma_semaphore, #tpu.memory_space<semaphore_mem>>) src(%dma_wait3A_24 : memref<32x128xf32, #tpu.memory_space<vmem_shared>>) dst(%dma_wait3A_22 : memref<32x128xf32, #tpu.memory_space<hbm>>)
        tpu.yield
      }) : () -> ()
    } else {
    }
    return
  }
}

#map = affine_map<(d0, d1) -> (0, 0)>
#map1 = affine_map<(d0, d1) -> (0)>
module attributes {stable_mosaic.version = 14 : i64} {
  func.func @gk(%arg0: i32, %arg1: i32, %arg2: memref<10240x256xf32, #tpu.memory_space<hbm>>, %arg3: memref<10240x256xf32, #tpu.memory_space<hbm>>, %arg4: memref<160000xi32, #tpu.memory_space<hbm>>, %arg5: memref<160000xi32, #tpu.memory_space<hbm>>, %arg6: memref<160000x256xf32, #tpu.memory_space<hbm>>, %arg7: memref<160000x256xf32, #tpu.memory_space<hbm>>, %arg8: memref<40xi32, #tpu.memory_space<vmem>>, %arg9: memref<40xi32, #tpu.memory_space<vmem>>, %arg10: memref<40x256xf32, #tpu.memory_space<vmem>>, %arg11: memref<40x256xf32, #tpu.memory_space<vmem>>, %arg12: memref<!tpu.dma_semaphore, #tpu.memory_space<semaphore_mem>>, %arg13: memref<!tpu.dma_semaphore, #tpu.memory_space<semaphore_mem>>) attributes {dimension_semantics = [#tpu.dimension_semantics<core_parallel>, #tpu.dimension_semantics<subcore_parallel>], iteration_bounds = array<i64: 2, 16>, scalar_prefetch = 0 : i64, scratch_operands = 6 : i64, tpu.core_type = #tpu.core_type<sc_vector_subcore>, window_params = [{transform_indices = #map}, {transform_indices = #map}, {transform_indices = #map1}, {transform_indices = #map1}, {transform_indices = #map}, {transform_indices = #map}]} {
    %mul3A = arith.constant 2 : i32
    %mul3A_0 = arith.muli %arg1, %mul3A : i32
    %add3A = arith.addi %mul3A_0, %arg0 : i32
    %mul3A_1 = arith.constant 5000 : i32
    %mul3A_2 = arith.muli %add3A, %mul3A_1 : i32
    %scan3A = arith.constant 0 : i32
    %scan3A_3 = arith.constant 125 : i32
    %scan3A_4 = arith.addi %scan3A, %scan3A_3 : i32
    %scan3A_5 = arith.constant 1 : i32
    scf.for %scan3A_7 = %scan3A to %scan3A_4 step %scan3A_5  : i32 {
      %mul3A_8 = arith.constant 40 : i32
      %mul3A_9 = arith.muli %scan3A_7, %mul3A_8 : i32
      %add3A_10 = arith.constant 0 : i32
      %add3A_11 = arith.addi %add3A_10, %mul3A_9 : i32
      %add3A_12 = arith.addi %mul3A_2, %add3A_11 : i32
      "tpu.region"() ({
        %run_scoped3A = tpu.sem_alloc : memref<!tpu.dma_semaphore, #tpu.memory_space<semaphore_mem>>
        %dma_start3A_23 = tpu.memref_slice %arg4[%add3A_12] : memref<160000xi32, #tpu.memory_space<hbm>> -> memref<40xi32, #tpu.memory_space<hbm>>
        %dma_start3A_24 = tpu.memref_slice %arg4[%add3A_12] : memref<160000xi32, #tpu.memory_space<hbm>> -> memref<40xi32, #tpu.memory_space<hbm>>
        tpu.enqueue_dma source(%dma_start3A_24 : memref<40xi32, #tpu.memory_space<hbm>>) target(%arg8 : memref<40xi32, #tpu.memory_space<vmem>>) target_semaphore(%run_scoped3A : memref<!tpu.dma_semaphore, #tpu.memory_space<semaphore_mem>>)
        %dma_wait3A_25 = tpu.memref_slice %arg4[%add3A_12] : memref<160000xi32, #tpu.memory_space<hbm>> -> memref<40xi32, #tpu.memory_space<hbm>>
        %dma_wait3A_26 = tpu.memref_slice %arg4[%add3A_12] : memref<160000xi32, #tpu.memory_space<hbm>> -> memref<40xi32, #tpu.memory_space<hbm>>
        tpu.wait_dma2 semaphore(%run_scoped3A : memref<!tpu.dma_semaphore, #tpu.memory_space<semaphore_mem>>) src(%dma_wait3A_26 : memref<40xi32, #tpu.memory_space<hbm>>) dst(%arg8 : memref<40xi32, #tpu.memory_space<vmem>>)
        tpu.yield
      }) : () -> ()
      "tpu.region"() ({
        %run_scoped3A = tpu.sem_alloc : memref<!tpu.dma_semaphore, #tpu.memory_space<semaphore_mem>>
        %dma_start3A_23 = tpu.memref_slice %arg5[%add3A_12] : memref<160000xi32, #tpu.memory_space<hbm>> -> memref<40xi32, #tpu.memory_space<hbm>>
        %dma_start3A_24 = tpu.memref_slice %arg5[%add3A_12] : memref<160000xi32, #tpu.memory_space<hbm>> -> memref<40xi32, #tpu.memory_space<hbm>>
        tpu.enqueue_dma source(%dma_start3A_24 : memref<40xi32, #tpu.memory_space<hbm>>) target(%arg9 : memref<40xi32, #tpu.memory_space<vmem>>) target_semaphore(%run_scoped3A : memref<!tpu.dma_semaphore, #tpu.memory_space<semaphore_mem>>)
        %dma_wait3A_25 = tpu.memref_slice %arg5[%add3A_12] : memref<160000xi32, #tpu.memory_space<hbm>> -> memref<40xi32, #tpu.memory_space<hbm>>
        %dma_wait3A_26 = tpu.memref_slice %arg5[%add3A_12] : memref<160000xi32, #tpu.memory_space<hbm>> -> memref<40xi32, #tpu.memory_space<hbm>>
        tpu.wait_dma2 semaphore(%run_scoped3A : memref<!tpu.dma_semaphore, #tpu.memory_space<semaphore_mem>>) src(%dma_wait3A_26 : memref<40xi32, #tpu.memory_space<hbm>>) dst(%arg9 : memref<40xi32, #tpu.memory_space<vmem>>)
        tpu.yield
      }) : () -> ()
      %dma_start3A = arith.constant 0 : i32
      %dma_start3A_13 = arith.constant 0 : i32
      %dma_start3A_14 = tpu.memref_slice %arg2[%dma_start3A, %dma_start3A_13] : memref<10240x256xf32, #tpu.memory_space<hbm>> -> memref<10240x256xf32, #tpu.memory_space<hbm>>
      tpu.enqueue_indirect_dma source(%dma_start3A_14 : memref<10240x256xf32, #tpu.memory_space<hbm>>) target(%arg10 : memref<40x256xf32, #tpu.memory_space<vmem>>) offsets(%arg8 : memref<40xi32, #tpu.memory_space<vmem>>) semaphore(%arg12 : memref<!tpu.dma_semaphore, #tpu.memory_space<semaphore_mem>>)
      %dma_start3A_15 = arith.constant 0 : i32
      %dma_start3A_16 = arith.constant 0 : i32
      %dma_start3A_17 = tpu.memref_slice %arg3[%dma_start3A_15, %dma_start3A_16] : memref<10240x256xf32, #tpu.memory_space<hbm>> -> memref<10240x256xf32, #tpu.memory_space<hbm>>
      tpu.enqueue_indirect_dma source(%dma_start3A_17 : memref<10240x256xf32, #tpu.memory_space<hbm>>) target(%arg11 : memref<40x256xf32, #tpu.memory_space<vmem>>) offsets(%arg9 : memref<40xi32, #tpu.memory_space<vmem>>) semaphore(%arg13 : memref<!tpu.dma_semaphore, #tpu.memory_space<semaphore_mem>>)
      %dma_wait3A = arith.constant 0 : i32
      %dma_wait3A_18 = arith.constant 0 : i32
      %dma_wait3A_19 = tpu.memref_slice %arg2[%dma_wait3A, %dma_wait3A_18] : memref<10240x256xf32, #tpu.memory_space<hbm>> -> memref<10240x256xf32, #tpu.memory_space<hbm>>
      tpu.wait_indirect_dma semaphore(%arg12 : memref<!tpu.dma_semaphore, #tpu.memory_space<semaphore_mem>>) src(%dma_wait3A_19 : memref<10240x256xf32, #tpu.memory_space<hbm>>) dst(%arg10 : memref<40x256xf32, #tpu.memory_space<vmem>>)
      %dma_wait3A_20 = arith.constant 0 : i32
      %dma_wait3A_21 = arith.constant 0 : i32
      %dma_wait3A_22 = tpu.memref_slice %arg3[%dma_wait3A_20, %dma_wait3A_21] : memref<10240x256xf32, #tpu.memory_space<hbm>> -> memref<10240x256xf32, #tpu.memory_space<hbm>>
      tpu.wait_indirect_dma semaphore(%arg13 : memref<!tpu.dma_semaphore, #tpu.memory_space<semaphore_mem>>) src(%dma_wait3A_22 : memref<10240x256xf32, #tpu.memory_space<hbm>>) dst(%arg11 : memref<40x256xf32, #tpu.memory_space<vmem>>)
      "tpu.region"() ({
        %run_scoped3A = tpu.sem_alloc : memref<!tpu.dma_semaphore, #tpu.memory_space<semaphore_mem>>
        %dma_start3A_23 = arith.constant 0 : i32
        %dma_start3A_24 = tpu.memref_slice %arg6[%add3A_12, %dma_start3A_23] : memref<160000x256xf32, #tpu.memory_space<hbm>> -> memref<40x256xf32, #tpu.memory_space<hbm>>
        %dma_start3A_25 = arith.constant 0 : i32
        %dma_start3A_26 = tpu.memref_slice %arg6[%add3A_12, %dma_start3A_25] : memref<160000x256xf32, #tpu.memory_space<hbm>> -> memref<40x256xf32, #tpu.memory_space<hbm>>
        tpu.enqueue_dma source(%arg10 : memref<40x256xf32, #tpu.memory_space<vmem>>) target(%dma_start3A_26 : memref<40x256xf32, #tpu.memory_space<hbm>>) target_semaphore(%run_scoped3A : memref<!tpu.dma_semaphore, #tpu.memory_space<semaphore_mem>>)
        %dma_wait3A_27 = arith.constant 0 : i32
        %dma_wait3A_28 = tpu.memref_slice %arg6[%add3A_12, %dma_wait3A_27] : memref<160000x256xf32, #tpu.memory_space<hbm>> -> memref<40x256xf32, #tpu.memory_space<hbm>>
        %dma_wait3A_29 = arith.constant 0 : i32
        %dma_wait3A_30 = tpu.memref_slice %arg6[%add3A_12, %dma_wait3A_29] : memref<160000x256xf32, #tpu.memory_space<hbm>> -> memref<40x256xf32, #tpu.memory_space<hbm>>
        tpu.wait_dma2 semaphore(%run_scoped3A : memref<!tpu.dma_semaphore, #tpu.memory_space<semaphore_mem>>) src(%arg10 : memref<40x256xf32, #tpu.memory_space<vmem>>) dst(%dma_wait3A_30 : memref<40x256xf32, #tpu.memory_space<hbm>>)
        tpu.yield
      }) : () -> ()
      "tpu.region"() ({
        %run_scoped3A = tpu.sem_alloc : memref<!tpu.dma_semaphore, #tpu.memory_space<semaphore_mem>>
        %dma_start3A_23 = arith.constant 0 : i32
        %dma_start3A_24 = tpu.memref_slice %arg7[%add3A_12, %dma_start3A_23] : memref<160000x256xf32, #tpu.memory_space<hbm>> -> memref<40x256xf32, #tpu.memory_space<hbm>>
        %dma_start3A_25 = arith.constant 0 : i32
        %dma_start3A_26 = tpu.memref_slice %arg7[%add3A_12, %dma_start3A_25] : memref<160000x256xf32, #tpu.memory_space<hbm>> -> memref<40x256xf32, #tpu.memory_space<hbm>>
        tpu.enqueue_dma source(%arg11 : memref<40x256xf32, #tpu.memory_space<vmem>>) target(%dma_start3A_26 : memref<40x256xf32, #tpu.memory_space<hbm>>) target_semaphore(%run_scoped3A : memref<!tpu.dma_semaphore, #tpu.memory_space<semaphore_mem>>)
        %dma_wait3A_27 = arith.constant 0 : i32
        %dma_wait3A_28 = tpu.memref_slice %arg7[%add3A_12, %dma_wait3A_27] : memref<160000x256xf32, #tpu.memory_space<hbm>> -> memref<40x256xf32, #tpu.memory_space<hbm>>
        %dma_wait3A_29 = arith.constant 0 : i32
        %dma_wait3A_30 = tpu.memref_slice %arg7[%add3A_12, %dma_wait3A_29] : memref<160000x256xf32, #tpu.memory_space<hbm>> -> memref<40x256xf32, #tpu.memory_space<hbm>>
        tpu.wait_dma2 semaphore(%run_scoped3A : memref<!tpu.dma_semaphore, #tpu.memory_space<semaphore_mem>>) src(%arg11 : memref<40x256xf32, #tpu.memory_space<vmem>>) dst(%dma_wait3A_30 : memref<40x256xf32, #tpu.memory_space<hbm>>)
        tpu.yield
      }) : () -> ()
    }
    %scan3A_6 = arith.constant 125 : i32
    return
  }
}

#map = affine_map<(d0, d1) -> (0, 0)>
#map1 = affine_map<(d0, d1) -> (0)>
module attributes {stable_mosaic.version = 14 : i64} {
  func.func @gk(%arg0: i32, %arg1: i32, %arg2: memref<10240x256xf32, #tpu.memory_space<hbm>>, %arg3: memref<10240x256xf32, #tpu.memory_space<hbm>>, %arg4: memref<160000xi32, #tpu.memory_space<hbm>>, %arg5: memref<160000xi32, #tpu.memory_space<hbm>>, %arg6: memref<160000x256xf32, #tpu.memory_space<hbm>>, %arg7: memref<160000x256xf32, #tpu.memory_space<hbm>>, %arg8: memref<40xi32, #tpu.memory_space<vmem>>, %arg9: memref<40xi32, #tpu.memory_space<vmem>>, %arg10: memref<40x256xf32, #tpu.memory_space<vmem>>, %arg11: memref<40x256xf32, #tpu.memory_space<vmem>>, %arg12: memref<!tpu.dma_semaphore, #tpu.memory_space<semaphore_mem>>, %arg13: memref<!tpu.dma_semaphore, #tpu.memory_space<semaphore_mem>>) attributes {dimension_semantics = [#tpu.dimension_semantics<core_parallel>, #tpu.dimension_semantics<subcore_parallel>], iteration_bounds = array<i64: 2, 16>, scalar_prefetch = 0 : i64, scratch_operands = 6 : i64, tpu.core_type = #tpu.core_type<sc_vector_subcore>, window_params = [{transform_indices = #map}, {transform_indices = #map}, {transform_indices = #map1}, {transform_indices = #map1}, {transform_indices = #map}, {transform_indices = #map}]} {
    %mul3A = arith.constant 2 : i32
    %mul3A_0 = arith.muli %arg1, %mul3A : i32
    %add3A = arith.addi %mul3A_0, %arg0 : i32
    %mul3A_1 = arith.constant 5000 : i32
    %mul3A_2 = arith.muli %add3A, %mul3A_1 : i32
    %scan3A = arith.constant 0 : i32
    %scan3A_3 = arith.constant 125 : i32
    %scan3A_4 = arith.addi %scan3A, %scan3A_3 : i32
    %scan3A_5 = arith.constant 1 : i32
    scf.for %scan3A_7 = %scan3A to %scan3A_4 step %scan3A_5  : i32 {
      %mul3A_8 = arith.constant 40 : i32
      %mul3A_9 = arith.muli %scan3A_7, %mul3A_8 : i32
      %add3A_10 = arith.constant 0 : i32
      %add3A_11 = arith.addi %add3A_10, %mul3A_9 : i32
      %add3A_12 = arith.addi %mul3A_2, %add3A_11 : i32
      "tpu.region"() ({
        %run_scoped3A = tpu.sem_alloc : memref<!tpu.dma_semaphore, #tpu.memory_space<semaphore_mem>>
        %dma_start3A_23 = tpu.memref_slice %arg4[%add3A_12] : memref<160000xi32, #tpu.memory_space<hbm>> -> memref<40xi32, #tpu.memory_space<hbm>>
        %dma_start3A_24 = tpu.memref_slice %arg4[%add3A_12] : memref<160000xi32, #tpu.memory_space<hbm>> -> memref<40xi32, #tpu.memory_space<hbm>>
        tpu.enqueue_dma source(%dma_start3A_24 : memref<40xi32, #tpu.memory_space<hbm>>) target(%arg8 : memref<40xi32, #tpu.memory_space<vmem>>) target_semaphore(%run_scoped3A : memref<!tpu.dma_semaphore, #tpu.memory_space<semaphore_mem>>)
        %dma_wait3A_25 = tpu.memref_slice %arg4[%add3A_12] : memref<160000xi32, #tpu.memory_space<hbm>> -> memref<40xi32, #tpu.memory_space<hbm>>
        %dma_wait3A_26 = tpu.memref_slice %arg4[%add3A_12] : memref<160000xi32, #tpu.memory_space<hbm>> -> memref<40xi32, #tpu.memory_space<hbm>>
        tpu.wait_dma2 semaphore(%run_scoped3A : memref<!tpu.dma_semaphore, #tpu.memory_space<semaphore_mem>>) src(%dma_wait3A_26 : memref<40xi32, #tpu.memory_space<hbm>>) dst(%arg8 : memref<40xi32, #tpu.memory_space<vmem>>)
        tpu.yield
      }) : () -> ()
      "tpu.region"() ({
        %run_scoped3A = tpu.sem_alloc : memref<!tpu.dma_semaphore, #tpu.memory_space<semaphore_mem>>
        %dma_start3A_23 = tpu.memref_slice %arg5[%add3A_12] : memref<160000xi32, #tpu.memory_space<hbm>> -> memref<40xi32, #tpu.memory_space<hbm>>
        %dma_start3A_24 = tpu.memref_slice %arg5[%add3A_12] : memref<160000xi32, #tpu.memory_space<hbm>> -> memref<40xi32, #tpu.memory_space<hbm>>
        tpu.enqueue_dma source(%dma_start3A_24 : memref<40xi32, #tpu.memory_space<hbm>>) target(%arg9 : memref<40xi32, #tpu.memory_space<vmem>>) target_semaphore(%run_scoped3A : memref<!tpu.dma_semaphore, #tpu.memory_space<semaphore_mem>>)
        %dma_wait3A_25 = tpu.memref_slice %arg5[%add3A_12] : memref<160000xi32, #tpu.memory_space<hbm>> -> memref<40xi32, #tpu.memory_space<hbm>>
        %dma_wait3A_26 = tpu.memref_slice %arg5[%add3A_12] : memref<160000xi32, #tpu.memory_space<hbm>> -> memref<40xi32, #tpu.memory_space<hbm>>
        tpu.wait_dma2 semaphore(%run_scoped3A : memref<!tpu.dma_semaphore, #tpu.memory_space<semaphore_mem>>) src(%dma_wait3A_26 : memref<40xi32, #tpu.memory_space<hbm>>) dst(%arg9 : memref<40xi32, #tpu.memory_space<vmem>>)
        tpu.yield
      }) : () -> ()
      %dma_start3A = arith.constant 0 : i32
      %dma_start3A_13 = arith.constant 0 : i32
      %dma_start3A_14 = tpu.memref_slice %arg2[%dma_start3A, %dma_start3A_13] : memref<10240x256xf32, #tpu.memory_space<hbm>> -> memref<10240x256xf32, #tpu.memory_space<hbm>>
      tpu.enqueue_indirect_dma source(%dma_start3A_14 : memref<10240x256xf32, #tpu.memory_space<hbm>>) target(%arg10 : memref<40x256xf32, #tpu.memory_space<vmem>>) offsets(%arg8 : memref<40xi32, #tpu.memory_space<vmem>>) semaphore(%arg12 : memref<!tpu.dma_semaphore, #tpu.memory_space<semaphore_mem>>)
      %dma_start3A_15 = arith.constant 0 : i32
      %dma_start3A_16 = arith.constant 0 : i32
      %dma_start3A_17 = tpu.memref_slice %arg3[%dma_start3A_15, %dma_start3A_16] : memref<10240x256xf32, #tpu.memory_space<hbm>> -> memref<10240x256xf32, #tpu.memory_space<hbm>>
      tpu.enqueue_indirect_dma source(%dma_start3A_17 : memref<10240x256xf32, #tpu.memory_space<hbm>>) target(%arg11 : memref<40x256xf32, #tpu.memory_space<vmem>>) offsets(%arg9 : memref<40xi32, #tpu.memory_space<vmem>>) semaphore(%arg13 : memref<!tpu.dma_semaphore, #tpu.memory_space<semaphore_mem>>)
      %dma_wait3A = arith.constant 0 : i32
      %dma_wait3A_18 = arith.constant 0 : i32
      %dma_wait3A_19 = tpu.memref_slice %arg2[%dma_wait3A, %dma_wait3A_18] : memref<10240x256xf32, #tpu.memory_space<hbm>> -> memref<10240x256xf32, #tpu.memory_space<hbm>>
      tpu.wait_indirect_dma semaphore(%arg12 : memref<!tpu.dma_semaphore, #tpu.memory_space<semaphore_mem>>) src(%dma_wait3A_19 : memref<10240x256xf32, #tpu.memory_space<hbm>>) dst(%arg10 : memref<40x256xf32, #tpu.memory_space<vmem>>)
      %dma_wait3A_20 = arith.constant 0 : i32
      %dma_wait3A_21 = arith.constant 0 : i32
      %dma_wait3A_22 = tpu.memref_slice %arg3[%dma_wait3A_20, %dma_wait3A_21] : memref<10240x256xf32, #tpu.memory_space<hbm>> -> memref<10240x256xf32, #tpu.memory_space<hbm>>
      tpu.wait_indirect_dma semaphore(%arg13 : memref<!tpu.dma_semaphore, #tpu.memory_space<semaphore_mem>>) src(%dma_wait3A_22 : memref<10240x256xf32, #tpu.memory_space<hbm>>) dst(%arg11 : memref<40x256xf32, #tpu.memory_space<vmem>>)
      "tpu.region"() ({
        %run_scoped3A = tpu.sem_alloc : memref<!tpu.dma_semaphore, #tpu.memory_space<semaphore_mem>>
        %dma_start3A_23 = arith.constant 0 : i32
        %dma_start3A_24 = tpu.memref_slice %arg6[%add3A_12, %dma_start3A_23] : memref<160000x256xf32, #tpu.memory_space<hbm>> -> memref<40x256xf32, #tpu.memory_space<hbm>>
        %dma_start3A_25 = arith.constant 0 : i32
        %dma_start3A_26 = tpu.memref_slice %arg6[%add3A_12, %dma_start3A_25] : memref<160000x256xf32, #tpu.memory_space<hbm>> -> memref<40x256xf32, #tpu.memory_space<hbm>>
        tpu.enqueue_dma source(%arg10 : memref<40x256xf32, #tpu.memory_space<vmem>>) target(%dma_start3A_26 : memref<40x256xf32, #tpu.memory_space<hbm>>) target_semaphore(%run_scoped3A : memref<!tpu.dma_semaphore, #tpu.memory_space<semaphore_mem>>)
        %dma_wait3A_27 = arith.constant 0 : i32
        %dma_wait3A_28 = tpu.memref_slice %arg6[%add3A_12, %dma_wait3A_27] : memref<160000x256xf32, #tpu.memory_space<hbm>> -> memref<40x256xf32, #tpu.memory_space<hbm>>
        %dma_wait3A_29 = arith.constant 0 : i32
        %dma_wait3A_30 = tpu.memref_slice %arg6[%add3A_12, %dma_wait3A_29] : memref<160000x256xf32, #tpu.memory_space<hbm>> -> memref<40x256xf32, #tpu.memory_space<hbm>>
        tpu.wait_dma2 semaphore(%run_scoped3A : memref<!tpu.dma_semaphore, #tpu.memory_space<semaphore_mem>>) src(%arg10 : memref<40x256xf32, #tpu.memory_space<vmem>>) dst(%dma_wait3A_30 : memref<40x256xf32, #tpu.memory_space<hbm>>)
        tpu.yield
      }) : () -> ()
      "tpu.region"() ({
        %run_scoped3A = tpu.sem_alloc : memref<!tpu.dma_semaphore, #tpu.memory_space<semaphore_mem>>
        %dma_start3A_23 = arith.constant 0 : i32
        %dma_start3A_24 = tpu.memref_slice %arg7[%add3A_12, %dma_start3A_23] : memref<160000x256xf32, #tpu.memory_space<hbm>> -> memref<40x256xf32, #tpu.memory_space<hbm>>
        %dma_start3A_25 = arith.constant 0 : i32
        %dma_start3A_26 = tpu.memref_slice %arg7[%add3A_12, %dma_start3A_25] : memref<160000x256xf32, #tpu.memory_space<hbm>> -> memref<40x256xf32, #tpu.memory_space<hbm>>
        tpu.enqueue_dma source(%arg11 : memref<40x256xf32, #tpu.memory_space<vmem>>) target(%dma_start3A_26 : memref<40x256xf32, #tpu.memory_space<hbm>>) target_semaphore(%run_scoped3A : memref<!tpu.dma_semaphore, #tpu.memory_space<semaphore_mem>>)
        %dma_wait3A_27 = arith.constant 0 : i32
        %dma_wait3A_28 = tpu.memref_slice %arg7[%add3A_12, %dma_wait3A_27] : memref<160000x256xf32, #tpu.memory_space<hbm>> -> memref<40x256xf32, #tpu.memory_space<hbm>>
        %dma_wait3A_29 = arith.constant 0 : i32
        %dma_wait3A_30 = tpu.memref_slice %arg7[%add3A_12, %dma_wait3A_29] : memref<160000x256xf32, #tpu.memory_space<hbm>> -> memref<40x256xf32, #tpu.memory_space<hbm>>
        tpu.wait_dma2 semaphore(%run_scoped3A : memref<!tpu.dma_semaphore, #tpu.memory_space<semaphore_mem>>) src(%arg11 : memref<40x256xf32, #tpu.memory_space<vmem>>) dst(%dma_wait3A_30 : memref<40x256xf32, #tpu.memory_space<hbm>>)
        tpu.yield
      }) : () -> ()
    }
    %scan3A_6 = arith.constant 125 : i32
    return
  }
}

#map = affine_map<(d0, d1) -> (0, 0)>
#map1 = affine_map<(d0, d1) -> (0)>
#map2 = affine_map<(d0, d1) -> (0, 0, 0)>
module attributes {stable_mosaic.version = 14 : i64} {
  func.func @sk(%arg0: i32, %arg1: i32, %arg2: memref<160000x128xf32, #tpu.memory_space<hbm>>, %arg3: memref<160000x128xf32, #tpu.memory_space<hbm>>, %arg4: memref<160000x128xf32, #tpu.memory_space<hbm>>, %arg5: memref<320000xi32, #tpu.memory_space<hbm>>, %arg6: memref<320000xi32, #tpu.memory_space<hbm>>, %arg7: memref<160000xi32, #tpu.memory_space<hbm>>, %arg8: memref<320x128xf32, #tpu.memory_space<hbm>>, %arg9: memref<2x5120x128xf32, #tpu.memory_space<hbm>>, %arg10: memref<2x5120x128xf32, #tpu.memory_space<hbm>>, %arg11: memref<2x320x128xf32, #tpu.memory_space<hbm>>, %arg12: memref<80xi32, #tpu.memory_space<vmem>>, %arg13: memref<80xi32, #tpu.memory_space<vmem>>, %arg14: memref<80xi32, #tpu.memory_space<vmem>>, %arg15: memref<80x128xf32, #tpu.memory_space<vmem>>, %arg16: memref<80x128xf32, #tpu.memory_space<vmem>>, %arg17: memref<80x128xf32, #tpu.memory_space<vmem>>, %arg18: memref<5120x128xf32, #tpu.memory_space<vmem_shared>>, %arg19: memref<5120x128xf32, #tpu.memory_space<vmem_shared>>, %arg20: memref<320x128xf32, #tpu.memory_space<vmem_shared>>, %arg21: memref<!tpu.dma_semaphore, #tpu.memory_space<semaphore_mem>>, %arg22: memref<!tpu.dma_semaphore, #tpu.memory_space<semaphore_mem>>, %arg23: memref<!tpu.dma_semaphore, #tpu.memory_space<semaphore_mem>>) attributes {dimension_semantics = [#tpu.dimension_semantics<core_parallel>, #tpu.dimension_semantics<subcore_parallel>], iteration_bounds = array<i64: 2, 16>, scalar_prefetch = 0 : i64, scratch_operands = 12 : i64, tpu.core_type = #tpu.core_type<sc_vector_subcore>, window_params = [{transform_indices = #map}, {transform_indices = #map}, {transform_indices = #map}, {transform_indices = #map1}, {transform_indices = #map1}, {transform_indices = #map1}, {transform_indices = #map}, {transform_indices = #map2}, {transform_indices = #map2}, {transform_indices = #map2}]} {
    %mul3A = arith.constant 320 : i32
    %mul3A_0 = arith.muli %arg1, %mul3A : i32
    "tpu.region"() ({
      %run_scoped3A = tpu.sem_alloc : memref<!tpu.dma_semaphore, #tpu.memory_space<semaphore_mem>>
      %dma_start3A = arith.constant 0 : i32
      %dma_start3A_13 = tpu.memref_slice %arg18[%mul3A_0, %dma_start3A] : memref<5120x128xf32, #tpu.memory_space<vmem_shared>> -> memref<320x128xf32, #tpu.memory_space<vmem_shared>>
      tpu.enqueue_dma source(%arg8 : memref<320x128xf32, #tpu.memory_space<hbm>>) target(%dma_start3A_13 : memref<320x128xf32, #tpu.memory_space<vmem_shared>>) target_semaphore(%run_scoped3A : memref<!tpu.dma_semaphore, #tpu.memory_space<semaphore_mem>>)
      %dma_wait3A = arith.constant 0 : i32
      %dma_wait3A_14 = tpu.memref_slice %arg18[%mul3A_0, %dma_wait3A] : memref<5120x128xf32, #tpu.memory_space<vmem_shared>> -> memref<320x128xf32, #tpu.memory_space<vmem_shared>>
      tpu.wait_dma2 semaphore(%run_scoped3A : memref<!tpu.dma_semaphore, #tpu.memory_space<semaphore_mem>>) src(%arg8 : memref<320x128xf32, #tpu.memory_space<hbm>>) dst(%dma_wait3A_14 : memref<320x128xf32, #tpu.memory_space<vmem_shared>>)
      tpu.yield
    }) : () -> ()
    "tpu.region"() ({
      %run_scoped3A = tpu.sem_alloc : memref<!tpu.dma_semaphore, #tpu.memory_space<semaphore_mem>>
      %dma_start3A = arith.constant 0 : i32
      %dma_start3A_13 = tpu.memref_slice %arg19[%mul3A_0, %dma_start3A] : memref<5120x128xf32, #tpu.memory_space<vmem_shared>> -> memref<320x128xf32, #tpu.memory_space<vmem_shared>>
      tpu.enqueue_dma source(%arg8 : memref<320x128xf32, #tpu.memory_space<hbm>>) target(%dma_start3A_13 : memref<320x128xf32, #tpu.memory_space<vmem_shared>>) target_semaphore(%run_scoped3A : memref<!tpu.dma_semaphore, #tpu.memory_space<semaphore_mem>>)
      %dma_wait3A = arith.constant 0 : i32
      %dma_wait3A_14 = tpu.memref_slice %arg19[%mul3A_0, %dma_wait3A] : memref<5120x128xf32, #tpu.memory_space<vmem_shared>> -> memref<320x128xf32, #tpu.memory_space<vmem_shared>>
      tpu.wait_dma2 semaphore(%run_scoped3A : memref<!tpu.dma_semaphore, #tpu.memory_space<semaphore_mem>>) src(%arg8 : memref<320x128xf32, #tpu.memory_space<hbm>>) dst(%dma_wait3A_14 : memref<320x128xf32, #tpu.memory_space<vmem_shared>>)
      tpu.yield
    }) : () -> ()
    %lt3A = arith.constant 10 : i32
    %lt3A_1 = arith.cmpi slt, %arg1, %lt3A : i32
    %convert_element_type3A = arith.extui %lt3A_1 : i1 to i32
    %cond3A = arith.constant 0 : i32
    %cond3A_2 = arith.cmpi ne, %convert_element_type3A, %cond3A : i32
    scf.if %cond3A_2 {
      %mul3A_13 = arith.constant 32 : i32
      %mul3A_14 = arith.muli %arg1, %mul3A_13 : i32
      "tpu.region"() ({
        %run_scoped3A = tpu.sem_alloc : memref<!tpu.dma_semaphore, #tpu.memory_space<semaphore_mem>>
        %dma_start3A = arith.constant 0 : i32
        %dma_start3A_15 = tpu.memref_slice %arg20[%mul3A_14, %dma_start3A] : memref<320x128xf32, #tpu.memory_space<vmem_shared>> -> memref<32x128xf32, #tpu.memory_space<vmem_shared>>
        %dma_start3A_16 = arith.constant 0 : i32
        %dma_start3A_17 = arith.constant 0 : i32
        %dma_start3A_18 = tpu.memref_slice %arg8[%dma_start3A_16, %dma_start3A_17] : memref<320x128xf32, #tpu.memory_space<hbm>> -> memref<32x128xf32, #tpu.memory_space<hbm>>
        tpu.enqueue_dma source(%dma_start3A_18 : memref<32x128xf32, #tpu.memory_space<hbm>>) target(%dma_start3A_15 : memref<32x128xf32, #tpu.memory_space<vmem_shared>>) target_semaphore(%run_scoped3A : memref<!tpu.dma_semaphore, #tpu.memory_space<semaphore_mem>>)
        %dma_wait3A = arith.constant 0 : i32
        %dma_wait3A_19 = tpu.memref_slice %arg20[%mul3A_14, %dma_wait3A] : memref<320x128xf32, #tpu.memory_space<vmem_shared>> -> memref<32x128xf32, #tpu.memory_space<vmem_shared>>
        %dma_wait3A_20 = arith.constant 0 : i32
        %dma_wait3A_21 = arith.constant 0 : i32
        %dma_wait3A_22 = tpu.memref_slice %arg8[%dma_wait3A_20, %dma_wait3A_21] : memref<320x128xf32, #tpu.memory_space<hbm>> -> memref<32x128xf32, #tpu.memory_space<hbm>>
        tpu.wait_dma2 semaphore(%run_scoped3A : memref<!tpu.dma_semaphore, #tpu.memory_space<semaphore_mem>>) src(%dma_wait3A_22 : memref<32x128xf32, #tpu.memory_space<hbm>>) dst(%dma_wait3A_19 : memref<32x128xf32, #tpu.memory_space<vmem_shared>>)
        tpu.yield
      }) : () -> ()
    } else {
    }
    %barrier3A = arith.constant 0 : index
    tpu.barrier barrier_id(%barrier3A)
    %scan3A = arith.constant 0 : i32
    %scan3A_3 = arith.constant 125 : i32
    %scan3A_4 = arith.addi %scan3A, %scan3A_3 : i32
    %scan3A_5 = arith.constant 1 : i32
    scf.for %scan3A_13 = %scan3A to %scan3A_4 step %scan3A_5  : i32 {
      %mul3A_14 = arith.constant 80 : i32
      %mul3A_15 = arith.muli %scan3A_13, %mul3A_14 : i32
      %add3A = arith.constant 0 : i32
      %add3A_16 = arith.addi %add3A, %mul3A_15 : i32
      %mul3A_17 = arith.constant 10000 : i32
      %mul3A_18 = arith.muli %arg1, %mul3A_17 : i32
      %add3A_19 = arith.addi %mul3A_18, %add3A_16 : i32
      %mul3A_20 = arith.constant 160000 : i32
      %mul3A_21 = arith.muli %arg0, %mul3A_20 : i32
      %add3A_22 = arith.addi %mul3A_21, %add3A_19 : i32
      "tpu.region"() ({
        %run_scoped3A = tpu.sem_alloc : memref<!tpu.dma_semaphore, #tpu.memory_space<semaphore_mem>>
        %dma_start3A_42 = tpu.memref_slice %arg5[%add3A_22] : memref<320000xi32, #tpu.memory_space<hbm>> -> memref<80xi32, #tpu.memory_space<hbm>>
        %dma_start3A_43 = tpu.memref_slice %arg5[%add3A_22] : memref<320000xi32, #tpu.memory_space<hbm>> -> memref<80xi32, #tpu.memory_space<hbm>>
        tpu.enqueue_dma source(%dma_start3A_43 : memref<80xi32, #tpu.memory_space<hbm>>) target(%arg12 : memref<80xi32, #tpu.memory_space<vmem>>) target_semaphore(%run_scoped3A : memref<!tpu.dma_semaphore, #tpu.memory_space<semaphore_mem>>)
        %dma_wait3A_44 = tpu.memref_slice %arg5[%add3A_22] : memref<320000xi32, #tpu.memory_space<hbm>> -> memref<80xi32, #tpu.memory_space<hbm>>
        %dma_wait3A_45 = tpu.memref_slice %arg5[%add3A_22] : memref<320000xi32, #tpu.memory_space<hbm>> -> memref<80xi32, #tpu.memory_space<hbm>>
        tpu.wait_dma2 semaphore(%run_scoped3A : memref<!tpu.dma_semaphore, #tpu.memory_space<semaphore_mem>>) src(%dma_wait3A_45 : memref<80xi32, #tpu.memory_space<hbm>>) dst(%arg12 : memref<80xi32, #tpu.memory_space<vmem>>)
        tpu.yield
      }) : () -> ()
      %mul3A_23 = arith.constant 160000 : i32
      %mul3A_24 = arith.muli %arg0, %mul3A_23 : i32
      %add3A_25 = arith.addi %mul3A_24, %add3A_19 : i32
      "tpu.region"() ({
        %run_scoped3A = tpu.sem_alloc : memref<!tpu.dma_semaphore, #tpu.memory_space<semaphore_mem>>
        %dma_start3A_42 = tpu.memref_slice %arg6[%add3A_25] : memref<320000xi32, #tpu.memory_space<hbm>> -> memref<80xi32, #tpu.memory_space<hbm>>
        %dma_start3A_43 = tpu.memref_slice %arg6[%add3A_25] : memref<320000xi32, #tpu.memory_space<hbm>> -> memref<80xi32, #tpu.memory_space<hbm>>
        tpu.enqueue_dma source(%dma_start3A_43 : memref<80xi32, #tpu.memory_space<hbm>>) target(%arg13 : memref<80xi32, #tpu.memory_space<vmem>>) target_semaphore(%run_scoped3A : memref<!tpu.dma_semaphore, #tpu.memory_space<semaphore_mem>>)
        %dma_wait3A_44 = tpu.memref_slice %arg6[%add3A_25] : memref<320000xi32, #tpu.memory_space<hbm>> -> memref<80xi32, #tpu.memory_space<hbm>>
        %dma_wait3A_45 = tpu.memref_slice %arg6[%add3A_25] : memref<320000xi32, #tpu.memory_space<hbm>> -> memref<80xi32, #tpu.memory_space<hbm>>
        tpu.wait_dma2 semaphore(%run_scoped3A : memref<!tpu.dma_semaphore, #tpu.memory_space<semaphore_mem>>) src(%dma_wait3A_45 : memref<80xi32, #tpu.memory_space<hbm>>) dst(%arg13 : memref<80xi32, #tpu.memory_space<vmem>>)
        tpu.yield
      }) : () -> ()
      "tpu.region"() ({
        %run_scoped3A = tpu.sem_alloc : memref<!tpu.dma_semaphore, #tpu.memory_space<semaphore_mem>>
        %dma_start3A_42 = tpu.memref_slice %arg7[%add3A_19] : memref<160000xi32, #tpu.memory_space<hbm>> -> memref<80xi32, #tpu.memory_space<hbm>>
        %dma_start3A_43 = tpu.memref_slice %arg7[%add3A_19] : memref<160000xi32, #tpu.memory_space<hbm>> -> memref<80xi32, #tpu.memory_space<hbm>>
        tpu.enqueue_dma source(%dma_start3A_43 : memref<80xi32, #tpu.memory_space<hbm>>) target(%arg14 : memref<80xi32, #tpu.memory_space<vmem>>) target_semaphore(%run_scoped3A : memref<!tpu.dma_semaphore, #tpu.memory_space<semaphore_mem>>)
        %dma_wait3A_44 = tpu.memref_slice %arg7[%add3A_19] : memref<160000xi32, #tpu.memory_space<hbm>> -> memref<80xi32, #tpu.memory_space<hbm>>
        %dma_wait3A_45 = tpu.memref_slice %arg7[%add3A_19] : memref<160000xi32, #tpu.memory_space<hbm>> -> memref<80xi32, #tpu.memory_space<hbm>>
        tpu.wait_dma2 semaphore(%run_scoped3A : memref<!tpu.dma_semaphore, #tpu.memory_space<semaphore_mem>>) src(%dma_wait3A_45 : memref<80xi32, #tpu.memory_space<hbm>>) dst(%arg14 : memref<80xi32, #tpu.memory_space<vmem>>)
        tpu.yield
      }) : () -> ()
      %dma_start3A = arith.constant 0 : i32
      %dma_start3A_26 = arith.constant 0 : i32
      %dma_start3A_27 = tpu.memref_slice %arg2[%dma_start3A, %dma_start3A_26] : memref<160000x128xf32, #tpu.memory_space<hbm>> -> memref<160000x128xf32, #tpu.memory_space<hbm>>
      tpu.enqueue_indirect_dma source(%dma_start3A_27 : memref<160000x128xf32, #tpu.memory_space<hbm>>) target(%arg15 : memref<80x128xf32, #tpu.memory_space<vmem>>) offsets(%arg14 : memref<80xi32, #tpu.memory_space<vmem>>) semaphore(%arg21 : memref<!tpu.dma_semaphore, #tpu.memory_space<semaphore_mem>>)
      %dma_start3A_28 = arith.constant 0 : i32
      %dma_start3A_29 = arith.constant 0 : i32
      %dma_start3A_30 = tpu.memref_slice %arg3[%dma_start3A_28, %dma_start3A_29] : memref<160000x128xf32, #tpu.memory_space<hbm>> -> memref<160000x128xf32, #tpu.memory_space<hbm>>
      tpu.enqueue_indirect_dma source(%dma_start3A_30 : memref<160000x128xf32, #tpu.memory_space<hbm>>) target(%arg16 : memref<80x128xf32, #tpu.memory_space<vmem>>) offsets(%arg14 : memref<80xi32, #tpu.memory_space<vmem>>) semaphore(%arg22 : memref<!tpu.dma_semaphore, #tpu.memory_space<semaphore_mem>>)
      %dma_start3A_31 = arith.constant 0 : i32
      %dma_start3A_32 = arith.constant 0 : i32
      %dma_start3A_33 = tpu.memref_slice %arg4[%dma_start3A_31, %dma_start3A_32] : memref<160000x128xf32, #tpu.memory_space<hbm>> -> memref<160000x128xf32, #tpu.memory_space<hbm>>
      tpu.enqueue_indirect_dma source(%dma_start3A_33 : memref<160000x128xf32, #tpu.memory_space<hbm>>) target(%arg17 : memref<80x128xf32, #tpu.memory_space<vmem>>) offsets(%arg14 : memref<80xi32, #tpu.memory_space<vmem>>) semaphore(%arg23 : memref<!tpu.dma_semaphore, #tpu.memory_space<semaphore_mem>>)
      %dma_wait3A = arith.constant 0 : i32
      %dma_wait3A_34 = arith.constant 0 : i32
      %dma_wait3A_35 = tpu.memref_slice %arg2[%dma_wait3A, %dma_wait3A_34] : memref<160000x128xf32, #tpu.memory_space<hbm>> -> memref<160000x128xf32, #tpu.memory_space<hbm>>
      tpu.wait_indirect_dma semaphore(%arg21 : memref<!tpu.dma_semaphore, #tpu.memory_space<semaphore_mem>>) src(%dma_wait3A_35 : memref<160000x128xf32, #tpu.memory_space<hbm>>) dst(%arg15 : memref<80x128xf32, #tpu.memory_space<vmem>>)
      %dma_wait3A_36 = arith.constant 0 : i32
      %dma_wait3A_37 = arith.constant 0 : i32
      %dma_wait3A_38 = tpu.memref_slice %arg3[%dma_wait3A_36, %dma_wait3A_37] : memref<160000x128xf32, #tpu.memory_space<hbm>> -> memref<160000x128xf32, #tpu.memory_space<hbm>>
      tpu.wait_indirect_dma semaphore(%arg22 : memref<!tpu.dma_semaphore, #tpu.memory_space<semaphore_mem>>) src(%dma_wait3A_38 : memref<160000x128xf32, #tpu.memory_space<hbm>>) dst(%arg16 : memref<80x128xf32, #tpu.memory_space<vmem>>)
      %dma_wait3A_39 = arith.constant 0 : i32
      %dma_wait3A_40 = arith.constant 0 : i32
      %dma_wait3A_41 = tpu.memref_slice %arg4[%dma_wait3A_39, %dma_wait3A_40] : memref<160000x128xf32, #tpu.memory_space<hbm>> -> memref<160000x128xf32, #tpu.memory_space<hbm>>
      tpu.wait_indirect_dma semaphore(%arg23 : memref<!tpu.dma_semaphore, #tpu.memory_space<semaphore_mem>>) src(%dma_wait3A_41 : memref<160000x128xf32, #tpu.memory_space<hbm>>) dst(%arg17 : memref<80x128xf32, #tpu.memory_space<vmem>>)
      "tpu.region"() ({
        %run_scoped3A = tpu.sem_alloc : memref<!tpu.dma_semaphore, #tpu.memory_space<semaphore_mem>>
        %dma_start3A_42 = arith.constant 0 : i32
        %dma_start3A_43 = arith.constant 0 : i32
        %dma_start3A_44 = tpu.memref_slice %arg18[%dma_start3A_42, %dma_start3A_43] : memref<5120x128xf32, #tpu.memory_space<vmem_shared>> -> memref<5120x128xf32, #tpu.memory_space<vmem_shared>>
        tpu.enqueue_indirect_dma source(%arg15 : memref<80x128xf32, #tpu.memory_space<vmem>>) target(%dma_start3A_44 : memref<5120x128xf32, #tpu.memory_space<vmem_shared>>) offsets(%arg12 : memref<80xi32, #tpu.memory_space<vmem>>) semaphore(%run_scoped3A : memref<!tpu.dma_semaphore, #tpu.memory_space<semaphore_mem>>) {add = true}
        %dma_wait3A_45 = arith.constant 0 : i32
        %dma_wait3A_46 = arith.constant 0 : i32
        %dma_wait3A_47 = tpu.memref_slice %arg18[%dma_wait3A_45, %dma_wait3A_46] : memref<5120x128xf32, #tpu.memory_space<vmem_shared>> -> memref<5120x128xf32, #tpu.memory_space<vmem_shared>>
        tpu.wait_indirect_dma semaphore(%run_scoped3A : memref<!tpu.dma_semaphore, #tpu.memory_space<semaphore_mem>>) src(%arg15 : memref<80x128xf32, #tpu.memory_space<vmem>>) dst(%dma_wait3A_47 : memref<5120x128xf32, #tpu.memory_space<vmem_shared>>)
        tpu.yield
      }) : () -> ()
      "tpu.region"() ({
        %run_scoped3A = tpu.sem_alloc : memref<!tpu.dma_semaphore, #tpu.memory_space<semaphore_mem>>
        %dma_start3A_42 = arith.constant 0 : i32
        %dma_start3A_43 = arith.constant 0 : i32
        %dma_start3A_44 = tpu.memref_slice %arg19[%dma_start3A_42, %dma_start3A_43] : memref<5120x128xf32, #tpu.memory_space<vmem_shared>> -> memref<5120x128xf32, #tpu.memory_space<vmem_shared>>
        tpu.enqueue_indirect_dma source(%arg16 : memref<80x128xf32, #tpu.memory_space<vmem>>) target(%dma_start3A_44 : memref<5120x128xf32, #tpu.memory_space<vmem_shared>>) offsets(%arg12 : memref<80xi32, #tpu.memory_space<vmem>>) semaphore(%run_scoped3A : memref<!tpu.dma_semaphore, #tpu.memory_space<semaphore_mem>>) {add = true}
        %dma_wait3A_45 = arith.constant 0 : i32
        %dma_wait3A_46 = arith.constant 0 : i32
        %dma_wait3A_47 = tpu.memref_slice %arg19[%dma_wait3A_45, %dma_wait3A_46] : memref<5120x128xf32, #tpu.memory_space<vmem_shared>> -> memref<5120x128xf32, #tpu.memory_space<vmem_shared>>
        tpu.wait_indirect_dma semaphore(%run_scoped3A : memref<!tpu.dma_semaphore, #tpu.memory_space<semaphore_mem>>) src(%arg16 : memref<80x128xf32, #tpu.memory_space<vmem>>) dst(%dma_wait3A_47 : memref<5120x128xf32, #tpu.memory_space<vmem_shared>>)
        tpu.yield
      }) : () -> ()
      "tpu.region"() ({
        %run_scoped3A = tpu.sem_alloc : memref<!tpu.dma_semaphore, #tpu.memory_space<semaphore_mem>>
        %dma_start3A_42 = arith.constant 0 : i32
        %dma_start3A_43 = arith.constant 0 : i32
        %dma_start3A_44 = tpu.memref_slice %arg20[%dma_start3A_42, %dma_start3A_43] : memref<320x128xf32, #tpu.memory_space<vmem_shared>> -> memref<320x128xf32, #tpu.memory_space<vmem_shared>>
        tpu.enqueue_indirect_dma source(%arg17 : memref<80x128xf32, #tpu.memory_space<vmem>>) target(%dma_start3A_44 : memref<320x128xf32, #tpu.memory_space<vmem_shared>>) offsets(%arg13 : memref<80xi32, #tpu.memory_space<vmem>>) semaphore(%run_scoped3A : memref<!tpu.dma_semaphore, #tpu.memory_space<semaphore_mem>>) {add = true}
        %dma_wait3A_45 = arith.constant 0 : i32
        %dma_wait3A_46 = arith.constant 0 : i32
        %dma_wait3A_47 = tpu.memref_slice %arg20[%dma_wait3A_45, %dma_wait3A_46] : memref<320x128xf32, #tpu.memory_space<vmem_shared>> -> memref<320x128xf32, #tpu.memory_space<vmem_shared>>
        tpu.wait_indirect_dma semaphore(%run_scoped3A : memref<!tpu.dma_semaphore, #tpu.memory_space<semaphore_mem>>) src(%arg17 : memref<80x128xf32, #tpu.memory_space<vmem>>) dst(%dma_wait3A_47 : memref<320x128xf32, #tpu.memory_space<vmem_shared>>)
        tpu.yield
      }) : () -> ()
    }
    %scan3A_6 = arith.constant 125 : i32
    %barrier3A_7 = arith.constant 0 : index
    tpu.barrier barrier_id(%barrier3A_7)
    "tpu.region"() ({
      %run_scoped3A = tpu.sem_alloc : memref<!tpu.dma_semaphore, #tpu.memory_space<semaphore_mem>>
      %dma_start3A = arith.constant 0 : i32
      %dma_start3A_13 = tpu.memref_slice %arg9[%arg0, %mul3A_0, %dma_start3A] : memref<2x5120x128xf32, #tpu.memory_space<hbm>> -> memref<1x320x128xf32, #tpu.memory_space<hbm>>
      %dma_start3A_14 = tpu.memref_squeeze %dma_start3A_13 : memref<1x320x128xf32, #tpu.memory_space<hbm>> -> memref<320x128xf32, #tpu.memory_space<hbm>>
      %dma_start3A_15 = arith.constant 0 : i32
      %dma_start3A_16 = tpu.memref_slice %arg18[%mul3A_0, %dma_start3A_15] : memref<5120x128xf32, #tpu.memory_space<vmem_shared>> -> memref<320x128xf32, #tpu.memory_space<vmem_shared>>
      tpu.enqueue_dma source(%dma_start3A_16 : memref<320x128xf32, #tpu.memory_space<vmem_shared>>) target(%dma_start3A_14 : memref<320x128xf32, #tpu.memory_space<hbm>>) target_semaphore(%run_scoped3A : memref<!tpu.dma_semaphore, #tpu.memory_space<semaphore_mem>>)
      %dma_wait3A = arith.constant 0 : i32
      %dma_wait3A_17 = tpu.memref_slice %arg9[%arg0, %mul3A_0, %dma_wait3A] : memref<2x5120x128xf32, #tpu.memory_space<hbm>> -> memref<1x320x128xf32, #tpu.memory_space<hbm>>
      %dma_wait3A_18 = tpu.memref_squeeze %dma_wait3A_17 : memref<1x320x128xf32, #tpu.memory_space<hbm>> -> memref<320x128xf32, #tpu.memory_space<hbm>>
      %dma_wait3A_19 = arith.constant 0 : i32
      %dma_wait3A_20 = tpu.memref_slice %arg18[%mul3A_0, %dma_wait3A_19] : memref<5120x128xf32, #tpu.memory_space<vmem_shared>> -> memref<320x128xf32, #tpu.memory_space<vmem_shared>>
      tpu.wait_dma2 semaphore(%run_scoped3A : memref<!tpu.dma_semaphore, #tpu.memory_space<semaphore_mem>>) src(%dma_wait3A_20 : memref<320x128xf32, #tpu.memory_space<vmem_shared>>) dst(%dma_wait3A_18 : memref<320x128xf32, #tpu.memory_space<hbm>>)
      tpu.yield
    }) : () -> ()
    "tpu.region"() ({
      %run_scoped3A = tpu.sem_alloc : memref<!tpu.dma_semaphore, #tpu.memory_space<semaphore_mem>>
      %dma_start3A = arith.constant 0 : i32
      %dma_start3A_13 = tpu.memref_slice %arg10[%arg0, %mul3A_0, %dma_start3A] : memref<2x5120x128xf32, #tpu.memory_space<hbm>> -> memref<1x320x128xf32, #tpu.memory_space<hbm>>
      %dma_start3A_14 = tpu.memref_squeeze %dma_start3A_13 : memref<1x320x128xf32, #tpu.memory_space<hbm>> -> memref<320x128xf32, #tpu.memory_space<hbm>>
      %dma_start3A_15 = arith.constant 0 : i32
      %dma_start3A_16 = tpu.memref_slice %arg19[%mul3A_0, %dma_start3A_15] : memref<5120x128xf32, #tpu.memory_space<vmem_shared>> -> memref<320x128xf32, #tpu.memory_space<vmem_shared>>
      tpu.enqueue_dma source(%dma_start3A_16 : memref<320x128xf32, #tpu.memory_space<vmem_shared>>) target(%dma_start3A_14 : memref<320x128xf32, #tpu.memory_space<hbm>>) target_semaphore(%run_scoped3A : memref<!tpu.dma_semaphore, #tpu.memory_space<semaphore_mem>>)
      %dma_wait3A = arith.constant 0 : i32
      %dma_wait3A_17 = tpu.memref_slice %arg10[%arg0, %mul3A_0, %dma_wait3A] : memref<2x5120x128xf32, #tpu.memory_space<hbm>> -> memref<1x320x128xf32, #tpu.memory_space<hbm>>
      %dma_wait3A_18 = tpu.memref_squeeze %dma_wait3A_17 : memref<1x320x128xf32, #tpu.memory_space<hbm>> -> memref<320x128xf32, #tpu.memory_space<hbm>>
      %dma_wait3A_19 = arith.constant 0 : i32
      %dma_wait3A_20 = tpu.memref_slice %arg19[%mul3A_0, %dma_wait3A_19] : memref<5120x128xf32, #tpu.memory_space<vmem_shared>> -> memref<320x128xf32, #tpu.memory_space<vmem_shared>>
      tpu.wait_dma2 semaphore(%run_scoped3A : memref<!tpu.dma_semaphore, #tpu.memory_space<semaphore_mem>>) src(%dma_wait3A_20 : memref<320x128xf32, #tpu.memory_space<vmem_shared>>) dst(%dma_wait3A_18 : memref<320x128xf32, #tpu.memory_space<hbm>>)
      tpu.yield
    }) : () -> ()
    %lt3A_8 = arith.constant 10 : i32
    %lt3A_9 = arith.cmpi slt, %arg1, %lt3A_8 : i32
    %convert_element_type3A_10 = arith.extui %lt3A_9 : i1 to i32
    %cond3A_11 = arith.constant 0 : i32
    %cond3A_12 = arith.cmpi ne, %convert_element_type3A_10, %cond3A_11 : i32
    scf.if %cond3A_12 {
      %mul3A_13 = arith.constant 32 : i32
      %mul3A_14 = arith.muli %arg1, %mul3A_13 : i32
      %mul3A_15 = arith.constant 32 : i32
      %mul3A_16 = arith.muli %arg1, %mul3A_15 : i32
      "tpu.region"() ({
        %run_scoped3A = tpu.sem_alloc : memref<!tpu.dma_semaphore, #tpu.memory_space<semaphore_mem>>
        %dma_start3A = arith.constant 0 : i32
        %dma_start3A_17 = tpu.memref_slice %arg11[%arg0, %mul3A_16, %dma_start3A] : memref<2x320x128xf32, #tpu.memory_space<hbm>> -> memref<1x32x128xf32, #tpu.memory_space<hbm>>
        %dma_start3A_18 = tpu.memref_squeeze %dma_start3A_17 : memref<1x32x128xf32, #tpu.memory_space<hbm>> -> memref<32x128xf32, #tpu.memory_space<hbm>>
        %dma_start3A_19 = arith.constant 0 : i32
        %dma_start3A_20 = tpu.memref_slice %arg20[%mul3A_14, %dma_start3A_19] : memref<320x128xf32, #tpu.memory_space<vmem_shared>> -> memref<32x128xf32, #tpu.memory_space<vmem_shared>>
        tpu.enqueue_dma source(%dma_start3A_20 : memref<32x128xf32, #tpu.memory_space<vmem_shared>>) target(%dma_start3A_18 : memref<32x128xf32, #tpu.memory_space<hbm>>) target_semaphore(%run_scoped3A : memref<!tpu.dma_semaphore, #tpu.memory_space<semaphore_mem>>)
        %dma_wait3A = arith.constant 0 : i32
        %dma_wait3A_21 = tpu.memref_slice %arg11[%arg0, %mul3A_16, %dma_wait3A] : memref<2x320x128xf32, #tpu.memory_space<hbm>> -> memref<1x32x128xf32, #tpu.memory_space<hbm>>
        %dma_wait3A_22 = tpu.memref_squeeze %dma_wait3A_21 : memref<1x32x128xf32, #tpu.memory_space<hbm>> -> memref<32x128xf32, #tpu.memory_space<hbm>>
        %dma_wait3A_23 = arith.constant 0 : i32
        %dma_wait3A_24 = tpu.memref_slice %arg20[%mul3A_14, %dma_wait3A_23] : memref<320x128xf32, #tpu.memory_space<vmem_shared>> -> memref<32x128xf32, #tpu.memory_space<vmem_shared>>
        tpu.wait_dma2 semaphore(%run_scoped3A : memref<!tpu.dma_semaphore, #tpu.memory_space<semaphore_mem>>) src(%dma_wait3A_24 : memref<32x128xf32, #tpu.memory_space<vmem_shared>>) dst(%dma_wait3A_22 : memref<32x128xf32, #tpu.memory_space<hbm>>)
        tpu.yield
      }) : () -> ()
    } else {
    }
    return
  }
}

module attributes {stable_mosaic.version = 14 : i64} {
  func.func @body(%arg0: i32, %arg1: memref<2560x128xf32, #tpu.memory_space<vmem>>, %arg2: memref<128x256xf32, #tpu.memory_space<vmem>>, %arg3: memref<128x256xf32, #tpu.memory_space<vmem>>, %arg4: memref<2560x256xf32, #tpu.memory_space<vmem>>, %arg5: memref<2560x256xf32, #tpu.memory_space<vmem>>) attributes {dimension_semantics = [#tpu.dimension_semantics<arbitrary>], iteration_bounds = array<i64: 4>, scalar_prefetch = 0 : i64, scratch_operands = 0 : i64, tpu.core_type = #tpu.core_type<tc>, window_params = [{transform_indices = @transform_0, window_bounds = array<i64: 2560, 128>}, {pipeline_mode = #tpu.pipeline_mode<synchronous>, transform_indices = @transform_1, window_bounds = array<i64: 128, 256>}, {pipeline_mode = #tpu.pipeline_mode<synchronous>, transform_indices = @transform_2, window_bounds = array<i64: 128, 256>}, {transform_indices = @transform_3, window_bounds = array<i64: 2560, 256>}, {transform_indices = @transform_4, window_bounds = array<i64: 2560, 256>}]} {
    %get3A = arith.constant 0 : index
    %get3A_0 = arith.constant 0 : index
    %get3A_1 = vector.load %arg1[%get3A, %get3A_0] : memref<2560x128xf32, #tpu.memory_space<vmem>>, vector<2560x128xf32>
    %get3A_2 = arith.constant 0 : index
    %get3A_3 = arith.constant 0 : index
    %get3A_4 = vector.load %arg2[%get3A_2, %get3A_3] : memref<128x256xf32, #tpu.memory_space<vmem>>, vector<128x256xf32>
    %dot_general3A = arith.constant dense<0.000000e+00> : vector<2560x256xf32>
    %dot_general3A_5 = tpu.matmul %get3A_1, %get3A_4, %dot_general3A {dimension_numbers = #tpu.dot_dimension_numbers<[1], [0], [0], [1], [0, 0, 1, 1], [], []>, transpose_lhs_hint = false} : vector<2560x128xf32>, vector<128x256xf32>, vector<2560x256xf32> -> vector<2560x256xf32>
    %swap3A = arith.constant 0 : index
    %swap3A_6 = arith.constant 0 : index
    %swap3A_7 = vector.load %arg4[%swap3A, %swap3A_6] : memref<2560x256xf32, #tpu.memory_space<vmem>>, vector<2560x256xf32>
    tpu.vector_store %arg4[%swap3A, %swap3A_6], %dot_general3A_5 {strides = array<i32>} : memref<2560x256xf32, #tpu.memory_space<vmem>>, vector<2560x256xf32>,
    %get3A_8 = arith.constant 0 : index
    %get3A_9 = arith.constant 0 : index
    %get3A_10 = vector.load %arg3[%get3A_8, %get3A_9] : memref<128x256xf32, #tpu.memory_space<vmem>>, vector<128x256xf32>
    %dot_general3A_11 = arith.constant dense<0.000000e+00> : vector<2560x256xf32>
    %dot_general3A_12 = tpu.matmul %get3A_1, %get3A_10, %dot_general3A_11 {dimension_numbers = #tpu.dot_dimension_numbers<[1], [0], [0], [1], [0, 0, 1, 1], [], []>, transpose_lhs_hint = false} : vector<2560x128xf32>, vector<128x256xf32>, vector<2560x256xf32> -> vector<2560x256xf32>
    %swap3A_13 = arith.constant 0 : index
    %swap3A_14 = arith.constant 0 : index
    %swap3A_15 = vector.load %arg5[%swap3A_13, %swap3A_14] : memref<2560x256xf32, #tpu.memory_space<vmem>>, vector<2560x256xf32>
    tpu.vector_store %arg5[%swap3A_13, %swap3A_14], %dot_general3A_12 {strides = array<i32>} : memref<2560x256xf32, #tpu.memory_space<vmem>>, vector<2560x256xf32>,
    return
  }
  func.func @transform_0(%arg0: i32) -> (i32, i32) {
    %c0_i32 = arith.constant 0 : i32
    %c0_i32_0 = arith.constant 0 : i32
    return %arg0, %c0_i32 : i32, i32
  }
  func.func @transform_1(%arg0: i32) -> (i32, i32) {
    %c0_i32 = arith.constant 0 : i32
    %c0_i32_0 = arith.constant 0 : i32
    %c0_i32_1 = arith.constant 0 : i32
    return %c0_i32, %c0_i32_0 : i32, i32
  }
  func.func @transform_2(%arg0: i32) -> (i32, i32) {
    %c0_i32 = arith.constant 0 : i32
    %c0_i32_0 = arith.constant 0 : i32
    %c0_i32_1 = arith.constant 0 : i32
    return %c0_i32, %c0_i32_0 : i32, i32
  }
  func.func @transform_3(%arg0: i32) -> (i32, i32) {
    %c0_i32 = arith.constant 0 : i32
    %c0_i32_0 = arith.constant 0 : i32
    return %arg0, %c0_i32 : i32, i32
  }
  func.func @transform_4(%arg0: i32) -> (i32, i32) {
    %c0_i32 = arith.constant 0 : i32
    %c0_i32_0 = arith.constant 0 : i32
    return %arg0, %c0_i32 : i32, i32
  }
}

module attributes {stable_mosaic.version = 14 : i64} {
  func.func @body(%arg0: i32, %arg1: memref<640x256xf32, #tpu.memory_space<vmem>>, %arg2: memref<640x256xf32, #tpu.memory_space<vmem>>, %arg3: memref<640x16xf32, #tpu.memory_space<vmem>>, %arg4: memref<16x256xf32, #tpu.memory_space<vmem>>, %arg5: memref<1x256xf32, #tpu.memory_space<vmem>>, %arg6: memref<640x1xi32, #tpu.memory_space<vmem>>, %arg7: memref<640x128xf32, #tpu.memory_space<vmem>>, %arg8: memref<640x128xf32, #tpu.memory_space<vmem>>, %arg9: memref<640x128xf32, #tpu.memory_space<vmem>>) attributes {dimension_semantics = [#tpu.dimension_semantics<arbitrary>], iteration_bounds = array<i64: 250>, scalar_prefetch = 0 : i64, scratch_operands = 0 : i64, tpu.core_type = #tpu.core_type<tc>, window_params = [{transform_indices = @transform_0, window_bounds = array<i64: 640, 256>}, {transform_indices = @transform_1, window_bounds = array<i64: 640, 256>}, {transform_indices = @transform_2, window_bounds = array<i64: 640, 16>}, {pipeline_mode = #tpu.pipeline_mode<synchronous>, transform_indices = @transform_3, window_bounds = array<i64: 16, 256>}, {pipeline_mode = #tpu.pipeline_mode<synchronous>, transform_indices = @transform_4, window_bounds = array<i64: 1, 256>}, {transform_indices = @transform_5, window_bounds = array<i64: 640, 1>}, {transform_indices = @transform_6, window_bounds = array<i64: 640, 128>}, {transform_indices = @transform_7, window_bounds = array<i64: 640, 128>}, {transform_indices = @transform_8, window_bounds = array<i64: 640, 128>}]} {
    %iota3A = tpu.iota {dimensions = array<i32: 0>} : vector<256x8xi32>
    %jit3A = arith.constant 32 : i32
    %div3A = vector.broadcast %jit3A : i32 to vector<256x8xi32>
    %div3A_0 = arith.divsi %iota3A, %div3A : vector<256x8xi32>
    %sign3A = arith.constant 0 : i32
    %sign3A_1 = vector.broadcast %sign3A : i32 to vector<256x8xi32>
    %sign3A_2 = arith.cmpi sgt, %iota3A, %sign3A_1 : vector<256x8xi32>
    %sign3A_3 = arith.extui %sign3A_2 : vector<256x8xi1> to vector<256x8xi32>
    %sign3A_4 = arith.constant 0 : i32
    %sign3A_5 = vector.broadcast %sign3A_4 : i32 to vector<256x8xi32>
    %sign3A_6 = arith.cmpi slt, %iota3A, %sign3A_5 : vector<256x8xi32>
    %sign3A_7 = arith.extui %sign3A_6 : vector<256x8xi1> to vector<256x8xi32>
    %sign3A_8 = arith.subi %sign3A_3, %sign3A_7 : vector<256x8xi32>
    %sign3A_9 = arith.constant 0 : i32
    %sign3A_10 = arith.cmpi sgt, %jit3A, %sign3A_9 : i32
    %sign3A_11 = arith.extui %sign3A_10 : i1 to i32
    %sign3A_12 = arith.constant 0 : i32
    %sign3A_13 = arith.cmpi slt, %jit3A, %sign3A_12 : i32
    %sign3A_14 = arith.extui %sign3A_13 : i1 to i32
    %sign3A_15 = arith.subi %sign3A_11, %sign3A_14 : i32
    %ne3A = vector.broadcast %sign3A_15 : i32 to vector<256x8xi32>
    %ne3A_16 = arith.cmpi ne, %sign3A_8, %ne3A : vector<256x8xi32>
    %rem3A = vector.broadcast %jit3A : i32 to vector<256x8xi32>
    %rem3A_17 = arith.remsi %iota3A, %rem3A : vector<256x8xi32>
    %ne3A_18 = arith.constant 0 : i32
    %ne3A_19 = vector.broadcast %ne3A_18 : i32 to vector<256x8xi32>
    %ne3A_20 = arith.cmpi ne, %rem3A_17, %ne3A_19 : vector<256x8xi32>
    %and3A = arith.andi %ne3A_16, %ne3A_20 : vector<256x8xi1>
    %sub3A = arith.constant 1 : i32
    %sub3A_21 = vector.broadcast %sub3A : i32 to vector<256x8xi32>
    %sub3A_22 = arith.subi %div3A_0, %sub3A_21 : vector<256x8xi32>
    %select_n3A = arith.select %and3A, %sub3A_22, %div3A_0 : vector<256x8xi1>, vector<256x8xi32>
    %iota3A_23 = tpu.iota {dimensions = array<i32: 1>} : vector<256x8xi32>
    %eq3A = arith.cmpi eq, %select_n3A, %iota3A_23 : vector<256x8xi32>
    %jit3A_24 = arith.constant 1.000000e+00 : f32
    %jit3A_25 = arith.constant 0.000000e+00 : f32
    %broadcast_in_dim3A = vector.broadcast %jit3A_24 : f32 to vector<256x8xf32>
    %broadcast_in_dim3A_26 = vector.broadcast %jit3A_25 : f32 to vector<256x8xf32>
    %select_n3A_27 = arith.select %eq3A, %broadcast_in_dim3A, %broadcast_in_dim3A_26 : vector<256x8xi1>, vector<256x8xf32>
    %iota3A_28 = tpu.iota {dimensions = array<i32: 0>} : vector<8x256xi32>
    %iota3A_29 = tpu.iota {dimensions = array<i32: 1>} : vector<8x256xi32>
    %jit3A_30 = arith.constant 32 : i32
    %div3A_31 = vector.broadcast %jit3A_30 : i32 to vector<8x256xi32>
    %div3A_32 = arith.divsi %iota3A_29, %div3A_31 : vector<8x256xi32>
    %sign3A_33 = arith.constant 0 : i32
    %sign3A_34 = vector.broadcast %sign3A_33 : i32 to vector<8x256xi32>
    %sign3A_35 = arith.cmpi sgt, %iota3A_29, %sign3A_34 : vector<8x256xi32>
    %sign3A_36 = arith.extui %sign3A_35 : vector<8x256xi1> to vector<8x256xi32>
    %sign3A_37 = arith.constant 0 : i32
    %sign3A_38 = vector.broadcast %sign3A_37 : i32 to vector<8x256xi32>
    %sign3A_39 = arith.cmpi slt, %iota3A_29, %sign3A_38 : vector<8x256xi32>
    %sign3A_40 = arith.extui %sign3A_39 : vector<8x256xi1> to vector<8x256xi32>
    %sign3A_41 = arith.subi %sign3A_36, %sign3A_40 : vector<8x256xi32>
    %sign3A_42 = arith.constant 0 : i32
    %sign3A_43 = arith.cmpi sgt, %jit3A_30, %sign3A_42 : i32
    %sign3A_44 = arith.extui %sign3A_43 : i1 to i32
    %sign3A_45 = arith.constant 0 : i32
    %sign3A_46 = arith.cmpi slt, %jit3A_30, %sign3A_45 : i32
    %sign3A_47 = arith.extui %sign3A_46 : i1 to i32
    %sign3A_48 = arith.subi %sign3A_44, %sign3A_47 : i32
    %ne3A_49 = vector.broadcast %sign3A_48 : i32 to vector<8x256xi32>
    %ne3A_50 = arith.cmpi ne, %sign3A_41, %ne3A_49 : vector<8x256xi32>
    %rem3A_51 = vector.broadcast %jit3A_30 : i32 to vector<8x256xi32>
    %rem3A_52 = arith.remsi %iota3A_29, %rem3A_51 : vector<8x256xi32>
    %ne3A_53 = arith.constant 0 : i32
    %ne3A_54 = vector.broadcast %ne3A_53 : i32 to vector<8x256xi32>
    %ne3A_55 = arith.cmpi ne, %rem3A_52, %ne3A_54 : vector<8x256xi32>
    %and3A_56 = arith.andi %ne3A_50, %ne3A_55 : vector<8x256xi1>
    %sub3A_57 = arith.constant 1 : i32
    %sub3A_58 = vector.broadcast %sub3A_57 : i32 to vector<8x256xi32>
    %sub3A_59 = arith.subi %div3A_32, %sub3A_58 : vector<8x256xi32>
    %select_n3A_60 = arith.select %and3A_56, %sub3A_59, %div3A_32 : vector<8x256xi1>, vector<8x256xi32>
    %eq3A_61 = arith.cmpi eq, %iota3A_28, %select_n3A_60 : vector<8x256xi32>
    %jit3A_62 = arith.constant 1.000000e+00 : f32
    %jit3A_63 = arith.constant 0.000000e+00 : f32
    %broadcast_in_dim3A_64 = vector.broadcast %jit3A_62 : f32 to vector<8x256xf32>
    %broadcast_in_dim3A_65 = vector.broadcast %jit3A_63 : f32 to vector<8x256xf32>
    %select_n3A_66 = arith.select %eq3A_61, %broadcast_in_dim3A_64, %broadcast_in_dim3A_65 : vector<8x256xi1>, vector<8x256xf32>
    %get3A = arith.constant 0 : index
    %get3A_67 = arith.constant 0 : index
    %get3A_68 = vector.load %arg3[%get3A, %get3A_67] : memref<640x16xf32, #tpu.memory_space<vmem>>, vector<640x16xf32>
    %get3A_69 = arith.constant 0 : index
    %get3A_70 = arith.constant 0 : index
    %get3A_71 = vector.load %arg4[%get3A_69, %get3A_70] : memref<16x256xf32, #tpu.memory_space<vmem>>, vector<16x256xf32>
    %dot_general3A = arith.constant dense<0.000000e+00> : vector<640x256xf32>
    %dot_general3A_72 = tpu.matmul %get3A_68, %get3A_71, %dot_general3A {dimension_numbers = #tpu.dot_dimension_numbers<[1], [0], [0], [1], [0, 0, 1, 1], [], []>, transpose_lhs_hint = false} : vector<640x16xf32>, vector<16x256xf32>, vector<640x256xf32> -> vector<640x256xf32>
    %get3A_73 = arith.constant 0 : index
    %get3A_74 = arith.constant 0 : index
    %get3A_75 = vector.load %arg1[%get3A_73, %get3A_74] : memref<640x256xf32, #tpu.memory_space<vmem>>, vector<640x256xf32>
    %get3A_76 = arith.constant 0 : index
    %get3A_77 = arith.constant 0 : index
    %get3A_78 = vector.load %arg2[%get3A_76, %get3A_77] : memref<640x256xf32, #tpu.memory_space<vmem>>, vector<640x256xf32>
    %add3A = arith.addf %get3A_75, %get3A_78 : vector<640x256xf32>
    %add3A_79 = arith.addf %add3A, %dot_general3A_72 : vector<640x256xf32>
    %ge3A = arith.constant 0.000000e+00 : f32
    %ge3A_80 = vector.broadcast %ge3A : f32 to vector<640x256xf32>
    %ge3A_81 = arith.cmpf oge, %add3A_79, %ge3A_80 : vector<640x256xf32>
    %mul3A = arith.constant 2.000000e-01 : f32
    %mul3A_82 = vector.broadcast %mul3A : f32 to vector<640x256xf32>
    %mul3A_83 = arith.mulf %mul3A_82, %add3A_79 : vector<640x256xf32>
    %select_n3A_84 = arith.select %ge3A_81, %add3A_79, %mul3A_83 : vector<640x256xi1>, vector<640x256xf32>
    %get3A_85 = arith.constant 0 : index
    %get3A_86 = arith.constant 0 : index
    %get3A_87 = vector.load %arg5[%get3A_85, %get3A_86] : memref<1x256xf32, #tpu.memory_space<vmem>>, vector<1x256xf32>
    %mul3A_88 = vector.broadcast %get3A_87 : vector<1x256xf32> to vector<640x256xf32>
    %mul3A_89 = arith.mulf %select_n3A_84, %mul3A_88 : vector<640x256xf32>
    %dot_general3A_90 = arith.constant dense<0.000000e+00> : vector<640x8xf32>
    %dot_general3A_91 = tpu.matmul %mul3A_89, %select_n3A_27, %dot_general3A_90 {dimension_numbers = #tpu.dot_dimension_numbers<[1], [0], [0], [1], [0, 0, 1, 1], [], []>, transpose_lhs_hint = false} : vector<640x256xf32>, vector<256x8xf32>, vector<640x8xf32> -> vector<640x8xf32>
    %exp3A = math.exp %dot_general3A_91 : vector<640x8xf32>
    %dot_general3A_92 = arith.constant dense<0.000000e+00> : vector<640x256xf32>
    %dot_general3A_93 = tpu.matmul %exp3A, %select_n3A_66, %dot_general3A_92 {dimension_numbers = #tpu.dot_dimension_numbers<[1], [0], [0], [1], [0, 0, 1, 1], [], []>, transpose_lhs_hint = false} : vector<640x8xf32>, vector<8x256xf32>, vector<640x256xf32> -> vector<640x256xf32>
    %mul3A_94 = arith.mulf %get3A_75, %dot_general3A_93 : vector<640x256xf32>
    %slice3A = vector.extract_strided_slice %mul3A_94 {offsets = [0, 0], sizes = [640, 128], strides = [1, 1]} : vector<640x256xf32> to vector<640x128xf32>
    %swap3A = arith.constant 0 : index
    %swap3A_95 = arith.constant 0 : index
    %swap3A_96 = vector.load %arg7[%swap3A, %swap3A_95] : memref<640x128xf32, #tpu.memory_space<vmem>>, vector<640x128xf32>
    tpu.vector_store %arg7[%swap3A, %swap3A_95], %slice3A {strides = array<i32>} : memref<640x128xf32, #tpu.memory_space<vmem>>, vector<640x128xf32>,
    %slice3A_97 = vector.extract_strided_slice %mul3A_94 {offsets = [0, 128], sizes = [640, 128], strides = [1, 1]} : vector<640x256xf32> to vector<640x128xf32>
    %swap3A_98 = arith.constant 0 : index
    %swap3A_99 = arith.constant 0 : index
    %swap3A_100 = vector.load %arg8[%swap3A_98, %swap3A_99] : memref<640x128xf32, #tpu.memory_space<vmem>>, vector<640x128xf32>
    tpu.vector_store %arg8[%swap3A_98, %swap3A_99], %slice3A_97 {strides = array<i32>} : memref<640x128xf32, #tpu.memory_space<vmem>>, vector<640x128xf32>,
    %iota3A_101 = tpu.iota {dimensions = array<i32: 0>} : vector<8x128xi32>
    %iota3A_102 = tpu.iota {dimensions = array<i32: 1>} : vector<8x128xi32>
    %jit3A_103 = arith.constant 8 : i32
    %eq3A_104 = arith.constant 0 : i32
    %eq3A_105 = arith.cmpi eq, %jit3A_103, %eq3A_104 : i32
    %jit3A_106 = arith.constant 1 : i32
    %select_n3A_107 = arith.select %eq3A_105, %jit3A_106, %jit3A_103 : i32
    %rem3A_108 = vector.broadcast %select_n3A_107 : i32 to vector<8x128xi32>
    %rem3A_109 = arith.remsi %iota3A_102, %rem3A_108 : vector<8x128xi32>
    %ne3A_110 = arith.constant 0 : i32
    %ne3A_111 = vector.broadcast %ne3A_110 : i32 to vector<8x128xi32>
    %ne3A_112 = arith.cmpi ne, %rem3A_109, %ne3A_111 : vector<8x128xi32>
    %lt3A = arith.constant 0 : i32
    %lt3A_113 = vector.broadcast %lt3A : i32 to vector<8x128xi32>
    %lt3A_114 = arith.cmpi slt, %rem3A_109, %lt3A_113 : vector<8x128xi32>
    %lt3A_115 = arith.constant 0 : i32
    %lt3A_116 = arith.cmpi slt, %select_n3A_107, %lt3A_115 : i32
    %ne3A_117 = vector.broadcast %lt3A_116 : i1 to vector<8x128xi1>
    %ne3A_118 = vector.broadcast %ne3A_117 : vector<8x128xi1> to vector<8x128xi1>
    %ne3A_119 = arith.xori %lt3A_114, %ne3A_118 : vector<8x128xi1>
    %and3A_120 = arith.andi %ne3A_119, %ne3A_112 : vector<8x128xi1>
    %add3A_121 = vector.broadcast %select_n3A_107 : i32 to vector<8x128xi32>
    %add3A_122 = arith.addi %rem3A_109, %add3A_121 : vector<8x128xi32>
    %select_n3A_123 = arith.select %and3A_120, %add3A_122, %rem3A_109 : vector<8x128xi1>, vector<8x128xi32>
    %eq3A_124 = arith.cmpi eq, %select_n3A_123, %iota3A_101 : vector<8x128xi32>
    %jit3A_125 = arith.constant 1.000000e+00 : f32
    %jit3A_126 = arith.constant 0.000000e+00 : f32
    %broadcast_in_dim3A_127 = vector.broadcast %jit3A_125 : f32 to vector<8x128xf32>
    %broadcast_in_dim3A_128 = vector.broadcast %jit3A_126 : f32 to vector<8x128xf32>
    %select_n3A_129 = arith.select %eq3A_124, %broadcast_in_dim3A_127, %broadcast_in_dim3A_128 : vector<8x128xi1>, vector<8x128xf32>
    %dot_general3A_130 = arith.constant dense<0.000000e+00> : vector<640x128xf32>
    %dot_general3A_131 = tpu.matmul %exp3A, %select_n3A_129, %dot_general3A_130 {dimension_numbers = #tpu.dot_dimension_numbers<[1], [0], [0], [1], [0, 0, 1, 1], [], []>, transpose_lhs_hint = false} : vector<640x8xf32>, vector<8x128xf32>, vector<640x128xf32> -> vector<640x128xf32>
    %iota3A_132 = tpu.iota {dimensions = array<i32: 1>} : vector<640x128xi32>
    %jit3A_133 = arith.constant 8 : i32
    %div3A_134 = vector.broadcast %jit3A_133 : i32 to vector<640x128xi32>
    %div3A_135 = arith.divsi %iota3A_132, %div3A_134 : vector<640x128xi32>
    %sign3A_136 = arith.constant 0 : i32
    %sign3A_137 = vector.broadcast %sign3A_136 : i32 to vector<640x128xi32>
    %sign3A_138 = arith.cmpi sgt, %iota3A_132, %sign3A_137 : vector<640x128xi32>
    %sign3A_139 = arith.extui %sign3A_138 : vector<640x128xi1> to vector<640x128xi32>
    %sign3A_140 = arith.constant 0 : i32
    %sign3A_141 = vector.broadcast %sign3A_140 : i32 to vector<640x128xi32>
    %sign3A_142 = arith.cmpi slt, %iota3A_132, %sign3A_141 : vector<640x128xi32>
    %sign3A_143 = arith.extui %sign3A_142 : vector<640x128xi1> to vector<640x128xi32>
    %sign3A_144 = arith.subi %sign3A_139, %sign3A_143 : vector<640x128xi32>
    %sign3A_145 = arith.constant 0 : i32
    %sign3A_146 = arith.cmpi sgt, %jit3A_133, %sign3A_145 : i32
    %sign3A_147 = arith.extui %sign3A_146 : i1 to i32
    %sign3A_148 = arith.constant 0 : i32
    %sign3A_149 = arith.cmpi slt, %jit3A_133, %sign3A_148 : i32
    %sign3A_150 = arith.extui %sign3A_149 : i1 to i32
    %sign3A_151 = arith.subi %sign3A_147, %sign3A_150 : i32
    %ne3A_152 = vector.broadcast %sign3A_151 : i32 to vector<640x128xi32>
    %ne3A_153 = arith.cmpi ne, %sign3A_144, %ne3A_152 : vector<640x128xi32>
    %rem3A_154 = vector.broadcast %jit3A_133 : i32 to vector<640x128xi32>
    %rem3A_155 = arith.remsi %iota3A_132, %rem3A_154 : vector<640x128xi32>
    %ne3A_156 = arith.constant 0 : i32
    %ne3A_157 = vector.broadcast %ne3A_156 : i32 to vector<640x128xi32>
    %ne3A_158 = arith.cmpi ne, %rem3A_155, %ne3A_157 : vector<640x128xi32>
    %and3A_159 = arith.andi %ne3A_153, %ne3A_158 : vector<640x128xi1>
    %sub3A_160 = arith.constant 1 : i32
    %sub3A_161 = vector.broadcast %sub3A_160 : i32 to vector<640x128xi32>
    %sub3A_162 = arith.subi %div3A_135, %sub3A_161 : vector<640x128xi32>
    %select_n3A_163 = arith.select %and3A_159, %sub3A_162, %div3A_135 : vector<640x128xi1>, vector<640x128xi32>
    %get3A_164 = arith.constant 0 : index
    %get3A_165 = arith.constant 0 : index
    %get3A_166 = vector.load %arg6[%get3A_164, %get3A_165] : memref<640x1xi32, #tpu.memory_space<vmem>>, vector<640x1xi32>
    %eq3A_167 = vector.broadcast %get3A_166 : vector<640x1xi32> to vector<640x128xi32>
    %eq3A_168 = arith.cmpi eq, %select_n3A_163, %eq3A_167 : vector<640x128xi32>
    %jit3A_169 = arith.constant 0.000000e+00 : f32
    %broadcast_in_dim3A_170 = vector.broadcast %jit3A_169 : f32 to vector<640x128xf32>
    %select_n3A_171 = arith.select %eq3A_168, %dot_general3A_131, %broadcast_in_dim3A_170 : vector<640x128xi1>, vector<640x128xf32>
    %swap3A_172 = arith.constant 0 : index
    %swap3A_173 = arith.constant 0 : index
    %swap3A_174 = vector.load %arg9[%swap3A_172, %swap3A_173] : memref<640x128xf32, #tpu.memory_space<vmem>>, vector<640x128xf32>
    tpu.vector_store %arg9[%swap3A_172, %swap3A_173], %select_n3A_171 {strides = array<i32>} : memref<640x128xf32, #tpu.memory_space<vmem>>, vector<640x128xf32>,
    return
  }
  func.func @transform_0(%arg0: i32) -> (i32, i32) {
    %c0_i32 = arith.constant 0 : i32
    %c0_i32_0 = arith.constant 0 : i32
    return %arg0, %c0_i32 : i32, i32
  }
  func.func @transform_1(%arg0: i32) -> (i32, i32) {
    %c0_i32 = arith.constant 0 : i32
    %c0_i32_0 = arith.constant 0 : i32
    return %arg0, %c0_i32 : i32, i32
  }
  func.func @transform_2(%arg0: i32) -> (i32, i32) {
    %c0_i32 = arith.constant 0 : i32
    %c0_i32_0 = arith.constant 0 : i32
    return %arg0, %c0_i32 : i32, i32
  }
  func.func @transform_3(%arg0: i32) -> (i32, i32) {
    %c0_i32 = arith.constant 0 : i32
    %c0_i32_0 = arith.constant 0 : i32
    %c0_i32_1 = arith.constant 0 : i32
    return %c0_i32, %c0_i32_0 : i32, i32
  }
  func.func @transform_4(%arg0: i32) -> (i32, i32) {
    %c0_i32 = arith.constant 0 : i32
    %c0_i32_0 = arith.constant 0 : i32
    %c0_i32_1 = arith.constant 0 : i32
    return %c0_i32, %c0_i32_0 : i32, i32
  }
  func.func @transform_5(%arg0: i32) -> (i32, i32) {
    %c0_i32 = arith.constant 0 : i32
    %c0_i32_0 = arith.constant 0 : i32
    return %arg0, %c0_i32 : i32, i32
  }
  func.func @transform_6(%arg0: i32) -> (i32, i32) {
    %c0_i32 = arith.constant 0 : i32
    %c0_i32_0 = arith.constant 0 : i32
    return %arg0, %c0_i32 : i32, i32
  }
  func.func @transform_7(%arg0: i32) -> (i32, i32) {
    %c0_i32 = arith.constant 0 : i32
    %c0_i32_0 = arith.constant 0 : i32
    return %arg0, %c0_i32 : i32, i32
  }
  func.func @transform_8(%arg0: i32) -> (i32, i32) {
    %c0_i32 = arith.constant 0 : i32
    %c0_i32_0 = arith.constant 0 : i32
    return %arg0, %c0_i32 : i32, i32
  }
}

module attributes {stable_mosaic.version = 14 : i64} {
  func.func @body(%arg0: i32, %arg1: memref<2560x128xf32, #tpu.memory_space<vmem>>, %arg2: memref<2560x128xf32, #tpu.memory_space<vmem>>, %arg3: memref<160x128xf32, #tpu.memory_space<vmem>>, %arg4: memref<1x32xf32, #tpu.memory_space<vmem>>, %arg5: memref<2560x32xf32, #tpu.memory_space<vmem>>) attributes {dimension_semantics = [#tpu.dimension_semantics<arbitrary>], iteration_bounds = array<i64: 4>, scalar_prefetch = 0 : i64, scratch_operands = 0 : i64, tpu.core_type = #tpu.core_type<tc>, window_params = [{transform_indices = @transform_0, window_bounds = array<i64: 2560, 128>}, {transform_indices = @transform_1, window_bounds = array<i64: 2560, 128>}, {transform_indices = @transform_2, window_bounds = array<i64: 160, 128>}, {pipeline_mode = #tpu.pipeline_mode<synchronous>, transform_indices = @transform_3, window_bounds = array<i64: 1, 32>}, {transform_indices = @transform_4, window_bounds = array<i64: 2560, 32>}]} {
    %iota3A = tpu.iota {dimensions = array<i32: 0>} : vector<2560x160xi32>
    %jit3A = arith.constant 16 : i32
    %div3A = vector.broadcast %jit3A : i32 to vector<2560x160xi32>
    %div3A_0 = arith.divsi %iota3A, %div3A : vector<2560x160xi32>
    %sign3A = arith.constant 0 : i32
    %sign3A_1 = vector.broadcast %sign3A : i32 to vector<2560x160xi32>
    %sign3A_2 = arith.cmpi sgt, %iota3A, %sign3A_1 : vector<2560x160xi32>
    %sign3A_3 = arith.extui %sign3A_2 : vector<2560x160xi1> to vector<2560x160xi32>
    %sign3A_4 = arith.constant 0 : i32
    %sign3A_5 = vector.broadcast %sign3A_4 : i32 to vector<2560x160xi32>
    %sign3A_6 = arith.cmpi slt, %iota3A, %sign3A_5 : vector<2560x160xi32>
    %sign3A_7 = arith.extui %sign3A_6 : vector<2560x160xi1> to vector<2560x160xi32>
    %sign3A_8 = arith.subi %sign3A_3, %sign3A_7 : vector<2560x160xi32>
    %sign3A_9 = arith.constant 0 : i32
    %sign3A_10 = arith.cmpi sgt, %jit3A, %sign3A_9 : i32
    %sign3A_11 = arith.extui %sign3A_10 : i1 to i32
    %sign3A_12 = arith.constant 0 : i32
    %sign3A_13 = arith.cmpi slt, %jit3A, %sign3A_12 : i32
    %sign3A_14 = arith.extui %sign3A_13 : i1 to i32
    %sign3A_15 = arith.subi %sign3A_11, %sign3A_14 : i32
    %ne3A = vector.broadcast %sign3A_15 : i32 to vector<2560x160xi32>
    %ne3A_16 = arith.cmpi ne, %sign3A_8, %ne3A : vector<2560x160xi32>
    %rem3A = vector.broadcast %jit3A : i32 to vector<2560x160xi32>
    %rem3A_17 = arith.remsi %iota3A, %rem3A : vector<2560x160xi32>
    %ne3A_18 = arith.constant 0 : i32
    %ne3A_19 = vector.broadcast %ne3A_18 : i32 to vector<2560x160xi32>
    %ne3A_20 = arith.cmpi ne, %rem3A_17, %ne3A_19 : vector<2560x160xi32>
    %and3A = arith.andi %ne3A_16, %ne3A_20 : vector<2560x160xi1>
    %sub3A = arith.constant 1 : i32
    %sub3A_21 = vector.broadcast %sub3A : i32 to vector<2560x160xi32>
    %sub3A_22 = arith.subi %div3A_0, %sub3A_21 : vector<2560x160xi32>
    %select_n3A = arith.select %and3A, %sub3A_22, %div3A_0 : vector<2560x160xi1>, vector<2560x160xi32>
    %iota3A_23 = tpu.iota {dimensions = array<i32: 1>} : vector<2560x160xi32>
    %eq3A = arith.cmpi eq, %select_n3A, %iota3A_23 : vector<2560x160xi32>
    %jit3A_24 = arith.constant 1.000000e+00 : f32
    %jit3A_25 = arith.constant 0.000000e+00 : f32
    %broadcast_in_dim3A = vector.broadcast %jit3A_24 : f32 to vector<2560x160xf32>
    %broadcast_in_dim3A_26 = vector.broadcast %jit3A_25 : f32 to vector<2560x160xf32>
    %select_n3A_27 = arith.select %eq3A, %broadcast_in_dim3A, %broadcast_in_dim3A_26 : vector<2560x160xi1>, vector<2560x160xf32>
    %get3A = arith.constant 0 : index
    %get3A_28 = arith.constant 0 : index
    %get3A_29 = vector.load %arg3[%get3A, %get3A_28] : memref<160x128xf32, #tpu.memory_space<vmem>>, vector<160x128xf32>
    %dot_general3A = arith.constant dense<0.000000e+00> : vector<2560x128xf32>
    %dot_general3A_30 = tpu.matmul %select_n3A_27, %get3A_29, %dot_general3A {dimension_numbers = #tpu.dot_dimension_numbers<[1], [0], [0], [1], [0, 0, 1, 1], [], []>, transpose_lhs_hint = false} : vector<2560x160xf32>, vector<160x128xf32>, vector<2560x128xf32> -> vector<2560x128xf32>
    %iota3A_31 = tpu.iota {dimensions = array<i32: 0>} : vector<2560x128xi32>
    %jit3A_32 = arith.constant 16 : i32
    %eq3A_33 = arith.constant 0 : i32
    %eq3A_34 = arith.cmpi eq, %jit3A_32, %eq3A_33 : i32
    %jit3A_35 = arith.constant 1 : i32
    %select_n3A_36 = arith.select %eq3A_34, %jit3A_35, %jit3A_32 : i32
    %rem3A_37 = vector.broadcast %select_n3A_36 : i32 to vector<2560x128xi32>
    %rem3A_38 = arith.remsi %iota3A_31, %rem3A_37 : vector<2560x128xi32>
    %ne3A_39 = arith.constant 0 : i32
    %ne3A_40 = vector.broadcast %ne3A_39 : i32 to vector<2560x128xi32>
    %ne3A_41 = arith.cmpi ne, %rem3A_38, %ne3A_40 : vector<2560x128xi32>
    %lt3A = arith.constant 0 : i32
    %lt3A_42 = vector.broadcast %lt3A : i32 to vector<2560x128xi32>
    %lt3A_43 = arith.cmpi slt, %rem3A_38, %lt3A_42 : vector<2560x128xi32>
    %lt3A_44 = arith.constant 0 : i32
    %lt3A_45 = arith.cmpi slt, %select_n3A_36, %lt3A_44 : i32
    %ne3A_46 = vector.broadcast %lt3A_45 : i1 to vector<2560x128xi1>
    %ne3A_47 = vector.broadcast %ne3A_46 : vector<2560x128xi1> to vector<2560x128xi1>
    %ne3A_48 = arith.xori %lt3A_43, %ne3A_47 : vector<2560x128xi1>
    %and3A_49 = arith.andi %ne3A_48, %ne3A_41 : vector<2560x128xi1>
    %add3A = vector.broadcast %select_n3A_36 : i32 to vector<2560x128xi32>
    %add3A_50 = arith.addi %rem3A_38, %add3A : vector<2560x128xi32>
    %select_n3A_51 = arith.select %and3A_49, %add3A_50, %rem3A_38 : vector<2560x128xi1>, vector<2560x128xi32>
    %iota3A_52 = tpu.iota {dimensions = array<i32: 1>} : vector<2560x128xi32>
    %jit3A_53 = arith.constant 8 : i32
    %div3A_54 = vector.broadcast %jit3A_53 : i32 to vector<2560x128xi32>
    %div3A_55 = arith.divsi %iota3A_52, %div3A_54 : vector<2560x128xi32>
    %sign3A_56 = arith.constant 0 : i32
    %sign3A_57 = vector.broadcast %sign3A_56 : i32 to vector<2560x128xi32>
    %sign3A_58 = arith.cmpi sgt, %iota3A_52, %sign3A_57 : vector<2560x128xi32>
    %sign3A_59 = arith.extui %sign3A_58 : vector<2560x128xi1> to vector<2560x128xi32>
    %sign3A_60 = arith.constant 0 : i32
    %sign3A_61 = vector.broadcast %sign3A_60 : i32 to vector<2560x128xi32>
    %sign3A_62 = arith.cmpi slt, %iota3A_52, %sign3A_61 : vector<2560x128xi32>
    %sign3A_63 = arith.extui %sign3A_62 : vector<2560x128xi1> to vector<2560x128xi32>
    %sign3A_64 = arith.subi %sign3A_59, %sign3A_63 : vector<2560x128xi32>
    %sign3A_65 = arith.constant 0 : i32
    %sign3A_66 = arith.cmpi sgt, %jit3A_53, %sign3A_65 : i32
    %sign3A_67 = arith.extui %sign3A_66 : i1 to i32
    %sign3A_68 = arith.constant 0 : i32
    %sign3A_69 = arith.cmpi slt, %jit3A_53, %sign3A_68 : i32
    %sign3A_70 = arith.extui %sign3A_69 : i1 to i32
    %sign3A_71 = arith.subi %sign3A_67, %sign3A_70 : i32
    %ne3A_72 = vector.broadcast %sign3A_71 : i32 to vector<2560x128xi32>
    %ne3A_73 = arith.cmpi ne, %sign3A_64, %ne3A_72 : vector<2560x128xi32>
    %rem3A_74 = vector.broadcast %jit3A_53 : i32 to vector<2560x128xi32>
    %rem3A_75 = arith.remsi %iota3A_52, %rem3A_74 : vector<2560x128xi32>
    %ne3A_76 = arith.constant 0 : i32
    %ne3A_77 = vector.broadcast %ne3A_76 : i32 to vector<2560x128xi32>
    %ne3A_78 = arith.cmpi ne, %rem3A_75, %ne3A_77 : vector<2560x128xi32>
    %and3A_79 = arith.andi %ne3A_73, %ne3A_78 : vector<2560x128xi1>
    %sub3A_80 = arith.constant 1 : i32
    %sub3A_81 = vector.broadcast %sub3A_80 : i32 to vector<2560x128xi32>
    %sub3A_82 = arith.subi %div3A_55, %sub3A_81 : vector<2560x128xi32>
    %select_n3A_83 = arith.select %and3A_79, %sub3A_82, %div3A_55 : vector<2560x128xi1>, vector<2560x128xi32>
    %eq3A_84 = arith.cmpi eq, %select_n3A_83, %select_n3A_51 : vector<2560x128xi32>
    %jit3A_85 = arith.constant 0.000000e+00 : f32
    %broadcast_in_dim3A_86 = vector.broadcast %jit3A_85 : f32 to vector<2560x128xf32>
    %select_n3A_87 = arith.select %eq3A_84, %dot_general3A_30, %broadcast_in_dim3A_86 : vector<2560x128xi1>, vector<2560x128xf32>
    %iota3A_88 = tpu.iota {dimensions = array<i32: 0>} : vector<128x256xi32>
    %jit3A_89 = arith.constant 8 : i32
    %eq3A_90 = arith.constant 0 : i32
    %eq3A_91 = arith.cmpi eq, %jit3A_89, %eq3A_90 : i32
    %jit3A_92 = arith.constant 1 : i32
    %select_n3A_93 = arith.select %eq3A_91, %jit3A_92, %jit3A_89 : i32
    %rem3A_94 = vector.broadcast %select_n3A_93 : i32 to vector<128x256xi32>
    %rem3A_95 = arith.remsi %iota3A_88, %rem3A_94 : vector<128x256xi32>
    %ne3A_96 = arith.constant 0 : i32
    %ne3A_97 = vector.broadcast %ne3A_96 : i32 to vector<128x256xi32>
    %ne3A_98 = arith.cmpi ne, %rem3A_95, %ne3A_97 : vector<128x256xi32>
    %lt3A_99 = arith.constant 0 : i32
    %lt3A_100 = vector.broadcast %lt3A_99 : i32 to vector<128x256xi32>
    %lt3A_101 = arith.cmpi slt, %rem3A_95, %lt3A_100 : vector<128x256xi32>
    %lt3A_102 = arith.constant 0 : i32
    %lt3A_103 = arith.cmpi slt, %select_n3A_93, %lt3A_102 : i32
    %ne3A_104 = vector.broadcast %lt3A_103 : i1 to vector<128x256xi1>
    %ne3A_105 = vector.broadcast %ne3A_104 : vector<128x256xi1> to vector<128x256xi1>
    %ne3A_106 = arith.xori %lt3A_101, %ne3A_105 : vector<128x256xi1>
    %and3A_107 = arith.andi %ne3A_106, %ne3A_98 : vector<128x256xi1>
    %add3A_108 = vector.broadcast %select_n3A_93 : i32 to vector<128x256xi32>
    %add3A_109 = arith.addi %rem3A_95, %add3A_108 : vector<128x256xi32>
    %select_n3A_110 = arith.select %and3A_107, %add3A_109, %rem3A_95 : vector<128x256xi1>, vector<128x256xi32>
    %iota3A_111 = tpu.iota {dimensions = array<i32: 1>} : vector<128x256xi32>
    %jit3A_112 = arith.constant 32 : i32
    %div3A_113 = vector.broadcast %jit3A_112 : i32 to vector<128x256xi32>
    %div3A_114 = arith.divsi %iota3A_111, %div3A_113 : vector<128x256xi32>
    %sign3A_115 = arith.constant 0 : i32
    %sign3A_116 = vector.broadcast %sign3A_115 : i32 to vector<128x256xi32>
    %sign3A_117 = arith.cmpi sgt, %iota3A_111, %sign3A_116 : vector<128x256xi32>
    %sign3A_118 = arith.extui %sign3A_117 : vector<128x256xi1> to vector<128x256xi32>
    %sign3A_119 = arith.constant 0 : i32
    %sign3A_120 = vector.broadcast %sign3A_119 : i32 to vector<128x256xi32>
    %sign3A_121 = arith.cmpi slt, %iota3A_111, %sign3A_120 : vector<128x256xi32>
    %sign3A_122 = arith.extui %sign3A_121 : vector<128x256xi1> to vector<128x256xi32>
    %sign3A_123 = arith.subi %sign3A_118, %sign3A_122 : vector<128x256xi32>
    %sign3A_124 = arith.constant 0 : i32
    %sign3A_125 = arith.cmpi sgt, %jit3A_112, %sign3A_124 : i32
    %sign3A_126 = arith.extui %sign3A_125 : i1 to i32
    %sign3A_127 = arith.constant 0 : i32
    %sign3A_128 = arith.cmpi slt, %jit3A_112, %sign3A_127 : i32
    %sign3A_129 = arith.extui %sign3A_128 : i1 to i32
    %sign3A_130 = arith.subi %sign3A_126, %sign3A_129 : i32
    %ne3A_131 = vector.broadcast %sign3A_130 : i32 to vector<128x256xi32>
    %ne3A_132 = arith.cmpi ne, %sign3A_123, %ne3A_131 : vector<128x256xi32>
    %rem3A_133 = vector.broadcast %jit3A_112 : i32 to vector<128x256xi32>
    %rem3A_134 = arith.remsi %iota3A_111, %rem3A_133 : vector<128x256xi32>
    %ne3A_135 = arith.constant 0 : i32
    %ne3A_136 = vector.broadcast %ne3A_135 : i32 to vector<128x256xi32>
    %ne3A_137 = arith.cmpi ne, %rem3A_134, %ne3A_136 : vector<128x256xi32>
    %and3A_138 = arith.andi %ne3A_132, %ne3A_137 : vector<128x256xi1>
    %sub3A_139 = arith.constant 1 : i32
    %sub3A_140 = vector.broadcast %sub3A_139 : i32 to vector<128x256xi32>
    %sub3A_141 = arith.subi %div3A_114, %sub3A_140 : vector<128x256xi32>
    %select_n3A_142 = arith.select %and3A_138, %sub3A_141, %div3A_114 : vector<128x256xi1>, vector<128x256xi32>
    %eq3A_143 = arith.cmpi eq, %select_n3A_110, %select_n3A_142 : vector<128x256xi32>
    %jit3A_144 = arith.constant 1.000000e+00 : f32
    %jit3A_145 = arith.constant 0.000000e+00 : f32
    %broadcast_in_dim3A_146 = vector.broadcast %jit3A_144 : f32 to vector<128x256xf32>
    %broadcast_in_dim3A_147 = vector.broadcast %jit3A_145 : f32 to vector<128x256xf32>
    %select_n3A_148 = arith.select %eq3A_143, %broadcast_in_dim3A_146, %broadcast_in_dim3A_147 : vector<128x256xi1>, vector<128x256xf32>
    %dot_general3A_149 = arith.constant dense<0.000000e+00> : vector<2560x256xf32>
    %dot_general3A_150 = tpu.matmul %select_n3A_87, %select_n3A_148, %dot_general3A_149 {dimension_numbers = #tpu.dot_dimension_numbers<[1], [0], [0], [1], [0, 0, 1, 1], [], []>, transpose_lhs_hint = false} : vector<2560x128xf32>, vector<128x256xf32>, vector<2560x256xf32> -> vector<2560x256xf32>
    %get3A_151 = arith.constant 0 : index
    %get3A_152 = arith.constant 0 : index
    %get3A_153 = vector.load %arg1[%get3A_151, %get3A_152] : memref<2560x128xf32, #tpu.memory_space<vmem>>, vector<2560x128xf32>
    %get3A_154 = arith.constant 0 : index
    %get3A_155 = arith.constant 0 : index
    %get3A_156 = vector.load %arg2[%get3A_154, %get3A_155] : memref<2560x128xf32, #tpu.memory_space<vmem>>, vector<2560x128xf32>
    %concatenate3A = tpu.concatenate %get3A_153, %get3A_156 in 1 : vector<2560x128xf32>, vector<2560x128xf32> -> vector<2560x256xf32>
    %add3A_157 = arith.constant 1.000000e-16 : f32
    %add3A_158 = vector.broadcast %add3A_157 : f32 to vector<2560x256xf32>
    %add3A_159 = arith.addf %dot_general3A_150, %add3A_158 : vector<2560x256xf32>
    %div3A_160 = arith.divf %concatenate3A, %add3A_159 : vector<2560x256xf32>
    %iota3A_161 = tpu.iota {dimensions = array<i32: 0>} : vector<256x32xi32>
    %jit3A_162 = arith.constant 32 : i32
    %eq3A_163 = arith.constant 0 : i32
    %eq3A_164 = arith.cmpi eq, %jit3A_162, %eq3A_163 : i32
    %jit3A_165 = arith.constant 1 : i32
    %select_n3A_166 = arith.select %eq3A_164, %jit3A_165, %jit3A_162 : i32
    %rem3A_167 = vector.broadcast %select_n3A_166 : i32 to vector<256x32xi32>
    %rem3A_168 = arith.remsi %iota3A_161, %rem3A_167 : vector<256x32xi32>
    %ne3A_169 = arith.constant 0 : i32
    %ne3A_170 = vector.broadcast %ne3A_169 : i32 to vector<256x32xi32>
    %ne3A_171 = arith.cmpi ne, %rem3A_168, %ne3A_170 : vector<256x32xi32>
    %lt3A_172 = arith.constant 0 : i32
    %lt3A_173 = vector.broadcast %lt3A_172 : i32 to vector<256x32xi32>
    %lt3A_174 = arith.cmpi slt, %rem3A_168, %lt3A_173 : vector<256x32xi32>
    %lt3A_175 = arith.constant 0 : i32
    %lt3A_176 = arith.cmpi slt, %select_n3A_166, %lt3A_175 : i32
    %ne3A_177 = vector.broadcast %lt3A_176 : i1 to vector<256x32xi1>
    %ne3A_178 = vector.broadcast %ne3A_177 : vector<256x32xi1> to vector<256x32xi1>
    %ne3A_179 = arith.xori %lt3A_174, %ne3A_178 : vector<256x32xi1>
    %and3A_180 = arith.andi %ne3A_179, %ne3A_171 : vector<256x32xi1>
    %add3A_181 = vector.broadcast %select_n3A_166 : i32 to vector<256x32xi32>
    %add3A_182 = arith.addi %rem3A_168, %add3A_181 : vector<256x32xi32>
    %select_n3A_183 = arith.select %and3A_180, %add3A_182, %rem3A_168 : vector<256x32xi1>, vector<256x32xi32>
    %iota3A_184 = tpu.iota {dimensions = array<i32: 1>} : vector<256x32xi32>
    %eq3A_185 = arith.cmpi eq, %select_n3A_183, %iota3A_184 : vector<256x32xi32>
    %jit3A_186 = arith.constant 1.250000e-01 : f32
    %jit3A_187 = arith.constant 0.000000e+00 : f32
    %broadcast_in_dim3A_188 = vector.broadcast %jit3A_186 : f32 to vector<256x32xf32>
    %broadcast_in_dim3A_189 = vector.broadcast %jit3A_187 : f32 to vector<256x32xf32>
    %select_n3A_190 = arith.select %eq3A_185, %broadcast_in_dim3A_188, %broadcast_in_dim3A_189 : vector<256x32xi1>, vector<256x32xf32>
    %dot_general3A_191 = arith.constant dense<0.000000e+00> : vector<2560x32xf32>
    %dot_general3A_192 = tpu.matmul %div3A_160, %select_n3A_190, %dot_general3A_191 {dimension_numbers = #tpu.dot_dimension_numbers<[1], [0], [0], [1], [0, 0, 1, 1], [], []>, transpose_lhs_hint = false} : vector<2560x256xf32>, vector<256x32xf32>, vector<2560x32xf32> -> vector<2560x32xf32>
    %get3A_193 = arith.constant 0 : index
    %get3A_194 = arith.constant 0 : index
    %get3A_195 = vector.load %arg4[%get3A_193, %get3A_194] : memref<1x32xf32, #tpu.memory_space<vmem>>, vector<1x32xf32>
    %add3A_196 = vector.broadcast %get3A_195 : vector<1x32xf32> to vector<2560x32xf32>
    %add3A_197 = arith.addf %dot_general3A_192, %add3A_196 : vector<2560x32xf32>
    %tanh3A = math.tanh %add3A_197 : vector<2560x32xf32>
    %swap3A = arith.constant 0 : index
    %swap3A_198 = arith.constant 0 : index
    %swap3A_199 = vector.load %arg5[%swap3A, %swap3A_198] : memref<2560x32xf32, #tpu.memory_space<vmem>>, vector<2560x32xf32>
    tpu.vector_store %arg5[%swap3A, %swap3A_198], %tanh3A {strides = array<i32>} : memref<2560x32xf32, #tpu.memory_space<vmem>>, vector<2560x32xf32>,
    return
  }
  func.func @transform_0(%arg0: i32) -> (i32, i32) {
    %c0_i32 = arith.constant 0 : i32
    %c0_i32_0 = arith.constant 0 : i32
    return %arg0, %c0_i32 : i32, i32
  }
  func.func @transform_1(%arg0: i32) -> (i32, i32) {
    %c0_i32 = arith.constant 0 : i32
    %c0_i32_0 = arith.constant 0 : i32
    return %arg0, %c0_i32 : i32, i32
  }
  func.func @transform_2(%arg0: i32) -> (i32, i32) {
    %c0_i32 = arith.constant 0 : i32
    %c0_i32_0 = arith.constant 0 : i32
    return %arg0, %c0_i32 : i32, i32
  }
  func.func @transform_3(%arg0: i32) -> (i32, i32) {
    %c0_i32 = arith.constant 0 : i32
    %c0_i32_0 = arith.constant 0 : i32
    %c0_i32_1 = arith.constant 0 : i32
    return %c0_i32, %c0_i32_0 : i32, i32
  }
  func.func @transform_4(%arg0: i32) -> (i32, i32) {
    %c0_i32 = arith.constant 0 : i32
    %c0_i32_0 = arith.constant 0 : i32
    return %arg0, %c0_i32 : i32, i32
  }
}

module attributes {stable_mosaic.version = 14 : i64} {
  func.func @body(%arg0: i32, %arg1: memref<2560x32xf32, #tpu.memory_space<vmem>>, %arg2: memref<32x256xf32, #tpu.memory_space<vmem>>, %arg3: memref<32x256xf32, #tpu.memory_space<vmem>>, %arg4: memref<2560x256xf32, #tpu.memory_space<vmem>>, %arg5: memref<2560x256xf32, #tpu.memory_space<vmem>>) attributes {dimension_semantics = [#tpu.dimension_semantics<arbitrary>], iteration_bounds = array<i64: 4>, scalar_prefetch = 0 : i64, scratch_operands = 0 : i64, tpu.core_type = #tpu.core_type<tc>, window_params = [{transform_indices = @transform_0, window_bounds = array<i64: 2560, 32>}, {pipeline_mode = #tpu.pipeline_mode<synchronous>, transform_indices = @transform_1, window_bounds = array<i64: 32, 256>}, {pipeline_mode = #tpu.pipeline_mode<synchronous>, transform_indices = @transform_2, window_bounds = array<i64: 32, 256>}, {transform_indices = @transform_3, window_bounds = array<i64: 2560, 256>}, {transform_indices = @transform_4, window_bounds = array<i64: 2560, 256>}]} {
    %get3A = arith.constant 0 : index
    %get3A_0 = arith.constant 0 : index
    %get3A_1 = vector.load %arg1[%get3A, %get3A_0] : memref<2560x32xf32, #tpu.memory_space<vmem>>, vector<2560x32xf32>
    %get3A_2 = arith.constant 0 : index
    %get3A_3 = arith.constant 0 : index
    %get3A_4 = vector.load %arg2[%get3A_2, %get3A_3] : memref<32x256xf32, #tpu.memory_space<vmem>>, vector<32x256xf32>
    %dot_general3A = arith.constant dense<0.000000e+00> : vector<2560x256xf32>
    %dot_general3A_5 = tpu.matmul %get3A_1, %get3A_4, %dot_general3A {dimension_numbers = #tpu.dot_dimension_numbers<[1], [0], [0], [1], [0, 0, 1, 1], [], []>, transpose_lhs_hint = false} : vector<2560x32xf32>, vector<32x256xf32>, vector<2560x256xf32> -> vector<2560x256xf32>
    %swap3A = arith.constant 0 : index
    %swap3A_6 = arith.constant 0 : index
    %swap3A_7 = vector.load %arg4[%swap3A, %swap3A_6] : memref<2560x256xf32, #tpu.memory_space<vmem>>, vector<2560x256xf32>
    tpu.vector_store %arg4[%swap3A, %swap3A_6], %dot_general3A_5 {strides = array<i32>} : memref<2560x256xf32, #tpu.memory_space<vmem>>, vector<2560x256xf32>,
    %get3A_8 = arith.constant 0 : index
    %get3A_9 = arith.constant 0 : index
    %get3A_10 = vector.load %arg3[%get3A_8, %get3A_9] : memref<32x256xf32, #tpu.memory_space<vmem>>, vector<32x256xf32>
    %dot_general3A_11 = arith.constant dense<0.000000e+00> : vector<2560x256xf32>
    %dot_general3A_12 = tpu.matmul %get3A_1, %get3A_10, %dot_general3A_11 {dimension_numbers = #tpu.dot_dimension_numbers<[1], [0], [0], [1], [0, 0, 1, 1], [], []>, transpose_lhs_hint = false} : vector<2560x32xf32>, vector<32x256xf32>, vector<2560x256xf32> -> vector<2560x256xf32>
    %swap3A_13 = arith.constant 0 : index
    %swap3A_14 = arith.constant 0 : index
    %swap3A_15 = vector.load %arg5[%swap3A_13, %swap3A_14] : memref<2560x256xf32, #tpu.memory_space<vmem>>, vector<2560x256xf32>
    tpu.vector_store %arg5[%swap3A_13, %swap3A_14], %dot_general3A_12 {strides = array<i32>} : memref<2560x256xf32, #tpu.memory_space<vmem>>, vector<2560x256xf32>,
    return
  }
  func.func @transform_0(%arg0: i32) -> (i32, i32) {
    %c0_i32 = arith.constant 0 : i32
    %c0_i32_0 = arith.constant 0 : i32
    return %arg0, %c0_i32 : i32, i32
  }
  func.func @transform_1(%arg0: i32) -> (i32, i32) {
    %c0_i32 = arith.constant 0 : i32
    %c0_i32_0 = arith.constant 0 : i32
    %c0_i32_1 = arith.constant 0 : i32
    return %c0_i32, %c0_i32_0 : i32, i32
  }
  func.func @transform_2(%arg0: i32) -> (i32, i32) {
    %c0_i32 = arith.constant 0 : i32
    %c0_i32_0 = arith.constant 0 : i32
    %c0_i32_1 = arith.constant 0 : i32
    return %c0_i32, %c0_i32_0 : i32, i32
  }
  func.func @transform_3(%arg0: i32) -> (i32, i32) {
    %c0_i32 = arith.constant 0 : i32
    %c0_i32_0 = arith.constant 0 : i32
    return %arg0, %c0_i32 : i32, i32
  }
  func.func @transform_4(%arg0: i32) -> (i32, i32) {
    %c0_i32 = arith.constant 0 : i32
    %c0_i32_0 = arith.constant 0 : i32
    return %arg0, %c0_i32 : i32, i32
  }
}

module attributes {stable_mosaic.version = 14 : i64} {
  func.func @body(%arg0: i32, %arg1: memref<2560x128xf32, #tpu.memory_space<vmem>>, %arg2: memref<2560x128xf32, #tpu.memory_space<vmem>>, %arg3: memref<160x128xf32, #tpu.memory_space<vmem>>, %arg4: memref<1x256xf32, #tpu.memory_space<vmem>>, %arg5: memref<2560x256xf32, #tpu.memory_space<vmem>>) attributes {dimension_semantics = [#tpu.dimension_semantics<arbitrary>], iteration_bounds = array<i64: 4>, scalar_prefetch = 0 : i64, scratch_operands = 0 : i64, tpu.core_type = #tpu.core_type<tc>, window_params = [{transform_indices = @transform_0, window_bounds = array<i64: 2560, 128>}, {transform_indices = @transform_1, window_bounds = array<i64: 2560, 128>}, {transform_indices = @transform_2, window_bounds = array<i64: 160, 128>}, {pipeline_mode = #tpu.pipeline_mode<synchronous>, transform_indices = @transform_3, window_bounds = array<i64: 1, 256>}, {transform_indices = @transform_4, window_bounds = array<i64: 2560, 256>}]} {
    %iota3A = tpu.iota {dimensions = array<i32: 0>} : vector<2560x160xi32>
    %jit3A = arith.constant 16 : i32
    %div3A = vector.broadcast %jit3A : i32 to vector<2560x160xi32>
    %div3A_0 = arith.divsi %iota3A, %div3A : vector<2560x160xi32>
    %sign3A = arith.constant 0 : i32
    %sign3A_1 = vector.broadcast %sign3A : i32 to vector<2560x160xi32>
    %sign3A_2 = arith.cmpi sgt, %iota3A, %sign3A_1 : vector<2560x160xi32>
    %sign3A_3 = arith.extui %sign3A_2 : vector<2560x160xi1> to vector<2560x160xi32>
    %sign3A_4 = arith.constant 0 : i32
    %sign3A_5 = vector.broadcast %sign3A_4 : i32 to vector<2560x160xi32>
    %sign3A_6 = arith.cmpi slt, %iota3A, %sign3A_5 : vector<2560x160xi32>
    %sign3A_7 = arith.extui %sign3A_6 : vector<2560x160xi1> to vector<2560x160xi32>
    %sign3A_8 = arith.subi %sign3A_3, %sign3A_7 : vector<2560x160xi32>
    %sign3A_9 = arith.constant 0 : i32
    %sign3A_10 = arith.cmpi sgt, %jit3A, %sign3A_9 : i32
    %sign3A_11 = arith.extui %sign3A_10 : i1 to i32
    %sign3A_12 = arith.constant 0 : i32
    %sign3A_13 = arith.cmpi slt, %jit3A, %sign3A_12 : i32
    %sign3A_14 = arith.extui %sign3A_13 : i1 to i32
    %sign3A_15 = arith.subi %sign3A_11, %sign3A_14 : i32
    %ne3A = vector.broadcast %sign3A_15 : i32 to vector<2560x160xi32>
    %ne3A_16 = arith.cmpi ne, %sign3A_8, %ne3A : vector<2560x160xi32>
    %rem3A = vector.broadcast %jit3A : i32 to vector<2560x160xi32>
    %rem3A_17 = arith.remsi %iota3A, %rem3A : vector<2560x160xi32>
    %ne3A_18 = arith.constant 0 : i32
    %ne3A_19 = vector.broadcast %ne3A_18 : i32 to vector<2560x160xi32>
    %ne3A_20 = arith.cmpi ne, %rem3A_17, %ne3A_19 : vector<2560x160xi32>
    %and3A = arith.andi %ne3A_16, %ne3A_20 : vector<2560x160xi1>
    %sub3A = arith.constant 1 : i32
    %sub3A_21 = vector.broadcast %sub3A : i32 to vector<2560x160xi32>
    %sub3A_22 = arith.subi %div3A_0, %sub3A_21 : vector<2560x160xi32>
    %select_n3A = arith.select %and3A, %sub3A_22, %div3A_0 : vector<2560x160xi1>, vector<2560x160xi32>
    %iota3A_23 = tpu.iota {dimensions = array<i32: 1>} : vector<2560x160xi32>
    %eq3A = arith.cmpi eq, %select_n3A, %iota3A_23 : vector<2560x160xi32>
    %jit3A_24 = arith.constant 1.000000e+00 : f32
    %jit3A_25 = arith.constant 0.000000e+00 : f32
    %broadcast_in_dim3A = vector.broadcast %jit3A_24 : f32 to vector<2560x160xf32>
    %broadcast_in_dim3A_26 = vector.broadcast %jit3A_25 : f32 to vector<2560x160xf32>
    %select_n3A_27 = arith.select %eq3A, %broadcast_in_dim3A, %broadcast_in_dim3A_26 : vector<2560x160xi1>, vector<2560x160xf32>
    %get3A = arith.constant 0 : index
    %get3A_28 = arith.constant 0 : index
    %get3A_29 = vector.load %arg3[%get3A, %get3A_28] : memref<160x128xf32, #tpu.memory_space<vmem>>, vector<160x128xf32>
    %dot_general3A = arith.constant dense<0.000000e+00> : vector<2560x128xf32>
    %dot_general3A_30 = tpu.matmul %select_n3A_27, %get3A_29, %dot_general3A {dimension_numbers = #tpu.dot_dimension_numbers<[1], [0], [0], [1], [0, 0, 1, 1], [], []>, transpose_lhs_hint = false} : vector<2560x160xf32>, vector<160x128xf32>, vector<2560x128xf32> -> vector<2560x128xf32>
    %iota3A_31 = tpu.iota {dimensions = array<i32: 0>} : vector<2560x128xi32>
    %jit3A_32 = arith.constant 16 : i32
    %eq3A_33 = arith.constant 0 : i32
    %eq3A_34 = arith.cmpi eq, %jit3A_32, %eq3A_33 : i32
    %jit3A_35 = arith.constant 1 : i32
    %select_n3A_36 = arith.select %eq3A_34, %jit3A_35, %jit3A_32 : i32
    %rem3A_37 = vector.broadcast %select_n3A_36 : i32 to vector<2560x128xi32>
    %rem3A_38 = arith.remsi %iota3A_31, %rem3A_37 : vector<2560x128xi32>
    %ne3A_39 = arith.constant 0 : i32
    %ne3A_40 = vector.broadcast %ne3A_39 : i32 to vector<2560x128xi32>
    %ne3A_41 = arith.cmpi ne, %rem3A_38, %ne3A_40 : vector<2560x128xi32>
    %lt3A = arith.constant 0 : i32
    %lt3A_42 = vector.broadcast %lt3A : i32 to vector<2560x128xi32>
    %lt3A_43 = arith.cmpi slt, %rem3A_38, %lt3A_42 : vector<2560x128xi32>
    %lt3A_44 = arith.constant 0 : i32
    %lt3A_45 = arith.cmpi slt, %select_n3A_36, %lt3A_44 : i32
    %ne3A_46 = vector.broadcast %lt3A_45 : i1 to vector<2560x128xi1>
    %ne3A_47 = vector.broadcast %ne3A_46 : vector<2560x128xi1> to vector<2560x128xi1>
    %ne3A_48 = arith.xori %lt3A_43, %ne3A_47 : vector<2560x128xi1>
    %and3A_49 = arith.andi %ne3A_48, %ne3A_41 : vector<2560x128xi1>
    %add3A = vector.broadcast %select_n3A_36 : i32 to vector<2560x128xi32>
    %add3A_50 = arith.addi %rem3A_38, %add3A : vector<2560x128xi32>
    %select_n3A_51 = arith.select %and3A_49, %add3A_50, %rem3A_38 : vector<2560x128xi1>, vector<2560x128xi32>
    %iota3A_52 = tpu.iota {dimensions = array<i32: 1>} : vector<2560x128xi32>
    %jit3A_53 = arith.constant 8 : i32
    %div3A_54 = vector.broadcast %jit3A_53 : i32 to vector<2560x128xi32>
    %div3A_55 = arith.divsi %iota3A_52, %div3A_54 : vector<2560x128xi32>
    %sign3A_56 = arith.constant 0 : i32
    %sign3A_57 = vector.broadcast %sign3A_56 : i32 to vector<2560x128xi32>
    %sign3A_58 = arith.cmpi sgt, %iota3A_52, %sign3A_57 : vector<2560x128xi32>
    %sign3A_59 = arith.extui %sign3A_58 : vector<2560x128xi1> to vector<2560x128xi32>
    %sign3A_60 = arith.constant 0 : i32
    %sign3A_61 = vector.broadcast %sign3A_60 : i32 to vector<2560x128xi32>
    %sign3A_62 = arith.cmpi slt, %iota3A_52, %sign3A_61 : vector<2560x128xi32>
    %sign3A_63 = arith.extui %sign3A_62 : vector<2560x128xi1> to vector<2560x128xi32>
    %sign3A_64 = arith.subi %sign3A_59, %sign3A_63 : vector<2560x128xi32>
    %sign3A_65 = arith.constant 0 : i32
    %sign3A_66 = arith.cmpi sgt, %jit3A_53, %sign3A_65 : i32
    %sign3A_67 = arith.extui %sign3A_66 : i1 to i32
    %sign3A_68 = arith.constant 0 : i32
    %sign3A_69 = arith.cmpi slt, %jit3A_53, %sign3A_68 : i32
    %sign3A_70 = arith.extui %sign3A_69 : i1 to i32
    %sign3A_71 = arith.subi %sign3A_67, %sign3A_70 : i32
    %ne3A_72 = vector.broadcast %sign3A_71 : i32 to vector<2560x128xi32>
    %ne3A_73 = arith.cmpi ne, %sign3A_64, %ne3A_72 : vector<2560x128xi32>
    %rem3A_74 = vector.broadcast %jit3A_53 : i32 to vector<2560x128xi32>
    %rem3A_75 = arith.remsi %iota3A_52, %rem3A_74 : vector<2560x128xi32>
    %ne3A_76 = arith.constant 0 : i32
    %ne3A_77 = vector.broadcast %ne3A_76 : i32 to vector<2560x128xi32>
    %ne3A_78 = arith.cmpi ne, %rem3A_75, %ne3A_77 : vector<2560x128xi32>
    %and3A_79 = arith.andi %ne3A_73, %ne3A_78 : vector<2560x128xi1>
    %sub3A_80 = arith.constant 1 : i32
    %sub3A_81 = vector.broadcast %sub3A_80 : i32 to vector<2560x128xi32>
    %sub3A_82 = arith.subi %div3A_55, %sub3A_81 : vector<2560x128xi32>
    %select_n3A_83 = arith.select %and3A_79, %sub3A_82, %div3A_55 : vector<2560x128xi1>, vector<2560x128xi32>
    %eq3A_84 = arith.cmpi eq, %select_n3A_83, %select_n3A_51 : vector<2560x128xi32>
    %jit3A_85 = arith.constant 0.000000e+00 : f32
    %broadcast_in_dim3A_86 = vector.broadcast %jit3A_85 : f32 to vector<2560x128xf32>
    %select_n3A_87 = arith.select %eq3A_84, %dot_general3A_30, %broadcast_in_dim3A_86 : vector<2560x128xi1>, vector<2560x128xf32>
    %iota3A_88 = tpu.iota {dimensions = array<i32: 0>} : vector<128x256xi32>
    %jit3A_89 = arith.constant 8 : i32
    %eq3A_90 = arith.constant 0 : i32
    %eq3A_91 = arith.cmpi eq, %jit3A_89, %eq3A_90 : i32
    %jit3A_92 = arith.constant 1 : i32
    %select_n3A_93 = arith.select %eq3A_91, %jit3A_92, %jit3A_89 : i32
    %rem3A_94 = vector.broadcast %select_n3A_93 : i32 to vector<128x256xi32>
    %rem3A_95 = arith.remsi %iota3A_88, %rem3A_94 : vector<128x256xi32>
    %ne3A_96 = arith.constant 0 : i32
    %ne3A_97 = vector.broadcast %ne3A_96 : i32 to vector<128x256xi32>
    %ne3A_98 = arith.cmpi ne, %rem3A_95, %ne3A_97 : vector<128x256xi32>
    %lt3A_99 = arith.constant 0 : i32
    %lt3A_100 = vector.broadcast %lt3A_99 : i32 to vector<128x256xi32>
    %lt3A_101 = arith.cmpi slt, %rem3A_95, %lt3A_100 : vector<128x256xi32>
    %lt3A_102 = arith.constant 0 : i32
    %lt3A_103 = arith.cmpi slt, %select_n3A_93, %lt3A_102 : i32
    %ne3A_104 = vector.broadcast %lt3A_103 : i1 to vector<128x256xi1>
    %ne3A_105 = vector.broadcast %ne3A_104 : vector<128x256xi1> to vector<128x256xi1>
    %ne3A_106 = arith.xori %lt3A_101, %ne3A_105 : vector<128x256xi1>
    %and3A_107 = arith.andi %ne3A_106, %ne3A_98 : vector<128x256xi1>
    %add3A_108 = vector.broadcast %select_n3A_93 : i32 to vector<128x256xi32>
    %add3A_109 = arith.addi %rem3A_95, %add3A_108 : vector<128x256xi32>
    %select_n3A_110 = arith.select %and3A_107, %add3A_109, %rem3A_95 : vector<128x256xi1>, vector<128x256xi32>
    %iota3A_111 = tpu.iota {dimensions = array<i32: 1>} : vector<128x256xi32>
    %jit3A_112 = arith.constant 32 : i32
    %div3A_113 = vector.broadcast %jit3A_112 : i32 to vector<128x256xi32>
    %div3A_114 = arith.divsi %iota3A_111, %div3A_113 : vector<128x256xi32>
    %sign3A_115 = arith.constant 0 : i32
    %sign3A_116 = vector.broadcast %sign3A_115 : i32 to vector<128x256xi32>
    %sign3A_117 = arith.cmpi sgt, %iota3A_111, %sign3A_116 : vector<128x256xi32>
    %sign3A_118 = arith.extui %sign3A_117 : vector<128x256xi1> to vector<128x256xi32>
    %sign3A_119 = arith.constant 0 : i32
    %sign3A_120 = vector.broadcast %sign3A_119 : i32 to vector<128x256xi32>
    %sign3A_121 = arith.cmpi slt, %iota3A_111, %sign3A_120 : vector<128x256xi32>
    %sign3A_122 = arith.extui %sign3A_121 : vector<128x256xi1> to vector<128x256xi32>
    %sign3A_123 = arith.subi %sign3A_118, %sign3A_122 : vector<128x256xi32>
    %sign3A_124 = arith.constant 0 : i32
    %sign3A_125 = arith.cmpi sgt, %jit3A_112, %sign3A_124 : i32
    %sign3A_126 = arith.extui %sign3A_125 : i1 to i32
    %sign3A_127 = arith.constant 0 : i32
    %sign3A_128 = arith.cmpi slt, %jit3A_112, %sign3A_127 : i32
    %sign3A_129 = arith.extui %sign3A_128 : i1 to i32
    %sign3A_130 = arith.subi %sign3A_126, %sign3A_129 : i32
    %ne3A_131 = vector.broadcast %sign3A_130 : i32 to vector<128x256xi32>
    %ne3A_132 = arith.cmpi ne, %sign3A_123, %ne3A_131 : vector<128x256xi32>
    %rem3A_133 = vector.broadcast %jit3A_112 : i32 to vector<128x256xi32>
    %rem3A_134 = arith.remsi %iota3A_111, %rem3A_133 : vector<128x256xi32>
    %ne3A_135 = arith.constant 0 : i32
    %ne3A_136 = vector.broadcast %ne3A_135 : i32 to vector<128x256xi32>
    %ne3A_137 = arith.cmpi ne, %rem3A_134, %ne3A_136 : vector<128x256xi32>
    %and3A_138 = arith.andi %ne3A_132, %ne3A_137 : vector<128x256xi1>
    %sub3A_139 = arith.constant 1 : i32
    %sub3A_140 = vector.broadcast %sub3A_139 : i32 to vector<128x256xi32>
    %sub3A_141 = arith.subi %div3A_114, %sub3A_140 : vector<128x256xi32>
    %select_n3A_142 = arith.select %and3A_138, %sub3A_141, %div3A_114 : vector<128x256xi1>, vector<128x256xi32>
    %eq3A_143 = arith.cmpi eq, %select_n3A_110, %select_n3A_142 : vector<128x256xi32>
    %jit3A_144 = arith.constant 1.000000e+00 : f32
    %jit3A_145 = arith.constant 0.000000e+00 : f32
    %broadcast_in_dim3A_146 = vector.broadcast %jit3A_144 : f32 to vector<128x256xf32>
    %broadcast_in_dim3A_147 = vector.broadcast %jit3A_145 : f32 to vector<128x256xf32>
    %select_n3A_148 = arith.select %eq3A_143, %broadcast_in_dim3A_146, %broadcast_in_dim3A_147 : vector<128x256xi1>, vector<128x256xf32>
    %dot_general3A_149 = arith.constant dense<0.000000e+00> : vector<2560x256xf32>
    %dot_general3A_150 = tpu.matmul %select_n3A_87, %select_n3A_148, %dot_general3A_149 {dimension_numbers = #tpu.dot_dimension_numbers<[1], [0], [0], [1], [0, 0, 1, 1], [], []>, transpose_lhs_hint = false} : vector<2560x128xf32>, vector<128x256xf32>, vector<2560x256xf32> -> vector<2560x256xf32>
    %get3A_151 = arith.constant 0 : index
    %get3A_152 = arith.constant 0 : index
    %get3A_153 = vector.load %arg1[%get3A_151, %get3A_152] : memref<2560x128xf32, #tpu.memory_space<vmem>>, vector<2560x128xf32>
    %get3A_154 = arith.constant 0 : index
    %get3A_155 = arith.constant 0 : index
    %get3A_156 = vector.load %arg2[%get3A_154, %get3A_155] : memref<2560x128xf32, #tpu.memory_space<vmem>>, vector<2560x128xf32>
    %concatenate3A = tpu.concatenate %get3A_153, %get3A_156 in 1 : vector<2560x128xf32>, vector<2560x128xf32> -> vector<2560x256xf32>
    %add3A_157 = arith.constant 1.000000e-16 : f32
    %add3A_158 = vector.broadcast %add3A_157 : f32 to vector<2560x256xf32>
    %add3A_159 = arith.addf %dot_general3A_150, %add3A_158 : vector<2560x256xf32>
    %div3A_160 = arith.divf %concatenate3A, %add3A_159 : vector<2560x256xf32>
    %get3A_161 = arith.constant 0 : index
    %get3A_162 = arith.constant 0 : index
    %get3A_163 = vector.load %arg4[%get3A_161, %get3A_162] : memref<1x256xf32, #tpu.memory_space<vmem>>, vector<1x256xf32>
    %add3A_164 = vector.broadcast %get3A_163 : vector<1x256xf32> to vector<2560x256xf32>
    %add3A_165 = arith.addf %div3A_160, %add3A_164 : vector<2560x256xf32>
    %tanh3A = math.tanh %add3A_165 : vector<2560x256xf32>
    %swap3A = arith.constant 0 : index
    %swap3A_166 = arith.constant 0 : index
    %swap3A_167 = vector.load %arg5[%swap3A, %swap3A_166] : memref<2560x256xf32, #tpu.memory_space<vmem>>, vector<2560x256xf32>
    tpu.vector_store %arg5[%swap3A, %swap3A_166], %tanh3A {strides = array<i32>} : memref<2560x256xf32, #tpu.memory_space<vmem>>, vector<2560x256xf32>,
    return
  }
  func.func @transform_0(%arg0: i32) -> (i32, i32) {
    %c0_i32 = arith.constant 0 : i32
    %c0_i32_0 = arith.constant 0 : i32
    return %arg0, %c0_i32 : i32, i32
  }
  func.func @transform_1(%arg0: i32) -> (i32, i32) {
    %c0_i32 = arith.constant 0 : i32
    %c0_i32_0 = arith.constant 0 : i32
    return %arg0, %c0_i32 : i32, i32
  }
  func.func @transform_2(%arg0: i32) -> (i32, i32) {
    %c0_i32 = arith.constant 0 : i32
    %c0_i32_0 = arith.constant 0 : i32
    return %arg0, %c0_i32 : i32, i32
  }
  func.func @transform_3(%arg0: i32) -> (i32, i32) {
    %c0_i32 = arith.constant 0 : i32
    %c0_i32_0 = arith.constant 0 : i32
    %c0_i32_1 = arith.constant 0 : i32
    return %c0_i32, %c0_i32_0 : i32, i32
  }
  func.func @transform_4(%arg0: i32) -> (i32, i32) {
    %c0_i32 = arith.constant 0 : i32
    %c0_i32_0 = arith.constant 0 : i32
    return %arg0, %c0_i32 : i32, i32
  }
}

module attributes {stable_mosaic.version = 14 : i64} {
  func.func @body(%arg0: i32, %arg1: memref<2560x256xf32, #tpu.memory_space<vmem>>, %arg2: memref<256x20xf32, #tpu.memory_space<vmem>>, %arg3: memref<1x20xf32, #tpu.memory_space<vmem>>, %arg4: memref<2560x20xf32, #tpu.memory_space<vmem>>) attributes {dimension_semantics = [#tpu.dimension_semantics<arbitrary>], iteration_bounds = array<i64: 4>, scalar_prefetch = 0 : i64, scratch_operands = 0 : i64, tpu.core_type = #tpu.core_type<tc>, window_params = [{transform_indices = @transform_0, window_bounds = array<i64: 2560, 256>}, {pipeline_mode = #tpu.pipeline_mode<synchronous>, transform_indices = @transform_1, window_bounds = array<i64: 256, 20>}, {pipeline_mode = #tpu.pipeline_mode<synchronous>, transform_indices = @transform_2, window_bounds = array<i64: 1, 20>}, {transform_indices = @transform_3, window_bounds = array<i64: 2560, 20>}]} {
    %get3A = arith.constant 0 : index
    %get3A_0 = arith.constant 0 : index
    %get3A_1 = vector.load %arg1[%get3A, %get3A_0] : memref<2560x256xf32, #tpu.memory_space<vmem>>, vector<2560x256xf32>
    %get3A_2 = arith.constant 0 : index
    %get3A_3 = arith.constant 0 : index
    %get3A_4 = vector.load %arg2[%get3A_2, %get3A_3] : memref<256x20xf32, #tpu.memory_space<vmem>>, vector<256x20xf32>
    %dot_general3A = arith.constant dense<0.000000e+00> : vector<2560x20xf32>
    %dot_general3A_5 = tpu.matmul %get3A_1, %get3A_4, %dot_general3A {dimension_numbers = #tpu.dot_dimension_numbers<[1], [0], [0], [1], [0, 0, 1, 1], [], []>, transpose_lhs_hint = false} : vector<2560x256xf32>, vector<256x20xf32>, vector<2560x20xf32> -> vector<2560x20xf32>
    %get3A_6 = arith.constant 0 : index
    %get3A_7 = arith.constant 0 : index
    %get3A_8 = vector.load %arg3[%get3A_6, %get3A_7] : memref<1x20xf32, #tpu.memory_space<vmem>>, vector<1x20xf32>
    %add3A = vector.broadcast %get3A_8 : vector<1x20xf32> to vector<2560x20xf32>
    %add3A_9 = arith.addf %dot_general3A_5, %add3A : vector<2560x20xf32>
    %reduce_max3A = arith.constant dense<0xFF800000> : vector<2560xf32>
    %reduce_max3A_10 = vector.multi_reduction <maximumf>, %add3A_9, %reduce_max3A [1] : vector<2560x20xf32> to vector<2560xf32>
    %broadcast_in_dim3A = vector.shape_cast %reduce_max3A_10 : vector<2560xf32> to vector<2560x1xf32>
    %sub3A = vector.broadcast %broadcast_in_dim3A : vector<2560x1xf32> to vector<2560x20xf32>
    %sub3A_11 = arith.subf %add3A_9, %sub3A : vector<2560x20xf32>
    %exp3A = math.exp %sub3A_11 : vector<2560x20xf32>
    %reduce_sum3A = arith.constant dense<0.000000e+00> : vector<2560xf32>
    %reduce_sum3A_12 = vector.multi_reduction <add>, %exp3A, %reduce_sum3A [1] : vector<2560x20xf32> to vector<2560xf32>
    %broadcast_in_dim3A_13 = vector.shape_cast %reduce_sum3A_12 : vector<2560xf32> to vector<2560x1xf32>
    %log3A = math.log %broadcast_in_dim3A_13 : vector<2560x1xf32>
    %sub3A_14 = vector.broadcast %log3A : vector<2560x1xf32> to vector<2560x20xf32>
    %sub3A_15 = arith.subf %sub3A_11, %sub3A_14 : vector<2560x20xf32>
    %swap3A = arith.constant 0 : index
    %swap3A_16 = arith.constant 0 : index
    %swap3A_17 = vector.load %arg4[%swap3A, %swap3A_16] : memref<2560x20xf32, #tpu.memory_space<vmem>>, vector<2560x20xf32>
    tpu.vector_store %arg4[%swap3A, %swap3A_16], %sub3A_15 {strides = array<i32>} : memref<2560x20xf32, #tpu.memory_space<vmem>>, vector<2560x20xf32>,
    return
  }
  func.func @transform_0(%arg0: i32) -> (i32, i32) {
    %c0_i32 = arith.constant 0 : i32
    %c0_i32_0 = arith.constant 0 : i32
    return %arg0, %c0_i32 : i32, i32
  }
  func.func @transform_1(%arg0: i32) -> (i32, i32) {
    %c0_i32 = arith.constant 0 : i32
    %c0_i32_0 = arith.constant 0 : i32
    %c0_i32_1 = arith.constant 0 : i32
    return %c0_i32, %c0_i32_0 : i32, i32
  }
  func.func @transform_2(%arg0: i32) -> (i32, i32) {
    %c0_i32 = arith.constant 0 : i32
    %c0_i32_0 = arith.constant 0 : i32
    %c0_i32_1 = arith.constant 0 : i32
    return %c0_i32, %c0_i32_0 : i32, i32
  }
  func.func @transform_3(%arg0: i32) -> (i32, i32) {
    %c0_i32 = arith.constant 0 : i32
    %c0_i32_0 = arith.constant 0 : i32
    return %arg0, %c0_i32 : i32, i32
  }
}

</mosaic_0001>

<sc_bundles>
// kernel: kernel.18.cloned.1.call-start
scs
__scs_entry_jumppad:
0x0: {  	(pc) =	sbr.rel $0x88, $3  }
0x1: {  	(tag) =	ssettag $0x0;
	lr =	simm.s32 $0x1  }
0x2: {  	[smem:$0x3F8D] =	sst lr;
	_ =	strace $0xD0000000  }
0x3: {  	_ = 	snop  }
0x4: {  	_ = 	snop  }
0x5: {  	_ = 	snop  }
0x6: {  	_ = 	snop  }
0x7: {  	_ = 	snop  }
__scs_overlays_trampoline_lowered:
0x8: {  	[smem:$0x3F9C] =	sst s0  }
0x9: {  	[smem:$0x3F9D] =	sst s1  }
0xa: {  	[smem:$0x3F9E] =	sst s2  }
0xb: {  	[smem:$0x3F9F] =	sst s3  }
0xc: {  	[smem:$0x3FA0] =	sst s4  }
0xd: {  	[smem:$0x3FA1] =	sst s5  }
0xe: {  	[smem:$0x3FA2] =	sst s6  }
0xf: {  	[smem:$0x3FA3] =	sst s7  }
0x10: {  	[smem:$0x3FA4] =	sst s8  }
0x11: {  	[smem:$0x3FA5] =	sst s9;
	s0 =	simm.s32 @!p0 $0x0  }
0x12: {  	s1 =	sld [smem:$0x3F8B];
	s0 =	simm.s32 @p0 $0x1  }
0x13: {  	[smem:$0x3FA6] =	sst s0;
	s0 =	simm.s32 @!p1 $0x0  }
0x14: {  	s2 =	sld [smem:$0x3F8A];
	s0 =	simm.s32 @p1 $0x1  }
0x15: {  	[smem:$0x3FA7] =	sst s0;
	s0 =	simm.s32 @!p2 $0x0  }
0x16: {  	s3 =	sld [smem:$0x3FDB];
	s0 =	simm.s32 @p2 $0x1  }
0x17: {  	s4 =	simm.s32 $0x1BF5;
	[smem:$0x3FA9] =	sst s0  }
0x18: {  	s0 =	sld [smem:$0x3F8C];
	_ =	swait.ge [sflag:s4], $0x0  }
0x19: {  	s7 =	sld [smem:$0x3F8D]  }
0x1a: {  	s8 =	sadd.s32 $0xFFFFE003, lr  }
0x1b: {  	s9 =	sadd.s32 $0xFFFFFEF7, lr;
	s5 =	simm.s32 $0xFFFFFFFF;
	p2 =	slt.u32 s8, $0xFFFFF086  }
0x1c: {  	p1 =	slt.u32 s9, $0xF7A;
	s5 =	simm.s32 @!p2 $0x0  }
0x1d: {  	s5 =	simm.s32 @p1 $0x1;
	p0 =	seq.s32 s7, s2  }
0x1e: {  	s7 =	smul.u32 @!p0 $0xF7A, s2;
	p2 =	seq.s32 @!p0 s5, $0x0  }
0x1f: {  	s9 =	smul.u32 $0xF7A, s1;
	s8 =	simm.s32 @!p0 $0x1BF5;
	p2 =	por !p2, p0  }
0x20: {  	[sflag:s8] =	ssyncset.s32 @!p0 $0xFFFFF086;
	s6 =	sadd.s32 @!p0 s3, s7;
	s7 =	simm.s32 @!p0 $0x108  }
0x21: {  	s3 =	sadd.s32 s3, s9;
	s6 =	sadd.s32 @!p0 $0x88, s6;
	s7 =	simm.s32 @p2 $0x1082  }
0x22: {  	[simem:s7], [sflag:s8] =	dma.local @!p0 [hbm:s6], $0xF7A  }
0x23: {  	s9 =	sor.u32 $0xD0000000, s2;
	s6 =	simm.s32 $0x108;
	_ =	swait.ge @!p0 [sflag:s8], $0x0  }
0x24: {  	s3 =	sadd.s32 $0x88, s3;
	s6 =	simm.s32 @!p1 $0x1082;
	[sflag:s4] =	ssyncset.s32 $0xFFFFF086  }
0x25: {  	[simem:s6], [sflag:s4] =	dma.local [hbm:s3], $0xF7A  }
0x26: {  	[smem:$0x3F8D] =	sst s1;
	(tag) =	ssettag s2;
	_ =	strace s9  }
0x27: {  	s1 =	sld [smem:$0x3F9D]  }
0x28: {  	s2 =	sld [smem:$0x3F9E]  }
0x29: {  	s4 =	sld [smem:$0x3FA0]  }
0x2a: {  	p0 =	seq.s32 s5, $0x0;
	s5 =	sld [smem:$0x3FA1]  }
0x2b: {  	s6 =	sld [smem:$0x3FA2]  }
0x2c: {  	s7 =	sld [smem:$0x3FA3]  }
0x2d: {  	s3 =	simm.s32 $0x108;
	s8 =	sld [smem:$0x3FA4]  }
0x2e: {  	s3 =	simm.s32 @!p0 $0x1082;
	s9 =	sld [smem:$0x3FA5]  }
0x2f: {  	lr =	sadd.s32 s0, s3;
	s0 =	sld [smem:$0x3F9C]  }
0x30: {  	s3 =	sld [smem:$0x3F9F]  }
0x31: {  	[smem:$0x3FA8] =	sst s10  }
0x32: {  	s10 =	sld [smem:$0x3FA6];
	_ =	sdelay $0x3  }
0x33: {  	p0 =	seq.s32 s10, $0x1;
	s10 =	sld [smem:$0x3FA8];
	_ =	sdelay $0x3  }
0x34: {  	[smem:$0x3FA8] =	sst s10  }
0x35: {  	s10 =	sld [smem:$0x3FA7];
	_ =	sdelay $0x3  }
0x36: {  	p1 =	seq.s32 s10, $0x1;
	s10 =	sld [smem:$0x3FA8];
	_ =	sdelay $0x3  }
0x37: {  	[smem:$0x3FA8] =	sst s10  }
0x38: {  	s10 =	sld [smem:$0x3FA9]  }
0x39: {  	_ = 	snop;
	(pc) =	sbr.ind lr, $3  }
0x3a: {  	_ = 	snop  }
0x3b: {  	_ = 	snop  }
0x3c: {  	p2 =	seq.s32 s10, $0x1;
	s10 =	sld [smem:$0x3FA8]  }
0x3d: {  	_ =	shalt  }
0x3e: {  	_ =	shalt  }
0x3f: {  	_ =	shalt  }
0x40: {  	_ =	shalt  }
0x41: {  	_ =	shalt  }
0x42: {  	_ =	shalt  }
0x43: {  	_ =	shalt  }
0x44: {  	_ =	shalt  }
0x45: {  	_ =	shalt  }
0x46: {  	_ =	shalt  }
0x47: {  	_ =	shalt  }
0x48: {  	_ =	shalt  }
0x49: {  	_ =	shalt  }
0x4a: {  	_ =	shalt  }
0x4b: {  	_ =	shalt  }
0x4c: {  	_ =	shalt  }
0x4d: {  	_ =	shalt  }
0x4e: {  	_ =	shalt  }
0x4f: {  	_ =	shalt  }
0x50: {  	_ =	shalt  }
0x51: {  	_ =	shalt  }
0x52: {  	_ =	shalt  }
0x53: {  	_ =	shalt  }
0x54: {  	_ =	shalt  }
0x55: {  	_ =	shalt  }
0x56: {  	_ =	shalt  }
0x57: {  	_ =	shalt  }
0x58: {  	_ =	shalt  }
0x59: {  	_ =	shalt  }
0x5a: {  	_ =	shalt  }
0x5b: {  	_ =	shalt  }
0x5c: {  	_ =	shalt  }
0x5d: {  	_ =	shalt  }
0x5e: {  	_ =	shalt  }
0x5f: {  	_ =	shalt  }
0x60: {  	_ =	shalt  }
0x61: {  	_ =	shalt  }
0x62: {  	_ =	shalt  }
0x63: {  	_ =	shalt  }
0x64: {  	_ =	shalt  }
0x65: {  	_ =	shalt  }
0x66: {  	_ =	shalt  }
0x67: {  	_ =	shalt  }
0x68: {  	_ =	shalt  }
0x69: {  	_ =	shalt  }
0x6a: {  	_ =	shalt  }
0x6b: {  	_ =	shalt  }
0x6c: {  	_ =	shalt  }
0x6d: {  	_ =	shalt  }
0x6e: {  	_ =	shalt  }
0x6f: {  	_ =	shalt  }
0x70: {  	_ =	shalt  }
0x71: {  	_ =	shalt  }
0x72: {  	_ =	shalt  }
0x73: {  	_ =	shalt  }
0x74: {  	_ =	shalt  }
0x75: {  	_ =	shalt  }
0x76: {  	_ =	shalt  }
0x77: {  	_ =	shalt  }
0x78: {  	_ =	shalt  }
0x79: {  	_ =	shalt  }
0x7a: {  	_ =	shalt  }
0x7b: {  	_ =	shalt  }
0x7c: {  	_ =	shalt  }
0x7d: {  	_ =	shalt  }
0x7e: {  	_ =	shalt  }
0x7f: {  	_ =	shalt  }
0x80: {  	_ =	shalt  }
0x81: {  	_ =	shalt  }
0x82: {  	_ =	shalt  }
0x83: {  	_ =	shalt  }
0x84: {  	_ =	shalt  }
0x85: {  	_ =	shalt  }
0x86: {  	_ =	shalt  }
0x87: {  	_ =	shalt  }
.Lfunc_end0:
.L_simem_size_0:
called_computation_lowered:
.L_overlay_start_0:
0x88: {  	s2 =	sld [smem:$0x3FD9]  }
0x89: {  	s3 =	sld [smem:$0x3FFE];
	_ =	sdelay $0x1  }
0x8a: {  	s1 =	srdreg.scid  }
0x8b: {  	s0 =	sand.u32 $0x1, s1  }
0x8c: {  	s14 =	sshll.u32 s0, $0xA;
	s2 =	sadd.s32 s3, s2  }
0x8d: {  	s2 =	sadd.s32 s2, s14  }
0x8e: {  	[smem:$0x3FB4] =	sst s2  }
0x8f: {  	_ = 	snop  }
0x90: {  	s2 =	sld [smem:$0x3FD0];
	_ =	sdelay $0x2  }
0x91: {  	s15 =	simm.s32 $0xA;
	s4 =	simm.s32 $0x10  }
0x92: {  	[smem:s4], [sflag:s15] =	dma.local [hbm:s2], $0x1  }
0x93: {  	_ =	swait.eq [sflag:s15], $0x1  }
0x94: {  	[sflag:s15] =	ssyncset.done $0x0  }
0x95: {  	[sflag:s15] =	ssyncadd.s32 $0xFFFFFFFF  }
0x96: {  	s16 =	sld [smem:$0x10];
	(tm) =	ssettm $0x1  }
0x97: {  	s17 =	sld [smem:$0x3FFB];
	_ =	sdelay $0x3  }
0x98: {  	_ =	strace s17  }
0x99: {  	s3 =	sld [smem:$0x3FFC];
	_ =	sdelay $0x3  }
0x9a: {  	_ =	strace s3  }
0x9b: {  	s3 =	sld [smem:$0x3FFD];
	_ =	sdelay $0x3  }
0x9c: {  	_ =	strace s3  }
0x9d: {  	_ =	strace $0x8FFFFFFF  }
0x9e: {  	s18 =	sld [smem:$0x3FDB];
	_ =	sdelay $0x1  }
0x9f: {  	s19 =	simm.s32 $_scs_section_size  }
0xa0: {  	s5 =	simm.s32 $_size__tile_overlayer_lowered;
	s6 =	simm.s32 $_tile_overlayer_lowered  }
0xa1: {  	s22 =	simm.s32 $0x1BFF;
	s21 =	sshll.u32 s6, $0x1;
	s3 =	sadd.s32 s19, s18  }
0xa2: {  	s7 =	simm.s32 $0x0;
	s20 =	sshll.u32 s5, $0x1;
	s5 =	sadd.s32 s21, s3  }
0xa3: {  	[timem:s7], [sflag:s22] =	dma.local [hbm:s5], s20  }
0xa4: {  	_ =	swait.ge [sflag:s22], s20  }
0xa5: {  	s4 =	ssub.s32 $0x0, s20;
	[sflag:s22] =	ssyncset.done $0x0  }
0xa6: {  	[sflag:s22] =	ssyncadd.s32 s4;
	_ =	sdelay $0x1  }
0xa7: {  	s23 =	simm.s32 $0x1B8B  }
0xa8: {  	_ =	swait.ge [sflag:s23], $0x1  }
0xa9: {  	[sflag:s23] =	ssyncset.done $0x0  }
0xaa: {  	s25 =	simm.s32 $0x1B8E;
	s24 =	sld [smem:$0x3FFE];
	[sflag:s23] =	ssyncadd.s32 $0xFFFFFFFF  }
0xab: {  	s26 =	simm.s32 $execute0_lowered;
	[smem:$0x3FD2] =	sst s25  }
0xac: {  	s5 =	sshll.u32 s26, $0x1;
	_ =	strace $0x80000046;
	[dreg:$0x1] =	wrdreg $0xFFFFFFFF  }
0xad: {  	s28 =	simm.s32 $_size_execute0_lowered;
	s3 =	sadd.s32 s3, s5;
	[dreg:$0x0] =	wrdreg $0x0  }
0xae: {  	s5 =	sshll.u32 s28, $0x1;
	[dreg:$0x2] =	wrdreg s3  }
0xaf: {  	[dreg:$0x3] =	wrdreg s5  }
0xb0: {  	[dreg:$0x4] =	wrdreg $0xC0  }
0xb1: {  	_ =	task [dreg:s7], $0x5FFFF  }
0xb2: {  	[dreg:$0x1] =	wrdreg $0xFFFFFFFF  }
0xb3: {  	[dreg:$0x0] =	wrdreg $0x60  }
0xb4: {  	[dreg:$0x2] =	wrdreg s24  }
0xb5: {  	[dreg:$0x3] =	wrdreg s16  }
0xb6: {  	[dreg:$0x4] =	wrdreg $0x9  }
0xb7: {  	_ =	task.clear_ibuf [dreg:s7], $0x5FFFF;
	_ =	strace $0x90000046  }
0xb8: {  	s29 =	simm.s32 $0x9;
	_ =	strace $0x80000048  }
0xb9: {  	_ =	swait.ge [sflag:s29], $0x1  }
0xba: {  	[sflag:s29] =	ssyncadd.s32 $0xFFFFFFFF  }
0xbb: {  	_ =	strace $0x90000048  }
0xbc: {  	_ =	sfence  }
0xbd: {  	s30 =	sld [smem:$0x0];
	_ =	sdelay $0x2  }
0xbe: {  	s31 =	sshll.u32 s1, $0xD;
	s1 =	sshrl.u32 s1, $0x2  }
0xbf: {  	s3 =	sand.u32 $0x4000, s31;
	s1 =	sadd.s32 s1, s30  }
0xc0: {  	s0 =	sor.u32 s3, s0;
	s1 =	sshll.u32 s1, $0x11  }
0xc1: {  	s0 =	sor.u32 s1, s0  }
0xc2: {  	s0 =	sadd.s32 $0x8F2B, s0  }
0xc3: {  	[sflag:s0] =	ssyncadd.remote.s32 $0x1  }
0xc4: {  	_ =	sfence.sel $0xFFFF  }
0xc5: {  	[dreg:$0x0] =	wrdreg $0xFFFFFFFF;
	(pc) =	sbr.abs _section_cstart, $3  }
0xc6: {  	[dreg:$0x1] =	wrdreg $0xFFFFFFFF  }
0xc7: {  	_ =	task.clear_ibuf [dreg:s7], $0x2FFFF;
	_ =	strace $0x9FFFFFFF  }
0xc8: {  	(tm) =	ssettm $0x7FFFFFFF  }
0xc9: {  	_ =	shalt  }
tec
execute0_lowered:
.L_overlay_start_1:
0x0: {  	(tag) =	ssettag $0x1  }
0x1: {  	s5 =	rddreg [dreg:$0x0]  }
0x2: {  	s8 =	rddreg [dreg:$0x1]  }
0x3: {  	s0 =	rddreg [dreg:$0x2];
	s3 =	srdreg.scid  }
0x4: {  	s1 =	stileid.u32;
	s2 =	simm.s32 $0x0;
	s13 =	simm.s32 $0x900  }
0x5: {  	s14 =	simm.s32 $0x1100;
	s15 =	simm.s32 $0x1900;
	s16 =	simm.s32 $0x2100  }
0x6: {  	s17 =	simm.s32 $0x2900;
	s18 =	simm.s32 $0x3100;
	s19 =	simm.s32 $0x3900  }
0x7: {  	s20 =	simm.s32 $0x4100;
	s21 =	simm.s32 $0x4900;
	s22 =	simm.s32 $0x1  }
0x8: {  	s23 =	simm.s32 $0x2;
	s24 =	simm.s32 $0x0;
	s7 =	smul.u32 $0x2710, s1  }
0x9: {  	s6 =	sand.u32 $0x1, s3;
	[smem:$0x7FF] =	sst s2;
	s10 =	smul.u32 $0x4E200, s1  }
0xa: {  	s3 =	sadd.s32 $0x5D200, s5;
	s4 =	sadd.s32 $0xD200, s5;
	s9 =	smul.u32 $0x1388, s6  }
0xb: {  	_ =	strace $0x80000047;
	s11 =	ssub.s32 $0x2, s6;
	s6 =	smul.u32 $0x27100, s6  }
0xc: {  	s28 =	sadd.s32 s10, s5;
	s29 =	sshrl.u32 s11, $0x1;
	s10 =	simm.s32 $0x3  }
0xd: {  	s7 =	sadd.s32 s9, s7;
	s30 =	ssub.s32 s11, s29;
	s9 =	sadd.s32 s6, s28  }
0xe: {  	v2 =	vlaneseq.u32;
	s11 =	simm.s32 $0x80;
	s12 =	sshrl.u32 s7, $0x3;
	s6 =	sadd.s32 $0xAD200, s9  }
0xf: {  	vm0 =	vmmov $0xffff;
	v1 =	vshrl.u32 v2, $0x3;
	s7 =	sadd.s32 $0x58F200, s9;
	s31 =	sadd.s32 s12, s5;
	s5 =	smax.u32 s30, $0x1  }
0x10: {  	v0 =	vand.u32 $0x7, v2;
	v2 =	vor.u32 $0x8, v2;
	v1 =	vmul.u32 $0x8, v1;
	s8 =	sadd.s32 s12, s8;
	s12 =	simm.s32 $0x100;
	s9 =	sadd.s32 $0x8200, s31  }
.LBB2_1:
0x11: {  	s25 =	smov.u32 s7;
	s26 =	smov.u32 s6;
	s28 =	simm.s32 $0x0  }
.LBB2_2:
0x12: {  	s29 =	sadd.s32 s28, s9  }
0x13: {  	[tilespmem:s2], [sflag:$0x3] =	stream.linear.gather [hbm4b:s29+s2], $0x28, $0x38;
	[tilespmem:$0x5100] =	vst v63  }
0x14: {  	_ =	swait.ge [sflag:s10], $0x28  }
0x15: {  	[sflag:s10] =	ssyncset.done $0x0  }
0x16: {  	s31 =	sadd.s32 s28, s8;
	[sflag:s10] =	ssyncadd.s32 $0xFFFFFFD8  }
0x17: {  	[tilespmem:s11], [sflag:$0x3] =	stream.linear.gather [hbm4b:s31+s2], $0x28, $0x38;
	[tilespmem:$0x5100] =	vst v63  }
0x18: {  	_ =	swait.ge [sflag:s10], $0x28  }
0x19: {  	[sflag:s10] =	ssyncset.done $0x0  }
0x1a: {  	[sflag:s10] =	ssyncadd.s32 $0xFFFFFFD8  }
0x1b: {  	v3 =	vld [tilespmem:$0x0];
	_ =	sdelay $0x4  }
0x1c: {  	v4 =	vshll.u32 v3, $0x1  }
0x1d: {  	v3 =	vand.u32 $0x7, v3;
	v4 =	vand.u32 $0xFFFFFFF0, v4  }
0x1e: {  	v3 =	vor.u32 v3, v4  }
0x1f: {  	v4 =	vperm.xlane v3, v0;
	_ =	sdelay $0x1  }
0x20: {  	v3 =	vperm.xlane v3, v2;
	v4 =	vadd.s32 v1, v4;
	_ =	sdelay $0x1  }
0x21: {  	v3 =	vadd.s32 v1, v3;
	_ =	sdelay $0x2  }
0x22: {  	[tilespmem:s12], [sflag:$0x1] =	stream.indirect_vreg.gather [hbm4b:s3+s2], $0x80, v4, vm0, $0xb8;
	[tilespmem:$0x5100] =	vst v63  }
0x23: {  	_ = 	snop  }
0x24: {  	[tilespmem:s13], [sflag:$0x1] =	stream.indirect_vreg.gather [hbm4b:s3+s2], $0x80, v3, vm0, $0xb8;
	[tilespmem:$0x5100] =	vst v63  }
0x25: {  	v3 =	vld [tilespmem:$0x10];
	_ =	sdelay $0x4  }
0x26: {  	v59 =	vshll.u32 v3, $0x1  }
0x27: {  	v3 =	vand.u32 $0x7, v3;
	v4 =	vand.u32 $0xFFFFFFF0, v59  }
0x28: {  	v3 =	vor.u32 v3, v4  }
0x29: {  	v4 =	vperm.xlane v3, v0;
	_ =	sdelay $0x1  }
0x2a: {  	v3 =	vperm.xlane v3, v2;
	v4 =	vadd.s32 v1, v4;
	_ =	sdelay $0x1  }
0x2b: {  	v3 =	vadd.s32 v1, v3;
	_ =	sdelay $0x2  }
0x2c: {  	[tilespmem:s14], [sflag:$0x1] =	stream.indirect_vreg.gather [hbm4b:s3+s2], $0x80, v4, vm0, $0xb8;
	[tilespmem:$0x5100] =	vst v63  }
0x2d: {  	_ = 	snop  }
0x2e: {  	[tilespmem:s15], [sflag:$0x1] =	stream.indirect_vreg.gather [hbm4b:s3+s2], $0x80, v3, vm0, $0xb8;
	[tilespmem:$0x5100] =	vst v63  }
0x2f: {  	v3 =	vld.msk [tilespmem:$0x20], $0xff;
	_ =	sdelay $0x4  }
0x30: {  	v60 =	vshll.u32 v3, $0x1  }
0x31: {  	v3 =	vand.u32 $0x7, v3;
	v4 =	vand.u32 $0xFFFFFFF0, v60  }
0x32: {  	v3 =	vor.u32 v3, v4  }
0x33: {  	v3 =	vperm.xlane v3, v0;
	_ =	sdelay $0x1  }
0x34: {  	v3 =	vadd.s32 v1, v3;
	_ =	sdelay $0x4  }
0x35: {  	[tilespmem:s16], [sflag:$0x1] =	stream.indirect_vreg.gather [hbm4b:s3+s2], $0x80, v3, vm0, $0xb8;
	[tilespmem:$0x5100] =	vst v63  }
0x36: {  	v3 =	vld [tilespmem:$0x80];
	_ =	sdelay $0x4  }
0x37: {  	v61 =	vshll.u32 v3, $0x1  }
0x38: {  	v3 =	vand.u32 $0x7, v3;
	v4 =	vand.u32 $0xFFFFFFF0, v61  }
0x39: {  	v3 =	vor.u32 v3, v4  }
0x3a: {  	v4 =	vperm.xlane v3, v0;
	_ =	sdelay $0x1  }
0x3b: {  	v3 =	vperm.xlane v3, v2;
	v4 =	vadd.s32 v1, v4;
	_ =	sdelay $0x1  }
0x3c: {  	v3 =	vadd.s32 v1, v3;
	_ =	sdelay $0x2  }
0x3d: {  	[tilespmem:s17], [sflag:$0x2] =	stream.indirect_vreg.gather [hbm4b:s4+s2], $0x80, v4, vm0, $0xb8;
	[tilespmem:$0x5100] =	vst v63  }
0x3e: {  	_ = 	snop  }
0x3f: {  	[tilespmem:s18], [sflag:$0x2] =	stream.indirect_vreg.gather [hbm4b:s4+s2], $0x80, v3, vm0, $0xb8;
	[tilespmem:$0x5100] =	vst v63  }
0x40: {  	v3 =	vld [tilespmem:$0x90];
	_ =	sdelay $0x4  }
0x41: {  	v62 =	vshll.u32 v3, $0x1  }
0x42: {  	v3 =	vand.u32 $0x7, v3;
	v4 =	vand.u32 $0xFFFFFFF0, v62  }
0x43: {  	v3 =	vor.u32 v3, v4  }
0x44: {  	v4 =	vperm.xlane v3, v0;
	_ =	sdelay $0x1  }
0x45: {  	v3 =	vperm.xlane v3, v2;
	v4 =	vadd.s32 v1, v4;
	_ =	sdelay $0x1  }
0x46: {  	v3 =	vadd.s32 v1, v3;
	_ =	sdelay $0x2  }
0x47: {  	[tilespmem:s19], [sflag:$0x2] =	stream.indirect_vreg.gather [hbm4b:s4+s2], $0x80, v4, vm0, $0xb8;
	[tilespmem:$0x5100] =	vst v63  }
0x48: {  	_ = 	snop  }
0x49: {  	[tilespmem:s20], [sflag:$0x2] =	stream.indirect_vreg.gather [hbm4b:s4+s2], $0x80, v3, vm0, $0xb8;
	[tilespmem:$0x5100] =	vst v63  }
0x4a: {  	v3 =	vld.msk [tilespmem:$0xA0], $0xff;
	_ =	sdelay $0x4  }
0x4b: {  	v63 =	vshll.u32 v3, $0x1  }
0x4c: {  	v3 =	vand.u32 $0x7, v3;
	v4 =	vand.u32 $0xFFFFFFF0, v63  }
0x4d: {  	v3 =	vor.u32 v3, v4  }
0x4e: {  	v3 =	vperm.xlane v3, v0;
	_ =	sdelay $0x1  }
0x4f: {  	v3 =	vadd.s32 v1, v3;
	_ =	sdelay $0x4  }
0x50: {  	[tilespmem:s21], [sflag:$0x2] =	stream.indirect_vreg.gather [hbm4b:s4+s2], $0x80, v3, vm0, $0xb8;
	[tilespmem:$0x5100] =	vst v63  }
0x51: {  	_ =	swait.ge [sflag:s22], $0x2800  }
0x52: {  	[sflag:s22] =	ssyncset.done $0x0  }
0x53: {  	[sflag:s22] =	ssyncadd.s32 $0xFFFFD800  }
0x54: {  	_ =	swait.ge [sflag:s23], $0x2800  }
0x55: {  	[sflag:s23] =	ssyncset.done $0x0  }
0x56: {  	[sflag:s23] =	ssyncadd.s32 $0xFFFFD800  }
0x57: {  	[hbm4b:s26+s2] =	stream.linear.scatter [tilespmem:s12], [sflag:$0x3], $0x2800, $0x38;
	[tilespmem:$0x5100] =	vst v63  }
0x58: {  	_ =	swait.ge [sflag:s10], $0x2800  }
0x59: {  	p0 =	sne.s32 s28, $0x26C;
	[sflag:s10] =	ssyncset.done $0x0  }
.Ltmp0:
0x5a: {  	[sflag:s10] =	ssyncadd.s32 $0xFFFFD800;
	(pc) =	sbr.rel @p0 .LBB2_2-.Ltmp0, $4  }
0x5b: {  	[hbm4b:s25+s2] =	stream.linear.scatter [tilespmem:s17], [sflag:$0x3], $0x2800, $0x38;
	[tilespmem:$0x5100] =	vst v63  }
0x5c: {  	_ =	swait.ge [sflag:s10], $0x2800  }
0x5d: {  	s28 =	sadd.s32 $0x5, s28;
	[sflag:s10] =	ssyncset.done $0x0  }
0x5e: {  	s26 =	sadd.s32 $0x500, s26;
	s25 =	sadd.s32 $0x500, s25;
	[sflag:s10] =	ssyncadd.s32 $0xFFFFD800  }
0x5f: {  	s24 =	sadd.s32 $0x1, s24  }
0x60: {  	p0 =	sne.s32 s24, s5  }
.Ltmp1:
0x61: {  	_ = 	snop;
	(pc) =	sbr.rel @p0 .LBB2_1-.Ltmp1, $1  }
0x62: {  	_ =	sdelay $0x3  }
0x63: {  	_ =	sfence.sel $0x180000  }
0x64: {  	[bflag:$0x0] =	sbarrier.arrive $0xFFFF  }
0x65: {  	p0 =	sne.s32 s1, $0x0;
	_ =	strace $0x90000047  }
0x66: {  	s0 =	sadd.s32 @!p0 $0x100000, s0;
	[bflag:$0x2] =	sbarrier.arrive $0xFFFF  }
0x67: {  	[sflag:s0] =	ssyncadd.tile.s32 @!p0 $0x1;
	_ =	shalt  }
.Lfunc_end2:
_tile_overlayer_lowered:
.L_overlay_start_2:
0x68: {  	(tag) =	ssettag $0x2  }
0x69: {  	s0 =	rddreg [dreg:$0x0];
	s2 =	stileid.u32  }
0x6a: {  	s1 =	rddreg [dreg:$0x1];
	p0 =	sne.s32 s2, $0x0  }
0x6b: {  	s3 =	rddreg [dreg:$0x2];
	[bflag:$0x3] =	sbarrier.arrive $0xFFFF;
	s2 =	simm.s32 @!p0 $0x1C03  }
0x6c: {  	[timem:s3], [sflag:s2] =	dma.local @!p0 [hbm:s0], s1  }
0x6d: {  	s0 =	simm.s32 @!p0 $0x3  }
0x6e: {  	_ =	swait.ge @!p0 [sflag:s0], s1  }
0x6f: {  	s1 =	ssub.s32 @!p0 $0x0, s1;
	[sflag:s0] =	ssyncset.done @!p0 $0x0  }
0x70: {  	[sflag:s0] =	ssyncadd.s32 @!p0 s1  }
0x71: {  	[bflag:$0x3] =	sbarrier.arrive $0xFFFF  }
0x72: {  	_ =	shalt  }

// kernel: kernel.21.cloned.1.call-start
scs
__scs_entry_jumppad:
0x0: {  	(pc) =	sbr.rel $0x88, $3  }
0x1: {  	(tag) =	ssettag $0x0;
	lr =	simm.s32 $0x1  }
0x2: {  	[smem:$0x3F8D] =	sst lr;
	_ =	strace $0xD0000000  }
0x3: {  	_ = 	snop  }
0x4: {  	_ = 	snop  }
0x5: {  	_ = 	snop  }
0x6: {  	_ = 	snop  }
0x7: {  	_ = 	snop  }
__scs_overlays_trampoline_lowered:
0x8: {  	[smem:$0x3F9C] =	sst s0  }
0x9: {  	[smem:$0x3F9D] =	sst s1  }
0xa: {  	[smem:$0x3F9E] =	sst s2  }
0xb: {  	[smem:$0x3F9F] =	sst s3  }
0xc: {  	[smem:$0x3FA0] =	sst s4  }
0xd: {  	[smem:$0x3FA1] =	sst s5  }
0xe: {  	[smem:$0x3FA2] =	sst s6  }
0xf: {  	[smem:$0x3FA3] =	sst s7  }
0x10: {  	[smem:$0x3FA4] =	sst s8  }
0x11: {  	[smem:$0x3FA5] =	sst s9;
	s0 =	simm.s32 @!p0 $0x0  }
0x12: {  	s1 =	sld [smem:$0x3F8B];
	s0 =	simm.s32 @p0 $0x1  }
0x13: {  	[smem:$0x3FA6] =	sst s0;
	s0 =	simm.s32 @!p1 $0x0  }
0x14: {  	s2 =	sld [smem:$0x3F8A];
	s0 =	simm.s32 @p1 $0x1  }
0x15: {  	[smem:$0x3FA7] =	sst s0;
	s0 =	simm.s32 @!p2 $0x0  }
0x16: {  	s3 =	sld [smem:$0x3FDB];
	s0 =	simm.s32 @p2 $0x1  }
0x17: {  	s4 =	simm.s32 $0x1BF5;
	[smem:$0x3FA9] =	sst s0  }
0x18: {  	s0 =	sld [smem:$0x3F8C];
	_ =	swait.ge [sflag:s4], $0x0  }
0x19: {  	s7 =	sld [smem:$0x3F8D]  }
0x1a: {  	s8 =	sadd.s32 $0xFFFFE003, lr  }
0x1b: {  	s9 =	sadd.s32 $0xFFFFFEF7, lr;
	s5 =	simm.s32 $0xFFFFFFFF;
	p2 =	slt.u32 s8, $0xFFFFF086  }
0x1c: {  	p1 =	slt.u32 s9, $0xF7A;
	s5 =	simm.s32 @!p2 $0x0  }
0x1d: {  	s5 =	simm.s32 @p1 $0x1;
	p0 =	seq.s32 s7, s2  }
0x1e: {  	s7 =	smul.u32 @!p0 $0xF7A, s2;
	p2 =	seq.s32 @!p0 s5, $0x0  }
0x1f: {  	s9 =	smul.u32 $0xF7A, s1;
	s8 =	simm.s32 @!p0 $0x1BF5;
	p2 =	por !p2, p0  }
0x20: {  	[sflag:s8] =	ssyncset.s32 @!p0 $0xFFFFF086;
	s6 =	sadd.s32 @!p0 s3, s7;
	s7 =	simm.s32 @!p0 $0x108  }
0x21: {  	s3 =	sadd.s32 s3, s9;
	s6 =	sadd.s32 @!p0 $0x88, s6;
	s7 =	simm.s32 @p2 $0x1082  }
0x22: {  	[simem:s7], [sflag:s8] =	dma.local @!p0 [hbm:s6], $0xF7A  }
0x23: {  	s9 =	sor.u32 $0xD0000000, s2;
	s6 =	simm.s32 $0x108;
	_ =	swait.ge @!p0 [sflag:s8], $0x0  }
0x24: {  	s3 =	sadd.s32 $0x88, s3;
	s6 =	simm.s32 @!p1 $0x1082;
	[sflag:s4] =	ssyncset.s32 $0xFFFFF086  }
0x25: {  	[simem:s6], [sflag:s4] =	dma.local [hbm:s3], $0xF7A  }
0x26: {  	[smem:$0x3F8D] =	sst s1;
	(tag) =	ssettag s2;
	_ =	strace s9  }
0x27: {  	s1 =	sld [smem:$0x3F9D]  }
0x28: {  	s2 =	sld [smem:$0x3F9E]  }
0x29: {  	s4 =	sld [smem:$0x3FA0]  }
0x2a: {  	p0 =	seq.s32 s5, $0x0;
	s5 =	sld [smem:$0x3FA1]  }
0x2b: {  	s6 =	sld [smem:$0x3FA2]  }
0x2c: {  	s7 =	sld [smem:$0x3FA3]  }
0x2d: {  	s3 =	simm.s32 $0x108;
	s8 =	sld [smem:$0x3FA4]  }
0x2e: {  	s3 =	simm.s32 @!p0 $0x1082;
	s9 =	sld [smem:$0x3FA5]  }
0x2f: {  	lr =	sadd.s32 s0, s3;
	s0 =	sld [smem:$0x3F9C]  }
0x30: {  	s3 =	sld [smem:$0x3F9F]  }
0x31: {  	[smem:$0x3FA8] =	sst s10  }
0x32: {  	s10 =	sld [smem:$0x3FA6];
	_ =	sdelay $0x3  }
0x33: {  	p0 =	seq.s32 s10, $0x1;
	s10 =	sld [smem:$0x3FA8];
	_ =	sdelay $0x3  }
0x34: {  	[smem:$0x3FA8] =	sst s10  }
0x35: {  	s10 =	sld [smem:$0x3FA7];
	_ =	sdelay $0x3  }
0x36: {  	p1 =	seq.s32 s10, $0x1;
	s10 =	sld [smem:$0x3FA8];
	_ =	sdelay $0x3  }
0x37: {  	[smem:$0x3FA8] =	sst s10  }
0x38: {  	s10 =	sld [smem:$0x3FA9]  }
0x39: {  	_ = 	snop;
	(pc) =	sbr.ind lr, $3  }
0x3a: {  	_ = 	snop  }
0x3b: {  	_ = 	snop  }
0x3c: {  	p2 =	seq.s32 s10, $0x1;
	s10 =	sld [smem:$0x3FA8]  }
0x3d: {  	_ =	shalt  }
0x3e: {  	_ =	shalt  }
0x3f: {  	_ =	shalt  }
0x40: {  	_ =	shalt  }
0x41: {  	_ =	shalt  }
0x42: {  	_ =	shalt  }
0x43: {  	_ =	shalt  }
0x44: {  	_ =	shalt  }
0x45: {  	_ =	shalt  }
0x46: {  	_ =	shalt  }
0x47: {  	_ =	shalt  }
0x48: {  	_ =	shalt  }
0x49: {  	_ =	shalt  }
0x4a: {  	_ =	shalt  }
0x4b: {  	_ =	shalt  }
0x4c: {  	_ =	shalt  }
0x4d: {  	_ =	shalt  }
0x4e: {  	_ =	shalt  }
0x4f: {  	_ =	shalt  }
0x50: {  	_ =	shalt  }
0x51: {  	_ =	shalt  }
0x52: {  	_ =	shalt  }
0x53: {  	_ =	shalt  }
0x54: {  	_ =	shalt  }
0x55: {  	_ =	shalt  }
0x56: {  	_ =	shalt  }
0x57: {  	_ =	shalt  }
0x58: {  	_ =	shalt  }
0x59: {  	_ =	shalt  }
0x5a: {  	_ =	shalt  }
0x5b: {  	_ =	shalt  }
0x5c: {  	_ =	shalt  }
0x5d: {  	_ =	shalt  }
0x5e: {  	_ =	shalt  }
0x5f: {  	_ =	shalt  }
0x60: {  	_ =	shalt  }
0x61: {  	_ =	shalt  }
0x62: {  	_ =	shalt  }
0x63: {  	_ =	shalt  }
0x64: {  	_ =	shalt  }
0x65: {  	_ =	shalt  }
0x66: {  	_ =	shalt  }
0x67: {  	_ =	shalt  }
0x68: {  	_ =	shalt  }
0x69: {  	_ =	shalt  }
0x6a: {  	_ =	shalt  }
0x6b: {  	_ =	shalt  }
0x6c: {  	_ =	shalt  }
0x6d: {  	_ =	shalt  }
0x6e: {  	_ =	shalt  }
0x6f: {  	_ =	shalt  }
0x70: {  	_ =	shalt  }
0x71: {  	_ =	shalt  }
0x72: {  	_ =	shalt  }
0x73: {  	_ =	shalt  }
0x74: {  	_ =	shalt  }
0x75: {  	_ =	shalt  }
0x76: {  	_ =	shalt  }
0x77: {  	_ =	shalt  }
0x78: {  	_ =	shalt  }
0x79: {  	_ =	shalt  }
0x7a: {  	_ =	shalt  }
0x7b: {  	_ =	shalt  }
0x7c: {  	_ =	shalt  }
0x7d: {  	_ =	shalt  }
0x7e: {  	_ =	shalt  }
0x7f: {  	_ =	shalt  }
0x80: {  	_ =	shalt  }
0x81: {  	_ =	shalt  }
0x82: {  	_ =	shalt  }
0x83: {  	_ =	shalt  }
0x84: {  	_ =	shalt  }
0x85: {  	_ =	shalt  }
0x86: {  	_ =	shalt  }
0x87: {  	_ =	shalt  }
.Lfunc_end0:
.L_simem_size_0:
called_computation.1_lowered:
.L_overlay_start_0:
0x88: {  	s2 =	sld [smem:$0x3FD9]  }
0x89: {  	s3 =	sld [smem:$0x3FFE];
	_ =	sdelay $0x1  }
0x8a: {  	s1 =	srdreg.scid  }
0x8b: {  	s0 =	sand.u32 $0x1, s1  }
0x8c: {  	s14 =	sshll.u32 s0, $0xA;
	s2 =	sadd.s32 s3, s2  }
0x8d: {  	s2 =	sadd.s32 s2, s14  }
0x8e: {  	[smem:$0x3FB4] =	sst s2  }
0x8f: {  	_ = 	snop  }
0x90: {  	s2 =	sld [smem:$0x3FD0];
	_ =	sdelay $0x2  }
0x91: {  	s15 =	simm.s32 $0xA;
	s4 =	simm.s32 $0x10  }
0x92: {  	[smem:s4], [sflag:s15] =	dma.local [hbm:s2], $0x1  }
0x93: {  	_ =	swait.eq [sflag:s15], $0x1  }
0x94: {  	[sflag:s15] =	ssyncset.done $0x0  }
0x95: {  	[sflag:s15] =	ssyncadd.s32 $0xFFFFFFFF  }
0x96: {  	s16 =	sld [smem:$0x11];
	(tm) =	ssettm $0x1  }
0x97: {  	s17 =	sld [smem:$0x3FFB];
	_ =	sdelay $0x3  }
0x98: {  	_ =	strace s17  }
0x99: {  	s3 =	sld [smem:$0x3FFC];
	_ =	sdelay $0x3  }
0x9a: {  	_ =	strace s3  }
0x9b: {  	s3 =	sld [smem:$0x3FFD];
	_ =	sdelay $0x3  }
0x9c: {  	_ =	strace s3  }
0x9d: {  	_ =	strace $0x8FFFFFFF  }
0x9e: {  	s18 =	sld [smem:$0x3FDB];
	_ =	sdelay $0x1  }
0x9f: {  	s19 =	simm.s32 $_scs_section_size  }
0xa0: {  	s5 =	simm.s32 $_size__tile_overlayer_lowered;
	s6 =	simm.s32 $_tile_overlayer_lowered  }
0xa1: {  	s22 =	simm.s32 $0x1BFF;
	s21 =	sshll.u32 s6, $0x1;
	s3 =	sadd.s32 s19, s18  }
0xa2: {  	s7 =	simm.s32 $0x0;
	s20 =	sshll.u32 s5, $0x1;
	s5 =	sadd.s32 s21, s3  }
0xa3: {  	[timem:s7], [sflag:s22] =	dma.local [hbm:s5], s20  }
0xa4: {  	_ =	swait.ge [sflag:s22], s20  }
0xa5: {  	s4 =	ssub.s32 $0x0, s20;
	[sflag:s22] =	ssyncset.done $0x0  }
0xa6: {  	[sflag:s22] =	ssyncadd.s32 s4;
	_ =	sdelay $0x1  }
0xa7: {  	s23 =	simm.s32 $0x1B8B  }
0xa8: {  	_ =	swait.ge [sflag:s23], $0x1  }
0xa9: {  	[sflag:s23] =	ssyncset.done $0x0  }
0xaa: {  	s25 =	simm.s32 $0x1B8E;
	s24 =	sld [smem:$0x3FFE];
	[sflag:s23] =	ssyncadd.s32 $0xFFFFFFFF  }
0xab: {  	s26 =	simm.s32 $execute0_lowered;
	[smem:$0x3FD2] =	sst s25  }
0xac: {  	s5 =	sshll.u32 s26, $0x1;
	_ =	strace $0x80000049;
	[dreg:$0x1] =	wrdreg $0xFFFFFFFF  }
0xad: {  	s28 =	simm.s32 $_size_execute0_lowered;
	s3 =	sadd.s32 s3, s5;
	[dreg:$0x0] =	wrdreg $0x0  }
0xae: {  	s5 =	sshll.u32 s28, $0x1;
	[dreg:$0x2] =	wrdreg s3  }
0xaf: {  	[dreg:$0x3] =	wrdreg s5  }
0xb0: {  	[dreg:$0x4] =	wrdreg $0xC0  }
0xb1: {  	_ =	task [dreg:s7], $0x5FFFF  }
0xb2: {  	[dreg:$0x1] =	wrdreg $0xFFFFFFFF  }
0xb3: {  	[dreg:$0x0] =	wrdreg $0x60  }
0xb4: {  	[dreg:$0x2] =	wrdreg s24  }
0xb5: {  	[dreg:$0x3] =	wrdreg s16  }
0xb6: {  	[dreg:$0x4] =	wrdreg $0x79800  }
0xb7: {  	[dreg:$0x5] =	wrdreg $0x119800  }
0xb8: {  	[dreg:$0x6] =	wrdreg $0x1B9800  }
0xb9: {  	[dreg:$0x7] =	wrdreg $0x9  }
0xba: {  	_ =	task.clear_ibuf [dreg:s7], $0x8FFFF;
	_ =	strace $0x90000049  }
0xbb: {  	s29 =	simm.s32 $0x9;
	_ =	strace $0x8000004B  }
0xbc: {  	_ =	swait.ge [sflag:s29], $0x1  }
0xbd: {  	[sflag:s29] =	ssyncadd.s32 $0xFFFFFFFF  }
0xbe: {  	_ =	strace $0x9000004B  }
0xbf: {  	_ =	sfence  }
0xc0: {  	s30 =	sld [smem:$0x0];
	_ =	sdelay $0x2  }
0xc1: {  	s31 =	sshll.u32 s1, $0xD;
	s1 =	sshrl.u32 s1, $0x2  }
0xc2: {  	s3 =	sand.u32 $0x4000, s31;
	s1 =	sadd.s32 s1, s30  }
0xc3: {  	s0 =	sor.u32 s3, s0;
	s1 =	sshll.u32 s1, $0x11  }
0xc4: {  	s0 =	sor.u32 s1, s0  }
0xc5: {  	s0 =	sadd.s32 $0x8F2B, s0  }
0xc6: {  	[sflag:s0] =	ssyncadd.remote.s32 $0x1  }
0xc7: {  	_ =	sfence.sel $0xFFFF  }
0xc8: {  	[dreg:$0x0] =	wrdreg $0xFFFFFFFF;
	(pc) =	sbr.abs _section_cstart, $3  }
0xc9: {  	[dreg:$0x1] =	wrdreg $0xFFFFFFFF  }
0xca: {  	_ =	task.clear_ibuf [dreg:s7], $0x2FFFF;
	_ =	strace $0x9FFFFFFF  }
0xcb: {  	(tm) =	ssettm $0x7FFFFFFF  }
tec
execute0_lowered:
.L_overlay_start_1:
0x0: {  	(tag) =	ssettag $0x1  }
0x1: {  	s0 =	rddreg [dreg:$0x0]  }
0x2: {  	s2 =	rddreg [dreg:$0x1]  }
0x3: {  	s1 =	rddreg [dreg:$0x2]  }
0x4: {  	s3 =	rddreg [dreg:$0x3]  }
0x5: {  	s4 =	rddreg [dreg:$0x4];
	s6 =	srdreg.scid  }
0x6: {  	s20 =	stileid.u32;
	s5 =	simm.s32 $0x0;
	s28 =	simm.s32 $0x5180  }
0x7: {  	s29 =	simm.s32 $0x1;
	s30 =	simm.s32 $0x2;
	s8 =	smul.u32 $0x2710, s20  }
0x8: {  	s31 =	simm.s32 $0x3;
	s10 =	sand.u32 $0x1, s6;
	s11 =	smul.u32 $0x4E2, s20  }
0x9: {  	[smem:$0x7FF] =	sst s5;
	s6 =	sadd.s32 $0xF66E00, s0;
	s12 =	smul.u32 $0xA000, s20  }
0xa: {  	s7 =	sadd.s32 $0x11D7E00, s0;
	s15 =	sshll.u32 s20, $0xC;
	s9 =	smul.u32 $0x27100, s10  }
0xb: {  	s23 =	sshll.u32 s20, $0x6;
	p0 =	sgt.u32 s20, $0x9;
	s13 =	smul.u32 $0xA0000, s10  }
0xc: {  	s20 =	simm.s32 $0x4;
	_ =	strace $0x8000004A;
	s14 =	smul.u32 $0xA000, s10  }
0xd: {  	s10 =	ssub.s32 $0x2, s10;
	s24 =	sadd.s32 s15, s4;
	s11 =	sadd.s32 s11, s0  }
0xe: {  	s22 =	sshrl.u32 s10, $0x1;
	s19 =	sadd.s32 s12, s1;
	[dreg:$0x6] =	wrdreg s24  }
0xf: {  	s24 =	simm.s32 $0x50;
	s9 =	sadd.s32 s8, s9;
	s8 =	sadd.s32 $0x1448E00, s0  }
0x10: {  	s13 =	sadd.s32 s12, s13;
	s14 =	sadd.s32 s15, s14;
	s17 =	ssub.s32 s10, s22  }
0x11: {  	s10 =	sor.u32 $0x1C04, s23;
	s12 =	sadd.s32 s12, s3;
	s19 =	sshrl.u32 s19, $0x3  }
0x12: {  	s22 =	simm.s32 $0x80;
	s23 =	simm.s32 $0x100;
	s9 =	sshrl.u32 s9, $0x3  }
0x13: {  	s13 =	sshrl.u32 s13, $0x3;
	s14 =	sshrl.u32 s14, $0x3;
	s26 =	smax.u32 s17, $0x1  }
0x14: {  	s21 =	sshrl.u32 s12, $0x3;
	s18 =	sadd.s32 s9, s0;
	s9 =	sadd.s32 $0x12200, s0  }
0x15: {  	s16 =	sadd.s32 s13, s0;
	s2 =	sadd.s32 s2, s13;
	[dreg:$0xa] =	wrdreg s26  }
0x16: {  	s0 =	sadd.s32 s14, s0;
	s26 =	simm.s32 $0x2980;
	[dreg:$0x7] =	wrdreg s2  }
0x17: {  	s25 =	sadd.s32 $0x13600, s16;
	s0 =	sadd.s32 $0x3B600, s0;
	s16 =	sadd.s32 $0xD200, s11  }
0x18: {  	s17 =	sadd.s32 $0xF5D000, s18;
	s18 =	sadd.s32 $0xF53200, s18;
	[dreg:$0x8] =	wrdreg s25  }
0x19: {  	[dreg:$0x9] =	wrdreg s0;
	s25 =	simm.s32 $0x180;
	s0 =	simm.s32 $0x0  }
.LBB2_1:
0x1a: {  	[spmem:s19], [sflag:s10] =	dma.local [hbm:s9], $0x1400  }
0x1b: {  	_ =	swait.ge [sflag:s20], $0x1400  }
0x1c: {  	[sflag:s20] =	ssyncset.done $0x0  }
0x1d: {  	[sflag:s20] =	ssyncadd.s32 $0xFFFFEC00  }
0x1e: {  	[spmem:s21], [sflag:s10] =	dma.local [hbm:s9], $0x1400  }
0x1f: {  	_ =	swait.ge [sflag:s20], $0x1400  }
0x20: {  	[sflag:s20] =	ssyncset.done $0x0;
	s2 =	rddreg [dreg:$0x6]  }
0x21: {  	s11 =	simm.s32 @!p0 $0x4;
	[sflag:s20] =	ssyncadd.s32 $0xFFFFEC00;
	s2 =	sshrl.u32 @!p0 s2, $0x3  }
0x22: {  	[spmem:s2], [sflag:s10] =	dma.local @!p0 [hbm:s9], $0x200  }
0x23: {  	_ =	swait.ge @!p0 [sflag:s11], $0x200  }
0x24: {  	[sflag:s11] =	ssyncset.done @!p0 $0x0  }
0x25: {  	[sflag:s11] =	ssyncadd.s32 @!p0 $0xFFFFFE00  }
0x26: {  	s13 =	sadd.s32 $0x0, s18;
	[bflag:$0x0] =	sbarrier.arrive $0xFFFF  }
0x27: {  	[tilespmem:s5], [sflag:$0x4] =	stream.linear.gather [hbm4b:s13+s5], $0x50, $0x38;
	[tilespmem:$0x1C380] =	vst v63  }
0x28: {  	_ =	swait.ge [sflag:s20], $0x50  }
0x29: {  	[sflag:s20] =	ssyncset.done $0x0  }
0x2a: {  	s14 =	sadd.s32 $0x0, s17;
	[sflag:s20] =	ssyncadd.s32 $0xFFFFFFB0  }
0x2b: {  	[tilespmem:s22], [sflag:$0x4] =	stream.linear.gather [hbm4b:s14+s5], $0x50, $0x38;
	[tilespmem:$0x1C380] =	vst v63  }
0x2c: {  	_ =	swait.ge [sflag:s20], $0x50  }
0x2d: {  	[sflag:s20] =	ssyncset.done $0x0  }
0x2e: {  	s15 =	sadd.s32 $0x0, s16;
	[sflag:s20] =	ssyncadd.s32 $0xFFFFFFB0  }
0x2f: {  	[tilespmem:s23], [sflag:$0x4] =	stream.linear.gather [hbm4b:s15+s5], $0x50, $0x38;
	[tilespmem:$0x1C380] =	vst v63  }
0x30: {  	_ =	swait.ge [sflag:s20], $0x50  }
0x31: {  	[sflag:s20] =	ssyncset.done $0x0  }
0x32: {  	[sflag:s20] =	ssyncadd.s32 $0xFFFFFFB0  }
0x33: {  	[tilespmem:s25], [sflag:$0x1] =	stream.indirect.gather [hbm4b:s6+s24], $0x80, s23, s24, $0xb8;
	[tilespmem:$0x1C380] =	vst v63  }
0x34: {  	_ = 	snop  }
0x35: {  	[tilespmem:s26], [sflag:$0x2] =	stream.indirect.gather [hbm4b:s7+s24], $0x80, s23, s24, $0xb8;
	[tilespmem:$0x1C380] =	vst v63  }
0x36: {  	_ = 	snop  }
0x37: {  	[tilespmem:s28], [sflag:$0x3] =	stream.indirect.gather [hbm4b:s8+s24], $0x80, s23, s24, $0xb8;
	[tilespmem:$0x1C380] =	vst v63  }
0x38: {  	_ =	swait.ge [sflag:s29], $0x2800  }
0x39: {  	[sflag:s29] =	ssyncset.done $0x0  }
0x3a: {  	[sflag:s29] =	ssyncadd.s32 $0xFFFFD800  }
0x3b: {  	_ =	swait.ge [sflag:s30], $0x2800  }
0x3c: {  	[sflag:s30] =	ssyncset.done $0x0  }
0x3d: {  	[sflag:s30] =	ssyncadd.s32 $0xFFFFD800  }
0x3e: {  	_ =	swait.ge [sflag:s31], $0x2800  }
0x3f: {  	[sflag:s31] =	ssyncset.done $0x0  }
0x40: {  	[sflag:s31] =	ssyncadd.s32 $0xFFFFD800  }
0x41: {  	[spmem:s1] =	stream.indirect.scatter.add.f32 [tilespmem:s25], [sflag:$0x4], $0x80, s5, s24, $0xb8;
	[tilespmem:$0x1C380] =	vst v63  }
0x42: {  	_ =	swait.ge [sflag:s20], $0x2800  }
0x43: {  	[sflag:s20] =	ssyncset.done $0x0  }
0x44: {  	[sflag:s20] =	ssyncadd.s32 $0xFFFFD800  }
0x45: {  	[spmem:s3] =	stream.indirect.scatter.add.f32 [tilespmem:s26], [sflag:$0x4], $0x80, s5, s24, $0xb8;
	[tilespmem:$0x1C380] =	vst v63  }
0x46: {  	_ =	swait.ge [sflag:s20], $0x2800  }
0x47: {  	[sflag:s20] =	ssyncset.done $0x0  }
0x48: {  	[sflag:s20] =	ssyncadd.s32 $0xFFFFD800  }
0x49: {  	[spmem:s4] =	stream.indirect.scatter.add.f32 [tilespmem:s28], [sflag:$0x4], $0x80, s22, s24, $0xb8;
	[tilespmem:$0x1C380] =	vst v63  }
0x4a: {  	_ =	swait.ge [sflag:s20], $0x2800  }
0x4b: {  	s12 =	simm.s32 $0x14;
	s11 =	simm.s32 $0xA;
	[sflag:s20] =	ssyncset.done $0x0  }
.LBB2_2:
0x4c: {  	s14 =	sadd.s32 s11, s18  }
0x4d: {  	[sflag:s20] =	ssyncadd.s32 $0xFFFFD800;
	s15 =	smov.u32 s12;
	s13 =	sadd.s32 $0xA, s12  }
0x4e: {  	[tilespmem:s5], [sflag:$0x4] =	stream.linear.gather [hbm4b:s14+s5], $0x50, $0x38;
	[tilespmem:$0x1C380] =	vst v63  }
0x4f: {  	p1 =	sne.s32 s12, $0x4D8;
	_ =	swait.ge [sflag:s20], $0x50  }
0x50: {  	[sflag:s20] =	ssyncset.done $0x0  }
0x51: {  	s12 =	sadd.s32 s11, s17;
	[sflag:s20] =	ssyncadd.s32 $0xFFFFFFB0  }
0x52: {  	[tilespmem:s22], [sflag:$0x4] =	stream.linear.gather [hbm4b:s12+s5], $0x50, $0x38;
	[tilespmem:$0x1C380] =	vst v63  }
0x53: {  	_ =	swait.ge [sflag:s20], $0x50  }
0x54: {  	[sflag:s20] =	ssyncset.done $0x0  }
0x55: {  	s12 =	sadd.s32 s11, s16;
	s11 =	smov.u32 s15;
	[sflag:s20] =	ssyncadd.s32 $0xFFFFFFB0  }
0x56: {  	[tilespmem:s23], [sflag:$0x4] =	stream.linear.gather [hbm4b:s12+s5], $0x50, $0x38;
	[tilespmem:$0x1C380] =	vst v63  }
0x57: {  	_ =	swait.ge [sflag:s20], $0x50  }
0x58: {  	[sflag:s20] =	ssyncset.done $0x0  }
0x59: {  	[sflag:s20] =	ssyncadd.s32 $0xFFFFFFB0  }
0x5a: {  	[tilespmem:s25], [sflag:$0x1] =	stream.indirect.gather [hbm4b:s6+s24], $0x80, s23, s24, $0xb8;
	[tilespmem:$0x1C380] =	vst v63  }
0x5b: {  	_ = 	snop  }
0x5c: {  	[tilespmem:s26], [sflag:$0x2] =	stream.indirect.gather [hbm4b:s7+s24], $0x80, s23, s24, $0xb8;
	[tilespmem:$0x1C380] =	vst v63  }
0x5d: {  	_ = 	snop  }
0x5e: {  	[tilespmem:s28], [sflag:$0x3] =	stream.indirect.gather [hbm4b:s8+s24], $0x80, s23, s24, $0xb8;
	[tilespmem:$0x1C380] =	vst v63  }
0x5f: {  	_ =	swait.ge [sflag:s29], $0x2800  }
0x60: {  	[sflag:s29] =	ssyncset.done $0x0  }
0x61: {  	[sflag:s29] =	ssyncadd.s32 $0xFFFFD800  }
0x62: {  	_ =	swait.ge [sflag:s30], $0x2800  }
0x63: {  	[sflag:s30] =	ssyncset.done $0x0  }
0x64: {  	[sflag:s30] =	ssyncadd.s32 $0xFFFFD800  }
0x65: {  	_ =	swait.ge [sflag:s31], $0x2800  }
0x66: {  	[sflag:s31] =	ssyncset.done $0x0  }
0x67: {  	[sflag:s31] =	ssyncadd.s32 $0xFFFFD800  }
0x68: {  	[spmem:s1] =	stream.indirect.scatter.add.f32 [tilespmem:s25], [sflag:$0x4], $0x80, s5, s24, $0xb8;
	[tilespmem:$0x1C380] =	vst v63  }
0x69: {  	_ =	swait.ge [sflag:s20], $0x2800  }
0x6a: {  	[sflag:s20] =	ssyncset.done $0x0  }
0x6b: {  	[sflag:s20] =	ssyncadd.s32 $0xFFFFD800  }
0x6c: {  	[spmem:s3] =	stream.indirect.scatter.add.f32 [tilespmem:s26], [sflag:$0x4], $0x80, s5, s24, $0xb8;
	[tilespmem:$0x1C380] =	vst v63  }
0x6d: {  	_ =	swait.ge [sflag:s20], $0x2800  }
.Ltmp0:
0x6e: {  	[sflag:s20] =	ssyncset.done $0x0;
	(pc) =	sbr.rel @p1 .LBB2_2-.Ltmp0, $4  }
0x6f: {  	[sflag:s20] =	ssyncadd.s32 $0xFFFFD800  }
0x70: {  	[spmem:s4] =	stream.indirect.scatter.add.f32 [tilespmem:s28], [sflag:$0x4], $0x80, s22, s24, $0xb8;
	[tilespmem:$0x1C380] =	vst v63  }
0x71: {  	_ =	swait.ge [sflag:s20], $0x2800  }
0x72: {  	s12 =	smov.u32 s13;
	[sflag:s20] =	ssyncset.done $0x0  }
0x73: {  	s12 =	sadd.s32 s11, s18;
	[sflag:s20] =	ssyncadd.s32 $0xFFFFD800  }
0x74: {  	[tilespmem:s5], [sflag:$0x4] =	stream.linear.gather [hbm4b:s12+s5], $0x50, $0x38;
	[tilespmem:$0x1C380] =	vst v63  }
0x75: {  	_ =	swait.ge [sflag:s20], $0x50  }
0x76: {  	[sflag:s20] =	ssyncset.done $0x0  }
0x77: {  	s15 =	sadd.s32 s11, s17;
	[sflag:s20] =	ssyncadd.s32 $0xFFFFFFB0  }
0x78: {  	[tilespmem:s22], [sflag:$0x4] =	stream.linear.gather [hbm4b:s15+s5], $0x50, $0x38;
	[tilespmem:$0x1C380] =	vst v63  }
0x79: {  	_ =	swait.ge [sflag:s20], $0x50  }
0x7a: {  	[sflag:s20] =	ssyncset.done $0x0  }
0x7b: {  	s12 =	sadd.s32 s11, s16;
	[sflag:s20] =	ssyncadd.s32 $0xFFFFFFB0  }
0x7c: {  	[tilespmem:s23], [sflag:$0x4] =	stream.linear.gather [hbm4b:s12+s5], $0x50, $0x38;
	[tilespmem:$0x1C380] =	vst v63  }
0x7d: {  	_ =	swait.ge [sflag:s20], $0x50  }
0x7e: {  	[sflag:s20] =	ssyncset.done $0x0  }
0x7f: {  	[sflag:s20] =	ssyncadd.s32 $0xFFFFFFB0  }
0x80: {  	[tilespmem:s25], [sflag:$0x1] =	stream.indirect.gather [hbm4b:s6+s24], $0x80, s23, s24, $0xb8;
	[tilespmem:$0x1C380] =	vst v63  }
0x81: {  	_ = 	snop  }
0x82: {  	[tilespmem:s26], [sflag:$0x2] =	stream.indirect.gather [hbm4b:s7+s24], $0x80, s23, s24, $0xb8;
	[tilespmem:$0x1C380] =	vst v63  }
0x83: {  	_ = 	snop  }
0x84: {  	[tilespmem:s28], [sflag:$0x3] =	stream.indirect.gather [hbm4b:s8+s24], $0x80, s23, s24, $0xb8;
	[tilespmem:$0x1C380] =	vst v63  }
0x85: {  	_ =	swait.ge [sflag:s29], $0x2800  }
0x86: {  	[sflag:s29] =	ssyncset.done $0x0  }
0x87: {  	[sflag:s29] =	ssyncadd.s32 $0xFFFFD800  }
0x88: {  	_ =	swait.ge [sflag:s30], $0x2800  }
0x89: {  	[sflag:s30] =	ssyncset.done $0x0  }
0x8a: {  	[sflag:s30] =	ssyncadd.s32 $0xFFFFD800  }
0x8b: {  	_ =	swait.ge [sflag:s31], $0x2800  }
0x8c: {  	[sflag:s31] =	ssyncset.done $0x0  }
0x8d: {  	[sflag:s31] =	ssyncadd.s32 $0xFFFFD800  }
0x8e: {  	[spmem:s1] =	stream.indirect.scatter.add.f32 [tilespmem:s25], [sflag:$0x4], $0x80, s5, s24, $0xb8;
	[tilespmem:$0x1C380] =	vst v63  }
0x8f: {  	_ =	swait.ge [sflag:s20], $0x2800  }
0x90: {  	[sflag:s20] =	ssyncset.done $0x0  }
0x91: {  	[sflag:s20] =	ssyncadd.s32 $0xFFFFD800  }
0x92: {  	[spmem:s3] =	stream.indirect.scatter.add.f32 [tilespmem:s26], [sflag:$0x4], $0x80, s5, s24, $0xb8;
	[tilespmem:$0x1C380] =	vst v63  }
0x93: {  	_ =	swait.ge [sflag:s20], $0x2800  }
0x94: {  	[sflag:s20] =	ssyncset.done $0x0  }
0x95: {  	[sflag:s20] =	ssyncadd.s32 $0xFFFFD800  }
0x96: {  	[spmem:s4] =	stream.indirect.scatter.add.f32 [tilespmem:s28], [sflag:$0x4], $0x80, s22, s24, $0xb8;
	[tilespmem:$0x1C380] =	vst v63  }
0x97: {  	_ =	swait.ge [sflag:s20], $0x2800  }
0x98: {  	[sflag:s20] =	ssyncset.done $0x0  }
0x99: {  	[sflag:s20] =	ssyncadd.s32 $0xFFFFD800  }
0x9a: {  	[bflag:$0x0] =	sbarrier.arrive $0xFFFF  }
0x9b: {  	s13 =	rddreg [dreg:$0x7]  }
0x9c: {  	[hbm:s13], [sflag:s10] =	dma.local [spmem:s19], $0x1400  }
0x9d: {  	_ =	swait.ge [sflag:s20], $0x1400  }
0x9e: {  	[sflag:s20] =	ssyncset.done $0x0  }
0x9f: {  	s14 =	rddreg [dreg:$0x8];
	[sflag:s20] =	ssyncadd.s32 $0xFFFFEC00  }
0xa0: {  	[hbm:s14], [sflag:s10] =	dma.local [spmem:s21], $0x1400  }
0xa1: {  	_ =	swait.ge [sflag:s20], $0x1400  }
0xa2: {  	[sflag:s20] =	ssyncset.done $0x0  }
0xa3: {  	s11 =	rddreg [dreg:$0x9];
	[sflag:s20] =	ssyncadd.s32 $0xFFFFEC00  }
0xa4: {  	[hbm:s11], [sflag:s10] =	dma.local @!p0 [spmem:s2], $0x200  }
0xa5: {  	s2 =	simm.s32 @!p0 $0x4  }
0xa6: {  	_ =	swait.ge @!p0 [sflag:s2], $0x200  }
0xa7: {  	s0 =	sadd.s32 $0x1, s0;
	s15 =	rddreg [dreg:$0xa]  }
0xa8: {  	p1 =	sne.s32 s0, s15  }
.Ltmp1:
0xa9: {  	_ = 	snop;
	(pc) =	sbr.rel @p1 .LBB2_1-.Ltmp1, $3  }
0xaa: {  	_ =	sdelay $0x1  }
0xab: {  	[sflag:s2] =	ssyncset.done @!p0 $0x0  }
0xac: {  	[sflag:s2] =	ssyncadd.s32 @!p0 $0xFFFFFE00  }
0xad: {  	_ =	sfence.sel $0x180000  }
0xae: {  	[bflag:$0x0] =	sbarrier.arrive $0xFFFF  }
0xaf: {  	_ =	strace $0x9000004A  }
0xb0: {  	s0 =	stileid.u32;
	[bflag:$0x2] =	sbarrier.arrive $0xFFFF  }
0xb1: {  	p0 =	sne.s32 s0, $0x0;
	s0 =	rddreg [dreg:$0x5]  }
0xb2: {  	s0 =	sadd.s32 @!p0 $0x100000, s0  }
0xb3: {  	[sflag:s0] =	ssyncadd.tile.s32 @!p0 $0x1;
	_ =	shalt  }
.Lfunc_end2:
_tile_overlayer_lowered:
.L_overlay_start_2:
0xb4: {  	(tag) =	ssettag $0x2  }
0xb5: {  	s0 =	rddreg [dreg:$0x0];
	s2 =	stileid.u32  }
0xb6: {  	s1 =	rddreg [dreg:$0x1];
	p0 =	sne.s32 s2, $0x0  }
0xb7: {  	s3 =	rddreg [dreg:$0x2];
	[bflag:$0x3] =	sbarrier.arrive $0xFFFF;
	s2 =	simm.s32 @!p0 $0x1C04  }
0xb8: {  	[timem:s3], [sflag:s2] =	dma.local @!p0 [hbm:s0], s1  }
0xb9: {  	s0 =	simm.s32 @!p0 $0x4  }
0xba: {  	_ =	swait.ge @!p0 [sflag:s0], s1  }
0xbb: {  	s1 =	ssub.s32 @!p0 $0x0, s1;
	[sflag:s0] =	ssyncset.done @!p0 $0x0  }
0xbc: {  	[sflag:s0] =	ssyncadd.s32 @!p0 s1  }
0xbd: {  	[bflag:$0x3] =	sbarrier.arrive $0xFFFF  }
0xbe: {  	_ =	shalt  }

// kernel: kernel.24.cloned.1.call-start
scs
__scs_entry_jumppad:
0x0: {  	(pc) =	sbr.rel $0x88, $3  }
0x1: {  	(tag) =	ssettag $0x0;
	lr =	simm.s32 $0x1  }
0x2: {  	[smem:$0x3F8D] =	sst lr;
	_ =	strace $0xD0000000  }
0x3: {  	_ = 	snop  }
0x4: {  	_ = 	snop  }
0x5: {  	_ = 	snop  }
0x6: {  	_ = 	snop  }
0x7: {  	_ = 	snop  }
__scs_overlays_trampoline_lowered:
0x8: {  	[smem:$0x3F9C] =	sst s0  }
0x9: {  	[smem:$0x3F9D] =	sst s1  }
0xa: {  	[smem:$0x3F9E] =	sst s2  }
0xb: {  	[smem:$0x3F9F] =	sst s3  }
0xc: {  	[smem:$0x3FA0] =	sst s4  }
0xd: {  	[smem:$0x3FA1] =	sst s5  }
0xe: {  	[smem:$0x3FA2] =	sst s6  }
0xf: {  	[smem:$0x3FA3] =	sst s7  }
0x10: {  	[smem:$0x3FA4] =	sst s8  }
0x11: {  	[smem:$0x3FA5] =	sst s9;
	s0 =	simm.s32 @!p0 $0x0  }
0x12: {  	s1 =	sld [smem:$0x3F8B];
	s0 =	simm.s32 @p0 $0x1  }
0x13: {  	[smem:$0x3FA6] =	sst s0;
	s0 =	simm.s32 @!p1 $0x0  }
0x14: {  	s2 =	sld [smem:$0x3F8A];
	s0 =	simm.s32 @p1 $0x1  }
0x15: {  	[smem:$0x3FA7] =	sst s0;
	s0 =	simm.s32 @!p2 $0x0  }
0x16: {  	s3 =	sld [smem:$0x3FDB];
	s0 =	simm.s32 @p2 $0x1  }
0x17: {  	s4 =	simm.s32 $0x1BF5;
	[smem:$0x3FA9] =	sst s0  }
0x18: {  	s0 =	sld [smem:$0x3F8C];
	_ =	swait.ge [sflag:s4], $0x0  }
0x19: {  	s7 =	sld [smem:$0x3F8D]  }
0x1a: {  	s8 =	sadd.s32 $0xFFFFE003, lr  }
0x1b: {  	s9 =	sadd.s32 $0xFFFFFEF7, lr;
	s5 =	simm.s32 $0xFFFFFFFF;
	p2 =	slt.u32 s8, $0xFFFFF086  }
0x1c: {  	p1 =	slt.u32 s9, $0xF7A;
	s5 =	simm.s32 @!p2 $0x0  }
0x1d: {  	s5 =	simm.s32 @p1 $0x1;
	p0 =	seq.s32 s7, s2  }
0x1e: {  	s7 =	smul.u32 @!p0 $0xF7A, s2;
	p2 =	seq.s32 @!p0 s5, $0x0  }
0x1f: {  	s9 =	smul.u32 $0xF7A, s1;
	s8 =	simm.s32 @!p0 $0x1BF5;
	p2 =	por !p2, p0  }
0x20: {  	[sflag:s8] =	ssyncset.s32 @!p0 $0xFFFFF086;
	s6 =	sadd.s32 @!p0 s3, s7;
	s7 =	simm.s32 @!p0 $0x108  }
0x21: {  	s3 =	sadd.s32 s3, s9;
	s6 =	sadd.s32 @!p0 $0x88, s6;
	s7 =	simm.s32 @p2 $0x1082  }
0x22: {  	[simem:s7], [sflag:s8] =	dma.local @!p0 [hbm:s6], $0xF7A  }
0x23: {  	s9 =	sor.u32 $0xD0000000, s2;
	s6 =	simm.s32 $0x108;
	_ =	swait.ge @!p0 [sflag:s8], $0x0  }
0x24: {  	s3 =	sadd.s32 $0x88, s3;
	s6 =	simm.s32 @!p1 $0x1082;
	[sflag:s4] =	ssyncset.s32 $0xFFFFF086  }
0x25: {  	[simem:s6], [sflag:s4] =	dma.local [hbm:s3], $0xF7A  }
0x26: {  	[smem:$0x3F8D] =	sst s1;
	(tag) =	ssettag s2;
	_ =	strace s9  }
0x27: {  	s1 =	sld [smem:$0x3F9D]  }
0x28: {  	s2 =	sld [smem:$0x3F9E]  }
0x29: {  	s4 =	sld [smem:$0x3FA0]  }
0x2a: {  	p0 =	seq.s32 s5, $0x0;
	s5 =	sld [smem:$0x3FA1]  }
0x2b: {  	s6 =	sld [smem:$0x3FA2]  }
0x2c: {  	s7 =	sld [smem:$0x3FA3]  }
0x2d: {  	s3 =	simm.s32 $0x108;
	s8 =	sld [smem:$0x3FA4]  }
0x2e: {  	s3 =	simm.s32 @!p0 $0x1082;
	s9 =	sld [smem:$0x3FA5]  }
0x2f: {  	lr =	sadd.s32 s0, s3;
	s0 =	sld [smem:$0x3F9C]  }
0x30: {  	s3 =	sld [smem:$0x3F9F]  }
0x31: {  	[smem:$0x3FA8] =	sst s10  }
0x32: {  	s10 =	sld [smem:$0x3FA6];
	_ =	sdelay $0x3  }
0x33: {  	p0 =	seq.s32 s10, $0x1;
	s10 =	sld [smem:$0x3FA8];
	_ =	sdelay $0x3  }
0x34: {  	[smem:$0x3FA8] =	sst s10  }
0x35: {  	s10 =	sld [smem:$0x3FA7];
	_ =	sdelay $0x3  }
0x36: {  	p1 =	seq.s32 s10, $0x1;
	s10 =	sld [smem:$0x3FA8];
	_ =	sdelay $0x3  }
0x37: {  	[smem:$0x3FA8] =	sst s10  }
0x38: {  	s10 =	sld [smem:$0x3FA9]  }
0x39: {  	_ = 	snop;
	(pc) =	sbr.ind lr, $3  }
0x3a: {  	_ = 	snop  }
0x3b: {  	_ = 	snop  }
0x3c: {  	p2 =	seq.s32 s10, $0x1;
	s10 =	sld [smem:$0x3FA8]  }
0x3d: {  	_ =	shalt  }
0x3e: {  	_ =	shalt  }
0x3f: {  	_ =	shalt  }
0x40: {  	_ =	shalt  }
0x41: {  	_ =	shalt  }
0x42: {  	_ =	shalt  }
0x43: {  	_ =	shalt  }
0x44: {  	_ =	shalt  }
0x45: {  	_ =	shalt  }
0x46: {  	_ =	shalt  }
0x47: {  	_ =	shalt  }
0x48: {  	_ =	shalt  }
0x49: {  	_ =	shalt  }
0x4a: {  	_ =	shalt  }
0x4b: {  	_ =	shalt  }
0x4c: {  	_ =	shalt  }
0x4d: {  	_ =	shalt  }
0x4e: {  	_ =	shalt  }
0x4f: {  	_ =	shalt  }
0x50: {  	_ =	shalt  }
0x51: {  	_ =	shalt  }
0x52: {  	_ =	shalt  }
0x53: {  	_ =	shalt  }
0x54: {  	_ =	shalt  }
0x55: {  	_ =	shalt  }
0x56: {  	_ =	shalt  }
0x57: {  	_ =	shalt  }
0x58: {  	_ =	shalt  }
0x59: {  	_ =	shalt  }
0x5a: {  	_ =	shalt  }
0x5b: {  	_ =	shalt  }
0x5c: {  	_ =	shalt  }
0x5d: {  	_ =	shalt  }
0x5e: {  	_ =	shalt  }
0x5f: {  	_ =	shalt  }
0x60: {  	_ =	shalt  }
0x61: {  	_ =	shalt  }
0x62: {  	_ =	shalt  }
0x63: {  	_ =	shalt  }
0x64: {  	_ =	shalt  }
0x65: {  	_ =	shalt  }
0x66: {  	_ =	shalt  }
0x67: {  	_ =	shalt  }
0x68: {  	_ =	shalt  }
0x69: {  	_ =	shalt  }
0x6a: {  	_ =	shalt  }
0x6b: {  	_ =	shalt  }
0x6c: {  	_ =	shalt  }
0x6d: {  	_ =	shalt  }
0x6e: {  	_ =	shalt  }
0x6f: {  	_ =	shalt  }
0x70: {  	_ =	shalt  }
0x71: {  	_ =	shalt  }
0x72: {  	_ =	shalt  }
0x73: {  	_ =	shalt  }
0x74: {  	_ =	shalt  }
0x75: {  	_ =	shalt  }
0x76: {  	_ =	shalt  }
0x77: {  	_ =	shalt  }
0x78: {  	_ =	shalt  }
0x79: {  	_ =	shalt  }
0x7a: {  	_ =	shalt  }
0x7b: {  	_ =	shalt  }
0x7c: {  	_ =	shalt  }
0x7d: {  	_ =	shalt  }
0x7e: {  	_ =	shalt  }
0x7f: {  	_ =	shalt  }
0x80: {  	_ =	shalt  }
0x81: {  	_ =	shalt  }
0x82: {  	_ =	shalt  }
0x83: {  	_ =	shalt  }
0x84: {  	_ =	shalt  }
0x85: {  	_ =	shalt  }
0x86: {  	_ =	shalt  }
0x87: {  	_ =	shalt  }
.Lfunc_end0:
.L_simem_size_0:
called_computation.2_lowered:
.L_overlay_start_0:
0x88: {  	s2 =	sld [smem:$0x3FD9]  }
0x89: {  	s3 =	sld [smem:$0x3FFE];
	_ =	sdelay $0x1  }
0x8a: {  	s1 =	srdreg.scid  }
0x8b: {  	s0 =	sand.u32 $0x1, s1  }
0x8c: {  	s14 =	sshll.u32 s0, $0xA;
	s2 =	sadd.s32 s3, s2  }
0x8d: {  	s2 =	sadd.s32 s2, s14  }
0x8e: {  	[smem:$0x3FB4] =	sst s2  }
0x8f: {  	_ = 	snop  }
0x90: {  	s2 =	sld [smem:$0x3FD0];
	_ =	sdelay $0x2  }
0x91: {  	s15 =	simm.s32 $0xA;
	s4 =	simm.s32 $0x10  }
0x92: {  	[smem:s4], [sflag:s15] =	dma.local [hbm:s2], $0x1  }
0x93: {  	_ =	swait.eq [sflag:s15], $0x1  }
0x94: {  	[sflag:s15] =	ssyncset.done $0x0  }
0x95: {  	[sflag:s15] =	ssyncadd.s32 $0xFFFFFFFF  }
0x96: {  	s16 =	sld [smem:$0x10];
	(tm) =	ssettm $0x1  }
0x97: {  	s17 =	sld [smem:$0x3FFB];
	_ =	sdelay $0x3  }
0x98: {  	_ =	strace s17  }
0x99: {  	s3 =	sld [smem:$0x3FFC];
	_ =	sdelay $0x3  }
0x9a: {  	_ =	strace s3  }
0x9b: {  	s3 =	sld [smem:$0x3FFD];
	_ =	sdelay $0x3  }
0x9c: {  	_ =	strace s3  }
0x9d: {  	_ =	strace $0x8FFFFFFF  }
0x9e: {  	s18 =	sld [smem:$0x3FDB];
	_ =	sdelay $0x1  }
0x9f: {  	s19 =	simm.s32 $_scs_section_size  }
0xa0: {  	s5 =	simm.s32 $_size__tile_overlayer_lowered;
	s6 =	simm.s32 $_tile_overlayer_lowered  }
0xa1: {  	s22 =	simm.s32 $0x1BFF;
	s21 =	sshll.u32 s6, $0x1;
	s3 =	sadd.s32 s19, s18  }
0xa2: {  	s7 =	simm.s32 $0x0;
	s20 =	sshll.u32 s5, $0x1;
	s5 =	sadd.s32 s21, s3  }
0xa3: {  	[timem:s7], [sflag:s22] =	dma.local [hbm:s5], s20  }
0xa4: {  	_ =	swait.ge [sflag:s22], s20  }
0xa5: {  	s4 =	ssub.s32 $0x0, s20;
	[sflag:s22] =	ssyncset.done $0x0  }
0xa6: {  	[sflag:s22] =	ssyncadd.s32 s4;
	_ =	sdelay $0x1  }
0xa7: {  	s23 =	simm.s32 $0x1B8B  }
0xa8: {  	_ =	swait.ge [sflag:s23], $0x1  }
0xa9: {  	[sflag:s23] =	ssyncset.done $0x0  }
0xaa: {  	s25 =	simm.s32 $0x1B8E;
	s24 =	sld [smem:$0x3FFE];
	[sflag:s23] =	ssyncadd.s32 $0xFFFFFFFF  }
0xab: {  	s26 =	simm.s32 $execute0_lowered;
	[smem:$0x3FD2] =	sst s25  }
0xac: {  	s5 =	sshll.u32 s26, $0x1;
	_ =	strace $0x8000004C;
	[dreg:$0x1] =	wrdreg $0xFFFFFFFF  }
0xad: {  	s28 =	simm.s32 $_size_execute0_lowered;
	s3 =	sadd.s32 s3, s5;
	[dreg:$0x0] =	wrdreg $0x0  }
0xae: {  	s5 =	sshll.u32 s28, $0x1;
	[dreg:$0x2] =	wrdreg s3  }
0xaf: {  	[dreg:$0x3] =	wrdreg s5  }
0xb0: {  	[dreg:$0x4] =	wrdreg $0xC0  }
0xb1: {  	_ =	task [dreg:s7], $0x5FFFF  }
0xb2: {  	[dreg:$0x1] =	wrdreg $0xFFFFFFFF  }
0xb3: {  	[dreg:$0x0] =	wrdreg $0x60  }
0xb4: {  	[dreg:$0x2] =	wrdreg s24  }
0xb5: {  	[dreg:$0x3] =	wrdreg s16  }
0xb6: {  	[dreg:$0x4] =	wrdreg $0x9  }
0xb7: {  	_ =	task.clear_ibuf [dreg:s7], $0x5FFFF;
	_ =	strace $0x9000004C  }
0xb8: {  	s29 =	simm.s32 $0x9;
	_ =	strace $0x8000004E  }
0xb9: {  	_ =	swait.ge [sflag:s29], $0x1  }
0xba: {  	[sflag:s29] =	ssyncadd.s32 $0xFFFFFFFF  }
0xbb: {  	_ =	strace $0x9000004E  }
0xbc: {  	_ =	sfence  }
0xbd: {  	s30 =	sld [smem:$0x0];
	_ =	sdelay $0x2  }
0xbe: {  	s31 =	sshll.u32 s1, $0xD;
	s1 =	sshrl.u32 s1, $0x2  }
0xbf: {  	s3 =	sand.u32 $0x4000, s31;
	s1 =	sadd.s32 s1, s30  }
0xc0: {  	s0 =	sor.u32 s3, s0;
	s1 =	sshll.u32 s1, $0x11  }
0xc1: {  	s0 =	sor.u32 s1, s0  }
0xc2: {  	s0 =	sadd.s32 $0x8F2B, s0  }
0xc3: {  	[sflag:s0] =	ssyncadd.remote.s32 $0x1  }
0xc4: {  	_ =	sfence.sel $0xFFFF  }
0xc5: {  	[dreg:$0x0] =	wrdreg $0xFFFFFFFF;
	(pc) =	sbr.abs _section_cstart, $3  }
0xc6: {  	[dreg:$0x1] =	wrdreg $0xFFFFFFFF  }
0xc7: {  	_ =	task.clear_ibuf [dreg:s7], $0x2FFFF;
	_ =	strace $0x9FFFFFFF  }
0xc8: {  	(tm) =	ssettm $0x7FFFFFFF  }
0xc9: {  	_ =	shalt  }
tec
execute0_lowered:
.L_overlay_start_1:
0x0: {  	(tag) =	ssettag $0x1  }
0x1: {  	s5 =	rddreg [dreg:$0x0]  }
0x2: {  	s8 =	rddreg [dreg:$0x1]  }
0x3: {  	s0 =	rddreg [dreg:$0x2];
	s3 =	srdreg.scid  }
0x4: {  	s1 =	stileid.u32;
	s2 =	simm.s32 $0x0;
	s13 =	simm.s32 $0x900  }
0x5: {  	s14 =	simm.s32 $0x1100;
	s15 =	simm.s32 $0x1900;
	s16 =	simm.s32 $0x2100  }
0x6: {  	s17 =	simm.s32 $0x2900;
	s18 =	simm.s32 $0x3100;
	s19 =	simm.s32 $0x3900  }
0x7: {  	s20 =	simm.s32 $0x4100;
	s21 =	simm.s32 $0x4900;
	s22 =	simm.s32 $0x1  }
0x8: {  	s23 =	simm.s32 $0x2;
	s24 =	simm.s32 $0x0;
	s7 =	smul.u32 $0x2710, s1  }
0x9: {  	s6 =	sand.u32 $0x1, s3;
	[smem:$0x7FF] =	sst s2;
	s10 =	smul.u32 $0x4E200, s1  }
0xa: {  	s3 =	sadd.s32 $0x63600, s5;
	s4 =	sadd.s32 $0x13600, s5;
	s9 =	smul.u32 $0x1388, s6  }
0xb: {  	_ =	strace $0x8000004D;
	s11 =	ssub.s32 $0x2, s6;
	s6 =	smul.u32 $0x27100, s6  }
0xc: {  	s28 =	sadd.s32 s10, s5;
	s29 =	sshrl.u32 s11, $0x1;
	s10 =	simm.s32 $0x3  }
0xd: {  	s7 =	sadd.s32 s9, s7;
	s30 =	ssub.s32 s11, s29;
	s9 =	sadd.s32 s6, s28  }
0xe: {  	v2 =	vlaneseq.u32;
	s11 =	simm.s32 $0x80;
	s12 =	sshrl.u32 s7, $0x3;
	s6 =	sadd.s32 $0xB3600, s9  }
0xf: {  	vm0 =	vmmov $0xffff;
	v1 =	vshrl.u32 v2, $0x3;
	s7 =	sadd.s32 $0xF66E00, s9;
	s31 =	sadd.s32 s12, s5;
	s5 =	smax.u32 s30, $0x1  }
0x10: {  	v0 =	vand.u32 $0x7, v2;
	v2 =	vor.u32 $0x8, v2;
	v1 =	vmul.u32 $0x8, v1;
	s8 =	sadd.s32 s12, s8;
	s12 =	simm.s32 $0x100;
	s9 =	sadd.s32 $0x8200, s31  }
.LBB2_1:
0x11: {  	s25 =	smov.u32 s7;
	s26 =	smov.u32 s6;
	s28 =	simm.s32 $0x0  }
.LBB2_2:
0x12: {  	s29 =	sadd.s32 s28, s9  }
0x13: {  	[tilespmem:s2], [sflag:$0x3] =	stream.linear.gather [hbm4b:s29+s2], $0x28, $0x38;
	[tilespmem:$0x5100] =	vst v63  }
0x14: {  	_ =	swait.ge [sflag:s10], $0x28  }
0x15: {  	[sflag:s10] =	ssyncset.done $0x0  }
0x16: {  	s31 =	sadd.s32 s28, s8;
	[sflag:s10] =	ssyncadd.s32 $0xFFFFFFD8  }
0x17: {  	[tilespmem:s11], [sflag:$0x3] =	stream.linear.gather [hbm4b:s31+s2], $0x28, $0x38;
	[tilespmem:$0x5100] =	vst v63  }
0x18: {  	_ =	swait.ge [sflag:s10], $0x28  }
0x19: {  	[sflag:s10] =	ssyncset.done $0x0  }
0x1a: {  	[sflag:s10] =	ssyncadd.s32 $0xFFFFFFD8  }
0x1b: {  	v3 =	vld [tilespmem:$0x0];
	_ =	sdelay $0x4  }
0x1c: {  	v4 =	vshll.u32 v3, $0x1  }
0x1d: {  	v3 =	vand.u32 $0x7, v3;
	v4 =	vand.u32 $0xFFFFFFF0, v4  }
0x1e: {  	v3 =	vor.u32 v3, v4  }
0x1f: {  	v4 =	vperm.xlane v3, v0;
	_ =	sdelay $0x1  }
0x20: {  	v3 =	vperm.xlane v3, v2;
	v4 =	vadd.s32 v1, v4;
	_ =	sdelay $0x1  }
0x21: {  	v3 =	vadd.s32 v1, v3;
	_ =	sdelay $0x2  }
0x22: {  	[tilespmem:s12], [sflag:$0x1] =	stream.indirect_vreg.gather [hbm4b:s3+s2], $0x80, v4, vm0, $0xb8;
	[tilespmem:$0x5100] =	vst v63  }
0x23: {  	_ = 	snop  }
0x24: {  	[tilespmem:s13], [sflag:$0x1] =	stream.indirect_vreg.gather [hbm4b:s3+s2], $0x80, v3, vm0, $0xb8;
	[tilespmem:$0x5100] =	vst v63  }
0x25: {  	v3 =	vld [tilespmem:$0x10];
	_ =	sdelay $0x4  }
0x26: {  	v59 =	vshll.u32 v3, $0x1  }
0x27: {  	v3 =	vand.u32 $0x7, v3;
	v4 =	vand.u32 $0xFFFFFFF0, v59  }
0x28: {  	v3 =	vor.u32 v3, v4  }
0x29: {  	v4 =	vperm.xlane v3, v0;
	_ =	sdelay $0x1  }
0x2a: {  	v3 =	vperm.xlane v3, v2;
	v4 =	vadd.s32 v1, v4;
	_ =	sdelay $0x1  }
0x2b: {  	v3 =	vadd.s32 v1, v3;
	_ =	sdelay $0x2  }
0x2c: {  	[tilespmem:s14], [sflag:$0x1] =	stream.indirect_vreg.gather [hbm4b:s3+s2], $0x80, v4, vm0, $0xb8;
	[tilespmem:$0x5100] =	vst v63  }
0x2d: {  	_ = 	snop  }
0x2e: {  	[tilespmem:s15], [sflag:$0x1] =	stream.indirect_vreg.gather [hbm4b:s3+s2], $0x80, v3, vm0, $0xb8;
	[tilespmem:$0x5100] =	vst v63  }
0x2f: {  	v3 =	vld.msk [tilespmem:$0x20], $0xff;
	_ =	sdelay $0x4  }
0x30: {  	v60 =	vshll.u32 v3, $0x1  }
0x31: {  	v3 =	vand.u32 $0x7, v3;
	v4 =	vand.u32 $0xFFFFFFF0, v60  }
0x32: {  	v3 =	vor.u32 v3, v4  }
0x33: {  	v3 =	vperm.xlane v3, v0;
	_ =	sdelay $0x1  }
0x34: {  	v3 =	vadd.s32 v1, v3;
	_ =	sdelay $0x4  }
0x35: {  	[tilespmem:s16], [sflag:$0x1] =	stream.indirect_vreg.gather [hbm4b:s3+s2], $0x80, v3, vm0, $0xb8;
	[tilespmem:$0x5100] =	vst v63  }
0x36: {  	v3 =	vld [tilespmem:$0x80];
	_ =	sdelay $0x4  }
0x37: {  	v61 =	vshll.u32 v3, $0x1  }
0x38: {  	v3 =	vand.u32 $0x7, v3;
	v4 =	vand.u32 $0xFFFFFFF0, v61  }
0x39: {  	v3 =	vor.u32 v3, v4  }
0x3a: {  	v4 =	vperm.xlane v3, v0;
	_ =	sdelay $0x1  }
0x3b: {  	v3 =	vperm.xlane v3, v2;
	v4 =	vadd.s32 v1, v4;
	_ =	sdelay $0x1  }
0x3c: {  	v3 =	vadd.s32 v1, v3;
	_ =	sdelay $0x2  }
0x3d: {  	[tilespmem:s17], [sflag:$0x2] =	stream.indirect_vreg.gather [hbm4b:s4+s2], $0x80, v4, vm0, $0xb8;
	[tilespmem:$0x5100] =	vst v63  }
0x3e: {  	_ = 	snop  }
0x3f: {  	[tilespmem:s18], [sflag:$0x2] =	stream.indirect_vreg.gather [hbm4b:s4+s2], $0x80, v3, vm0, $0xb8;
	[tilespmem:$0x5100] =	vst v63  }
0x40: {  	v3 =	vld [tilespmem:$0x90];
	_ =	sdelay $0x4  }
0x41: {  	v62 =	vshll.u32 v3, $0x1  }
0x42: {  	v3 =	vand.u32 $0x7, v3;
	v4 =	vand.u32 $0xFFFFFFF0, v62  }
0x43: {  	v3 =	vor.u32 v3, v4  }
0x44: {  	v4 =	vperm.xlane v3, v0;
	_ =	sdelay $0x1  }
0x45: {  	v3 =	vperm.xlane v3, v2;
	v4 =	vadd.s32 v1, v4;
	_ =	sdelay $0x1  }
0x46: {  	v3 =	vadd.s32 v1, v3;
	_ =	sdelay $0x2  }
0x47: {  	[tilespmem:s19], [sflag:$0x2] =	stream.indirect_vreg.gather [hbm4b:s4+s2], $0x80, v4, vm0, $0xb8;
	[tilespmem:$0x5100] =	vst v63  }
0x48: {  	_ = 	snop  }
0x49: {  	[tilespmem:s20], [sflag:$0x2] =	stream.indirect_vreg.gather [hbm4b:s4+s2], $0x80, v3, vm0, $0xb8;
	[tilespmem:$0x5100] =	vst v63  }
0x4a: {  	v3 =	vld.msk [tilespmem:$0xA0], $0xff;
	_ =	sdelay $0x4  }
0x4b: {  	v63 =	vshll.u32 v3, $0x1  }
0x4c: {  	v3 =	vand.u32 $0x7, v3;
	v4 =	vand.u32 $0xFFFFFFF0, v63  }
0x4d: {  	v3 =	vor.u32 v3, v4  }
0x4e: {  	v3 =	vperm.xlane v3, v0;
	_ =	sdelay $0x1  }
0x4f: {  	v3 =	vadd.s32 v1, v3;
	_ =	sdelay $0x4  }
0x50: {  	[tilespmem:s21], [sflag:$0x2] =	stream.indirect_vreg.gather [hbm4b:s4+s2], $0x80, v3, vm0, $0xb8;
	[tilespmem:$0x5100] =	vst v63  }
0x51: {  	_ =	swait.ge [sflag:s22], $0x2800  }
0x52: {  	[sflag:s22] =	ssyncset.done $0x0  }
0x53: {  	[sflag:s22] =	ssyncadd.s32 $0xFFFFD800  }
0x54: {  	_ =	swait.ge [sflag:s23], $0x2800  }
0x55: {  	[sflag:s23] =	ssyncset.done $0x0  }
0x56: {  	[sflag:s23] =	ssyncadd.s32 $0xFFFFD800  }
0x57: {  	[hbm4b:s26+s2] =	stream.linear.scatter [tilespmem:s12], [sflag:$0x3], $0x2800, $0x38;
	[tilespmem:$0x5100] =	vst v63  }
0x58: {  	_ =	swait.ge [sflag:s10], $0x2800  }
0x59: {  	p0 =	sne.s32 s28, $0x26C;
	[sflag:s10] =	ssyncset.done $0x0  }
.Ltmp0:
0x5a: {  	[sflag:s10] =	ssyncadd.s32 $0xFFFFD800;
	(pc) =	sbr.rel @p0 .LBB2_2-.Ltmp0, $4  }
0x5b: {  	[hbm4b:s25+s2] =	stream.linear.scatter [tilespmem:s17], [sflag:$0x3], $0x2800, $0x38;
	[tilespmem:$0x5100] =	vst v63  }
0x5c: {  	_ =	swait.ge [sflag:s10], $0x2800  }
0x5d: {  	s28 =	sadd.s32 $0x5, s28;
	[sflag:s10] =	ssyncset.done $0x0  }
0x5e: {  	s26 =	sadd.s32 $0x500, s26;
	s25 =	sadd.s32 $0x500, s25;
	[sflag:s10] =	ssyncadd.s32 $0xFFFFD800  }
0x5f: {  	s24 =	sadd.s32 $0x1, s24  }
0x60: {  	p0 =	sne.s32 s24, s5  }
.Ltmp1:
0x61: {  	_ = 	snop;
	(pc) =	sbr.rel @p0 .LBB2_1-.Ltmp1, $1  }
0x62: {  	_ =	sdelay $0x3  }
0x63: {  	_ =	sfence.sel $0x180000  }
0x64: {  	[bflag:$0x0] =	sbarrier.arrive $0xFFFF  }
0x65: {  	p0 =	sne.s32 s1, $0x0;
	_ =	strace $0x9000004D  }
0x66: {  	s0 =	sadd.s32 @!p0 $0x100000, s0;
	[bflag:$0x2] =	sbarrier.arrive $0xFFFF  }
0x67: {  	[sflag:s0] =	ssyncadd.tile.s32 @!p0 $0x1;
	_ =	shalt  }
.Lfunc_end2:
_tile_overlayer_lowered:
.L_overlay_start_2:
0x68: {  	(tag) =	ssettag $0x2  }
0x69: {  	s0 =	rddreg [dreg:$0x0];
	s2 =	stileid.u32  }
0x6a: {  	s1 =	rddreg [dreg:$0x1];
	p0 =	sne.s32 s2, $0x0  }
0x6b: {  	s3 =	rddreg [dreg:$0x2];
	[bflag:$0x3] =	sbarrier.arrive $0xFFFF;
	s2 =	simm.s32 @!p0 $0x1C03  }
0x6c: {  	[timem:s3], [sflag:s2] =	dma.local @!p0 [hbm:s0], s1  }
0x6d: {  	s0 =	simm.s32 @!p0 $0x3  }
0x6e: {  	_ =	swait.ge @!p0 [sflag:s0], s1  }
0x6f: {  	s1 =	ssub.s32 @!p0 $0x0, s1;
	[sflag:s0] =	ssyncset.done @!p0 $0x0  }
0x70: {  	[sflag:s0] =	ssyncadd.s32 @!p0 s1  }
0x71: {  	[bflag:$0x3] =	sbarrier.arrive $0xFFFF  }
0x72: {  	_ =	shalt  }

// kernel: kernel.27.cloned.1.call-start
scs
__scs_entry_jumppad:
0x0: {  	(pc) =	sbr.rel $0x88, $3  }
0x1: {  	(tag) =	ssettag $0x0;
	lr =	simm.s32 $0x1  }
0x2: {  	[smem:$0x3F8D] =	sst lr;
	_ =	strace $0xD0000000  }
0x3: {  	_ = 	snop  }
0x4: {  	_ = 	snop  }
0x5: {  	_ = 	snop  }
0x6: {  	_ = 	snop  }
0x7: {  	_ = 	snop  }
__scs_overlays_trampoline_lowered:
0x8: {  	[smem:$0x3F9C] =	sst s0  }
0x9: {  	[smem:$0x3F9D] =	sst s1  }
0xa: {  	[smem:$0x3F9E] =	sst s2  }
0xb: {  	[smem:$0x3F9F] =	sst s3  }
0xc: {  	[smem:$0x3FA0] =	sst s4  }
0xd: {  	[smem:$0x3FA1] =	sst s5  }
0xe: {  	[smem:$0x3FA2] =	sst s6  }
0xf: {  	[smem:$0x3FA3] =	sst s7  }
0x10: {  	[smem:$0x3FA4] =	sst s8  }
0x11: {  	[smem:$0x3FA5] =	sst s9;
	s0 =	simm.s32 @!p0 $0x0  }
0x12: {  	s1 =	sld [smem:$0x3F8B];
	s0 =	simm.s32 @p0 $0x1  }
0x13: {  	[smem:$0x3FA6] =	sst s0;
	s0 =	simm.s32 @!p1 $0x0  }
0x14: {  	s2 =	sld [smem:$0x3F8A];
	s0 =	simm.s32 @p1 $0x1  }
0x15: {  	[smem:$0x3FA7] =	sst s0;
	s0 =	simm.s32 @!p2 $0x0  }
0x16: {  	s3 =	sld [smem:$0x3FDB];
	s0 =	simm.s32 @p2 $0x1  }
0x17: {  	s4 =	simm.s32 $0x1BF5;
	[smem:$0x3FA9] =	sst s0  }
0x18: {  	s0 =	sld [smem:$0x3F8C];
	_ =	swait.ge [sflag:s4], $0x0  }
0x19: {  	s7 =	sld [smem:$0x3F8D]  }
0x1a: {  	s8 =	sadd.s32 $0xFFFFE003, lr  }
0x1b: {  	s9 =	sadd.s32 $0xFFFFFEF7, lr;
	s5 =	simm.s32 $0xFFFFFFFF;
	p2 =	slt.u32 s8, $0xFFFFF086  }
0x1c: {  	p1 =	slt.u32 s9, $0xF7A;
	s5 =	simm.s32 @!p2 $0x0  }
0x1d: {  	s5 =	simm.s32 @p1 $0x1;
	p0 =	seq.s32 s7, s2  }
0x1e: {  	s7 =	smul.u32 @!p0 $0xF7A, s2;
	p2 =	seq.s32 @!p0 s5, $0x0  }
0x1f: {  	s9 =	smul.u32 $0xF7A, s1;
	s8 =	simm.s32 @!p0 $0x1BF5;
	p2 =	por !p2, p0  }
0x20: {  	[sflag:s8] =	ssyncset.s32 @!p0 $0xFFFFF086;
	s6 =	sadd.s32 @!p0 s3, s7;
	s7 =	simm.s32 @!p0 $0x108  }
0x21: {  	s3 =	sadd.s32 s3, s9;
	s6 =	sadd.s32 @!p0 $0x88, s6;
	s7 =	simm.s32 @p2 $0x1082  }
0x22: {  	[simem:s7], [sflag:s8] =	dma.local @!p0 [hbm:s6], $0xF7A  }
0x23: {  	s9 =	sor.u32 $0xD0000000, s2;
	s6 =	simm.s32 $0x108;
	_ =	swait.ge @!p0 [sflag:s8], $0x0  }
0x24: {  	s3 =	sadd.s32 $0x88, s3;
	s6 =	simm.s32 @!p1 $0x1082;
	[sflag:s4] =	ssyncset.s32 $0xFFFFF086  }
0x25: {  	[simem:s6], [sflag:s4] =	dma.local [hbm:s3], $0xF7A  }
0x26: {  	[smem:$0x3F8D] =	sst s1;
	(tag) =	ssettag s2;
	_ =	strace s9  }
0x27: {  	s1 =	sld [smem:$0x3F9D]  }
0x28: {  	s2 =	sld [smem:$0x3F9E]  }
0x29: {  	s4 =	sld [smem:$0x3FA0]  }
0x2a: {  	p0 =	seq.s32 s5, $0x0;
	s5 =	sld [smem:$0x3FA1]  }
0x2b: {  	s6 =	sld [smem:$0x3FA2]  }
0x2c: {  	s7 =	sld [smem:$0x3FA3]  }
0x2d: {  	s3 =	simm.s32 $0x108;
	s8 =	sld [smem:$0x3FA4]  }
0x2e: {  	s3 =	simm.s32 @!p0 $0x1082;
	s9 =	sld [smem:$0x3FA5]  }
0x2f: {  	lr =	sadd.s32 s0, s3;
	s0 =	sld [smem:$0x3F9C]  }
0x30: {  	s3 =	sld [smem:$0x3F9F]  }
0x31: {  	[smem:$0x3FA8] =	sst s10  }
0x32: {  	s10 =	sld [smem:$0x3FA6];
	_ =	sdelay $0x3  }
0x33: {  	p0 =	seq.s32 s10, $0x1;
	s10 =	sld [smem:$0x3FA8];
	_ =	sdelay $0x3  }
0x34: {  	[smem:$0x3FA8] =	sst s10  }
0x35: {  	s10 =	sld [smem:$0x3FA7];
	_ =	sdelay $0x3  }
0x36: {  	p1 =	seq.s32 s10, $0x1;
	s10 =	sld [smem:$0x3FA8];
	_ =	sdelay $0x3  }
0x37: {  	[smem:$0x3FA8] =	sst s10  }
0x38: {  	s10 =	sld [smem:$0x3FA9]  }
0x39: {  	_ = 	snop;
	(pc) =	sbr.ind lr, $3  }
0x3a: {  	_ = 	snop  }
0x3b: {  	_ = 	snop  }
0x3c: {  	p2 =	seq.s32 s10, $0x1;
	s10 =	sld [smem:$0x3FA8]  }
0x3d: {  	_ =	shalt  }
0x3e: {  	_ =	shalt  }
0x3f: {  	_ =	shalt  }
0x40: {  	_ =	shalt  }
0x41: {  	_ =	shalt  }
0x42: {  	_ =	shalt  }
0x43: {  	_ =	shalt  }
0x44: {  	_ =	shalt  }
0x45: {  	_ =	shalt  }
0x46: {  	_ =	shalt  }
0x47: {  	_ =	shalt  }
0x48: {  	_ =	shalt  }
0x49: {  	_ =	shalt  }
0x4a: {  	_ =	shalt  }
0x4b: {  	_ =	shalt  }
0x4c: {  	_ =	shalt  }
0x4d: {  	_ =	shalt  }
0x4e: {  	_ =	shalt  }
0x4f: {  	_ =	shalt  }
0x50: {  	_ =	shalt  }
0x51: {  	_ =	shalt  }
0x52: {  	_ =	shalt  }
0x53: {  	_ =	shalt  }
0x54: {  	_ =	shalt  }
0x55: {  	_ =	shalt  }
0x56: {  	_ =	shalt  }
0x57: {  	_ =	shalt  }
0x58: {  	_ =	shalt  }
0x59: {  	_ =	shalt  }
0x5a: {  	_ =	shalt  }
0x5b: {  	_ =	shalt  }
0x5c: {  	_ =	shalt  }
0x5d: {  	_ =	shalt  }
0x5e: {  	_ =	shalt  }
0x5f: {  	_ =	shalt  }
0x60: {  	_ =	shalt  }
0x61: {  	_ =	shalt  }
0x62: {  	_ =	shalt  }
0x63: {  	_ =	shalt  }
0x64: {  	_ =	shalt  }
0x65: {  	_ =	shalt  }
0x66: {  	_ =	shalt  }
0x67: {  	_ =	shalt  }
0x68: {  	_ =	shalt  }
0x69: {  	_ =	shalt  }
0x6a: {  	_ =	shalt  }
0x6b: {  	_ =	shalt  }
0x6c: {  	_ =	shalt  }
0x6d: {  	_ =	shalt  }
0x6e: {  	_ =	shalt  }
0x6f: {  	_ =	shalt  }
0x70: {  	_ =	shalt  }
0x71: {  	_ =	shalt  }
0x72: {  	_ =	shalt  }
0x73: {  	_ =	shalt  }
0x74: {  	_ =	shalt  }
0x75: {  	_ =	shalt  }
0x76: {  	_ =	shalt  }
0x77: {  	_ =	shalt  }
0x78: {  	_ =	shalt  }
0x79: {  	_ =	shalt  }
0x7a: {  	_ =	shalt  }
0x7b: {  	_ =	shalt  }
0x7c: {  	_ =	shalt  }
0x7d: {  	_ =	shalt  }
0x7e: {  	_ =	shalt  }
0x7f: {  	_ =	shalt  }
0x80: {  	_ =	shalt  }
0x81: {  	_ =	shalt  }
0x82: {  	_ =	shalt  }
0x83: {  	_ =	shalt  }
0x84: {  	_ =	shalt  }
0x85: {  	_ =	shalt  }
0x86: {  	_ =	shalt  }
0x87: {  	_ =	shalt  }
.Lfunc_end0:
.L_simem_size_0:
called_computation.3_lowered:
.L_overlay_start_0:
0x88: {  	s2 =	sld [smem:$0x3FD9]  }
0x89: {  	s3 =	sld [smem:$0x3FFE];
	_ =	sdelay $0x1  }
0x8a: {  	s1 =	srdreg.scid  }
0x8b: {  	s0 =	sand.u32 $0x1, s1  }
0x8c: {  	s14 =	sshll.u32 s0, $0xA;
	s2 =	sadd.s32 s3, s2  }
0x8d: {  	s2 =	sadd.s32 s2, s14  }
0x8e: {  	[smem:$0x3FB4] =	sst s2  }
0x8f: {  	_ = 	snop  }
0x90: {  	s2 =	sld [smem:$0x3FD0];
	_ =	sdelay $0x2  }
0x91: {  	s15 =	simm.s32 $0xA;
	s4 =	simm.s32 $0x10  }
0x92: {  	[smem:s4], [sflag:s15] =	dma.local [hbm:s2], $0x1  }
0x93: {  	_ =	swait.eq [sflag:s15], $0x1  }
0x94: {  	[sflag:s15] =	ssyncset.done $0x0  }
0x95: {  	[sflag:s15] =	ssyncadd.s32 $0xFFFFFFFF  }
0x96: {  	s16 =	sld [smem:$0x11];
	(tm) =	ssettm $0x1  }
0x97: {  	s17 =	sld [smem:$0x3FFB];
	_ =	sdelay $0x3  }
0x98: {  	_ =	strace s17  }
0x99: {  	s3 =	sld [smem:$0x3FFC];
	_ =	sdelay $0x3  }
0x9a: {  	_ =	strace s3  }
0x9b: {  	s3 =	sld [smem:$0x3FFD];
	_ =	sdelay $0x3  }
0x9c: {  	_ =	strace s3  }
0x9d: {  	_ =	strace $0x8FFFFFFF  }
0x9e: {  	s18 =	sld [smem:$0x3FDB];
	_ =	sdelay $0x1  }
0x9f: {  	s19 =	simm.s32 $_scs_section_size  }
0xa0: {  	s5 =	simm.s32 $_size__tile_overlayer_lowered;
	s6 =	simm.s32 $_tile_overlayer_lowered  }
0xa1: {  	s22 =	simm.s32 $0x1BFF;
	s21 =	sshll.u32 s6, $0x1;
	s3 =	sadd.s32 s19, s18  }
0xa2: {  	s7 =	simm.s32 $0x0;
	s20 =	sshll.u32 s5, $0x1;
	s5 =	sadd.s32 s21, s3  }
0xa3: {  	[timem:s7], [sflag:s22] =	dma.local [hbm:s5], s20  }
0xa4: {  	_ =	swait.ge [sflag:s22], s20  }
0xa5: {  	s4 =	ssub.s32 $0x0, s20;
	[sflag:s22] =	ssyncset.done $0x0  }
0xa6: {  	[sflag:s22] =	ssyncadd.s32 s4;
	_ =	sdelay $0x1  }
0xa7: {  	s23 =	simm.s32 $0x1B8B  }
0xa8: {  	_ =	swait.ge [sflag:s23], $0x1  }
0xa9: {  	[sflag:s23] =	ssyncset.done $0x0  }
0xaa: {  	s25 =	simm.s32 $0x1B8E;
	s24 =	sld [smem:$0x3FFE];
	[sflag:s23] =	ssyncadd.s32 $0xFFFFFFFF  }
0xab: {  	s26 =	simm.s32 $execute0_lowered;
	[smem:$0x3FD2] =	sst s25  }
0xac: {  	s5 =	sshll.u32 s26, $0x1;
	_ =	strace $0x8000004F;
	[dreg:$0x1] =	wrdreg $0xFFFFFFFF  }
0xad: {  	s28 =	simm.s32 $_size_execute0_lowered;
	s3 =	sadd.s32 s3, s5;
	[dreg:$0x0] =	wrdreg $0x0  }
0xae: {  	s5 =	sshll.u32 s28, $0x1;
	[dreg:$0x2] =	wrdreg s3  }
0xaf: {  	[dreg:$0x3] =	wrdreg s5  }
0xb0: {  	[dreg:$0x4] =	wrdreg $0xC0  }
0xb1: {  	_ =	task [dreg:s7], $0x5FFFF  }
0xb2: {  	[dreg:$0x1] =	wrdreg $0xFFFFFFFF  }
0xb3: {  	[dreg:$0x0] =	wrdreg $0x60  }
0xb4: {  	[dreg:$0x2] =	wrdreg s24  }
0xb5: {  	[dreg:$0x3] =	wrdreg s16  }
0xb6: {  	[dreg:$0x4] =	wrdreg $0x79800  }
0xb7: {  	[dreg:$0x5] =	wrdreg $0x119800  }
0xb8: {  	[dreg:$0x6] =	wrdreg $0x1B9800  }
0xb9: {  	[dreg:$0x7] =	wrdreg $0x9  }
0xba: {  	_ =	task.clear_ibuf [dreg:s7], $0x8FFFF;
	_ =	strace $0x9000004F  }
0xbb: {  	s29 =	simm.s32 $0x9;
	_ =	strace $0x80000051  }
0xbc: {  	_ =	swait.ge [sflag:s29], $0x1  }
0xbd: {  	[sflag:s29] =	ssyncadd.s32 $0xFFFFFFFF  }
0xbe: {  	_ =	strace $0x90000051  }
0xbf: {  	_ =	sfence  }
0xc0: {  	s30 =	sld [smem:$0x0];
	_ =	sdelay $0x2  }
0xc1: {  	s31 =	sshll.u32 s1, $0xD;
	s1 =	sshrl.u32 s1, $0x2  }
0xc2: {  	s3 =	sand.u32 $0x4000, s31;
	s1 =	sadd.s32 s1, s30  }
0xc3: {  	s0 =	sor.u32 s3, s0;
	s1 =	sshll.u32 s1, $0x11  }
0xc4: {  	s0 =	sor.u32 s1, s0  }
0xc5: {  	s0 =	sadd.s32 $0x8F2B, s0  }
0xc6: {  	[sflag:s0] =	ssyncadd.remote.s32 $0x1  }
0xc7: {  	_ =	sfence.sel $0xFFFF  }
0xc8: {  	[dreg:$0x0] =	wrdreg $0xFFFFFFFF;
	(pc) =	sbr.abs _section_cstart, $3  }
0xc9: {  	[dreg:$0x1] =	wrdreg $0xFFFFFFFF  }
0xca: {  	_ =	task.clear_ibuf [dreg:s7], $0x2FFFF;
	_ =	strace $0x9FFFFFFF  }
0xcb: {  	(tm) =	ssettm $0x7FFFFFFF  }
tec
execute0_lowered:
.L_overlay_start_1:
0x0: {  	(tag) =	ssettag $0x1  }
0x1: {  	s0 =	rddreg [dreg:$0x0]  }
0x2: {  	s2 =	rddreg [dreg:$0x1]  }
0x3: {  	s1 =	rddreg [dreg:$0x2]  }
0x4: {  	s3 =	rddreg [dreg:$0x3]  }
0x5: {  	s4 =	rddreg [dreg:$0x4];
	s6 =	srdreg.scid  }
0x6: {  	s20 =	stileid.u32;
	s5 =	simm.s32 $0x0;
	s28 =	simm.s32 $0x5180  }
0x7: {  	s29 =	simm.s32 $0x1;
	s30 =	simm.s32 $0x2;
	s8 =	smul.u32 $0x2710, s20  }
0x8: {  	s31 =	simm.s32 $0x3;
	s10 =	sand.u32 $0x1, s6;
	s11 =	smul.u32 $0x4E2, s20  }
0x9: {  	[smem:$0x7FF] =	sst s5;
	s6 =	sadd.s32 $0x595600, s0;
	s12 =	smul.u32 $0xA000, s20  }
0xa: {  	s7 =	sadd.s32 $0x1448E00, s0;
	s15 =	sshll.u32 s20, $0xC;
	s9 =	smul.u32 $0x27100, s10  }
0xb: {  	s23 =	sshll.u32 s20, $0x6;
	p0 =	sgt.u32 s20, $0x9;
	s13 =	smul.u32 $0xA0000, s10  }
0xc: {  	s20 =	simm.s32 $0x4;
	_ =	strace $0x80000050;
	s14 =	smul.u32 $0xA000, s10  }
0xd: {  	s10 =	ssub.s32 $0x2, s10;
	s24 =	sadd.s32 s15, s4;
	s11 =	sadd.s32 s11, s0  }
0xe: {  	s22 =	sshrl.u32 s10, $0x1;
	s19 =	sadd.s32 s12, s1;
	[dreg:$0x6] =	wrdreg s24  }
0xf: {  	s24 =	simm.s32 $0x50;
	s9 =	sadd.s32 s8, s9;
	s8 =	sadd.s32 $0x16B9E00, s0  }
0x10: {  	s13 =	sadd.s32 s12, s13;
	s14 =	sadd.s32 s15, s14;
	s17 =	ssub.s32 s10, s22  }
0x11: {  	s10 =	sor.u32 $0x1C04, s23;
	s12 =	sadd.s32 s12, s3;
	s19 =	sshrl.u32 s19, $0x3  }
0x12: {  	s22 =	simm.s32 $0x80;
	s23 =	simm.s32 $0x100;
	s9 =	sshrl.u32 s9, $0x3  }
0x13: {  	s13 =	sshrl.u32 s13, $0x3;
	s14 =	sshrl.u32 s14, $0x3;
	s26 =	smax.u32 s17, $0x1  }
0x14: {  	s21 =	sshrl.u32 s12, $0x3;
	s18 =	sadd.s32 s9, s0;
	s9 =	sadd.s32 $0x12200, s0  }
0x15: {  	s16 =	sadd.s32 s13, s0;
	s0 =	sadd.s32 s14, s0;
	s2 =	sadd.s32 s2, s13  }
0x16: {  	[dreg:$0xa] =	wrdreg s26;
	s26 =	simm.s32 $0x2980;
	s25 =	sadd.s32 $0x806600, s16  }
0x17: {  	[dreg:$0x7] =	wrdreg s2;
	s0 =	sadd.s32 $0x82E600, s0;
	s16 =	sadd.s32 $0xD200, s11  }
0x18: {  	s17 =	sadd.s32 $0xF5D000, s18;
	s18 =	sadd.s32 $0xF53200, s18;
	[dreg:$0x8] =	wrdreg s25  }
0x19: {  	[dreg:$0x9] =	wrdreg s0;
	s25 =	simm.s32 $0x180;
	s0 =	simm.s32 $0x0  }
.LBB2_1:
0x1a: {  	[spmem:s19], [sflag:s10] =	dma.local [hbm:s9], $0x1400  }
0x1b: {  	_ =	swait.ge [sflag:s20], $0x1400  }
0x1c: {  	[sflag:s20] =	ssyncset.done $0x0  }
0x1d: {  	[sflag:s20] =	ssyncadd.s32 $0xFFFFEC00  }
0x1e: {  	[spmem:s21], [sflag:s10] =	dma.local [hbm:s9], $0x1400  }
0x1f: {  	_ =	swait.ge [sflag:s20], $0x1400  }
0x20: {  	[sflag:s20] =	ssyncset.done $0x0;
	s2 =	rddreg [dreg:$0x6]  }
0x21: {  	s11 =	simm.s32 @!p0 $0x4;
	[sflag:s20] =	ssyncadd.s32 $0xFFFFEC00;
	s2 =	sshrl.u32 @!p0 s2, $0x3  }
0x22: {  	[spmem:s2], [sflag:s10] =	dma.local @!p0 [hbm:s9], $0x200  }
0x23: {  	_ =	swait.ge @!p0 [sflag:s11], $0x200  }
0x24: {  	[sflag:s11] =	ssyncset.done @!p0 $0x0  }
0x25: {  	[sflag:s11] =	ssyncadd.s32 @!p0 $0xFFFFFE00  }
0x26: {  	s13 =	sadd.s32 $0x0, s18;
	[bflag:$0x0] =	sbarrier.arrive $0xFFFF  }
0x27: {  	[tilespmem:s5], [sflag:$0x4] =	stream.linear.gather [hbm4b:s13+s5], $0x50, $0x38;
	[tilespmem:$0x1C380] =	vst v63  }
0x28: {  	_ =	swait.ge [sflag:s20], $0x50  }
0x29: {  	[sflag:s20] =	ssyncset.done $0x0  }
0x2a: {  	s14 =	sadd.s32 $0x0, s17;
	[sflag:s20] =	ssyncadd.s32 $0xFFFFFFB0  }
0x2b: {  	[tilespmem:s22], [sflag:$0x4] =	stream.linear.gather [hbm4b:s14+s5], $0x50, $0x38;
	[tilespmem:$0x1C380] =	vst v63  }
0x2c: {  	_ =	swait.ge [sflag:s20], $0x50  }
0x2d: {  	[sflag:s20] =	ssyncset.done $0x0  }
0x2e: {  	s15 =	sadd.s32 $0x0, s16;
	[sflag:s20] =	ssyncadd.s32 $0xFFFFFFB0  }
0x2f: {  	[tilespmem:s23], [sflag:$0x4] =	stream.linear.gather [hbm4b:s15+s5], $0x50, $0x38;
	[tilespmem:$0x1C380] =	vst v63  }
0x30: {  	_ =	swait.ge [sflag:s20], $0x50  }
0x31: {  	[sflag:s20] =	ssyncset.done $0x0  }
0x32: {  	[sflag:s20] =	ssyncadd.s32 $0xFFFFFFB0  }
0x33: {  	[tilespmem:s25], [sflag:$0x1] =	stream.indirect.gather [hbm4b:s6+s24], $0x80, s23, s24, $0xb8;
	[tilespmem:$0x1C380] =	vst v63  }
0x34: {  	_ = 	snop  }
0x35: {  	[tilespmem:s26], [sflag:$0x2] =	stream.indirect.gather [hbm4b:s7+s24], $0x80, s23, s24, $0xb8;
	[tilespmem:$0x1C380] =	vst v63  }
0x36: {  	_ = 	snop  }
0x37: {  	[tilespmem:s28], [sflag:$0x3] =	stream.indirect.gather [hbm4b:s8+s24], $0x80, s23, s24, $0xb8;
	[tilespmem:$0x1C380] =	vst v63  }
0x38: {  	_ =	swait.ge [sflag:s29], $0x2800  }
0x39: {  	[sflag:s29] =	ssyncset.done $0x0  }
0x3a: {  	[sflag:s29] =	ssyncadd.s32 $0xFFFFD800  }
0x3b: {  	_ =	swait.ge [sflag:s30], $0x2800  }
0x3c: {  	[sflag:s30] =	ssyncset.done $0x0  }
0x3d: {  	[sflag:s30] =	ssyncadd.s32 $0xFFFFD800  }
0x3e: {  	_ =	swait.ge [sflag:s31], $0x2800  }
0x3f: {  	[sflag:s31] =	ssyncset.done $0x0  }
0x40: {  	[sflag:s31] =	ssyncadd.s32 $0xFFFFD800  }
0x41: {  	[spmem:s1] =	stream.indirect.scatter.add.f32 [tilespmem:s25], [sflag:$0x4], $0x80, s5, s24, $0xb8;
	[tilespmem:$0x1C380] =	vst v63  }
0x42: {  	_ =	swait.ge [sflag:s20], $0x2800  }
0x43: {  	[sflag:s20] =	ssyncset.done $0x0  }
0x44: {  	[sflag:s20] =	ssyncadd.s32 $0xFFFFD800  }
0x45: {  	[spmem:s3] =	stream.indirect.scatter.add.f32 [tilespmem:s26], [sflag:$0x4], $0x80, s5, s24, $0xb8;
	[tilespmem:$0x1C380] =	vst v63  }
0x46: {  	_ =	swait.ge [sflag:s20], $0x2800  }
0x47: {  	[sflag:s20] =	ssyncset.done $0x0  }
0x48: {  	[sflag:s20] =	ssyncadd.s32 $0xFFFFD800  }
0x49: {  	[spmem:s4] =	stream.indirect.scatter.add.f32 [tilespmem:s28], [sflag:$0x4], $0x80, s22, s24, $0xb8;
	[tilespmem:$0x1C380] =	vst v63  }
0x4a: {  	_ =	swait.ge [sflag:s20], $0x2800  }
0x4b: {  	s12 =	simm.s32 $0x14;
	s11 =	simm.s32 $0xA;
	[sflag:s20] =	ssyncset.done $0x0  }
.LBB2_2:
0x4c: {  	s14 =	sadd.s32 s11, s18  }
0x4d: {  	[sflag:s20] =	ssyncadd.s32 $0xFFFFD800;
	s15 =	smov.u32 s12;
	s13 =	sadd.s32 $0xA, s12  }
0x4e: {  	[tilespmem:s5], [sflag:$0x4] =	stream.linear.gather [hbm4b:s14+s5], $0x50, $0x38;
	[tilespmem:$0x1C380] =	vst v63  }
0x4f: {  	p1 =	sne.s32 s12, $0x4D8;
	_ =	swait.ge [sflag:s20], $0x50  }
0x50: {  	[sflag:s20] =	ssyncset.done $0x0  }
0x51: {  	s12 =	sadd.s32 s11, s17;
	[sflag:s20] =	ssyncadd.s32 $0xFFFFFFB0  }
0x52: {  	[tilespmem:s22], [sflag:$0x4] =	stream.linear.gather [hbm4b:s12+s5], $0x50, $0x38;
	[tilespmem:$0x1C380] =	vst v63  }
0x53: {  	_ =	swait.ge [sflag:s20], $0x50  }
0x54: {  	[sflag:s20] =	ssyncset.done $0x0  }
0x55: {  	s12 =	sadd.s32 s11, s16;
	s11 =	smov.u32 s15;
	[sflag:s20] =	ssyncadd.s32 $0xFFFFFFB0  }
0x56: {  	[tilespmem:s23], [sflag:$0x4] =	stream.linear.gather [hbm4b:s12+s5], $0x50, $0x38;
	[tilespmem:$0x1C380] =	vst v63  }
0x57: {  	_ =	swait.ge [sflag:s20], $0x50  }
0x58: {  	[sflag:s20] =	ssyncset.done $0x0  }
0x59: {  	[sflag:s20] =	ssyncadd.s32 $0xFFFFFFB0  }
0x5a: {  	[tilespmem:s25], [sflag:$0x1] =	stream.indirect.gather [hbm4b:s6+s24], $0x80, s23, s24, $0xb8;
	[tilespmem:$0x1C380] =	vst v63  }
0x5b: {  	_ = 	snop  }
0x5c: {  	[tilespmem:s26], [sflag:$0x2] =	stream.indirect.gather [hbm4b:s7+s24], $0x80, s23, s24, $0xb8;
	[tilespmem:$0x1C380] =	vst v63  }
0x5d: {  	_ = 	snop  }
0x5e: {  	[tilespmem:s28], [sflag:$0x3] =	stream.indirect.gather [hbm4b:s8+s24], $0x80, s23, s24, $0xb8;
	[tilespmem:$0x1C380] =	vst v63  }
0x5f: {  	_ =	swait.ge [sflag:s29], $0x2800  }
0x60: {  	[sflag:s29] =	ssyncset.done $0x0  }
0x61: {  	[sflag:s29] =	ssyncadd.s32 $0xFFFFD800  }
0x62: {  	_ =	swait.ge [sflag:s30], $0x2800  }
0x63: {  	[sflag:s30] =	ssyncset.done $0x0  }
0x64: {  	[sflag:s30] =	ssyncadd.s32 $0xFFFFD800  }
0x65: {  	_ =	swait.ge [sflag:s31], $0x2800  }
0x66: {  	[sflag:s31] =	ssyncset.done $0x0  }
0x67: {  	[sflag:s31] =	ssyncadd.s32 $0xFFFFD800  }
0x68: {  	[spmem:s1] =	stream.indirect.scatter.add.f32 [tilespmem:s25], [sflag:$0x4], $0x80, s5, s24, $0xb8;
	[tilespmem:$0x1C380] =	vst v63  }
0x69: {  	_ =	swait.ge [sflag:s20], $0x2800  }
0x6a: {  	[sflag:s20] =	ssyncset.done $0x0  }
0x6b: {  	[sflag:s20] =	ssyncadd.s32 $0xFFFFD800  }
0x6c: {  	[spmem:s3] =	stream.indirect.scatter.add.f32 [tilespmem:s26], [sflag:$0x4], $0x80, s5, s24, $0xb8;
	[tilespmem:$0x1C380] =	vst v63  }
0x6d: {  	_ =	swait.ge [sflag:s20], $0x2800  }
.Ltmp0:
0x6e: {  	[sflag:s20] =	ssyncset.done $0x0;
	(pc) =	sbr.rel @p1 .LBB2_2-.Ltmp0, $4  }
0x6f: {  	[sflag:s20] =	ssyncadd.s32 $0xFFFFD800  }
0x70: {  	[spmem:s4] =	stream.indirect.scatter.add.f32 [tilespmem:s28], [sflag:$0x4], $0x80, s22, s24, $0xb8;
	[tilespmem:$0x1C380] =	vst v63  }
0x71: {  	_ =	swait.ge [sflag:s20], $0x2800  }
0x72: {  	s12 =	smov.u32 s13;
	[sflag:s20] =	ssyncset.done $0x0  }
0x73: {  	s12 =	sadd.s32 s11, s18;
	[sflag:s20] =	ssyncadd.s32 $0xFFFFD800  }
0x74: {  	[tilespmem:s5], [sflag:$0x4] =	stream.linear.gather [hbm4b:s12+s5], $0x50, $0x38;
	[tilespmem:$0x1C380] =	vst v63  }
0x75: {  	_ =	swait.ge [sflag:s20], $0x50  }
0x76: {  	[sflag:s20] =	ssyncset.done $0x0  }
0x77: {  	s15 =	sadd.s32 s11, s17;
	[sflag:s20] =	ssyncadd.s32 $0xFFFFFFB0  }
0x78: {  	[tilespmem:s22], [sflag:$0x4] =	stream.linear.gather [hbm4b:s15+s5], $0x50, $0x38;
	[tilespmem:$0x1C380] =	vst v63  }
0x79: {  	_ =	swait.ge [sflag:s20], $0x50  }
0x7a: {  	[sflag:s20] =	ssyncset.done $0x0  }
0x7b: {  	s12 =	sadd.s32 s11, s16;
	[sflag:s20] =	ssyncadd.s32 $0xFFFFFFB0  }
0x7c: {  	[tilespmem:s23], [sflag:$0x4] =	stream.linear.gather [hbm4b:s12+s5], $0x50, $0x38;
	[tilespmem:$0x1C380] =	vst v63  }
0x7d: {  	_ =	swait.ge [sflag:s20], $0x50  }
0x7e: {  	[sflag:s20] =	ssyncset.done $0x0  }
0x7f: {  	[sflag:s20] =	ssyncadd.s32 $0xFFFFFFB0  }
0x80: {  	[tilespmem:s25], [sflag:$0x1] =	stream.indirect.gather [hbm4b:s6+s24], $0x80, s23, s24, $0xb8;
	[tilespmem:$0x1C380] =	vst v63  }
0x81: {  	_ = 	snop  }
0x82: {  	[tilespmem:s26], [sflag:$0x2] =	stream.indirect.gather [hbm4b:s7+s24], $0x80, s23, s24, $0xb8;
	[tilespmem:$0x1C380] =	vst v63  }
0x83: {  	_ = 	snop  }
0x84: {  	[tilespmem:s28], [sflag:$0x3] =	stream.indirect.gather [hbm4b:s8+s24], $0x80, s23, s24, $0xb8;
	[tilespmem:$0x1C380] =	vst v63  }
0x85: {  	_ =	swait.ge [sflag:s29], $0x2800  }
0x86: {  	[sflag:s29] =	ssyncset.done $0x0  }
0x87: {  	[sflag:s29] =	ssyncadd.s32 $0xFFFFD800  }
0x88: {  	_ =	swait.ge [sflag:s30], $0x2800  }
0x89: {  	[sflag:s30] =	ssyncset.done $0x0  }
0x8a: {  	[sflag:s30] =	ssyncadd.s32 $0xFFFFD800  }
0x8b: {  	_ =	swait.ge [sflag:s31], $0x2800  }
0x8c: {  	[sflag:s31] =	ssyncset.done $0x0  }
0x8d: {  	[sflag:s31] =	ssyncadd.s32 $0xFFFFD800  }
0x8e: {  	[spmem:s1] =	stream.indirect.scatter.add.f32 [tilespmem:s25], [sflag:$0x4], $0x80, s5, s24, $0xb8;
	[tilespmem:$0x1C380] =	vst v63  }
0x8f: {  	_ =	swait.ge [sflag:s20], $0x2800  }
0x90: {  	[sflag:s20] =	ssyncset.done $0x0  }
0x91: {  	[sflag:s20] =	ssyncadd.s32 $0xFFFFD800  }
0x92: {  	[spmem:s3] =	stream.indirect.scatter.add.f32 [tilespmem:s26], [sflag:$0x4], $0x80, s5, s24, $0xb8;
	[tilespmem:$0x1C380] =	vst v63  }
0x93: {  	_ =	swait.ge [sflag:s20], $0x2800  }
0x94: {  	[sflag:s20] =	ssyncset.done $0x0  }
0x95: {  	[sflag:s20] =	ssyncadd.s32 $0xFFFFD800  }
0x96: {  	[spmem:s4] =	stream.indirect.scatter.add.f32 [tilespmem:s28], [sflag:$0x4], $0x80, s22, s24, $0xb8;
	[tilespmem:$0x1C380] =	vst v63  }
0x97: {  	_ =	swait.ge [sflag:s20], $0x2800  }
0x98: {  	[sflag:s20] =	ssyncset.done $0x0  }
0x99: {  	[sflag:s20] =	ssyncadd.s32 $0xFFFFD800  }
0x9a: {  	[bflag:$0x0] =	sbarrier.arrive $0xFFFF  }
0x9b: {  	s13 =	rddreg [dreg:$0x7]  }
0x9c: {  	[hbm:s13], [sflag:s10] =	dma.local [spmem:s19], $0x1400  }
0x9d: {  	_ =	swait.ge [sflag:s20], $0x1400  }
0x9e: {  	[sflag:s20] =	ssyncset.done $0x0  }
0x9f: {  	s14 =	rddreg [dreg:$0x8];
	[sflag:s20] =	ssyncadd.s32 $0xFFFFEC00  }
0xa0: {  	[hbm:s14], [sflag:s10] =	dma.local [spmem:s21], $0x1400  }
0xa1: {  	_ =	swait.ge [sflag:s20], $0x1400  }
0xa2: {  	[sflag:s20] =	ssyncset.done $0x0  }
0xa3: {  	s11 =	rddreg [dreg:$0x9];
	[sflag:s20] =	ssyncadd.s32 $0xFFFFEC00  }
0xa4: {  	[hbm:s11], [sflag:s10] =	dma.local @!p0 [spmem:s2], $0x200  }
0xa5: {  	s2 =	simm.s32 @!p0 $0x4  }
0xa6: {  	_ =	swait.ge @!p0 [sflag:s2], $0x200  }
0xa7: {  	s0 =	sadd.s32 $0x1, s0;
	s15 =	rddreg [dreg:$0xa]  }
0xa8: {  	p1 =	sne.s32 s0, s15  }
.Ltmp1:
0xa9: {  	_ = 	snop;
	(pc) =	sbr.rel @p1 .LBB2_1-.Ltmp1, $3  }
0xaa: {  	_ =	sdelay $0x1  }
0xab: {  	[sflag:s2] =	ssyncset.done @!p0 $0x0  }
0xac: {  	[sflag:s2] =	ssyncadd.s32 @!p0 $0xFFFFFE00  }
0xad: {  	_ =	sfence.sel $0x180000  }
0xae: {  	[bflag:$0x0] =	sbarrier.arrive $0xFFFF  }
0xaf: {  	_ =	strace $0x90000050  }
0xb0: {  	s0 =	stileid.u32;
	[bflag:$0x2] =	sbarrier.arrive $0xFFFF  }
0xb1: {  	p0 =	sne.s32 s0, $0x0;
	s0 =	rddreg [dreg:$0x5]  }
0xb2: {  	s0 =	sadd.s32 @!p0 $0x100000, s0  }
0xb3: {  	[sflag:s0] =	ssyncadd.tile.s32 @!p0 $0x1;
	_ =	shalt  }
.Lfunc_end2:
_tile_overlayer_lowered:
.L_overlay_start_2:
0xb4: {  	(tag) =	ssettag $0x2  }
0xb5: {  	s0 =	rddreg [dreg:$0x0];
	s2 =	stileid.u32  }
0xb6: {  	s1 =	rddreg [dreg:$0x1];
	p0 =	sne.s32 s2, $0x0  }
0xb7: {  	s3 =	rddreg [dreg:$0x2];
	[bflag:$0x3] =	sbarrier.arrive $0xFFFF;
	s2 =	simm.s32 @!p0 $0x1C04  }
0xb8: {  	[timem:s3], [sflag:s2] =	dma.local @!p0 [hbm:s0], s1  }
0xb9: {  	s0 =	simm.s32 @!p0 $0x4  }
0xba: {  	_ =	swait.ge @!p0 [sflag:s0], s1  }
0xbb: {  	s1 =	ssub.s32 @!p0 $0x0, s1;
	[sflag:s0] =	ssyncset.done @!p0 $0x0  }
0xbc: {  	[sflag:s0] =	ssyncadd.s32 @!p0 s1  }
0xbd: {  	[bflag:$0x3] =	sbarrier.arrive $0xFFFF  }
0xbe: {  	_ =	shalt  }

// kernel: kernel.30.cloned.1.call-start
scs
__scs_entry_jumppad:
0x0: {  	(pc) =	sbr.rel $0x88, $3  }
0x1: {  	(tag) =	ssettag $0x0;
	lr =	simm.s32 $0x1  }
0x2: {  	[smem:$0x3F8D] =	sst lr;
	_ =	strace $0xD0000000  }
0x3: {  	_ = 	snop  }
0x4: {  	_ = 	snop  }
0x5: {  	_ = 	snop  }
0x6: {  	_ = 	snop  }
0x7: {  	_ = 	snop  }
__scs_overlays_trampoline_lowered:
0x8: {  	[smem:$0x3F9C] =	sst s0  }
0x9: {  	[smem:$0x3F9D] =	sst s1  }
0xa: {  	[smem:$0x3F9E] =	sst s2  }
0xb: {  	[smem:$0x3F9F] =	sst s3  }
0xc: {  	[smem:$0x3FA0] =	sst s4  }
0xd: {  	[smem:$0x3FA1] =	sst s5  }
0xe: {  	[smem:$0x3FA2] =	sst s6  }
0xf: {  	[smem:$0x3FA3] =	sst s7  }
0x10: {  	[smem:$0x3FA4] =	sst s8  }
0x11: {  	[smem:$0x3FA5] =	sst s9;
	s0 =	simm.s32 @!p0 $0x0  }
0x12: {  	s1 =	sld [smem:$0x3F8B];
	s0 =	simm.s32 @p0 $0x1  }
0x13: {  	[smem:$0x3FA6] =	sst s0;
	s0 =	simm.s32 @!p1 $0x0  }
0x14: {  	s2 =	sld [smem:$0x3F8A];
	s0 =	simm.s32 @p1 $0x1  }
0x15: {  	[smem:$0x3FA7] =	sst s0;
	s0 =	simm.s32 @!p2 $0x0  }
0x16: {  	s3 =	sld [smem:$0x3FDB];
	s0 =	simm.s32 @p2 $0x1  }
0x17: {  	s4 =	simm.s32 $0x1BF5;
	[smem:$0x3FA9] =	sst s0  }
0x18: {  	s0 =	sld [smem:$0x3F8C];
	_ =	swait.ge [sflag:s4], $0x0  }
0x19: {  	s7 =	sld [smem:$0x3F8D]  }
0x1a: {  	s8 =	sadd.s32 $0xFFFFE003, lr  }
0x1b: {  	s9 =	sadd.s32 $0xFFFFFEF7, lr;
	s5 =	simm.s32 $0xFFFFFFFF;
	p2 =	slt.u32 s8, $0xFFFFF086  }
0x1c: {  	p1 =	slt.u32 s9, $0xF7A;
	s5 =	simm.s32 @!p2 $0x0  }
0x1d: {  	s5 =	simm.s32 @p1 $0x1;
	p0 =	seq.s32 s7, s2  }
0x1e: {  	s7 =	smul.u32 @!p0 $0xF7A, s2;
	p2 =	seq.s32 @!p0 s5, $0x0  }
0x1f: {  	s9 =	smul.u32 $0xF7A, s1;
	s8 =	simm.s32 @!p0 $0x1BF5;
	p2 =	por !p2, p0  }
0x20: {  	[sflag:s8] =	ssyncset.s32 @!p0 $0xFFFFF086;
	s6 =	sadd.s32 @!p0 s3, s7;
	s7 =	simm.s32 @!p0 $0x108  }
0x21: {  	s3 =	sadd.s32 s3, s9;
	s6 =	sadd.s32 @!p0 $0x88, s6;
	s7 =	simm.s32 @p2 $0x1082  }
0x22: {  	[simem:s7], [sflag:s8] =	dma.local @!p0 [hbm:s6], $0xF7A  }
0x23: {  	s9 =	sor.u32 $0xD0000000, s2;
	s6 =	simm.s32 $0x108;
	_ =	swait.ge @!p0 [sflag:s8], $0x0  }
0x24: {  	s3 =	sadd.s32 $0x88, s3;
	s6 =	simm.s32 @!p1 $0x1082;
	[sflag:s4] =	ssyncset.s32 $0xFFFFF086  }
0x25: {  	[simem:s6], [sflag:s4] =	dma.local [hbm:s3], $0xF7A  }
0x26: {  	[smem:$0x3F8D] =	sst s1;
	(tag) =	ssettag s2;
	_ =	strace s9  }
0x27: {  	s1 =	sld [smem:$0x3F9D]  }
0x28: {  	s2 =	sld [smem:$0x3F9E]  }
0x29: {  	s4 =	sld [smem:$0x3FA0]  }
0x2a: {  	p0 =	seq.s32 s5, $0x0;
	s5 =	sld [smem:$0x3FA1]  }
0x2b: {  	s6 =	sld [smem:$0x3FA2]  }
0x2c: {  	s7 =	sld [smem:$0x3FA3]  }
0x2d: {  	s3 =	simm.s32 $0x108;
	s8 =	sld [smem:$0x3FA4]  }
0x2e: {  	s3 =	simm.s32 @!p0 $0x1082;
	s9 =	sld [smem:$0x3FA5]  }
0x2f: {  	lr =	sadd.s32 s0, s3;
	s0 =	sld [smem:$0x3F9C]  }
0x30: {  	s3 =	sld [smem:$0x3F9F]  }
0x31: {  	[smem:$0x3FA8] =	sst s10  }
0x32: {  	s10 =	sld [smem:$0x3FA6];
	_ =	sdelay $0x3  }
0x33: {  	p0 =	seq.s32 s10, $0x1;
	s10 =	sld [smem:$0x3FA8];
	_ =	sdelay $0x3  }
0x34: {  	[smem:$0x3FA8] =	sst s10  }
0x35: {  	s10 =	sld [smem:$0x3FA7];
	_ =	sdelay $0x3  }
0x36: {  	p1 =	seq.s32 s10, $0x1;
	s10 =	sld [smem:$0x3FA8];
	_ =	sdelay $0x3  }
0x37: {  	[smem:$0x3FA8] =	sst s10  }
0x38: {  	s10 =	sld [smem:$0x3FA9]  }
0x39: {  	_ = 	snop;
	(pc) =	sbr.ind lr, $3  }
0x3a: {  	_ = 	snop  }
0x3b: {  	_ = 	snop  }
0x3c: {  	p2 =	seq.s32 s10, $0x1;
	s10 =	sld [smem:$0x3FA8]  }
0x3d: {  	_ =	shalt  }
0x3e: {  	_ =	shalt  }
0x3f: {  	_ =	shalt  }
0x40: {  	_ =	shalt  }
0x41: {  	_ =	shalt  }
0x42: {  	_ =	shalt  }
0x43: {  	_ =	shalt  }
0x44: {  	_ =	shalt  }
0x45: {  	_ =	shalt  }
0x46: {  	_ =	shalt  }
0x47: {  	_ =	shalt  }
0x48: {  	_ =	shalt  }
0x49: {  	_ =	shalt  }
0x4a: {  	_ =	shalt  }
0x4b: {  	_ =	shalt  }
0x4c: {  	_ =	shalt  }
0x4d: {  	_ =	shalt  }
0x4e: {  	_ =	shalt  }
0x4f: {  	_ =	shalt  }
0x50: {  	_ =	shalt  }
0x51: {  	_ =	shalt  }
0x52: {  	_ =	shalt  }
0x53: {  	_ =	shalt  }
0x54: {  	_ =	shalt  }
0x55: {  	_ =	shalt  }
0x56: {  	_ =	shalt  }
0x57: {  	_ =	shalt  }
0x58: {  	_ =	shalt  }
0x59: {  	_ =	shalt  }
0x5a: {  	_ =	shalt  }
0x5b: {  	_ =	shalt  }
0x5c: {  	_ =	shalt  }
0x5d: {  	_ =	shalt  }
0x5e: {  	_ =	shalt  }
0x5f: {  	_ =	shalt  }
0x60: {  	_ =	shalt  }
0x61: {  	_ =	shalt  }
0x62: {  	_ =	shalt  }
0x63: {  	_ =	shalt  }
0x64: {  	_ =	shalt  }
0x65: {  	_ =	shalt  }
0x66: {  	_ =	shalt  }
0x67: {  	_ =	shalt  }
0x68: {  	_ =	shalt  }
0x69: {  	_ =	shalt  }
0x6a: {  	_ =	shalt  }
0x6b: {  	_ =	shalt  }
0x6c: {  	_ =	shalt  }
0x6d: {  	_ =	shalt  }
0x6e: {  	_ =	shalt  }
0x6f: {  	_ =	shalt  }
0x70: {  	_ =	shalt  }
0x71: {  	_ =	shalt  }
0x72: {  	_ =	shalt  }
0x73: {  	_ =	shalt  }
0x74: {  	_ =	shalt  }
0x75: {  	_ =	shalt  }
0x76: {  	_ =	shalt  }
0x77: {  	_ =	shalt  }
0x78: {  	_ =	shalt  }
0x79: {  	_ =	shalt  }
0x7a: {  	_ =	shalt  }
0x7b: {  	_ =	shalt  }
0x7c: {  	_ =	shalt  }
0x7d: {  	_ =	shalt  }
0x7e: {  	_ =	shalt  }
0x7f: {  	_ =	shalt  }
0x80: {  	_ =	shalt  }
0x81: {  	_ =	shalt  }
0x82: {  	_ =	shalt  }
0x83: {  	_ =	shalt  }
0x84: {  	_ =	shalt  }
0x85: {  	_ =	shalt  }
0x86: {  	_ =	shalt  }
0x87: {  	_ =	shalt  }
.Lfunc_end0:
.L_simem_size_0:
called_computation.4_lowered:
.L_overlay_start_0:
0x88: {  	s2 =	sld [smem:$0x3FD9]  }
0x89: {  	s3 =	sld [smem:$0x3FFE];
	_ =	sdelay $0x1  }
0x8a: {  	s1 =	srdreg.scid  }
0x8b: {  	s0 =	sand.u32 $0x1, s1  }
0x8c: {  	s14 =	sshll.u32 s0, $0xA;
	s2 =	sadd.s32 s3, s2  }
0x8d: {  	s2 =	sadd.s32 s2, s14  }
0x8e: {  	[smem:$0x3FB4] =	sst s2  }
0x8f: {  	_ = 	snop  }
0x90: {  	s2 =	sld [smem:$0x3FD0];
	_ =	sdelay $0x2  }
0x91: {  	s15 =	simm.s32 $0xA;
	s4 =	simm.s32 $0x10  }
0x92: {  	[smem:s4], [sflag:s15] =	dma.local [hbm:s2], $0x1  }
0x93: {  	_ =	swait.eq [sflag:s15], $0x1  }
0x94: {  	[sflag:s15] =	ssyncset.done $0x0  }
0x95: {  	[sflag:s15] =	ssyncadd.s32 $0xFFFFFFFF  }
0x96: {  	s16 =	sld [smem:$0x10];
	(tm) =	ssettm $0x1  }
0x97: {  	s17 =	sld [smem:$0x3FFB];
	_ =	sdelay $0x3  }
0x98: {  	_ =	strace s17  }
0x99: {  	s3 =	sld [smem:$0x3FFC];
	_ =	sdelay $0x3  }
0x9a: {  	_ =	strace s3  }
0x9b: {  	s3 =	sld [smem:$0x3FFD];
	_ =	sdelay $0x3  }
0x9c: {  	_ =	strace s3  }
0x9d: {  	_ =	strace $0x8FFFFFFF  }
0x9e: {  	s18 =	sld [smem:$0x3FDB];
	_ =	sdelay $0x1  }
0x9f: {  	s19 =	simm.s32 $_scs_section_size  }
0xa0: {  	s5 =	simm.s32 $_size__tile_overlayer_lowered;
	s6 =	simm.s32 $_tile_overlayer_lowered  }
0xa1: {  	s22 =	simm.s32 $0x1BFF;
	s21 =	sshll.u32 s6, $0x1;
	s3 =	sadd.s32 s19, s18  }
0xa2: {  	s7 =	simm.s32 $0x0;
	s20 =	sshll.u32 s5, $0x1;
	s5 =	sadd.s32 s21, s3  }
0xa3: {  	[timem:s7], [sflag:s22] =	dma.local [hbm:s5], s20  }
0xa4: {  	_ =	swait.ge [sflag:s22], s20  }
0xa5: {  	s4 =	ssub.s32 $0x0, s20;
	[sflag:s22] =	ssyncset.done $0x0  }
0xa6: {  	[sflag:s22] =	ssyncadd.s32 s4;
	_ =	sdelay $0x1  }
0xa7: {  	s23 =	simm.s32 $0x1B8B  }
0xa8: {  	_ =	swait.ge [sflag:s23], $0x1  }
0xa9: {  	[sflag:s23] =	ssyncset.done $0x0  }
0xaa: {  	s25 =	simm.s32 $0x1B8E;
	s24 =	sld [smem:$0x3FFE];
	[sflag:s23] =	ssyncadd.s32 $0xFFFFFFFF  }
0xab: {  	s26 =	simm.s32 $execute0_lowered;
	[smem:$0x3FD2] =	sst s25  }
0xac: {  	s5 =	sshll.u32 s26, $0x1;
	_ =	strace $0x80000052;
	[dreg:$0x1] =	wrdreg $0xFFFFFFFF  }
0xad: {  	s28 =	simm.s32 $_size_execute0_lowered;
	s3 =	sadd.s32 s3, s5;
	[dreg:$0x0] =	wrdreg $0x0  }
0xae: {  	s5 =	sshll.u32 s28, $0x1;
	[dreg:$0x2] =	wrdreg s3  }
0xaf: {  	[dreg:$0x3] =	wrdreg s5  }
0xb0: {  	[dreg:$0x4] =	wrdreg $0xC0  }
0xb1: {  	_ =	task [dreg:s7], $0x5FFFF  }
0xb2: {  	[dreg:$0x1] =	wrdreg $0xFFFFFFFF  }
0xb3: {  	[dreg:$0x0] =	wrdreg $0x60  }
0xb4: {  	[dreg:$0x2] =	wrdreg s24  }
0xb5: {  	[dreg:$0x3] =	wrdreg s16  }
0xb6: {  	[dreg:$0x4] =	wrdreg $0x9  }
0xb7: {  	_ =	task.clear_ibuf [dreg:s7], $0x5FFFF;
	_ =	strace $0x90000052  }
0xb8: {  	s29 =	simm.s32 $0x9;
	_ =	strace $0x80000054  }
0xb9: {  	_ =	swait.ge [sflag:s29], $0x1  }
0xba: {  	[sflag:s29] =	ssyncadd.s32 $0xFFFFFFFF  }
0xbb: {  	_ =	strace $0x90000054  }
0xbc: {  	_ =	sfence  }
0xbd: {  	s30 =	sld [smem:$0x0];
	_ =	sdelay $0x2  }
0xbe: {  	s31 =	sshll.u32 s1, $0xD;
	s1 =	sshrl.u32 s1, $0x2  }
0xbf: {  	s3 =	sand.u32 $0x4000, s31;
	s1 =	sadd.s32 s1, s30  }
0xc0: {  	s0 =	sor.u32 s3, s0;
	s1 =	sshll.u32 s1, $0x11  }
0xc1: {  	s0 =	sor.u32 s1, s0  }
0xc2: {  	s0 =	sadd.s32 $0x8F2B, s0  }
0xc3: {  	[sflag:s0] =	ssyncadd.remote.s32 $0x1  }
0xc4: {  	_ =	sfence.sel $0xFFFF  }
0xc5: {  	[dreg:$0x0] =	wrdreg $0xFFFFFFFF;
	(pc) =	sbr.abs _section_cstart, $3  }
0xc6: {  	[dreg:$0x1] =	wrdreg $0xFFFFFFFF  }
0xc7: {  	_ =	task.clear_ibuf [dreg:s7], $0x2FFFF;
	_ =	strace $0x9FFFFFFF  }
0xc8: {  	(tm) =	ssettm $0x7FFFFFFF  }
0xc9: {  	_ =	shalt  }
tec
execute0_lowered:
.L_overlay_start_1:
0x0: {  	(tag) =	ssettag $0x1  }
0x1: {  	s5 =	rddreg [dreg:$0x0]  }
0x2: {  	s8 =	rddreg [dreg:$0x1]  }
0x3: {  	s0 =	rddreg [dreg:$0x2];
	s3 =	srdreg.scid  }
0x4: {  	s1 =	stileid.u32;
	s2 =	simm.s32 $0x0;
	s13 =	simm.s32 $0x900  }
0x5: {  	s14 =	simm.s32 $0x1100;
	s15 =	simm.s32 $0x1900;
	s16 =	simm.s32 $0x2100  }
0x6: {  	s17 =	simm.s32 $0x2900;
	s18 =	simm.s32 $0x3100;
	s19 =	simm.s32 $0x3900  }
0x7: {  	s20 =	simm.s32 $0x4100;
	s21 =	simm.s32 $0x4900;
	s22 =	simm.s32 $0x1  }
0x8: {  	s23 =	simm.s32 $0x2;
	s24 =	simm.s32 $0x0;
	s7 =	smul.u32 $0x2710, s1  }
0x9: {  	s6 =	sand.u32 $0x1, s3;
	[smem:$0x7FF] =	sst s2;
	s10 =	smul.u32 $0x4E200, s1  }
0xa: {  	s3 =	sadd.s32 $0x63600, s5;
	s4 =	sadd.s32 $0x13600, s5;
	s9 =	smul.u32 $0x1388, s6  }
0xb: {  	_ =	strace $0x80000053;
	s11 =	ssub.s32 $0x2, s6;
	s6 =	smul.u32 $0x27100, s6  }
0xc: {  	s28 =	sadd.s32 s10, s5;
	s29 =	sshrl.u32 s11, $0x1;
	s10 =	simm.s32 $0x3  }
0xd: {  	s7 =	sadd.s32 s9, s7;
	s30 =	ssub.s32 s11, s29;
	s9 =	sadd.s32 s6, s28  }
0xe: {  	v2 =	vlaneseq.u32;
	s11 =	simm.s32 $0x80;
	s12 =	sshrl.u32 s7, $0x3;
	s6 =	sadd.s32 $0xB3600, s9  }
0xf: {  	vm0 =	vmmov $0xffff;
	v1 =	vshrl.u32 v2, $0x3;
	s7 =	sadd.s32 $0xF66E00, s9;
	s31 =	sadd.s32 s12, s5;
	s5 =	smax.u32 s30, $0x1  }
0x10: {  	v0 =	vand.u32 $0x7, v2;
	v2 =	vor.u32 $0x8, v2;
	v1 =	vmul.u32 $0x8, v1;
	s8 =	sadd.s32 s12, s8;
	s12 =	simm.s32 $0x100;
	s9 =	sadd.s32 $0x8200, s31  }
.LBB2_1:
0x11: {  	s25 =	smov.u32 s7;
	s26 =	smov.u32 s6;
	s28 =	simm.s32 $0x0  }
.LBB2_2:
0x12: {  	s29 =	sadd.s32 s28, s9  }
0x13: {  	[tilespmem:s2], [sflag:$0x3] =	stream.linear.gather [hbm4b:s29+s2], $0x28, $0x38;
	[tilespmem:$0x5100] =	vst v63  }
0x14: {  	_ =	swait.ge [sflag:s10], $0x28  }
0x15: {  	[sflag:s10] =	ssyncset.done $0x0  }
0x16: {  	s31 =	sadd.s32 s28, s8;
	[sflag:s10] =	ssyncadd.s32 $0xFFFFFFD8  }
0x17: {  	[tilespmem:s11], [sflag:$0x3] =	stream.linear.gather [hbm4b:s31+s2], $0x28, $0x38;
	[tilespmem:$0x5100] =	vst v63  }
0x18: {  	_ =	swait.ge [sflag:s10], $0x28  }
0x19: {  	[sflag:s10] =	ssyncset.done $0x0  }
0x1a: {  	[sflag:s10] =	ssyncadd.s32 $0xFFFFFFD8  }
0x1b: {  	v3 =	vld [tilespmem:$0x0];
	_ =	sdelay $0x4  }
0x1c: {  	v4 =	vshll.u32 v3, $0x1  }
0x1d: {  	v3 =	vand.u32 $0x7, v3;
	v4 =	vand.u32 $0xFFFFFFF0, v4  }
0x1e: {  	v3 =	vor.u32 v3, v4  }
0x1f: {  	v4 =	vperm.xlane v3, v0;
	_ =	sdelay $0x1  }
0x20: {  	v3 =	vperm.xlane v3, v2;
	v4 =	vadd.s32 v1, v4;
	_ =	sdelay $0x1  }
0x21: {  	v3 =	vadd.s32 v1, v3;
	_ =	sdelay $0x2  }
0x22: {  	[tilespmem:s12], [sflag:$0x1] =	stream.indirect_vreg.gather [hbm4b:s3+s2], $0x80, v4, vm0, $0xb8;
	[tilespmem:$0x5100] =	vst v63  }
0x23: {  	_ = 	snop  }
0x24: {  	[tilespmem:s13], [sflag:$0x1] =	stream.indirect_vreg.gather [hbm4b:s3+s2], $0x80, v3, vm0, $0xb8;
	[tilespmem:$0x5100] =	vst v63  }
0x25: {  	v3 =	vld [tilespmem:$0x10];
	_ =	sdelay $0x4  }
0x26: {  	v59 =	vshll.u32 v3, $0x1  }
0x27: {  	v3 =	vand.u32 $0x7, v3;
	v4 =	vand.u32 $0xFFFFFFF0, v59  }
0x28: {  	v3 =	vor.u32 v3, v4  }
0x29: {  	v4 =	vperm.xlane v3, v0;
	_ =	sdelay $0x1  }
0x2a: {  	v3 =	vperm.xlane v3, v2;
	v4 =	vadd.s32 v1, v4;
	_ =	sdelay $0x1  }
0x2b: {  	v3 =	vadd.s32 v1, v3;
	_ =	sdelay $0x2  }
0x2c: {  	[tilespmem:s14], [sflag:$0x1] =	stream.indirect_vreg.gather [hbm4b:s3+s2], $0x80, v4, vm0, $0xb8;
	[tilespmem:$0x5100] =	vst v63  }
0x2d: {  	_ = 	snop  }
0x2e: {  	[tilespmem:s15], [sflag:$0x1] =	stream.indirect_vreg.gather [hbm4b:s3+s2], $0x80, v3, vm0, $0xb8;
	[tilespmem:$0x5100] =	vst v63  }
0x2f: {  	v3 =	vld.msk [tilespmem:$0x20], $0xff;
	_ =	sdelay $0x4  }
0x30: {  	v60 =	vshll.u32 v3, $0x1  }
0x31: {  	v3 =	vand.u32 $0x7, v3;
	v4 =	vand.u32 $0xFFFFFFF0, v60  }
0x32: {  	v3 =	vor.u32 v3, v4  }
0x33: {  	v3 =	vperm.xlane v3, v0;
	_ =	sdelay $0x1  }
0x34: {  	v3 =	vadd.s32 v1, v3;
	_ =	sdelay $0x4  }
0x35: {  	[tilespmem:s16], [sflag:$0x1] =	stream.indirect_vreg.gather [hbm4b:s3+s2], $0x80, v3, vm0, $0xb8;
	[tilespmem:$0x5100] =	vst v63  }
0x36: {  	v3 =	vld [tilespmem:$0x80];
	_ =	sdelay $0x4  }
0x37: {  	v61 =	vshll.u32 v3, $0x1  }
0x38: {  	v3 =	vand.u32 $0x7, v3;
	v4 =	vand.u32 $0xFFFFFFF0, v61  }
0x39: {  	v3 =	vor.u32 v3, v4  }
0x3a: {  	v4 =	vperm.xlane v3, v0;
	_ =	sdelay $0x1  }
0x3b: {  	v3 =	vperm.xlane v3, v2;
	v4 =	vadd.s32 v1, v4;
	_ =	sdelay $0x1  }
0x3c: {  	v3 =	vadd.s32 v1, v3;
	_ =	sdelay $0x2  }
0x3d: {  	[tilespmem:s17], [sflag:$0x2] =	stream.indirect_vreg.gather [hbm4b:s4+s2], $0x80, v4, vm0, $0xb8;
	[tilespmem:$0x5100] =	vst v63  }
0x3e: {  	_ = 	snop  }
0x3f: {  	[tilespmem:s18], [sflag:$0x2] =	stream.indirect_vreg.gather [hbm4b:s4+s2], $0x80, v3, vm0, $0xb8;
	[tilespmem:$0x5100] =	vst v63  }
0x40: {  	v3 =	vld [tilespmem:$0x90];
	_ =	sdelay $0x4  }
0x41: {  	v62 =	vshll.u32 v3, $0x1  }
0x42: {  	v3 =	vand.u32 $0x7, v3;
	v4 =	vand.u32 $0xFFFFFFF0, v62  }
0x43: {  	v3 =	vor.u32 v3, v4  }
0x44: {  	v4 =	vperm.xlane v3, v0;
	_ =	sdelay $0x1  }
0x45: {  	v3 =	vperm.xlane v3, v2;
	v4 =	vadd.s32 v1, v4;
	_ =	sdelay $0x1  }
0x46: {  	v3 =	vadd.s32 v1, v3;
	_ =	sdelay $0x2  }
0x47: {  	[tilespmem:s19], [sflag:$0x2] =	stream.indirect_vreg.gather [hbm4b:s4+s2], $0x80, v4, vm0, $0xb8;
	[tilespmem:$0x5100] =	vst v63  }
0x48: {  	_ = 	snop  }
0x49: {  	[tilespmem:s20], [sflag:$0x2] =	stream.indirect_vreg.gather [hbm4b:s4+s2], $0x80, v3, vm0, $0xb8;
	[tilespmem:$0x5100] =	vst v63  }
0x4a: {  	v3 =	vld.msk [tilespmem:$0xA0], $0xff;
	_ =	sdelay $0x4  }
0x4b: {  	v63 =	vshll.u32 v3, $0x1  }
0x4c: {  	v3 =	vand.u32 $0x7, v3;
	v4 =	vand.u32 $0xFFFFFFF0, v63  }
0x4d: {  	v3 =	vor.u32 v3, v4  }
0x4e: {  	v3 =	vperm.xlane v3, v0;
	_ =	sdelay $0x1  }
0x4f: {  	v3 =	vadd.s32 v1, v3;
	_ =	sdelay $0x4  }
0x50: {  	[tilespmem:s21], [sflag:$0x2] =	stream.indirect_vreg.gather [hbm4b:s4+s2], $0x80, v3, vm0, $0xb8;
	[tilespmem:$0x5100] =	vst v63  }
0x51: {  	_ =	swait.ge [sflag:s22], $0x2800  }
0x52: {  	[sflag:s22] =	ssyncset.done $0x0  }
0x53: {  	[sflag:s22] =	ssyncadd.s32 $0xFFFFD800  }
0x54: {  	_ =	swait.ge [sflag:s23], $0x2800  }
0x55: {  	[sflag:s23] =	ssyncset.done $0x0  }
0x56: {  	[sflag:s23] =	ssyncadd.s32 $0xFFFFD800  }
0x57: {  	[hbm4b:s26+s2] =	stream.linear.scatter [tilespmem:s12], [sflag:$0x3], $0x2800, $0x38;
	[tilespmem:$0x5100] =	vst v63  }
0x58: {  	_ =	swait.ge [sflag:s10], $0x2800  }
0x59: {  	p0 =	sne.s32 s28, $0x26C;
	[sflag:s10] =	ssyncset.done $0x0  }
.Ltmp0:
0x5a: {  	[sflag:s10] =	ssyncadd.s32 $0xFFFFD800;
	(pc) =	sbr.rel @p0 .LBB2_2-.Ltmp0, $4  }
0x5b: {  	[hbm4b:s25+s2] =	stream.linear.scatter [tilespmem:s17], [sflag:$0x3], $0x2800, $0x38;
	[tilespmem:$0x5100] =	vst v63  }
0x5c: {  	_ =	swait.ge [sflag:s10], $0x2800  }
0x5d: {  	s28 =	sadd.s32 $0x5, s28;
	[sflag:s10] =	ssyncset.done $0x0  }
0x5e: {  	s26 =	sadd.s32 $0x500, s26;
	s25 =	sadd.s32 $0x500, s25;
	[sflag:s10] =	ssyncadd.s32 $0xFFFFD800  }
0x5f: {  	s24 =	sadd.s32 $0x1, s24  }
0x60: {  	p0 =	sne.s32 s24, s5  }
.Ltmp1:
0x61: {  	_ = 	snop;
	(pc) =	sbr.rel @p0 .LBB2_1-.Ltmp1, $1  }
0x62: {  	_ =	sdelay $0x3  }
0x63: {  	_ =	sfence.sel $0x180000  }
0x64: {  	[bflag:$0x0] =	sbarrier.arrive $0xFFFF  }
0x65: {  	p0 =	sne.s32 s1, $0x0;
	_ =	strace $0x90000053  }
0x66: {  	s0 =	sadd.s32 @!p0 $0x100000, s0;
	[bflag:$0x2] =	sbarrier.arrive $0xFFFF  }
0x67: {  	[sflag:s0] =	ssyncadd.tile.s32 @!p0 $0x1;
	_ =	shalt  }
.Lfunc_end2:
_tile_overlayer_lowered:
.L_overlay_start_2:
0x68: {  	(tag) =	ssettag $0x2  }
0x69: {  	s0 =	rddreg [dreg:$0x0];
	s2 =	stileid.u32  }
0x6a: {  	s1 =	rddreg [dreg:$0x1];
	p0 =	sne.s32 s2, $0x0  }
0x6b: {  	s3 =	rddreg [dreg:$0x2];
	[bflag:$0x3] =	sbarrier.arrive $0xFFFF;
	s2 =	simm.s32 @!p0 $0x1C03  }
0x6c: {  	[timem:s3], [sflag:s2] =	dma.local @!p0 [hbm:s0], s1  }
0x6d: {  	s0 =	simm.s32 @!p0 $0x3  }
0x6e: {  	_ =	swait.ge @!p0 [sflag:s0], s1  }
0x6f: {  	s1 =	ssub.s32 @!p0 $0x0, s1;
	[sflag:s0] =	ssyncset.done @!p0 $0x0  }
0x70: {  	[sflag:s0] =	ssyncadd.s32 @!p0 s1  }
0x71: {  	[bflag:$0x3] =	sbarrier.arrive $0xFFFF  }
0x72: {  	_ =	shalt  }

// kernel: kernel.33.cloned.1.call-start
scs
__scs_entry_jumppad:
0x0: {  	(pc) =	sbr.rel $0x88, $3  }
0x1: {  	(tag) =	ssettag $0x0;
	lr =	simm.s32 $0x1  }
0x2: {  	[smem:$0x3F8D] =	sst lr;
	_ =	strace $0xD0000000  }
0x3: {  	_ = 	snop  }
0x4: {  	_ = 	snop  }
0x5: {  	_ = 	snop  }
0x6: {  	_ = 	snop  }
0x7: {  	_ = 	snop  }
__scs_overlays_trampoline_lowered:
0x8: {  	[smem:$0x3F9C] =	sst s0  }
0x9: {  	[smem:$0x3F9D] =	sst s1  }
0xa: {  	[smem:$0x3F9E] =	sst s2  }
0xb: {  	[smem:$0x3F9F] =	sst s3  }
0xc: {  	[smem:$0x3FA0] =	sst s4  }
0xd: {  	[smem:$0x3FA1] =	sst s5  }
0xe: {  	[smem:$0x3FA2] =	sst s6  }
0xf: {  	[smem:$0x3FA3] =	sst s7  }
0x10: {  	[smem:$0x3FA4] =	sst s8  }
0x11: {  	[smem:$0x3FA5] =	sst s9;
	s0 =	simm.s32 @!p0 $0x0  }
0x12: {  	s1 =	sld [smem:$0x3F8B];
	s0 =	simm.s32 @p0 $0x1  }
0x13: {  	[smem:$0x3FA6] =	sst s0;
	s0 =	simm.s32 @!p1 $0x0  }
0x14: {  	s2 =	sld [smem:$0x3F8A];
	s0 =	simm.s32 @p1 $0x1  }
0x15: {  	[smem:$0x3FA7] =	sst s0;
	s0 =	simm.s32 @!p2 $0x0  }
0x16: {  	s3 =	sld [smem:$0x3FDB];
	s0 =	simm.s32 @p2 $0x1  }
0x17: {  	s4 =	simm.s32 $0x1BF5;
	[smem:$0x3FA9] =	sst s0  }
0x18: {  	s0 =	sld [smem:$0x3F8C];
	_ =	swait.ge [sflag:s4], $0x0  }
0x19: {  	s7 =	sld [smem:$0x3F8D]  }
0x1a: {  	s8 =	sadd.s32 $0xFFFFE003, lr  }
0x1b: {  	s9 =	sadd.s32 $0xFFFFFEF7, lr;
	s5 =	simm.s32 $0xFFFFFFFF;
	p2 =	slt.u32 s8, $0xFFFFF086  }
0x1c: {  	p1 =	slt.u32 s9, $0xF7A;
	s5 =	simm.s32 @!p2 $0x0  }
0x1d: {  	s5 =	simm.s32 @p1 $0x1;
	p0 =	seq.s32 s7, s2  }
0x1e: {  	s7 =	smul.u32 @!p0 $0xF7A, s2;
	p2 =	seq.s32 @!p0 s5, $0x0  }
0x1f: {  	s9 =	smul.u32 $0xF7A, s1;
	s8 =	simm.s32 @!p0 $0x1BF5;
	p2 =	por !p2, p0  }
0x20: {  	[sflag:s8] =	ssyncset.s32 @!p0 $0xFFFFF086;
	s6 =	sadd.s32 @!p0 s3, s7;
	s7 =	simm.s32 @!p0 $0x108  }
0x21: {  	s3 =	sadd.s32 s3, s9;
	s6 =	sadd.s32 @!p0 $0x88, s6;
	s7 =	simm.s32 @p2 $0x1082  }
0x22: {  	[simem:s7], [sflag:s8] =	dma.local @!p0 [hbm:s6], $0xF7A  }
0x23: {  	s9 =	sor.u32 $0xD0000000, s2;
	s6 =	simm.s32 $0x108;
	_ =	swait.ge @!p0 [sflag:s8], $0x0  }
0x24: {  	s3 =	sadd.s32 $0x88, s3;
	s6 =	simm.s32 @!p1 $0x1082;
	[sflag:s4] =	ssyncset.s32 $0xFFFFF086  }
0x25: {  	[simem:s6], [sflag:s4] =	dma.local [hbm:s3], $0xF7A  }
0x26: {  	[smem:$0x3F8D] =	sst s1;
	(tag) =	ssettag s2;
	_ =	strace s9  }
0x27: {  	s1 =	sld [smem:$0x3F9D]  }
0x28: {  	s2 =	sld [smem:$0x3F9E]  }
0x29: {  	s4 =	sld [smem:$0x3FA0]  }
0x2a: {  	p0 =	seq.s32 s5, $0x0;
	s5 =	sld [smem:$0x3FA1]  }
0x2b: {  	s6 =	sld [smem:$0x3FA2]  }
0x2c: {  	s7 =	sld [smem:$0x3FA3]  }
0x2d: {  	s3 =	simm.s32 $0x108;
	s8 =	sld [smem:$0x3FA4]  }
0x2e: {  	s3 =	simm.s32 @!p0 $0x1082;
	s9 =	sld [smem:$0x3FA5]  }
0x2f: {  	lr =	sadd.s32 s0, s3;
	s0 =	sld [smem:$0x3F9C]  }
0x30: {  	s3 =	sld [smem:$0x3F9F]  }
0x31: {  	[smem:$0x3FA8] =	sst s10  }
0x32: {  	s10 =	sld [smem:$0x3FA6];
	_ =	sdelay $0x3  }
0x33: {  	p0 =	seq.s32 s10, $0x1;
	s10 =	sld [smem:$0x3FA8];
	_ =	sdelay $0x3  }
0x34: {  	[smem:$0x3FA8] =	sst s10  }
0x35: {  	s10 =	sld [smem:$0x3FA7];
	_ =	sdelay $0x3  }
0x36: {  	p1 =	seq.s32 s10, $0x1;
	s10 =	sld [smem:$0x3FA8];
	_ =	sdelay $0x3  }
0x37: {  	[smem:$0x3FA8] =	sst s10  }
0x38: {  	s10 =	sld [smem:$0x3FA9]  }
0x39: {  	_ = 	snop;
	(pc) =	sbr.ind lr, $3  }
0x3a: {  	_ = 	snop  }
0x3b: {  	_ = 	snop  }
0x3c: {  	p2 =	seq.s32 s10, $0x1;
	s10 =	sld [smem:$0x3FA8]  }
0x3d: {  	_ =	shalt  }
0x3e: {  	_ =	shalt  }
0x3f: {  	_ =	shalt  }
0x40: {  	_ =	shalt  }
0x41: {  	_ =	shalt  }
0x42: {  	_ =	shalt  }
0x43: {  	_ =	shalt  }
0x44: {  	_ =	shalt  }
0x45: {  	_ =	shalt  }
0x46: {  	_ =	shalt  }
0x47: {  	_ =	shalt  }
0x48: {  	_ =	shalt  }
0x49: {  	_ =	shalt  }
0x4a: {  	_ =	shalt  }
0x4b: {  	_ =	shalt  }
0x4c: {  	_ =	shalt  }
0x4d: {  	_ =	shalt  }
0x4e: {  	_ =	shalt  }
0x4f: {  	_ =	shalt  }
0x50: {  	_ =	shalt  }
0x51: {  	_ =	shalt  }
0x52: {  	_ =	shalt  }
0x53: {  	_ =	shalt  }
0x54: {  	_ =	shalt  }
0x55: {  	_ =	shalt  }
0x56: {  	_ =	shalt  }
0x57: {  	_ =	shalt  }
0x58: {  	_ =	shalt  }
0x59: {  	_ =	shalt  }
0x5a: {  	_ =	shalt  }
0x5b: {  	_ =	shalt  }
0x5c: {  	_ =	shalt  }
0x5d: {  	_ =	shalt  }
0x5e: {  	_ =	shalt  }
0x5f: {  	_ =	shalt  }
0x60: {  	_ =	shalt  }
0x61: {  	_ =	shalt  }
0x62: {  	_ =	shalt  }
0x63: {  	_ =	shalt  }
0x64: {  	_ =	shalt  }
0x65: {  	_ =	shalt  }
0x66: {  	_ =	shalt  }
0x67: {  	_ =	shalt  }
0x68: {  	_ =	shalt  }
0x69: {  	_ =	shalt  }
0x6a: {  	_ =	shalt  }
0x6b: {  	_ =	shalt  }
0x6c: {  	_ =	shalt  }
0x6d: {  	_ =	shalt  }
0x6e: {  	_ =	shalt  }
0x6f: {  	_ =	shalt  }
0x70: {  	_ =	shalt  }
0x71: {  	_ =	shalt  }
0x72: {  	_ =	shalt  }
0x73: {  	_ =	shalt  }
0x74: {  	_ =	shalt  }
0x75: {  	_ =	shalt  }
0x76: {  	_ =	shalt  }
0x77: {  	_ =	shalt  }
0x78: {  	_ =	shalt  }
0x79: {  	_ =	shalt  }
0x7a: {  	_ =	shalt  }
0x7b: {  	_ =	shalt  }
0x7c: {  	_ =	shalt  }
0x7d: {  	_ =	shalt  }
0x7e: {  	_ =	shalt  }
0x7f: {  	_ =	shalt  }
0x80: {  	_ =	shalt  }
0x81: {  	_ =	shalt  }
0x82: {  	_ =	shalt  }
0x83: {  	_ =	shalt  }
0x84: {  	_ =	shalt  }
0x85: {  	_ =	shalt  }
0x86: {  	_ =	shalt  }
0x87: {  	_ =	shalt  }
.Lfunc_end0:
.L_simem_size_0:
called_computation.5_lowered:
.L_overlay_start_0:
0x88: {  	s2 =	sld [smem:$0x3FD9]  }
0x89: {  	s3 =	sld [smem:$0x3FFE];
	_ =	sdelay $0x1  }
0x8a: {  	s1 =	srdreg.scid  }
0x8b: {  	s0 =	sand.u32 $0x1, s1  }
0x8c: {  	s14 =	sshll.u32 s0, $0xA;
	s2 =	sadd.s32 s3, s2  }
0x8d: {  	s2 =	sadd.s32 s2, s14  }
0x8e: {  	[smem:$0x3FB4] =	sst s2  }
0x8f: {  	_ = 	snop  }
0x90: {  	s2 =	sld [smem:$0x3FD0];
	_ =	sdelay $0x2  }
0x91: {  	s15 =	simm.s32 $0xA;
	s4 =	simm.s32 $0x10  }
0x92: {  	[smem:s4], [sflag:s15] =	dma.local [hbm:s2], $0x1  }
0x93: {  	_ =	swait.eq [sflag:s15], $0x1  }
0x94: {  	[sflag:s15] =	ssyncset.done $0x0  }
0x95: {  	s16 =	sld [smem:$0x10];
	[sflag:s15] =	ssyncadd.s32 $0xFFFFFFFF  }
0x96: {  	s17 =	sld [smem:$0x11];
	(tm) =	ssettm $0x1  }
0x97: {  	s18 =	sld [smem:$0x3FFB];
	_ =	sdelay $0x3  }
0x98: {  	_ =	strace s18  }
0x99: {  	s4 =	sld [smem:$0x3FFC];
	_ =	sdelay $0x3  }
0x9a: {  	_ =	strace s4  }
0x9b: {  	s4 =	sld [smem:$0x3FFD];
	_ =	sdelay $0x3  }
0x9c: {  	_ =	strace s4  }
0x9d: {  	_ =	strace $0x8FFFFFFF  }
0x9e: {  	s19 =	sld [smem:$0x3FDB];
	_ =	sdelay $0x1  }
0x9f: {  	s5 =	simm.s32 $_scs_section_size  }
0xa0: {  	s6 =	simm.s32 $_size__tile_overlayer_lowered;
	s7 =	simm.s32 $_tile_overlayer_lowered  }
0xa1: {  	s22 =	simm.s32 $0x1BFF;
	s21 =	sshll.u32 s7, $0x1;
	s4 =	sadd.s32 s5, s19  }
0xa2: {  	s8 =	simm.s32 $0x0;
	s20 =	sshll.u32 s6, $0x1;
	s6 =	sadd.s32 s21, s4  }
0xa3: {  	[timem:s8], [sflag:s22] =	dma.local [hbm:s6], s20  }
0xa4: {  	_ =	swait.ge [sflag:s22], s20  }
0xa5: {  	s5 =	ssub.s32 $0x0, s20;
	[sflag:s22] =	ssyncset.done $0x0  }
0xa6: {  	[sflag:s22] =	ssyncadd.s32 s5;
	_ =	sdelay $0x1  }
0xa7: {  	s23 =	simm.s32 $0x1B8B  }
0xa8: {  	_ =	swait.ge [sflag:s23], $0x1  }
0xa9: {  	[sflag:s23] =	ssyncset.done $0x0  }
0xaa: {  	s25 =	simm.s32 $0x1B8E;
	s24 =	sld [smem:$0x3FFE];
	[sflag:s23] =	ssyncadd.s32 $0xFFFFFFFF  }
0xab: {  	s26 =	simm.s32 $execute0_lowered;
	[smem:$0x3FD2] =	sst s25  }
0xac: {  	s6 =	sshll.u32 s26, $0x1;
	_ =	strace $0x80000055;
	[dreg:$0x1] =	wrdreg $0xFFFFFFFF  }
0xad: {  	s28 =	simm.s32 $_size_execute0_lowered;
	s4 =	sadd.s32 s4, s6;
	[dreg:$0x0] =	wrdreg $0x0  }
0xae: {  	s6 =	sshll.u32 s28, $0x1;
	[dreg:$0x2] =	wrdreg s4  }
0xaf: {  	[dreg:$0x3] =	wrdreg s6  }
0xb0: {  	[dreg:$0x4] =	wrdreg $0xC0  }
0xb1: {  	_ =	task [dreg:s8], $0x5FFFF  }
0xb2: {  	[dreg:$0x1] =	wrdreg $0xFFFFFFFF  }
0xb3: {  	[dreg:$0x0] =	wrdreg $0x60  }
0xb4: {  	[dreg:$0x2] =	wrdreg s24  }
0xb5: {  	[dreg:$0x3] =	wrdreg s17  }
0xb6: {  	[dreg:$0x4] =	wrdreg s16  }
0xb7: {  	[dreg:$0x5] =	wrdreg $0x79800  }
0xb8: {  	[dreg:$0x6] =	wrdreg $0x119800  }
0xb9: {  	[dreg:$0x7] =	wrdreg $0x1B9800  }
0xba: {  	[dreg:$0x8] =	wrdreg $0x9  }
0xbb: {  	_ =	task.clear_ibuf [dreg:s8], $0x9FFFF;
	_ =	strace $0x90000055  }
0xbc: {  	s29 =	simm.s32 $0x9;
	_ =	strace $0x80000057  }
0xbd: {  	_ =	swait.ge [sflag:s29], $0x1  }
0xbe: {  	[sflag:s29] =	ssyncadd.s32 $0xFFFFFFFF  }
0xbf: {  	_ =	strace $0x90000057  }
0xc0: {  	_ =	sfence  }
0xc1: {  	s30 =	sld [smem:$0x0];
	_ =	sdelay $0x2  }
0xc2: {  	s31 =	sshll.u32 s1, $0xD;
	s1 =	sshrl.u32 s1, $0x2  }
0xc3: {  	s3 =	sand.u32 $0x4000, s31;
	s1 =	sadd.s32 s1, s30  }
0xc4: {  	s0 =	sor.u32 s3, s0;
	s1 =	sshll.u32 s1, $0x11  }
0xc5: {  	s0 =	sor.u32 s1, s0  }
0xc6: {  	s0 =	sadd.s32 $0x8F2B, s0  }
0xc7: {  	[sflag:s0] =	ssyncadd.remote.s32 $0x1  }
0xc8: {  	_ =	sfence.sel $0xFFFF  }
0xc9: {  	[dreg:$0x0] =	wrdreg $0xFFFFFFFF;
	(pc) =	sbr.abs _section_cstart, $3  }
0xca: {  	[dreg:$0x1] =	wrdreg $0xFFFFFFFF  }
0xcb: {  	_ =	task.clear_ibuf [dreg:s8], $0x2FFFF;
	_ =	strace $0x9FFFFFFF  }
0xcc: {  	(tm) =	ssettm $0x7FFFFFFF  }
0xcd: {  	_ =	shalt  }
tec
execute0_lowered:
.L_overlay_start_1:
0x0: {  	(tag) =	ssettag $0x1  }
0x1: {  	s0 =	rddreg [dreg:$0x0]  }
0x2: {  	s2 =	rddreg [dreg:$0x1]  }
0x3: {  	s11 =	rddreg [dreg:$0x2]  }
0x4: {  	s1 =	rddreg [dreg:$0x3]  }
0x5: {  	s3 =	rddreg [dreg:$0x4];
	s5 =	srdreg.scid  }
0x6: {  	s20 =	stileid.u32;
	s4 =	rddreg [dreg:$0x5];
	s28 =	simm.s32 $0x5180  }
0x7: {  	s29 =	simm.s32 $0x1;
	s30 =	simm.s32 $0x2;
	s7 =	smul.u32 $0x2710, s20  }
0x8: {  	s31 =	simm.s32 $0x3;
	s10 =	sand.u32 $0x1, s5;
	s9 =	smul.u32 $0x4E2, s20  }
0x9: {  	s5 =	simm.s32 $0x0;
	s12 =	smul.u32 $0xA000, s20;
	s6 =	sadd.s32 $0x595600, s0  }
0xa: {  	s22 =	sshll.u32 s20, $0x6;
	s23 =	sshll.u32 s20, $0xC;
	s8 =	smul.u32 $0x27100, s10  }
0xb: {  	p0 =	sgt.u32 s20, $0x9;
	s20 =	simm.s32 $0x4;
	s14 =	smul.u32 $0xA0000, s10  }
0xc: {  	[smem:$0x7FF] =	sst s5;
	s15 =	ssub.s32 $0x2, s10;
	s18 =	smul.u32 $0xA000, s10  }
0xd: {  	s10 =	sor.u32 $0x1C04, s22;
	s22 =	simm.s32 $0x80;
	_ =	strace $0x80000056  }
0xe: {  	s16 =	sadd.s32 s9, s0;
	s9 =	sadd.s32 $0x12200, s0;
	s17 =	sshrl.u32 s15, $0x1  }
0xf: {  	s19 =	sadd.s32 s12, s1;
	s13 =	sadd.s32 s7, s8;
	s7 =	sadd.s32 $0x1448E00, s0  }
0x10: {  	s8 =	sadd.s32 $0x16B9E00, s0;
	s14 =	sadd.s32 s12, s14;
	s15 =	ssub.s32 s15, s17  }
0x11: {  	s18 =	sadd.s32 s23, s18;
	s12 =	sadd.s32 s12, s3;
	s17 =	sadd.s32 s23, s4  }
0x12: {  	s16 =	sadd.s32 $0xD200, s16;
	s19 =	sshrl.u32 s19, $0x3;
	s23 =	simm.s32 $0x100  }
0x13: {  	s13 =	sshrl.u32 s13, $0x3;
	s14 =	sshrl.u32 s14, $0x3;
	[dreg:$0x7] =	wrdreg s17  }
0x14: {  	s24 =	sshrl.u32 s18, $0x3;
	s26 =	smax.u32 s15, $0x1;
	s21 =	sshrl.u32 s12, $0x3  }
0x15: {  	s13 =	sadd.s32 s13, s0;
	s0 =	sadd.s32 s14, s0;
	s2 =	sadd.s32 s2, s14  }
0x16: {  	s25 =	sadd.s32 s11, s24;
	[dreg:$0xb] =	wrdreg s26;
	s24 =	simm.s32 $0x50  }
0x17: {  	s26 =	simm.s32 $0x2980;
	[dreg:$0x8] =	wrdreg s2;
	s0 =	sadd.s32 $0xF66E00, s0  }
0x18: {  	[dreg:$0xa] =	wrdreg s25;
	s17 =	sadd.s32 $0xF5D000, s13;
	s18 =	sadd.s32 $0xF53200, s13  }
0x19: {  	s25 =	simm.s32 $0x180;
	s2 =	simm.s32 $0x0;
	[dreg:$0x9] =	wrdreg s0  }
.LBB2_1:
0x1a: {  	[spmem:s19], [sflag:s10] =	dma.local [hbm:s9], $0x1400  }
0x1b: {  	_ =	swait.ge [sflag:s20], $0x1400  }
0x1c: {  	[sflag:s20] =	ssyncset.done $0x0  }
0x1d: {  	[sflag:s20] =	ssyncadd.s32 $0xFFFFEC00  }
0x1e: {  	[spmem:s21], [sflag:s10] =	dma.local [hbm:s9], $0x1400  }
0x1f: {  	_ =	swait.ge [sflag:s20], $0x1400  }
0x20: {  	[sflag:s20] =	ssyncset.done $0x0;
	s0 =	rddreg [dreg:$0x7]  }
0x21: {  	s11 =	simm.s32 @!p0 $0x4;
	[sflag:s20] =	ssyncadd.s32 $0xFFFFEC00;
	s0 =	sshrl.u32 @!p0 s0, $0x3  }
0x22: {  	[spmem:s0], [sflag:s10] =	dma.local @!p0 [hbm:s9], $0x200  }
0x23: {  	_ =	swait.ge @!p0 [sflag:s11], $0x200  }
0x24: {  	[sflag:s11] =	ssyncset.done @!p0 $0x0  }
0x25: {  	[sflag:s11] =	ssyncadd.s32 @!p0 $0xFFFFFE00  }
0x26: {  	s13 =	sadd.s32 $0x0, s18;
	[bflag:$0x0] =	sbarrier.arrive $0xFFFF  }
0x27: {  	[tilespmem:s5], [sflag:$0x4] =	stream.linear.gather [hbm4b:s13+s5], $0x50, $0x38;
	[tilespmem:$0x1C380] =	vst v63  }
0x28: {  	_ =	swait.ge [sflag:s20], $0x50  }
0x29: {  	[sflag:s20] =	ssyncset.done $0x0  }
0x2a: {  	s14 =	sadd.s32 $0x0, s17;
	[sflag:s20] =	ssyncadd.s32 $0xFFFFFFB0  }
0x2b: {  	[tilespmem:s22], [sflag:$0x4] =	stream.linear.gather [hbm4b:s14+s5], $0x50, $0x38;
	[tilespmem:$0x1C380] =	vst v63  }
0x2c: {  	_ =	swait.ge [sflag:s20], $0x50  }
0x2d: {  	[sflag:s20] =	ssyncset.done $0x0  }
0x2e: {  	s15 =	sadd.s32 $0x0, s16;
	[sflag:s20] =	ssyncadd.s32 $0xFFFFFFB0  }
0x2f: {  	[tilespmem:s23], [sflag:$0x4] =	stream.linear.gather [hbm4b:s15+s5], $0x50, $0x38;
	[tilespmem:$0x1C380] =	vst v63  }
0x30: {  	_ =	swait.ge [sflag:s20], $0x50  }
0x31: {  	[sflag:s20] =	ssyncset.done $0x0  }
0x32: {  	[sflag:s20] =	ssyncadd.s32 $0xFFFFFFB0  }
0x33: {  	[tilespmem:s25], [sflag:$0x1] =	stream.indirect.gather [hbm4b:s6+s24], $0x80, s23, s24, $0xb8;
	[tilespmem:$0x1C380] =	vst v63  }
0x34: {  	_ = 	snop  }
0x35: {  	[tilespmem:s26], [sflag:$0x2] =	stream.indirect.gather [hbm4b:s7+s24], $0x80, s23, s24, $0xb8;
	[tilespmem:$0x1C380] =	vst v63  }
0x36: {  	_ = 	snop  }
0x37: {  	[tilespmem:s28], [sflag:$0x3] =	stream.indirect.gather [hbm4b:s8+s24], $0x80, s23, s24, $0xb8;
	[tilespmem:$0x1C380] =	vst v63  }
0x38: {  	_ =	swait.ge [sflag:s29], $0x2800  }
0x39: {  	[sflag:s29] =	ssyncset.done $0x0  }
0x3a: {  	[sflag:s29] =	ssyncadd.s32 $0xFFFFD800  }
0x3b: {  	_ =	swait.ge [sflag:s30], $0x2800  }
0x3c: {  	[sflag:s30] =	ssyncset.done $0x0  }
0x3d: {  	[sflag:s30] =	ssyncadd.s32 $0xFFFFD800  }
0x3e: {  	_ =	swait.ge [sflag:s31], $0x2800  }
0x3f: {  	[sflag:s31] =	ssyncset.done $0x0  }
0x40: {  	[sflag:s31] =	ssyncadd.s32 $0xFFFFD800  }
0x41: {  	[spmem:s1] =	stream.indirect.scatter.add.f32 [tilespmem:s25], [sflag:$0x4], $0x80, s5, s24, $0xb8;
	[tilespmem:$0x1C380] =	vst v63  }
0x42: {  	_ =	swait.ge [sflag:s20], $0x2800  }
0x43: {  	[sflag:s20] =	ssyncset.done $0x0  }
0x44: {  	[sflag:s20] =	ssyncadd.s32 $0xFFFFD800  }
0x45: {  	[spmem:s3] =	stream.indirect.scatter.add.f32 [tilespmem:s26], [sflag:$0x4], $0x80, s5, s24, $0xb8;
	[tilespmem:$0x1C380] =	vst v63  }
0x46: {  	_ =	swait.ge [sflag:s20], $0x2800  }
0x47: {  	[sflag:s20] =	ssyncset.done $0x0  }
0x48: {  	[sflag:s20] =	ssyncadd.s32 $0xFFFFD800  }
0x49: {  	[spmem:s4] =	stream.indirect.scatter.add.f32 [tilespmem:s28], [sflag:$0x4], $0x80, s22, s24, $0xb8;
	[tilespmem:$0x1C380] =	vst v63  }
0x4a: {  	_ =	swait.ge [sflag:s20], $0x2800  }
0x4b: {  	s12 =	simm.s32 $0x14;
	s11 =	simm.s32 $0xA;
	[sflag:s20] =	ssyncset.done $0x0  }
.LBB2_2:
0x4c: {  	s14 =	sadd.s32 s11, s18  }
0x4d: {  	[sflag:s20] =	ssyncadd.s32 $0xFFFFD800;
	s15 =	smov.u32 s12;
	s13 =	sadd.s32 $0xA, s12  }
0x4e: {  	[tilespmem:s5], [sflag:$0x4] =	stream.linear.gather [hbm4b:s14+s5], $0x50, $0x38;
	[tilespmem:$0x1C380] =	vst v63  }
0x4f: {  	p1 =	sne.s32 s12, $0x4D8;
	_ =	swait.ge [sflag:s20], $0x50  }
0x50: {  	[sflag:s20] =	ssyncset.done $0x0  }
0x51: {  	s12 =	sadd.s32 s11, s17;
	[sflag:s20] =	ssyncadd.s32 $0xFFFFFFB0  }
0x52: {  	[tilespmem:s22], [sflag:$0x4] =	stream.linear.gather [hbm4b:s12+s5], $0x50, $0x38;
	[tilespmem:$0x1C380] =	vst v63  }
0x53: {  	_ =	swait.ge [sflag:s20], $0x50  }
0x54: {  	[sflag:s20] =	ssyncset.done $0x0  }
0x55: {  	s12 =	sadd.s32 s11, s16;
	s11 =	smov.u32 s15;
	[sflag:s20] =	ssyncadd.s32 $0xFFFFFFB0  }
0x56: {  	[tilespmem:s23], [sflag:$0x4] =	stream.linear.gather [hbm4b:s12+s5], $0x50, $0x38;
	[tilespmem:$0x1C380] =	vst v63  }
0x57: {  	_ =	swait.ge [sflag:s20], $0x50  }
0x58: {  	[sflag:s20] =	ssyncset.done $0x0  }
0x59: {  	[sflag:s20] =	ssyncadd.s32 $0xFFFFFFB0  }
0x5a: {  	[tilespmem:s25], [sflag:$0x1] =	stream.indirect.gather [hbm4b:s6+s24], $0x80, s23, s24, $0xb8;
	[tilespmem:$0x1C380] =	vst v63  }
0x5b: {  	_ = 	snop  }
0x5c: {  	[tilespmem:s26], [sflag:$0x2] =	stream.indirect.gather [hbm4b:s7+s24], $0x80, s23, s24, $0xb8;
	[tilespmem:$0x1C380] =	vst v63  }
0x5d: {  	_ = 	snop  }
0x5e: {  	[tilespmem:s28], [sflag:$0x3] =	stream.indirect.gather [hbm4b:s8+s24], $0x80, s23, s24, $0xb8;
	[tilespmem:$0x1C380] =	vst v63  }
0x5f: {  	_ =	swait.ge [sflag:s29], $0x2800  }
0x60: {  	[sflag:s29] =	ssyncset.done $0x0  }
0x61: {  	[sflag:s29] =	ssyncadd.s32 $0xFFFFD800  }
0x62: {  	_ =	swait.ge [sflag:s30], $0x2800  }
0x63: {  	[sflag:s30] =	ssyncset.done $0x0  }
0x64: {  	[sflag:s30] =	ssyncadd.s32 $0xFFFFD800  }
0x65: {  	_ =	swait.ge [sflag:s31], $0x2800  }
0x66: {  	[sflag:s31] =	ssyncset.done $0x0  }
0x67: {  	[sflag:s31] =	ssyncadd.s32 $0xFFFFD800  }
0x68: {  	[spmem:s1] =	stream.indirect.scatter.add.f32 [tilespmem:s25], [sflag:$0x4], $0x80, s5, s24, $0xb8;
	[tilespmem:$0x1C380] =	vst v63  }
0x69: {  	_ =	swait.ge [sflag:s20], $0x2800  }
0x6a: {  	[sflag:s20] =	ssyncset.done $0x0  }
0x6b: {  	[sflag:s20] =	ssyncadd.s32 $0xFFFFD800  }
0x6c: {  	[spmem:s3] =	stream.indirect.scatter.add.f32 [tilespmem:s26], [sflag:$0x4], $0x80, s5, s24, $0xb8;
	[tilespmem:$0x1C380] =	vst v63  }
0x6d: {  	_ =	swait.ge [sflag:s20], $0x2800  }
.Ltmp0:
0x6e: {  	[sflag:s20] =	ssyncset.done $0x0;
	(pc) =	sbr.rel @p1 .LBB2_2-.Ltmp0, $4  }
0x6f: {  	[sflag:s20] =	ssyncadd.s32 $0xFFFFD800  }
0x70: {  	[spmem:s4] =	stream.indirect.scatter.add.f32 [tilespmem:s28], [sflag:$0x4], $0x80, s22, s24, $0xb8;
	[tilespmem:$0x1C380] =	vst v63  }
0x71: {  	_ =	swait.ge [sflag:s20], $0x2800  }
0x72: {  	s12 =	smov.u32 s13;
	[sflag:s20] =	ssyncset.done $0x0  }
0x73: {  	s12 =	sadd.s32 s11, s18;
	[sflag:s20] =	ssyncadd.s32 $0xFFFFD800  }
0x74: {  	[tilespmem:s5], [sflag:$0x4] =	stream.linear.gather [hbm4b:s12+s5], $0x50, $0x38;
	[tilespmem:$0x1C380] =	vst v63  }
0x75: {  	_ =	swait.ge [sflag:s20], $0x50  }
0x76: {  	[sflag:s20] =	ssyncset.done $0x0  }
0x77: {  	s15 =	sadd.s32 s11, s17;
	[sflag:s20] =	ssyncadd.s32 $0xFFFFFFB0  }
0x78: {  	[tilespmem:s22], [sflag:$0x4] =	stream.linear.gather [hbm4b:s15+s5], $0x50, $0x38;
	[tilespmem:$0x1C380] =	vst v63  }
0x79: {  	_ =	swait.ge [sflag:s20], $0x50  }
0x7a: {  	[sflag:s20] =	ssyncset.done $0x0  }
0x7b: {  	s12 =	sadd.s32 s11, s16;
	[sflag:s20] =	ssyncadd.s32 $0xFFFFFFB0  }
0x7c: {  	[tilespmem:s23], [sflag:$0x4] =	stream.linear.gather [hbm4b:s12+s5], $0x50, $0x38;
	[tilespmem:$0x1C380] =	vst v63  }
0x7d: {  	_ =	swait.ge [sflag:s20], $0x50  }
0x7e: {  	[sflag:s20] =	ssyncset.done $0x0  }
0x7f: {  	[sflag:s20] =	ssyncadd.s32 $0xFFFFFFB0  }
0x80: {  	[tilespmem:s25], [sflag:$0x1] =	stream.indirect.gather [hbm4b:s6+s24], $0x80, s23, s24, $0xb8;
	[tilespmem:$0x1C380] =	vst v63  }
0x81: {  	_ = 	snop  }
0x82: {  	[tilespmem:s26], [sflag:$0x2] =	stream.indirect.gather [hbm4b:s7+s24], $0x80, s23, s24, $0xb8;
	[tilespmem:$0x1C380] =	vst v63  }
0x83: {  	_ = 	snop  }
0x84: {  	[tilespmem:s28], [sflag:$0x3] =	stream.indirect.gather [hbm4b:s8+s24], $0x80, s23, s24, $0xb8;
	[tilespmem:$0x1C380] =	vst v63  }
0x85: {  	_ =	swait.ge [sflag:s29], $0x2800  }
0x86: {  	[sflag:s29] =	ssyncset.done $0x0  }
0x87: {  	[sflag:s29] =	ssyncadd.s32 $0xFFFFD800  }
0x88: {  	_ =	swait.ge [sflag:s30], $0x2800  }
0x89: {  	[sflag:s30] =	ssyncset.done $0x0  }
0x8a: {  	[sflag:s30] =	ssyncadd.s32 $0xFFFFD800  }
0x8b: {  	_ =	swait.ge [sflag:s31], $0x2800  }
0x8c: {  	[sflag:s31] =	ssyncset.done $0x0  }
0x8d: {  	[sflag:s31] =	ssyncadd.s32 $0xFFFFD800  }
0x8e: {  	[spmem:s1] =	stream.indirect.scatter.add.f32 [tilespmem:s25], [sflag:$0x4], $0x80, s5, s24, $0xb8;
	[tilespmem:$0x1C380] =	vst v63  }
0x8f: {  	_ =	swait.ge [sflag:s20], $0x2800  }
0x90: {  	[sflag:s20] =	ssyncset.done $0x0  }
0x91: {  	[sflag:s20] =	ssyncadd.s32 $0xFFFFD800  }
0x92: {  	[spmem:s3] =	stream.indirect.scatter.add.f32 [tilespmem:s26], [sflag:$0x4], $0x80, s5, s24, $0xb8;
	[tilespmem:$0x1C380] =	vst v63  }
0x93: {  	_ =	swait.ge [sflag:s20], $0x2800  }
0x94: {  	[sflag:s20] =	ssyncset.done $0x0  }
0x95: {  	[sflag:s20] =	ssyncadd.s32 $0xFFFFD800  }
0x96: {  	[spmem:s4] =	stream.indirect.scatter.add.f32 [tilespmem:s28], [sflag:$0x4], $0x80, s22, s24, $0xb8;
	[tilespmem:$0x1C380] =	vst v63  }
0x97: {  	_ =	swait.ge [sflag:s20], $0x2800  }
0x98: {  	[sflag:s20] =	ssyncset.done $0x0  }
0x99: {  	[sflag:s20] =	ssyncadd.s32 $0xFFFFD800  }
0x9a: {  	[bflag:$0x0] =	sbarrier.arrive $0xFFFF  }
0x9b: {  	s13 =	rddreg [dreg:$0x8]  }
0x9c: {  	[hbm:s13], [sflag:s10] =	dma.local [spmem:s19], $0x1400  }
0x9d: {  	_ =	swait.ge [sflag:s20], $0x1400  }
0x9e: {  	[sflag:s20] =	ssyncset.done $0x0  }
0x9f: {  	s14 =	rddreg [dreg:$0x9];
	[sflag:s20] =	ssyncadd.s32 $0xFFFFEC00  }
0xa0: {  	[hbm:s14], [sflag:s10] =	dma.local [spmem:s21], $0x1400  }
0xa1: {  	_ =	swait.ge [sflag:s20], $0x1400  }
0xa2: {  	[sflag:s20] =	ssyncset.done $0x0  }
0xa3: {  	s11 =	rddreg [dreg:$0xa];
	[sflag:s20] =	ssyncadd.s32 $0xFFFFEC00  }
0xa4: {  	[hbm:s11], [sflag:s10] =	dma.local @!p0 [spmem:s0], $0x200  }
0xa5: {  	s0 =	simm.s32 @!p0 $0x4  }
0xa6: {  	_ =	swait.ge @!p0 [sflag:s0], $0x200  }
0xa7: {  	s2 =	sadd.s32 $0x1, s2;
	s15 =	rddreg [dreg:$0xb]  }
0xa8: {  	p1 =	sne.s32 s2, s15  }
.Ltmp1:
0xa9: {  	_ = 	snop;
	(pc) =	sbr.rel @p1 .LBB2_1-.Ltmp1, $3  }
0xaa: {  	_ =	sdelay $0x1  }
0xab: {  	[sflag:s0] =	ssyncset.done @!p0 $0x0  }
0xac: {  	[sflag:s0] =	ssyncadd.s32 @!p0 $0xFFFFFE00  }
0xad: {  	_ =	sfence.sel $0x180000  }
0xae: {  	[bflag:$0x0] =	sbarrier.arrive $0xFFFF  }
0xaf: {  	_ =	strace $0x90000056  }
0xb0: {  	s0 =	stileid.u32;
	[bflag:$0x2] =	sbarrier.arrive $0xFFFF  }
0xb1: {  	p0 =	sne.s32 s0, $0x0;
	s0 =	rddreg [dreg:$0x6]  }
0xb2: {  	s0 =	sadd.s32 @!p0 $0x100000, s0  }
0xb3: {  	[sflag:s0] =	ssyncadd.tile.s32 @!p0 $0x1;
	_ =	shalt  }
.Lfunc_end2:
_tile_overlayer_lowered:
.L_overlay_start_2:
0xb4: {  	(tag) =	ssettag $0x2  }
0xb5: {  	s0 =	rddreg [dreg:$0x0];
	s2 =	stileid.u32  }
0xb6: {  	s1 =	rddreg [dreg:$0x1];
	p0 =	sne.s32 s2, $0x0  }
0xb7: {  	s3 =	rddreg [dreg:$0x2];
	[bflag:$0x3] =	sbarrier.arrive $0xFFFF;
	s2 =	simm.s32 @!p0 $0x1C04  }
0xb8: {  	[timem:s3], [sflag:s2] =	dma.local @!p0 [hbm:s0], s1  }
0xb9: {  	s0 =	simm.s32 @!p0 $0x4  }
0xba: {  	_ =	swait.ge @!p0 [sflag:s0], s1  }
0xbb: {  	s1 =	ssub.s32 @!p0 $0x0, s1;
	[sflag:s0] =	ssyncset.done @!p0 $0x0  }
0xbc: {  	[sflag:s0] =	ssyncadd.s32 @!p0 s1  }
0xbd: {  	[bflag:$0x3] =	sbarrier.arrive $0xFFFF  }
0xbe: {  	_ =	shalt  }

</sc_bundles>
